<compile_context>
chip_gen: v7x
topology: tpu7x:2x2x1
jax: 0.10.2.dev20260603
libtpu: 0.0.44.dev20260713+nightly
codegen_flags: <defaults>
</compile_context>

<pallas_src>
import functools

import jax
import jax.numpy as jnp
from jax import lax
from jax.experimental import pallas as pl
from jax.experimental.pallas import tpu as pltpu
from jax.experimental.pallas import tpu_sc as plsc

B = 16384
D = 32
V = 1000000
VTAIL = V - (V // 128) * 128
VMAIN = V - VTAIL
NC = 2
NS = 16
NW = NC * NS
VPW = V // NW
CV = 768
NCHK = 42
LCAP = 2080
HCAP = 160
RING = 8

_mesh = plsc.VectorSubcoreMesh(core_axis_name="c", subcore_axis_name="s")


@functools.partial(
    pl.kernel,
    mesh=_mesh,
    compiler_params=pltpu.CompilerParams(needs_layout_passes=False),
    out_type=jax.ShapeDtypeStruct((B, 4 * D), jnp.float32),
    scratch_types=[
        pltpu.VMEM((B,), jnp.int32),
        pltpu.VMEM((LCAP,), jnp.int32),
        pltpu.VMEM((LCAP,), jnp.int32),
        pltpu.VMEM((HCAP,), jnp.int32),
        pltpu.VMEM((HCAP,), jnp.int32),
        pltpu.VMEM((D, CV), jnp.float32),
        pltpu.VMEM((D, CV), jnp.float32),
        pltpu.VMEM((D, CV), jnp.float32),
        pltpu.VMEM((D, CV), jnp.float32),
        pltpu.VMEM((D, VTAIL), jnp.float32),
        pltpu.VMEM((D, VTAIL), jnp.float32),
        pltpu.VMEM((RING, D), jnp.float32),
        pltpu.VMEM((RING, D), jnp.float32),
        pltpu.SemaphoreType.DMA,
        pltpu.SemaphoreType.DMA,
    ],
)
def _sc_gather(u_hbm, i_hbm, ueg_t, ieg_t, uem_t, iem_t,
               ueg_tail, ieg_tail, uem_tail, iem_tail,
               out_hbm, idx_v, lidx, lpos, hrloc, hpos,
               bufa0, bufb0, bufa1, bufb1, taila, tailb, stga, stgb,
               sem, fsem):
    cid = lax.axis_index("c")
    sid = lax.axis_index("s")
    wid = sid * NC + cid
    lo = wid * VPW
    hi = lo + VPW
    cbase0 = (lo // 128) * 128
    lane = lax.iota(jnp.int32, 16)

    def run_pass(src_idx_hbm, tbl_a, tbl_b, tail_a, tail_b, col_a, col_b):
        c0 = pl.multiple_of(cbase0, 128)
        pltpu.async_copy(tbl_a.at[:, pl.ds(c0, CV)], bufa0, fsem)
        pltpu.async_copy(tbl_b.at[:, pl.ds(c0, CV)], bufb0, fsem)
        pltpu.sync_copy(src_idx_hbm, idx_v)

        def filt(g, p):
            v = idx_v[pl.ds(g * 16, 16)]
            pos = g * 16 + lane
            m = (v >= lo) & (v < hi)
            plsc.store_compressed(lidx.at[pl.ds(p, 16)], v, mask=m)
            plsc.store_compressed(lpos.at[pl.ds(p, 16)], pos, mask=m)
            return p + plsc.all_reduce_population_count(m)[0]

        n = lax.fori_loop(0, B // 16, filt, jnp.int32(0))
        nvec = (n + 15) // 16

        def extract_hits(nh, buf_a, buf_b):
            def ext(e, carry):
                slot = lax.rem(e, RING)
                rloc = hrloc[pl.ds(e, 16)][0]
                pos = hpos[pl.ds(e, 16)][0]
                rsp = jnp.full((16,), 0, jnp.int32) + rloc
                ssp = jnp.full((16,), 0, jnp.int32) + slot

                @pl.when(e >= RING)
                def _():
                    pltpu.make_async_copy(
                        stga.at[slot], out_hbm.at[0, pl.ds(col_a, D)],
                        sem).wait()
                    pltpu.make_async_copy(
                        stgb.at[slot], out_hbm.at[0, pl.ds(col_b, D)],
                        sem).wait()

                plsc.store_scatter(stga, [ssp, lane],
                                   plsc.load_gather(buf_a, [lane, rsp]))
                plsc.store_scatter(stga, [ssp, lane + 16],
                                   plsc.load_gather(buf_a, [lane + 16, rsp]))
                plsc.store_scatter(stgb, [ssp, lane],
                                   plsc.load_gather(buf_b, [lane, rsp]))
                plsc.store_scatter(stgb, [ssp, lane + 16],
                                   plsc.load_gather(buf_b, [lane + 16, rsp]))
                pltpu.async_copy(stga.at[slot],
                                 out_hbm.at[pos, pl.ds(col_a, D)], sem)
                pltpu.async_copy(stgb.at[slot],
                                 out_hbm.at[pos, pl.ds(col_b, D)], sem)
                return carry

            lax.fori_loop(0, nh, ext, jnp.int32(0))

            def drain(e, carry):
                pltpu.make_async_copy(
                    stga.at[0], out_hbm.at[0, pl.ds(col_a, D)], sem).wait()
                pltpu.make_async_copy(
                    stgb.at[0], out_hbm.at[0, pl.ds(col_b, D)], sem).wait()
                return carry

            lax.fori_loop(0, jnp.minimum(nh, RING), drain, jnp.int32(0))

        def cb(m):
            c = jnp.minimum(cbase0 + m * CV, VMAIN - CV)
            return pl.multiple_of(c, 128)

        def fetch(m, buf_a, buf_b):
            c = cb(m)
            pltpu.async_copy(tbl_a.at[:, pl.ds(c, CV)], buf_a, fsem)
            pltpu.async_copy(tbl_b.at[:, pl.ds(c, CV)], buf_b, fsem)

        def fwait(buf_a, buf_b):
            c = pl.multiple_of(jnp.int32(0), 128)
            pltpu.make_async_copy(
                tbl_a.at[:, pl.ds(c, CV)], buf_a, fsem).wait()
            pltpu.make_async_copy(
                tbl_b.at[:, pl.ds(c, CV)], buf_b, fsem).wait()

        def process(m, buf_a, buf_b):
            cbase = cb(m)

            def scan(g, q):
                v = lidx[pl.ds(g * 16, 16)]
                p = lpos[pl.ds(g * 16, 16)]
                rl = v - cbase
                hm = ((rl >= 0) & (rl < CV) & (v < VMAIN)
                      & (g * 16 + lane < n))
                plsc.store_compressed(hrloc.at[pl.ds(q, 16)], rl, mask=hm)
                plsc.store_compressed(hpos.at[pl.ds(q, 16)], p, mask=hm)
                return q + plsc.all_reduce_population_count(hm)[0]

            nh = lax.fori_loop(0, nvec, scan, jnp.int32(0))
            extract_hits(nh, buf_a, buf_b)

        def chunk2(k, carry):
            m0 = k * 2
            fwait(bufa0, bufb0)
            fetch(m0 + 1, bufa1, bufb1)
            process(m0, bufa0, bufb0)
            fwait(bufa1, bufb1)
            fetch(m0 + 2, bufa0, bufb0)
            process(m0 + 1, bufa1, bufb1)
            return carry

        lax.fori_loop(0, NCHK // 2, chunk2, jnp.int32(0))
        fwait(bufa0, bufb0)

        pltpu.sync_copy(tail_a, taila)
        pltpu.sync_copy(tail_b, tailb)

        def tscan(g, q):
            v = lidx[pl.ds(g * 16, 16)]
            p = lpos[pl.ds(g * 16, 16)]
            rl = v - VMAIN
            hm = (rl >= 0) & (g * 16 + lane < n)
            plsc.store_compressed(hrloc.at[pl.ds(q, 16)], rl, mask=hm)
            plsc.store_compressed(hpos.at[pl.ds(q, 16)], p, mask=hm)
            return q + plsc.all_reduce_population_count(hm)[0]

        nt = lax.fori_loop(0, nvec, tscan, jnp.int32(0))
        extract_hits(nt, taila, tailb)

    run_pass(u_hbm, ueg_t, uem_t, ueg_tail, uem_tail, 0 * D, 2 * D)
    run_pass(i_hbm, ieg_t, iem_t, ieg_tail, iem_tail, 1 * D, 3 * D)


TC_BLK = 2048


def _tc_body(x, w0, b0, w1, b1, w2, b2, w3, b3, fcw, fcb, out):
    xv = x[...]
    gmf = xv[:, 0 * D:1 * D] * xv[:, 1 * D:2 * D]
    h = xv[:, 2 * D:4 * D]
    for w, b in ((w0, b0), (w1, b1), (w2, b2), (w3, b3)):
        h = lax.dot_general(h, w[...], (((1,), (1,)), ((), ())),
                            preferred_element_type=jnp.float32) + b[...]
        h = jnp.maximum(h, 0.0)
    final = jnp.concatenate([gmf, h], axis=1)
    logit = jnp.sum(final * fcw[...], axis=1, keepdims=True) + fcb[...]
    out[...] = 1.0 / (1.0 + jnp.exp(-logit))


def _tc_dense(x, w0, b0, w1, b1, w2, b2, w3, b3, fcw, fcb):
    nblk = B // TC_BLK

    def full(a):
        return pl.BlockSpec(a.shape, lambda i: tuple(0 for _ in a.shape))

    return pl.pallas_call(
        _tc_body,
        grid=(nblk,),
        in_specs=[pl.BlockSpec((TC_BLK, 4 * D), lambda i: (i, 0)),
                  full(w0), full(b0), full(w1), full(b1),
                  full(w2), full(b2), full(w3), full(b3),
                  full(fcw), full(fcb)],
        out_specs=pl.BlockSpec((TC_BLK, 1), lambda i: (i, 0)),
        out_shape=jax.ShapeDtypeStruct((B, 1), jnp.float32),
    )(x, w0, b0, w1, b1, w2, b2, w3, b3, fcw, fcb)


def kernel(user_indices, item_indices, user_emb_gmf, item_emb_gmf,
           user_emb_mlp, item_emb_mlp, mlp_W0, mlp_b0, mlp_W1, mlp_b1,
           mlp_W2, mlp_b2, mlp_W3, mlp_b3, fc_W, fc_b):
    ui = user_indices.astype(jnp.int32)
    ii = item_indices.astype(jnp.int32)
    tails = [t[VMAIN:].T for t in (user_emb_gmf, item_emb_gmf,
                                   user_emb_mlp, item_emb_mlp)]
    packed = _sc_gather(ui, ii, user_emb_gmf.T, item_emb_gmf.T,
                        user_emb_mlp.T, item_emb_mlp.T, *tails)
    return _tc_dense(
        packed,
        mlp_W0, mlp_b0.reshape(1, -1), mlp_W1, mlp_b1.reshape(1, -1),
        mlp_W2, mlp_b2.reshape(1, -1), mlp_W3, mlp_b3.reshape(1, -1),
        fc_W, fc_b.reshape(1, -1))

# --- scband reference (transcript-rebuilt; emitter-appended) ---
"""Pipeline reference for scband-ncfmodel-85100482003083 (READ-ONLY COPY).

The authoritative reference and input builder live on the scoring server;
editing this copy changes nothing except your own understanding.
"""

import jax, jax.numpy as jnp
import numpy as np

NUM_USERS = 1000000
NUM_ITEMS = 1000000
EMB = 32
BATCH = 16384
MLP_HIDDEN = [64, 32, 16, 8]


def setup_inputs(seed: int = 0) -> dict:
    key = jax.random.key(seed)
    ks = jax.random.split(key, 20)
    inp = {}
    inp['user_indices'] = jax.random.randint(ks[0], (BATCH,), 0, NUM_USERS, dtype=jnp.int64 if jax.config.jax_enable_x64 else jnp.int32)
    inp['item_indices'] = jax.random.randint(ks[1], (BATCH,), 0, NUM_ITEMS, dtype=jnp.int64 if jax.config.jax_enable_x64 else jnp.int32)
    s = 1.0 / np.sqrt(EMB)
    inp['user_emb_gmf'] = jax.random.normal(ks[2], (NUM_USERS, EMB), dtype=jnp.float32) * s
    inp['item_emb_gmf'] = jax.random.normal(ks[3], (NUM_ITEMS, EMB), dtype=jnp.float32) * s
    inp['user_emb_mlp'] = jax.random.normal(ks[4], (NUM_USERS, EMB), dtype=jnp.float32) * s
    inp['item_emb_mlp'] = jax.random.normal(ks[5], (NUM_ITEMS, EMB), dtype=jnp.float32) * s
    in_size = EMB * 2
    ki = 6
    for li, h in enumerate(MLP_HIDDEN):
        bound = 1.0 / np.sqrt(in_size)
        inp[f'mlp_W{li}'] = jax.random.uniform(ks[ki], (h, in_size), dtype=jnp.float32, minval=-bound, maxval=bound)
        inp[f'mlp_b{li}'] = jax.random.uniform(ks[ki + 1], (h,), dtype=jnp.float32, minval=-bound, maxval=bound)
        ki += 2
        in_size = h
    fc_in = MLP_HIDDEN[-1] + EMB
    bound = 1.0 / np.sqrt(fc_in)
    inp['fc_W'] = jax.random.uniform(ks[ki], (1, fc_in), dtype=jnp.float32, minval=-bound, maxval=bound)
    inp['fc_b'] = jax.random.uniform(ks[ki + 1], (1,), dtype=jnp.float32, minval=-bound, maxval=bound)
    return inp


def reference(user_indices, item_indices, user_emb_gmf, item_emb_gmf, user_emb_mlp, item_emb_mlp,
              mlp_W0, mlp_b0, mlp_W1, mlp_b1, mlp_W2, mlp_b2, mlp_W3, mlp_b3, fc_W, fc_b):
    ue_gmf = jnp.take(user_emb_gmf, user_indices, axis=0)
    ie_gmf = jnp.take(item_emb_gmf, item_indices, axis=0)
    gmf_out = ue_gmf * ie_gmf
    ue_mlp = jnp.take(user_emb_mlp, user_indices, axis=0)
    ie_mlp = jnp.take(item_emb_mlp, item_indices, axis=0)
    h = jnp.concatenate([ue_mlp, ie_mlp], axis=-1)
    for W, b in ((mlp_W0, mlp_b0), (mlp_W1, mlp_b1), (mlp_W2, mlp_b2), (mlp_W3, mlp_b3)):
        h = jax.nn.relu(h @ W.T + b)
    final_in = jnp.concatenate([gmf_out, h], axis=-1)
    pred = jax.nn.sigmoid(final_in @ fc_W.T + fc_b)
    return pred

if __name__ == "__main__":
    import jax
    _d = setup_inputs()
    print(jax.jit(kernel)(*tuple(_d.values())))

</pallas_src>

<mosaic_0001>
#map = affine_map<(d0, d1) -> (0)>
#map1 = affine_map<(d0, d1) -> (0, 0)>
module attributes {stable_mosaic.version = 14 : i64} {
  func.func @_sc_gather(%arg0: i32, %arg1: i32, %arg2: memref<16384xi32, #tpu.memory_space<hbm>>, %arg3: memref<16384xi32, #tpu.memory_space<hbm>>, %arg4: memref<32x1000000xf32, #tpu.memory_space<hbm>>, %arg5: memref<32x1000000xf32, #tpu.memory_space<hbm>>, %arg6: memref<32x1000000xf32, #tpu.memory_space<hbm>>, %arg7: memref<32x1000000xf32, #tpu.memory_space<hbm>>, %arg8: memref<32x64xf32, #tpu.memory_space<hbm>>, %arg9: memref<32x64xf32, #tpu.memory_space<hbm>>, %arg10: memref<32x64xf32, #tpu.memory_space<hbm>>, %arg11: memref<32x64xf32, #tpu.memory_space<hbm>>, %arg12: memref<16384x128xf32, #tpu.memory_space<hbm>>, %arg13: memref<16384xi32, #tpu.memory_space<vmem>>, %arg14: memref<2080xi32, #tpu.memory_space<vmem>>, %arg15: memref<2080xi32, #tpu.memory_space<vmem>>, %arg16: memref<160xi32, #tpu.memory_space<vmem>>, %arg17: memref<160xi32, #tpu.memory_space<vmem>>, %arg18: memref<32x768xf32, #tpu.memory_space<vmem>>, %arg19: memref<32x768xf32, #tpu.memory_space<vmem>>, %arg20: memref<32x768xf32, #tpu.memory_space<vmem>>, %arg21: memref<32x768xf32, #tpu.memory_space<vmem>>, %arg22: memref<32x64xf32, #tpu.memory_space<vmem>>, %arg23: memref<32x64xf32, #tpu.memory_space<vmem>>, %arg24: memref<8x32xf32, #tpu.memory_space<vmem>>, %arg25: memref<8x32xf32, #tpu.memory_space<vmem>>, %arg26: memref<!tpu.dma_semaphore, #tpu.memory_space<semaphore_mem>>, %arg27: memref<!tpu.dma_semaphore, #tpu.memory_space<semaphore_mem>>) attributes {dimension_semantics = [#tpu.dimension_semantics<core_parallel>, #tpu.dimension_semantics<subcore_parallel>], iteration_bounds = array<i64: 2, 16>, scalar_prefetch = 0 : i64, scratch_operands = 15 : i64, tpu.core_type = #tpu.core_type<sc_vector_subcore>, window_params = [{transform_indices = #map}, {transform_indices = #map}, {transform_indices = #map1}, {transform_indices = #map1}, {transform_indices = #map1}, {transform_indices = #map1}, {transform_indices = #map1}, {transform_indices = #map1}, {transform_indices = #map1}, {transform_indices = #map1}, {transform_indices = #map1}]} {
    %mul3A = arith.constant 2 : i32
    %mul3A_0 = arith.muli %arg1, %mul3A : i32
    %add3A = arith.addi %mul3A_0, %arg0 : i32
    %mul3A_1 = arith.constant 31250 : i32
    %mul3A_2 = arith.muli %add3A, %mul3A_1 : i32
    %add3A_3 = arith.constant 31250 : i32
    %add3A_4 = arith.addi %mul3A_2, %add3A_3 : i32
    %jit3A = arith.constant 128 : i32
    %div3A = arith.divsi %mul3A_2, %jit3A : i32
    %sign3A = arith.constant 0 : i32
    %sign3A_5 = arith.cmpi sgt, %mul3A_2, %sign3A : i32
    %sign3A_6 = arith.extui %sign3A_5 : i1 to i32
    %sign3A_7 = arith.constant 0 : i32
    %sign3A_8 = arith.cmpi slt, %mul3A_2, %sign3A_7 : i32
    %sign3A_9 = arith.extui %sign3A_8 : i1 to i32
    %sign3A_10 = arith.subi %sign3A_6, %sign3A_9 : i32
    %sign3A_11 = arith.constant 0 : i32
    %sign3A_12 = arith.cmpi sgt, %jit3A, %sign3A_11 : i32
    %sign3A_13 = arith.extui %sign3A_12 : i1 to i32
    %sign3A_14 = arith.constant 0 : i32
    %sign3A_15 = arith.cmpi slt, %jit3A, %sign3A_14 : i32
    %sign3A_16 = arith.extui %sign3A_15 : i1 to i32
    %sign3A_17 = arith.subi %sign3A_13, %sign3A_16 : i32
    %ne3A = arith.cmpi ne, %sign3A_10, %sign3A_17 : i32
    %rem3A = arith.remsi %mul3A_2, %jit3A : i32
    %ne3A_18 = arith.constant 0 : i32
    %ne3A_19 = arith.cmpi ne, %rem3A, %ne3A_18 : i32
    %and3A = arith.andi %ne3A, %ne3A_19 : i1
    %sub3A = arith.constant 1 : i32
    %sub3A_20 = arith.subi %div3A, %sub3A : i32
    %select_n3A = arith.select %and3A, %sub3A_20, %div3A : i32
    %mul3A_21 = arith.constant 128 : i32
    %mul3A_22 = arith.muli %select_n3A, %mul3A_21 : i32
    %iota3A = tpu.iota {dimensions = array<i32: 0>} : vector<16xi32>
    %multiple_of3A = tpu.assume_multiple %mul3A_22, 128 : i32
    %dma_start3A = arith.constant 0 : i32
    %dma_start3A_23 = tpu.memref_slice %arg4[%dma_start3A, %multiple_of3A] : memref<32x1000000xf32, #tpu.memory_space<hbm>> -> memref<32x768xf32, #tpu.memory_space<hbm>>
    %dma_start3A_24 = arith.constant 0 : i32
    %dma_start3A_25 = tpu.memref_slice %arg4[%dma_start3A_24, %multiple_of3A] : memref<32x1000000xf32, #tpu.memory_space<hbm>> -> memref<32x768xf32, #tpu.memory_space<hbm>>
    tpu.enqueue_dma source(%dma_start3A_25 : memref<32x768xf32, #tpu.memory_space<hbm>>) target(%arg18 : memref<32x768xf32, #tpu.memory_space<vmem>>) target_semaphore(%arg27 : memref<!tpu.dma_semaphore, #tpu.memory_space<semaphore_mem>>)
    %dma_start3A_26 = arith.constant 0 : i32
    %dma_start3A_27 = tpu.memref_slice %arg6[%dma_start3A_26, %multiple_of3A] : memref<32x1000000xf32, #tpu.memory_space<hbm>> -> memref<32x768xf32, #tpu.memory_space<hbm>>
    %dma_start3A_28 = arith.constant 0 : i32
    %dma_start3A_29 = tpu.memref_slice %arg6[%dma_start3A_28, %multiple_of3A] : memref<32x1000000xf32, #tpu.memory_space<hbm>> -> memref<32x768xf32, #tpu.memory_space<hbm>>
    tpu.enqueue_dma source(%dma_start3A_29 : memref<32x768xf32, #tpu.memory_space<hbm>>) target(%arg19 : memref<32x768xf32, #tpu.memory_space<vmem>>) target_semaphore(%arg27 : memref<!tpu.dma_semaphore, #tpu.memory_space<semaphore_mem>>)
    "tpu.region"() ({
      %run_scoped3A = tpu.sem_alloc : memref<!tpu.dma_semaphore, #tpu.memory_space<semaphore_mem>>
      tpu.enqueue_dma source(%arg2 : memref<16384xi32, #tpu.memory_space<hbm>>) target(%arg13 : memref<16384xi32, #tpu.memory_space<vmem>>) target_semaphore(%run_scoped3A : memref<!tpu.dma_semaphore, #tpu.memory_space<semaphore_mem>>)
      tpu.wait_dma2 semaphore(%run_scoped3A : memref<!tpu.dma_semaphore, #tpu.memory_space<semaphore_mem>>) src(%arg2 : memref<16384xi32, #tpu.memory_space<hbm>>) dst(%arg13 : memref<16384xi32, #tpu.memory_space<vmem>>)
      tpu.yield
    }) : () -> ()
    %scan3A = arith.constant 0 : i32
    %scan3A_30 = arith.constant 0 : i32
    %scan3A_31 = arith.constant 1024 : i32
    %scan3A_32 = arith.addi %scan3A_30, %scan3A_31 : i32
    %scan3A_33 = arith.constant 1 : i32
    %scan3A_34 = scf.for %scan3A_201 = %scan3A_30 to %scan3A_32 step %scan3A_33 iter_args(%scan3A_202 = %scan3A) -> (i32)  : i32 {
      %mul3A_203 = arith.constant 16 : i32
      %mul3A_204 = arith.muli %scan3A_201, %mul3A_203 : i32
      %get3A = arith.index_cast %mul3A_204 : i32 to index
      %get3A_205 = tpu.vector_load %arg13[%get3A] {strides = array<i32>} : memref<16384xi32, #tpu.memory_space<vmem>>, vector<16xi32>,
      %mul3A_206 = arith.constant 16 : i32
      %mul3A_207 = arith.muli %scan3A_201, %mul3A_206 : i32
      %add3A_208 = vector.broadcast %mul3A_207 : i32 to vector<16xi32>
      %add3A_209 = arith.addi %add3A_208, %iota3A : vector<16xi32>
      %ge3A = vector.broadcast %mul3A_2 : i32 to vector<16xi32>
      %ge3A_210 = arith.cmpi sge, %get3A_205, %ge3A : vector<16xi32>
      %lt3A = vector.broadcast %add3A_4 : i32 to vector<16xi32>
      %lt3A_211 = arith.cmpi slt, %get3A_205, %lt3A : vector<16xi32>
      %and3A_212 = arith.andi %ge3A_210, %lt3A_211 : vector<16xi1>
      %swap3A = arith.index_cast %scan3A_202 : i32 to index
      %swap3A_213 = tpu.vector_load %arg14[%swap3A] masked %and3A_212 {strides = array<i32>} : memref<2080xi32, #tpu.memory_space<vmem>>, vector<16xi32>, vector<16xi1>
      tpu.vector_store %arg14[%swap3A], %get3A_205 masked %and3A_212 {strides = array<i32>} : memref<2080xi32, #tpu.memory_space<vmem>>, vector<16xi32>, vector<16xi1>
      %swap3A_214 = arith.index_cast %scan3A_202 : i32 to index
      %swap3A_215 = tpu.vector_load %arg15[%swap3A_214] masked %and3A_212 {strides = array<i32>} : memref<2080xi32, #tpu.memory_space<vmem>>, vector<16xi32>, vector<16xi1>
      tpu.vector_store %arg15[%swap3A_214], %add3A_209 masked %and3A_212 {strides = array<i32>} : memref<2080xi32, #tpu.memory_space<vmem>>, vector<16xi32>, vector<16xi1>
      %all_reduce_population_count3A = tpu.all_reduce %and3A_212 {dim = 0 : i64, kind = #tpu.reduction_kind<sum>} : vector<16xi1> -> vector<16xi32>
      %slice3A = vector.extract_strided_slice %all_reduce_population_count3A {offsets = [0], sizes = [1], strides = [1]} : vector<16xi32> to vector<1xi32>
      %squeeze3A = vector.extract %slice3A[0] : i32 from vector<1xi32>
      %add3A_216 = arith.addi %scan3A_202, %squeeze3A : i32
      scf.yield %add3A_216 : i32
    }
    %scan3A_35 = arith.constant 1024 : i32
    %add3A_36 = arith.constant 15 : i32
    %add3A_37 = arith.addi %scan3A_34, %add3A_36 : i32
    %jit3A_38 = arith.constant 16 : i32
    %div3A_39 = arith.divsi %add3A_37, %jit3A_38 : i32
    %sign3A_40 = arith.constant 0 : i32
    %sign3A_41 = arith.cmpi sgt, %add3A_37, %sign3A_40 : i32
    %sign3A_42 = arith.extui %sign3A_41 : i1 to i32
    %sign3A_43 = arith.constant 0 : i32
    %sign3A_44 = arith.cmpi slt, %add3A_37, %sign3A_43 : i32
    %sign3A_45 = arith.extui %sign3A_44 : i1 to i32
    %sign3A_46 = arith.subi %sign3A_42, %sign3A_45 : i32
    %sign3A_47 = arith.constant 0 : i32
    %sign3A_48 = arith.cmpi sgt, %jit3A_38, %sign3A_47 : i32
    %sign3A_49 = arith.extui %sign3A_48 : i1 to i32
    %sign3A_50 = arith.constant 0 : i32
    %sign3A_51 = arith.cmpi slt, %jit3A_38, %sign3A_50 : i32
    %sign3A_52 = arith.extui %sign3A_51 : i1 to i32
    %sign3A_53 = arith.subi %sign3A_49, %sign3A_52 : i32
    %ne3A_54 = arith.cmpi ne, %sign3A_46, %sign3A_53 : i32
    %rem3A_55 = arith.remsi %add3A_37, %jit3A_38 : i32
    %ne3A_56 = arith.constant 0 : i32
    %ne3A_57 = arith.cmpi ne, %rem3A_55, %ne3A_56 : i32
    %and3A_58 = arith.andi %ne3A_54, %ne3A_57 : i1
    %sub3A_59 = arith.constant 1 : i32
    %sub3A_60 = arith.subi %div3A_39, %sub3A_59 : i32
    %select_n3A_61 = arith.select %and3A_58, %sub3A_60, %div3A_39 : i32
    %scan3A_62 = arith.constant 0 : i32
    %scan3A_63 = arith.constant 0 : i32
    %scan3A_64 = arith.constant 21 : i32
    %scan3A_65 = arith.addi %scan3A_63, %scan3A_64 : i32
    %scan3A_66 = arith.constant 1 : i32
    scf.for %scan3A_201 = %scan3A_63 to %scan3A_65 step %scan3A_66  : i32 {
      %mul3A_202 = arith.constant 2 : i32
      %mul3A_203 = arith.muli %scan3A_201, %mul3A_202 : i32
      %multiple_of3A_204 = arith.constant 0 : i32
      %multiple_of3A_205 = tpu.assume_multiple %multiple_of3A_204, 128 : i32
      %dma_wait3A_206 = arith.constant 0 : i32
      %dma_wait3A_207 = tpu.memref_slice %arg4[%dma_wait3A_206, %multiple_of3A_205] : memref<32x1000000xf32, #tpu.memory_space<hbm>> -> memref<32x768xf32, #tpu.memory_space<hbm>>
      %dma_wait3A_208 = arith.constant 0 : i32
      %dma_wait3A_209 = tpu.memref_slice %arg4[%dma_wait3A_208, %multiple_of3A_205] : memref<32x1000000xf32, #tpu.memory_space<hbm>> -> memref<32x768xf32, #tpu.memory_space<hbm>>
      tpu.wait_dma2 semaphore(%arg27 : memref<!tpu.dma_semaphore, #tpu.memory_space<semaphore_mem>>) src(%dma_wait3A_209 : memref<32x768xf32, #tpu.memory_space<hbm>>) dst(%arg18 : memref<32x768xf32, #tpu.memory_space<vmem>>)
      %dma_wait3A_210 = arith.constant 0 : i32
      %dma_wait3A_211 = tpu.memref_slice %arg6[%dma_wait3A_210, %multiple_of3A_205] : memref<32x1000000xf32, #tpu.memory_space<hbm>> -> memref<32x768xf32, #tpu.memory_space<hbm>>
      %dma_wait3A_212 = arith.constant 0 : i32
      %dma_wait3A_213 = tpu.memref_slice %arg6[%dma_wait3A_212, %multiple_of3A_205] : memref<32x1000000xf32, #tpu.memory_space<hbm>> -> memref<32x768xf32, #tpu.memory_space<hbm>>
      tpu.wait_dma2 semaphore(%arg27 : memref<!tpu.dma_semaphore, #tpu.memory_space<semaphore_mem>>) src(%dma_wait3A_213 : memref<32x768xf32, #tpu.memory_space<hbm>>) dst(%arg19 : memref<32x768xf32, #tpu.memory_space<vmem>>)
      %add3A_214 = arith.constant 1 : i32
      %add3A_215 = arith.addi %mul3A_203, %add3A_214 : i32
      %mul3A_216 = arith.constant 768 : i32
      %mul3A_217 = arith.muli %add3A_215, %mul3A_216 : i32
      %add3A_218 = arith.addi %mul3A_22, %mul3A_217 : i32
      %min3A_219 = arith.constant 999168 : i32
      %min3A_220 = arith.minsi %add3A_218, %min3A_219 : i32
      %multiple_of3A_221 = tpu.assume_multiple %min3A_220, 128 : i32
      %dma_start3A_222 = arith.constant 0 : i32
      %dma_start3A_223 = tpu.memref_slice %arg4[%dma_start3A_222, %multiple_of3A_221] : memref<32x1000000xf32, #tpu.memory_space<hbm>> -> memref<32x768xf32, #tpu.memory_space<hbm>>
      %dma_start3A_224 = arith.constant 0 : i32
      %dma_start3A_225 = tpu.memref_slice %arg4[%dma_start3A_224, %multiple_of3A_221] : memref<32x1000000xf32, #tpu.memory_space<hbm>> -> memref<32x768xf32, #tpu.memory_space<hbm>>
      tpu.enqueue_dma source(%dma_start3A_225 : memref<32x768xf32, #tpu.memory_space<hbm>>) target(%arg20 : memref<32x768xf32, #tpu.memory_space<vmem>>) target_semaphore(%arg27 : memref<!tpu.dma_semaphore, #tpu.memory_space<semaphore_mem>>)
      %dma_start3A_226 = arith.constant 0 : i32
      %dma_start3A_227 = tpu.memref_slice %arg6[%dma_start3A_226, %multiple_of3A_221] : memref<32x1000000xf32, #tpu.memory_space<hbm>> -> memref<32x768xf32, #tpu.memory_space<hbm>>
      %dma_start3A_228 = arith.constant 0 : i32
      %dma_start3A_229 = tpu.memref_slice %arg6[%dma_start3A_228, %multiple_of3A_221] : memref<32x1000000xf32, #tpu.memory_space<hbm>> -> memref<32x768xf32, #tpu.memory_space<hbm>>
      tpu.enqueue_dma source(%dma_start3A_229 : memref<32x768xf32, #tpu.memory_space<hbm>>) target(%arg21 : memref<32x768xf32, #tpu.memory_space<vmem>>) target_semaphore(%arg27 : memref<!tpu.dma_semaphore, #tpu.memory_space<semaphore_mem>>)
      %mul3A_230 = arith.constant 768 : i32
      %mul3A_231 = arith.muli %mul3A_203, %mul3A_230 : i32
      %add3A_232 = arith.addi %mul3A_22, %mul3A_231 : i32
      %min3A_233 = arith.constant 999168 : i32
      %min3A_234 = arith.minsi %add3A_232, %min3A_233 : i32
      %multiple_of3A_235 = tpu.assume_multiple %min3A_234, 128 : i32
      %while3A_236 = arith.constant 0 : i32
      %while3A_237 = arith.constant 0 : i32
      %while3A_238 = arith.subi %select_n3A_61, %while3A_236 : i32
      %while3A_239 = arith.addi %while3A_236, %while3A_238 : i32
      %while3A_240 = arith.constant 1 : i32
      %while3A_241 = arith.divsi %while3A_238, %while3A_240 : i32
      %while3A_242 = arith.muli %while3A_241, %while3A_240 : i32
      %while3A_243 = arith.addi %while3A_236, %while3A_242 : i32
      %while3A_244 = arith.constant 1 : i32
      %while3A_245 = scf.for %while3A_338 = %while3A_236 to %while3A_243 step %while3A_244 iter_args(%while3A_339 = %while3A_237) -> (i32)  : i32 {
        %mul3A_340 = arith.constant 16 : i32
        %mul3A_341 = arith.muli %while3A_338, %mul3A_340 : i32
        %get3A = arith.index_cast %mul3A_341 : i32 to index
        %get3A_342 = tpu.vector_load %arg14[%get3A] {strides = array<i32>} : memref<2080xi32, #tpu.memory_space<vmem>>, vector<16xi32>,
        %mul3A_343 = arith.constant 16 : i32
        %mul3A_344 = arith.muli %while3A_338, %mul3A_343 : i32
        %get3A_345 = arith.index_cast %mul3A_344 : i32 to index
        %get3A_346 = tpu.vector_load %arg15[%get3A_345] {strides = array<i32>} : memref<2080xi32, #tpu.memory_space<vmem>>, vector<16xi32>,
        %sub3A_347 = vector.broadcast %multiple_of3A_235 : i32 to vector<16xi32>
        %sub3A_348 = arith.subi %get3A_342, %sub3A_347 : vector<16xi32>
        %ge3A = arith.constant 0 : i32
        %ge3A_349 = vector.broadcast %ge3A : i32 to vector<16xi32>
        %ge3A_350 = arith.cmpi sge, %sub3A_348, %ge3A_349 : vector<16xi32>
        %lt3A = arith.constant 768 : i32
        %lt3A_351 = vector.broadcast %lt3A : i32 to vector<16xi32>
        %lt3A_352 = arith.cmpi slt, %sub3A_348, %lt3A_351 : vector<16xi32>
        %and3A_353 = arith.andi %ge3A_350, %lt3A_352 : vector<16xi1>
        %lt3A_354 = arith.constant 999936 : i32
        %lt3A_355 = vector.broadcast %lt3A_354 : i32 to vector<16xi32>
        %lt3A_356 = arith.cmpi slt, %get3A_342, %lt3A_355 : vector<16xi32>
        %and3A_357 = arith.andi %and3A_353, %lt3A_356 : vector<16xi1>
        %mul3A_358 = arith.constant 16 : i32
        %mul3A_359 = arith.muli %while3A_338, %mul3A_358 : i32
        %add3A_360 = vector.broadcast %mul3A_359 : i32 to vector<16xi32>
        %add3A_361 = arith.addi %add3A_360, %iota3A : vector<16xi32>
        %lt3A_362 = vector.broadcast %scan3A_34 : i32 to vector<16xi32>
        %lt3A_363 = arith.cmpi slt, %add3A_361, %lt3A_362 : vector<16xi32>
        %and3A_364 = arith.andi %and3A_357, %lt3A_363 : vector<16xi1>
        %swap3A = arith.index_cast %while3A_339 : i32 to index
        %swap3A_365 = tpu.vector_load %arg16[%swap3A] masked %and3A_364 {strides = array<i32>} : memref<160xi32, #tpu.memory_space<vmem>>, vector<16xi32>, vector<16xi1>
        tpu.vector_store %arg16[%swap3A], %sub3A_348 masked %and3A_364 {strides = array<i32>} : memref<160xi32, #tpu.memory_space<vmem>>, vector<16xi32>, vector<16xi1>
        %swap3A_366 = arith.index_cast %while3A_339 : i32 to index
        %swap3A_367 = tpu.vector_load %arg17[%swap3A_366] masked %and3A_364 {strides = array<i32>} : memref<160xi32, #tpu.memory_space<vmem>>, vector<16xi32>, vector<16xi1>
        tpu.vector_store %arg17[%swap3A_366], %get3A_346 masked %and3A_364 {strides = array<i32>} : memref<160xi32, #tpu.memory_space<vmem>>, vector<16xi32>, vector<16xi1>
        %all_reduce_population_count3A = tpu.all_reduce %and3A_364 {dim = 0 : i64, kind = #tpu.reduction_kind<sum>} : vector<16xi1> -> vector<16xi32>
        %slice3A = vector.extract_strided_slice %all_reduce_population_count3A {offsets = [0], sizes = [1], strides = [1]} : vector<16xi32> to vector<1xi32>
        %squeeze3A = vector.extract %slice3A[0] : i32 from vector<1xi32>
        %add3A_368 = arith.addi %while3A_339, %squeeze3A : i32
        scf.yield %add3A_368 : i32
      }
      %while3A_246 = arith.constant 1 : i32
      %while3A_247 = scf.for %while3A_338 = %while3A_243 to %while3A_239 step %while3A_246 iter_args(%while3A_339 = %while3A_245) -> (i32)  : i32 {
        %mul3A_340 = arith.constant 16 : i32
        %mul3A_341 = arith.muli %while3A_338, %mul3A_340 : i32
        %get3A = arith.index_cast %mul3A_341 : i32 to index
        %get3A_342 = tpu.vector_load %arg14[%get3A] {strides = array<i32>} : memref<2080xi32, #tpu.memory_space<vmem>>, vector<16xi32>,
        %mul3A_343 = arith.constant 16 : i32
        %mul3A_344 = arith.muli %while3A_338, %mul3A_343 : i32
        %get3A_345 = arith.index_cast %mul3A_344 : i32 to index
        %get3A_346 = tpu.vector_load %arg15[%get3A_345] {strides = array<i32>} : memref<2080xi32, #tpu.memory_space<vmem>>, vector<16xi32>,
        %sub3A_347 = vector.broadcast %multiple_of3A_235 : i32 to vector<16xi32>
        %sub3A_348 = arith.subi %get3A_342, %sub3A_347 : vector<16xi32>
        %ge3A = arith.constant 0 : i32
        %ge3A_349 = vector.broadcast %ge3A : i32 to vector<16xi32>
        %ge3A_350 = arith.cmpi sge, %sub3A_348, %ge3A_349 : vector<16xi32>
        %lt3A = arith.constant 768 : i32
        %lt3A_351 = vector.broadcast %lt3A : i32 to vector<16xi32>
        %lt3A_352 = arith.cmpi slt, %sub3A_348, %lt3A_351 : vector<16xi32>
        %and3A_353 = arith.andi %ge3A_350, %lt3A_352 : vector<16xi1>
        %lt3A_354 = arith.constant 999936 : i32
        %lt3A_355 = vector.broadcast %lt3A_354 : i32 to vector<16xi32>
        %lt3A_356 = arith.cmpi slt, %get3A_342, %lt3A_355 : vector<16xi32>
        %and3A_357 = arith.andi %and3A_353, %lt3A_356 : vector<16xi1>
        %mul3A_358 = arith.constant 16 : i32
        %mul3A_359 = arith.muli %while3A_338, %mul3A_358 : i32
        %add3A_360 = vector.broadcast %mul3A_359 : i32 to vector<16xi32>
        %add3A_361 = arith.addi %add3A_360, %iota3A : vector<16xi32>
        %lt3A_362 = vector.broadcast %scan3A_34 : i32 to vector<16xi32>
        %lt3A_363 = arith.cmpi slt, %add3A_361, %lt3A_362 : vector<16xi32>
        %and3A_364 = arith.andi %and3A_357, %lt3A_363 : vector<16xi1>
        %swap3A = arith.index_cast %while3A_339 : i32 to index
        %swap3A_365 = tpu.vector_load %arg16[%swap3A] masked %and3A_364 {strides = array<i32>} : memref<160xi32, #tpu.memory_space<vmem>>, vector<16xi32>, vector<16xi1>
        tpu.vector_store %arg16[%swap3A], %sub3A_348 masked %and3A_364 {strides = array<i32>} : memref<160xi32, #tpu.memory_space<vmem>>, vector<16xi32>, vector<16xi1>
        %swap3A_366 = arith.index_cast %while3A_339 : i32 to index
        %swap3A_367 = tpu.vector_load %arg17[%swap3A_366] masked %and3A_364 {strides = array<i32>} : memref<160xi32, #tpu.memory_space<vmem>>, vector<16xi32>, vector<16xi1>
        tpu.vector_store %arg17[%swap3A_366], %get3A_346 masked %and3A_364 {strides = array<i32>} : memref<160xi32, #tpu.memory_space<vmem>>, vector<16xi32>, vector<16xi1>
        %all_reduce_population_count3A = tpu.all_reduce %and3A_364 {dim = 0 : i64, kind = #tpu.reduction_kind<sum>} : vector<16xi1> -> vector<16xi32>
        %slice3A = vector.extract_strided_slice %all_reduce_population_count3A {offsets = [0], sizes = [1], strides = [1]} : vector<16xi32> to vector<1xi32>
        %squeeze3A = vector.extract %slice3A[0] : i32 from vector<1xi32>
        %add3A_368 = arith.addi %while3A_339, %squeeze3A : i32
        scf.yield %add3A_368 : i32
      }
      %while3A_248 = arith.constant 0 : i32
      %while3A_249 = arith.constant 0 : i32
      %while3A_250 = arith.subi %while3A_247, %while3A_249 : i32
      %while3A_251 = arith.addi %while3A_249, %while3A_250 : i32
      %while3A_252 = arith.constant 1 : i32
      %while3A_253 = arith.divsi %while3A_250, %while3A_252 : i32
      %while3A_254 = arith.muli %while3A_253, %while3A_252 : i32
      %while3A_255 = arith.addi %while3A_249, %while3A_254 : i32
      %while3A_256 = arith.constant 1 : i32
      scf.for %while3A_338 = %while3A_249 to %while3A_255 step %while3A_256  : i32 {
        %rem3A_339 = arith.constant 8 : i32
        %rem3A_340 = arith.remsi %while3A_338, %rem3A_339 : i32
        %get3A = arith.index_cast %while3A_338 : i32 to index
        %get3A_341 = tpu.vector_load %arg16[%get3A] {strides = array<i32>} : memref<160xi32, #tpu.memory_space<vmem>>, vector<16xi32>,
        %slice3A = vector.extract_strided_slice %get3A_341 {offsets = [0], sizes = [1], strides = [1]} : vector<16xi32> to vector<1xi32>
        %squeeze3A = vector.extract %slice3A[0] : i32 from vector<1xi32>
        %get3A_342 = arith.index_cast %while3A_338 : i32 to index
        %get3A_343 = tpu.vector_load %arg17[%get3A_342] {strides = array<i32>} : memref<160xi32, #tpu.memory_space<vmem>>, vector<16xi32>,
        %slice3A_344 = vector.extract_strided_slice %get3A_343 {offsets = [0], sizes = [1], strides = [1]} : vector<16xi32> to vector<1xi32>
        %squeeze3A_345 = vector.extract %slice3A_344[0] : i32 from vector<1xi32>
        %broadcast_in_dim3A = arith.constant 0 : i32
        %broadcast_in_dim3A_346 = vector.broadcast %broadcast_in_dim3A : i32 to vector<16xi32>
        %add3A_347 = vector.broadcast %squeeze3A : i32 to vector<16xi32>
        %add3A_348 = arith.addi %broadcast_in_dim3A_346, %add3A_347 : vector<16xi32>
        %broadcast_in_dim3A_349 = arith.constant 0 : i32
        %broadcast_in_dim3A_350 = vector.broadcast %broadcast_in_dim3A_349 : i32 to vector<16xi32>
        %add3A_351 = vector.broadcast %rem3A_340 : i32 to vector<16xi32>
        %add3A_352 = arith.addi %broadcast_in_dim3A_350, %add3A_351 : vector<16xi32>
        %ge3A = arith.constant 8 : i32
        %ge3A_353 = arith.cmpi sge, %while3A_338, %ge3A : i32
        %convert_element_type3A = arith.extui %ge3A_353 : i1 to i32
        %cond3A = arith.constant 0 : i32
        %cond3A_354 = arith.cmpi ne, %convert_element_type3A, %cond3A : i32
        scf.if %cond3A_354 {
          %dma_wait3A_394 = arith.constant 0 : i32
          %dma_wait3A_395 = arith.constant 0 : i32
          %dma_wait3A_396 = tpu.memref_slice %arg24[%rem3A_340, %dma_wait3A_395] : memref<8x32xf32, #tpu.memory_space<vmem>> -> memref<1x32xf32, #tpu.memory_space<vmem>>
          %dma_wait3A_397 = tpu.memref_squeeze %dma_wait3A_396 : memref<1x32xf32, #tpu.memory_space<vmem>> -> memref<32xf32, #tpu.memory_space<vmem>>
          %dma_wait3A_398 = arith.constant 0 : i32
          %dma_wait3A_399 = tpu.memref_slice %arg12[%dma_wait3A_394, %dma_wait3A_398] : memref<16384x128xf32, #tpu.memory_space<hbm>> -> memref<1x32xf32, #tpu.memory_space<hbm>>
          %dma_wait3A_400 = tpu.memref_squeeze %dma_wait3A_399 : memref<1x32xf32, #tpu.memory_space<hbm>> -> memref<32xf32, #tpu.memory_space<hbm>>
          %dma_wait3A_401 = arith.constant 0 : i32
          %dma_wait3A_402 = tpu.memref_slice %arg12[%dma_wait3A_394, %dma_wait3A_401] : memref<16384x128xf32, #tpu.memory_space<hbm>> -> memref<1x32xf32, #tpu.memory_space<hbm>>
          %dma_wait3A_403 = tpu.memref_squeeze %dma_wait3A_402 : memref<1x32xf32, #tpu.memory_space<hbm>> -> memref<32xf32, #tpu.memory_space<hbm>>
          %dma_wait3A_404 = arith.constant 0 : i32
          %dma_wait3A_405 = tpu.memref_slice %arg24[%rem3A_340, %dma_wait3A_404] : memref<8x32xf32, #tpu.memory_space<vmem>> -> memref<1x32xf32, #tpu.memory_space<vmem>>
          %dma_wait3A_406 = tpu.memref_squeeze %dma_wait3A_405 : memref<1x32xf32, #tpu.memory_space<vmem>> -> memref<32xf32, #tpu.memory_space<vmem>>
          tpu.wait_dma2 semaphore(%arg26 : memref<!tpu.dma_semaphore, #tpu.memory_space<semaphore_mem>>) src(%dma_wait3A_406 : memref<32xf32, #tpu.memory_space<vmem>>) dst(%dma_wait3A_403 : memref<32xf32, #tpu.memory_space<hbm>>)
          %dma_wait3A_407 = arith.constant 0 : i32
          %dma_wait3A_408 = arith.constant 0 : i32
          %dma_wait3A_409 = tpu.memref_slice %arg25[%rem3A_340, %dma_wait3A_408] : memref<8x32xf32, #tpu.memory_space<vmem>> -> memref<1x32xf32, #tpu.memory_space<vmem>>
          %dma_wait3A_410 = tpu.memref_squeeze %dma_wait3A_409 : memref<1x32xf32, #tpu.memory_space<vmem>> -> memref<32xf32, #tpu.memory_space<vmem>>
          %dma_wait3A_411 = arith.constant 64 : i32
          %dma_wait3A_412 = tpu.memref_slice %arg12[%dma_wait3A_407, %dma_wait3A_411] : memref<16384x128xf32, #tpu.memory_space<hbm>> -> memref<1x32xf32, #tpu.memory_space<hbm>>
          %dma_wait3A_413 = tpu.memref_squeeze %dma_wait3A_412 : memref<1x32xf32, #tpu.memory_space<hbm>> -> memref<32xf32, #tpu.memory_space<hbm>>
          %dma_wait3A_414 = arith.constant 64 : i32
          %dma_wait3A_415 = tpu.memref_slice %arg12[%dma_wait3A_407, %dma_wait3A_414] : memref<16384x128xf32, #tpu.memory_space<hbm>> -> memref<1x32xf32, #tpu.memory_space<hbm>>
          %dma_wait3A_416 = tpu.memref_squeeze %dma_wait3A_415 : memref<1x32xf32, #tpu.memory_space<hbm>> -> memref<32xf32, #tpu.memory_space<hbm>>
          %dma_wait3A_417 = arith.constant 0 : i32
          %dma_wait3A_418 = tpu.memref_slice %arg25[%rem3A_340, %dma_wait3A_417] : memref<8x32xf32, #tpu.memory_space<vmem>> -> memref<1x32xf32, #tpu.memory_space<vmem>>
          %dma_wait3A_419 = tpu.memref_squeeze %dma_wait3A_418 : memref<1x32xf32, #tpu.memory_space<vmem>> -> memref<32xf32, #tpu.memory_space<vmem>>
          tpu.wait_dma2 semaphore(%arg26 : memref<!tpu.dma_semaphore, #tpu.memory_space<semaphore_mem>>) src(%dma_wait3A_419 : memref<32xf32, #tpu.memory_space<vmem>>) dst(%dma_wait3A_416 : memref<32xf32, #tpu.memory_space<hbm>>)
        } else {
        }
        %gather3A = tpu.vector_load_idx %arg18[%iota3A, %add3A_348] : memref<32x768xf32, #tpu.memory_space<vmem>>[vector<16xi32>, vector<16xi32>], vector<16xf32>,
        tpu.vector_store_idx %arg24[%add3A_352, %iota3A], %gather3A : memref<8x32xf32, #tpu.memory_space<vmem>>[vector<16xi32>, vector<16xi32>], vector<16xf32>,
        %add3A_355 = arith.constant 16 : i32
        %add3A_356 = vector.broadcast %add3A_355 : i32 to vector<16xi32>
        %add3A_357 = arith.addi %iota3A, %add3A_356 : vector<16xi32>
        %add3A_358 = arith.constant 16 : i32
        %add3A_359 = vector.broadcast %add3A_358 : i32 to vector<16xi32>
        %add3A_360 = arith.addi %iota3A, %add3A_359 : vector<16xi32>
        %gather3A_361 = tpu.vector_load_idx %arg18[%add3A_360, %add3A_348] : memref<32x768xf32, #tpu.memory_space<vmem>>[vector<16xi32>, vector<16xi32>], vector<16xf32>,
        tpu.vector_store_idx %arg24[%add3A_352, %add3A_357], %gather3A_361 : memref<8x32xf32, #tpu.memory_space<vmem>>[vector<16xi32>, vector<16xi32>], vector<16xf32>,
        %gather3A_362 = tpu.vector_load_idx %arg19[%iota3A, %add3A_348] : memref<32x768xf32, #tpu.memory_space<vmem>>[vector<16xi32>, vector<16xi32>], vector<16xf32>,
        tpu.vector_store_idx %arg25[%add3A_352, %iota3A], %gather3A_362 : memref<8x32xf32, #tpu.memory_space<vmem>>[vector<16xi32>, vector<16xi32>], vector<16xf32>,
        %add3A_363 = arith.constant 16 : i32
        %add3A_364 = vector.broadcast %add3A_363 : i32 to vector<16xi32>
        %add3A_365 = arith.addi %iota3A, %add3A_364 : vector<16xi32>
        %add3A_366 = arith.constant 16 : i32
        %add3A_367 = vector.broadcast %add3A_366 : i32 to vector<16xi32>
        %add3A_368 = arith.addi %iota3A, %add3A_367 : vector<16xi32>
        %gather3A_369 = tpu.vector_load_idx %arg19[%add3A_368, %add3A_348] : memref<32x768xf32, #tpu.memory_space<vmem>>[vector<16xi32>, vector<16xi32>], vector<16xf32>,
        tpu.vector_store_idx %arg25[%add3A_352, %add3A_365], %gather3A_369 : memref<8x32xf32, #tpu.memory_space<vmem>>[vector<16xi32>, vector<16xi32>], vector<16xf32>,
        %dma_start3A_370 = arith.constant 0 : i32
        %dma_start3A_371 = tpu.memref_slice %arg24[%rem3A_340, %dma_start3A_370] : memref<8x32xf32, #tpu.memory_space<vmem>> -> memref<1x32xf32, #tpu.memory_space<vmem>>
        %dma_start3A_372 = tpu.memref_squeeze %dma_start3A_371 : memref<1x32xf32, #tpu.memory_space<vmem>> -> memref<32xf32, #tpu.memory_space<vmem>>
        %dma_start3A_373 = arith.constant 0 : i32
        %dma_start3A_374 = tpu.memref_slice %arg12[%squeeze3A_345, %dma_start3A_373] : memref<16384x128xf32, #tpu.memory_space<hbm>> -> memref<1x32xf32, #tpu.memory_space<hbm>>
        %dma_start3A_375 = tpu.memref_squeeze %dma_start3A_374 : memref<1x32xf32, #tpu.memory_space<hbm>> -> memref<32xf32, #tpu.memory_space<hbm>>
        %dma_start3A_376 = arith.constant 0 : i32
        %dma_start3A_377 = tpu.memref_slice %arg12[%squeeze3A_345, %dma_start3A_376] : memref<16384x128xf32, #tpu.memory_space<hbm>> -> memref<1x32xf32, #tpu.memory_space<hbm>>
        %dma_start3A_378 = tpu.memref_squeeze %dma_start3A_377 : memref<1x32xf32, #tpu.memory_space<hbm>> -> memref<32xf32, #tpu.memory_space<hbm>>
        %dma_start3A_379 = arith.constant 0 : i32
        %dma_start3A_380 = tpu.memref_slice %arg24[%rem3A_340, %dma_start3A_379] : memref<8x32xf32, #tpu.memory_space<vmem>> -> memref<1x32xf32, #tpu.memory_space<vmem>>
        %dma_start3A_381 = tpu.memref_squeeze %dma_start3A_380 : memref<1x32xf32, #tpu.memory_space<vmem>> -> memref<32xf32, #tpu.memory_space<vmem>>
        tpu.enqueue_dma source(%dma_start3A_381 : memref<32xf32, #tpu.memory_space<vmem>>) target(%dma_start3A_378 : memref<32xf32, #tpu.memory_space<hbm>>) target_semaphore(%arg26 : memref<!tpu.dma_semaphore, #tpu.memory_space<semaphore_mem>>)
        %dma_start3A_382 = arith.constant 0 : i32
        %dma_start3A_383 = tpu.memref_slice %arg25[%rem3A_340, %dma_start3A_382] : memref<8x32xf32, #tpu.memory_space<vmem>> -> memref<1x32xf32, #tpu.memory_space<vmem>>
        %dma_start3A_384 = tpu.memref_squeeze %dma_start3A_383 : memref<1x32xf32, #tpu.memory_space<vmem>> -> memref<32xf32, #tpu.memory_space<vmem>>
        %dma_start3A_385 = arith.constant 64 : i32
        %dma_start3A_386 = tpu.memref_slice %arg12[%squeeze3A_345, %dma_start3A_385] : memref<16384x128xf32, #tpu.memory_space<hbm>> -> memref<1x32xf32, #tpu.memory_space<hbm>>
        %dma_start3A_387 = tpu.memref_squeeze %dma_start3A_386 : memref<1x32xf32, #tpu.memory_space<hbm>> -> memref<32xf32, #tpu.memory_space<hbm>>
        %dma_start3A_388 = arith.constant 64 : i32
        %dma_start3A_389 = tpu.memref_slice %arg12[%squeeze3A_345, %dma_start3A_388] : memref<16384x128xf32, #tpu.memory_space<hbm>> -> memref<1x32xf32, #tpu.memory_space<hbm>>
        %dma_start3A_390 = tpu.memref_squeeze %dma_start3A_389 : memref<1x32xf32, #tpu.memory_space<hbm>> -> memref<32xf32, #tpu.memory_space<hbm>>
        %dma_start3A_391 = arith.constant 0 : i32
        %dma_start3A_392 = tpu.memref_slice %arg25[%rem3A_340, %dma_start3A_391] : memref<8x32xf32, #tpu.memory_space<vmem>> -> memref<1x32xf32, #tpu.memory_space<vmem>>
        %dma_start3A_393 = tpu.memref_squeeze %dma_start3A_392 : memref<1x32xf32, #tpu.memory_space<vmem>> -> memref<32xf32, #tpu.memory_space<vmem>>
        tpu.enqueue_dma source(%dma_start3A_393 : memref<32xf32, #tpu.memory_space<vmem>>) target(%dma_start3A_390 : memref<32xf32, #tpu.memory_space<hbm>>) target_semaphore(%arg26 : memref<!tpu.dma_semaphore, #tpu.memory_space<semaphore_mem>>)
      }
      %while3A_257 = arith.constant 1 : i32
      scf.for %while3A_338 = %while3A_255 to %while3A_251 step %while3A_257  : i32 {
        %rem3A_339 = arith.constant 8 : i32
        %rem3A_340 = arith.remsi %while3A_338, %rem3A_339 : i32
        %get3A = arith.index_cast %while3A_338 : i32 to index
        %get3A_341 = tpu.vector_load %arg16[%get3A] {strides = array<i32>} : memref<160xi32, #tpu.memory_space<vmem>>, vector<16xi32>,
        %slice3A = vector.extract_strided_slice %get3A_341 {offsets = [0], sizes = [1], strides = [1]} : vector<16xi32> to vector<1xi32>
        %squeeze3A = vector.extract %slice3A[0] : i32 from vector<1xi32>
        %get3A_342 = arith.index_cast %while3A_338 : i32 to index
        %get3A_343 = tpu.vector_load %arg17[%get3A_342] {strides = array<i32>} : memref<160xi32, #tpu.memory_space<vmem>>, vector<16xi32>,
        %slice3A_344 = vector.extract_strided_slice %get3A_343 {offsets = [0], sizes = [1], strides = [1]} : vector<16xi32> to vector<1xi32>
        %squeeze3A_345 = vector.extract %slice3A_344[0] : i32 from vector<1xi32>
        %broadcast_in_dim3A = arith.constant 0 : i32
        %broadcast_in_dim3A_346 = vector.broadcast %broadcast_in_dim3A : i32 to vector<16xi32>
        %add3A_347 = vector.broadcast %squeeze3A : i32 to vector<16xi32>
        %add3A_348 = arith.addi %broadcast_in_dim3A_346, %add3A_347 : vector<16xi32>
        %broadcast_in_dim3A_349 = arith.constant 0 : i32
        %broadcast_in_dim3A_350 = vector.broadcast %broadcast_in_dim3A_349 : i32 to vector<16xi32>
        %add3A_351 = vector.broadcast %rem3A_340 : i32 to vector<16xi32>
        %add3A_352 = arith.addi %broadcast_in_dim3A_350, %add3A_351 : vector<16xi32>
        %ge3A = arith.constant 8 : i32
        %ge3A_353 = arith.cmpi sge, %while3A_338, %ge3A : i32
        %convert_element_type3A = arith.extui %ge3A_353 : i1 to i32
        %cond3A = arith.constant 0 : i32
        %cond3A_354 = arith.cmpi ne, %convert_element_type3A, %cond3A : i32
        scf.if %cond3A_354 {
          %dma_wait3A_394 = arith.constant 0 : i32
          %dma_wait3A_395 = arith.constant 0 : i32
          %dma_wait3A_396 = tpu.memref_slice %arg24[%rem3A_340, %dma_wait3A_395] : memref<8x32xf32, #tpu.memory_space<vmem>> -> memref<1x32xf32, #tpu.memory_space<vmem>>
          %dma_wait3A_397 = tpu.memref_squeeze %dma_wait3A_396 : memref<1x32xf32, #tpu.memory_space<vmem>> -> memref<32xf32, #tpu.memory_space<vmem>>
          %dma_wait3A_398 = arith.constant 0 : i32
          %dma_wait3A_399 = tpu.memref_slice %arg12[%dma_wait3A_394, %dma_wait3A_398] : memref<16384x128xf32, #tpu.memory_space<hbm>> -> memref<1x32xf32, #tpu.memory_space<hbm>>
          %dma_wait3A_400 = tpu.memref_squeeze %dma_wait3A_399 : memref<1x32xf32, #tpu.memory_space<hbm>> -> memref<32xf32, #tpu.memory_space<hbm>>
          %dma_wait3A_401 = arith.constant 0 : i32
          %dma_wait3A_402 = tpu.memref_slice %arg12[%dma_wait3A_394, %dma_wait3A_401] : memref<16384x128xf32, #tpu.memory_space<hbm>> -> memref<1x32xf32, #tpu.memory_space<hbm>>
          %dma_wait3A_403 = tpu.memref_squeeze %dma_wait3A_402 : memref<1x32xf32, #tpu.memory_space<hbm>> -> memref<32xf32, #tpu.memory_space<hbm>>
          %dma_wait3A_404 = arith.constant 0 : i32
          %dma_wait3A_405 = tpu.memref_slice %arg24[%rem3A_340, %dma_wait3A_404] : memref<8x32xf32, #tpu.memory_space<vmem>> -> memref<1x32xf32, #tpu.memory_space<vmem>>
          %dma_wait3A_406 = tpu.memref_squeeze %dma_wait3A_405 : memref<1x32xf32, #tpu.memory_space<vmem>> -> memref<32xf32, #tpu.memory_space<vmem>>
          tpu.wait_dma2 semaphore(%arg26 : memref<!tpu.dma_semaphore, #tpu.memory_space<semaphore_mem>>) src(%dma_wait3A_406 : memref<32xf32, #tpu.memory_space<vmem>>) dst(%dma_wait3A_403 : memref<32xf32, #tpu.memory_space<hbm>>)
          %dma_wait3A_407 = arith.constant 0 : i32
          %dma_wait3A_408 = arith.constant 0 : i32
          %dma_wait3A_409 = tpu.memref_slice %arg25[%rem3A_340, %dma_wait3A_408] : memref<8x32xf32, #tpu.memory_space<vmem>> -> memref<1x32xf32, #tpu.memory_space<vmem>>
          %dma_wait3A_410 = tpu.memref_squeeze %dma_wait3A_409 : memref<1x32xf32, #tpu.memory_space<vmem>> -> memref<32xf32, #tpu.memory_space<vmem>>
          %dma_wait3A_411 = arith.constant 64 : i32
          %dma_wait3A_412 = tpu.memref_slice %arg12[%dma_wait3A_407, %dma_wait3A_411] : memref<16384x128xf32, #tpu.memory_space<hbm>> -> memref<1x32xf32, #tpu.memory_space<hbm>>
          %dma_wait3A_413 = tpu.memref_squeeze %dma_wait3A_412 : memref<1x32xf32, #tpu.memory_space<hbm>> -> memref<32xf32, #tpu.memory_space<hbm>>
          %dma_wait3A_414 = arith.constant 64 : i32
          %dma_wait3A_415 = tpu.memref_slice %arg12[%dma_wait3A_407, %dma_wait3A_414] : memref<16384x128xf32, #tpu.memory_space<hbm>> -> memref<1x32xf32, #tpu.memory_space<hbm>>
          %dma_wait3A_416 = tpu.memref_squeeze %dma_wait3A_415 : memref<1x32xf32, #tpu.memory_space<hbm>> -> memref<32xf32, #tpu.memory_space<hbm>>
          %dma_wait3A_417 = arith.constant 0 : i32
          %dma_wait3A_418 = tpu.memref_slice %arg25[%rem3A_340, %dma_wait3A_417] : memref<8x32xf32, #tpu.memory_space<vmem>> -> memref<1x32xf32, #tpu.memory_space<vmem>>
          %dma_wait3A_419 = tpu.memref_squeeze %dma_wait3A_418 : memref<1x32xf32, #tpu.memory_space<vmem>> -> memref<32xf32, #tpu.memory_space<vmem>>
          tpu.wait_dma2 semaphore(%arg26 : memref<!tpu.dma_semaphore, #tpu.memory_space<semaphore_mem>>) src(%dma_wait3A_419 : memref<32xf32, #tpu.memory_space<vmem>>) dst(%dma_wait3A_416 : memref<32xf32, #tpu.memory_space<hbm>>)
        } else {
        }
        %gather3A = tpu.vector_load_idx %arg18[%iota3A, %add3A_348] : memref<32x768xf32, #tpu.memory_space<vmem>>[vector<16xi32>, vector<16xi32>], vector<16xf32>,
        tpu.vector_store_idx %arg24[%add3A_352, %iota3A], %gather3A : memref<8x32xf32, #tpu.memory_space<vmem>>[vector<16xi32>, vector<16xi32>], vector<16xf32>,
        %add3A_355 = arith.constant 16 : i32
        %add3A_356 = vector.broadcast %add3A_355 : i32 to vector<16xi32>
        %add3A_357 = arith.addi %iota3A, %add3A_356 : vector<16xi32>
        %add3A_358 = arith.constant 16 : i32
        %add3A_359 = vector.broadcast %add3A_358 : i32 to vector<16xi32>
        %add3A_360 = arith.addi %iota3A, %add3A_359 : vector<16xi32>
        %gather3A_361 = tpu.vector_load_idx %arg18[%add3A_360, %add3A_348] : memref<32x768xf32, #tpu.memory_space<vmem>>[vector<16xi32>, vector<16xi32>], vector<16xf32>,
        tpu.vector_store_idx %arg24[%add3A_352, %add3A_357], %gather3A_361 : memref<8x32xf32, #tpu.memory_space<vmem>>[vector<16xi32>, vector<16xi32>], vector<16xf32>,
        %gather3A_362 = tpu.vector_load_idx %arg19[%iota3A, %add3A_348] : memref<32x768xf32, #tpu.memory_space<vmem>>[vector<16xi32>, vector<16xi32>], vector<16xf32>,
        tpu.vector_store_idx %arg25[%add3A_352, %iota3A], %gather3A_362 : memref<8x32xf32, #tpu.memory_space<vmem>>[vector<16xi32>, vector<16xi32>], vector<16xf32>,
        %add3A_363 = arith.constant 16 : i32
        %add3A_364 = vector.broadcast %add3A_363 : i32 to vector<16xi32>
        %add3A_365 = arith.addi %iota3A, %add3A_364 : vector<16xi32>
        %add3A_366 = arith.constant 16 : i32
        %add3A_367 = vector.broadcast %add3A_366 : i32 to vector<16xi32>
        %add3A_368 = arith.addi %iota3A, %add3A_367 : vector<16xi32>
        %gather3A_369 = tpu.vector_load_idx %arg19[%add3A_368, %add3A_348] : memref<32x768xf32, #tpu.memory_space<vmem>>[vector<16xi32>, vector<16xi32>], vector<16xf32>,
        tpu.vector_store_idx %arg25[%add3A_352, %add3A_365], %gather3A_369 : memref<8x32xf32, #tpu.memory_space<vmem>>[vector<16xi32>, vector<16xi32>], vector<16xf32>,
        %dma_start3A_370 = arith.constant 0 : i32
        %dma_start3A_371 = tpu.memref_slice %arg24[%rem3A_340, %dma_start3A_370] : memref<8x32xf32, #tpu.memory_space<vmem>> -> memref<1x32xf32, #tpu.memory_space<vmem>>
        %dma_start3A_372 = tpu.memref_squeeze %dma_start3A_371 : memref<1x32xf32, #tpu.memory_space<vmem>> -> memref<32xf32, #tpu.memory_space<vmem>>
        %dma_start3A_373 = arith.constant 0 : i32
        %dma_start3A_374 = tpu.memref_slice %arg12[%squeeze3A_345, %dma_start3A_373] : memref<16384x128xf32, #tpu.memory_space<hbm>> -> memref<1x32xf32, #tpu.memory_space<hbm>>
        %dma_start3A_375 = tpu.memref_squeeze %dma_start3A_374 : memref<1x32xf32, #tpu.memory_space<hbm>> -> memref<32xf32, #tpu.memory_space<hbm>>
        %dma_start3A_376 = arith.constant 0 : i32
        %dma_start3A_377 = tpu.memref_slice %arg12[%squeeze3A_345, %dma_start3A_376] : memref<16384x128xf32, #tpu.memory_space<hbm>> -> memref<1x32xf32, #tpu.memory_space<hbm>>
        %dma_start3A_378 = tpu.memref_squeeze %dma_start3A_377 : memref<1x32xf32, #tpu.memory_space<hbm>> -> memref<32xf32, #tpu.memory_space<hbm>>
        %dma_start3A_379 = arith.constant 0 : i32
        %dma_start3A_380 = tpu.memref_slice %arg24[%rem3A_340, %dma_start3A_379] : memref<8x32xf32, #tpu.memory_space<vmem>> -> memref<1x32xf32, #tpu.memory_space<vmem>>
        %dma_start3A_381 = tpu.memref_squeeze %dma_start3A_380 : memref<1x32xf32, #tpu.memory_space<vmem>> -> memref<32xf32, #tpu.memory_space<vmem>>
        tpu.enqueue_dma source(%dma_start3A_381 : memref<32xf32, #tpu.memory_space<vmem>>) target(%dma_start3A_378 : memref<32xf32, #tpu.memory_space<hbm>>) target_semaphore(%arg26 : memref<!tpu.dma_semaphore, #tpu.memory_space<semaphore_mem>>)
        %dma_start3A_382 = arith.constant 0 : i32
        %dma_start3A_383 = tpu.memref_slice %arg25[%rem3A_340, %dma_start3A_382] : memref<8x32xf32, #tpu.memory_space<vmem>> -> memref<1x32xf32, #tpu.memory_space<vmem>>
        %dma_start3A_384 = tpu.memref_squeeze %dma_start3A_383 : memref<1x32xf32, #tpu.memory_space<vmem>> -> memref<32xf32, #tpu.memory_space<vmem>>
        %dma_start3A_385 = arith.constant 64 : i32
        %dma_start3A_386 = tpu.memref_slice %arg12[%squeeze3A_345, %dma_start3A_385] : memref<16384x128xf32, #tpu.memory_space<hbm>> -> memref<1x32xf32, #tpu.memory_space<hbm>>
        %dma_start3A_387 = tpu.memref_squeeze %dma_start3A_386 : memref<1x32xf32, #tpu.memory_space<hbm>> -> memref<32xf32, #tpu.memory_space<hbm>>
        %dma_start3A_388 = arith.constant 64 : i32
        %dma_start3A_389 = tpu.memref_slice %arg12[%squeeze3A_345, %dma_start3A_388] : memref<16384x128xf32, #tpu.memory_space<hbm>> -> memref<1x32xf32, #tpu.memory_space<hbm>>
        %dma_start3A_390 = tpu.memref_squeeze %dma_start3A_389 : memref<1x32xf32, #tpu.memory_space<hbm>> -> memref<32xf32, #tpu.memory_space<hbm>>
        %dma_start3A_391 = arith.constant 0 : i32
        %dma_start3A_392 = tpu.memref_slice %arg25[%rem3A_340, %dma_start3A_391] : memref<8x32xf32, #tpu.memory_space<vmem>> -> memref<1x32xf32, #tpu.memory_space<vmem>>
        %dma_start3A_393 = tpu.memref_squeeze %dma_start3A_392 : memref<1x32xf32, #tpu.memory_space<vmem>> -> memref<32xf32, #tpu.memory_space<vmem>>
        tpu.enqueue_dma source(%dma_start3A_393 : memref<32xf32, #tpu.memory_space<vmem>>) target(%dma_start3A_390 : memref<32xf32, #tpu.memory_space<hbm>>) target_semaphore(%arg26 : memref<!tpu.dma_semaphore, #tpu.memory_space<semaphore_mem>>)
      }
      %min3A_258 = arith.constant 8 : i32
      %min3A_259 = arith.minsi %while3A_247, %min3A_258 : i32
      %while3A_260 = arith.constant 0 : i32
      %while3A_261 = arith.constant 0 : i32
      %while3A_262 = arith.subi %min3A_259, %while3A_261 : i32
      %while3A_263 = arith.addi %while3A_261, %while3A_262 : i32
      %while3A_264 = arith.constant 1 : i32
      %while3A_265 = arith.divsi %while3A_262, %while3A_264 : i32
      %while3A_266 = arith.muli %while3A_265, %while3A_264 : i32
      %while3A_267 = arith.addi %while3A_261, %while3A_266 : i32
      %while3A_268 = arith.constant 1 : i32
      scf.for %while3A_338 = %while3A_261 to %while3A_267 step %while3A_268  : i32 {
        %dma_wait3A_339 = arith.constant 0 : i32
        %dma_wait3A_340 = arith.constant 0 : i32
        %dma_wait3A_341 = arith.constant 0 : i32
        %dma_wait3A_342 = tpu.memref_slice %arg24[%dma_wait3A_339, %dma_wait3A_341] : memref<8x32xf32, #tpu.memory_space<vmem>> -> memref<1x32xf32, #tpu.memory_space<vmem>>
        %dma_wait3A_343 = tpu.memref_squeeze %dma_wait3A_342 : memref<1x32xf32, #tpu.memory_space<vmem>> -> memref<32xf32, #tpu.memory_space<vmem>>
        %dma_wait3A_344 = arith.constant 0 : i32
        %dma_wait3A_345 = tpu.memref_slice %arg12[%dma_wait3A_340, %dma_wait3A_344] : memref<16384x128xf32, #tpu.memory_space<hbm>> -> memref<1x32xf32, #tpu.memory_space<hbm>>
        %dma_wait3A_346 = tpu.memref_squeeze %dma_wait3A_345 : memref<1x32xf32, #tpu.memory_space<hbm>> -> memref<32xf32, #tpu.memory_space<hbm>>
        %dma_wait3A_347 = arith.constant 0 : i32
        %dma_wait3A_348 = tpu.memref_slice %arg12[%dma_wait3A_340, %dma_wait3A_347] : memref<16384x128xf32, #tpu.memory_space<hbm>> -> memref<1x32xf32, #tpu.memory_space<hbm>>
        %dma_wait3A_349 = tpu.memref_squeeze %dma_wait3A_348 : memref<1x32xf32, #tpu.memory_space<hbm>> -> memref<32xf32, #tpu.memory_space<hbm>>
        %dma_wait3A_350 = arith.constant 0 : i32
        %dma_wait3A_351 = tpu.memref_slice %arg24[%dma_wait3A_339, %dma_wait3A_350] : memref<8x32xf32, #tpu.memory_space<vmem>> -> memref<1x32xf32, #tpu.memory_space<vmem>>
        %dma_wait3A_352 = tpu.memref_squeeze %dma_wait3A_351 : memref<1x32xf32, #tpu.memory_space<vmem>> -> memref<32xf32, #tpu.memory_space<vmem>>
        tpu.wait_dma2 semaphore(%arg26 : memref<!tpu.dma_semaphore, #tpu.memory_space<semaphore_mem>>) src(%dma_wait3A_352 : memref<32xf32, #tpu.memory_space<vmem>>) dst(%dma_wait3A_349 : memref<32xf32, #tpu.memory_space<hbm>>)
        %dma_wait3A_353 = arith.constant 0 : i32
        %dma_wait3A_354 = arith.constant 0 : i32
        %dma_wait3A_355 = arith.constant 0 : i32
        %dma_wait3A_356 = tpu.memref_slice %arg25[%dma_wait3A_353, %dma_wait3A_355] : memref<8x32xf32, #tpu.memory_space<vmem>> -> memref<1x32xf32, #tpu.memory_space<vmem>>
        %dma_wait3A_357 = tpu.memref_squeeze %dma_wait3A_356 : memref<1x32xf32, #tpu.memory_space<vmem>> -> memref<32xf32, #tpu.memory_space<vmem>>
        %dma_wait3A_358 = arith.constant 64 : i32
        %dma_wait3A_359 = tpu.memref_slice %arg12[%dma_wait3A_354, %dma_wait3A_358] : memref<16384x128xf32, #tpu.memory_space<hbm>> -> memref<1x32xf32, #tpu.memory_space<hbm>>
        %dma_wait3A_360 = tpu.memref_squeeze %dma_wait3A_359 : memref<1x32xf32, #tpu.memory_space<hbm>> -> memref<32xf32, #tpu.memory_space<hbm>>
        %dma_wait3A_361 = arith.constant 64 : i32
        %dma_wait3A_362 = tpu.memref_slice %arg12[%dma_wait3A_354, %dma_wait3A_361] : memref<16384x128xf32, #tpu.memory_space<hbm>> -> memref<1x32xf32, #tpu.memory_space<hbm>>
        %dma_wait3A_363 = tpu.memref_squeeze %dma_wait3A_362 : memref<1x32xf32, #tpu.memory_space<hbm>> -> memref<32xf32, #tpu.memory_space<hbm>>
        %dma_wait3A_364 = arith.constant 0 : i32
        %dma_wait3A_365 = tpu.memref_slice %arg25[%dma_wait3A_353, %dma_wait3A_364] : memref<8x32xf32, #tpu.memory_space<vmem>> -> memref<1x32xf32, #tpu.memory_space<vmem>>
        %dma_wait3A_366 = tpu.memref_squeeze %dma_wait3A_365 : memref<1x32xf32, #tpu.memory_space<vmem>> -> memref<32xf32, #tpu.memory_space<vmem>>
        tpu.wait_dma2 semaphore(%arg26 : memref<!tpu.dma_semaphore, #tpu.memory_space<semaphore_mem>>) src(%dma_wait3A_366 : memref<32xf32, #tpu.memory_space<vmem>>) dst(%dma_wait3A_363 : memref<32xf32, #tpu.memory_space<hbm>>)
      }
      %while3A_269 = arith.constant 1 : i32
      scf.for %while3A_338 = %while3A_267 to %while3A_263 step %while3A_269  : i32 {
        %dma_wait3A_339 = arith.constant 0 : i32
        %dma_wait3A_340 = arith.constant 0 : i32
        %dma_wait3A_341 = arith.constant 0 : i32
        %dma_wait3A_342 = tpu.memref_slice %arg24[%dma_wait3A_339, %dma_wait3A_341] : memref<8x32xf32, #tpu.memory_space<vmem>> -> memref<1x32xf32, #tpu.memory_space<vmem>>
        %dma_wait3A_343 = tpu.memref_squeeze %dma_wait3A_342 : memref<1x32xf32, #tpu.memory_space<vmem>> -> memref<32xf32, #tpu.memory_space<vmem>>
        %dma_wait3A_344 = arith.constant 0 : i32
        %dma_wait3A_345 = tpu.memref_slice %arg12[%dma_wait3A_340, %dma_wait3A_344] : memref<16384x128xf32, #tpu.memory_space<hbm>> -> memref<1x32xf32, #tpu.memory_space<hbm>>
        %dma_wait3A_346 = tpu.memref_squeeze %dma_wait3A_345 : memref<1x32xf32, #tpu.memory_space<hbm>> -> memref<32xf32, #tpu.memory_space<hbm>>
        %dma_wait3A_347 = arith.constant 0 : i32
        %dma_wait3A_348 = tpu.memref_slice %arg12[%dma_wait3A_340, %dma_wait3A_347] : memref<16384x128xf32, #tpu.memory_space<hbm>> -> memref<1x32xf32, #tpu.memory_space<hbm>>
        %dma_wait3A_349 = tpu.memref_squeeze %dma_wait3A_348 : memref<1x32xf32, #tpu.memory_space<hbm>> -> memref<32xf32, #tpu.memory_space<hbm>>
        %dma_wait3A_350 = arith.constant 0 : i32
        %dma_wait3A_351 = tpu.memref_slice %arg24[%dma_wait3A_339, %dma_wait3A_350] : memref<8x32xf32, #tpu.memory_space<vmem>> -> memref<1x32xf32, #tpu.memory_space<vmem>>
        %dma_wait3A_352 = tpu.memref_squeeze %dma_wait3A_351 : memref<1x32xf32, #tpu.memory_space<vmem>> -> memref<32xf32, #tpu.memory_space<vmem>>
        tpu.wait_dma2 semaphore(%arg26 : memref<!tpu.dma_semaphore, #tpu.memory_space<semaphore_mem>>) src(%dma_wait3A_352 : memref<32xf32, #tpu.memory_space<vmem>>) dst(%dma_wait3A_349 : memref<32xf32, #tpu.memory_space<hbm>>)
        %dma_wait3A_353 = arith.constant 0 : i32
        %dma_wait3A_354 = arith.constant 0 : i32
        %dma_wait3A_355 = arith.constant 0 : i32
        %dma_wait3A_356 = tpu.memref_slice %arg25[%dma_wait3A_353, %dma_wait3A_355] : memref<8x32xf32, #tpu.memory_space<vmem>> -> memref<1x32xf32, #tpu.memory_space<vmem>>
        %dma_wait3A_357 = tpu.memref_squeeze %dma_wait3A_356 : memref<1x32xf32, #tpu.memory_space<vmem>> -> memref<32xf32, #tpu.memory_space<vmem>>
        %dma_wait3A_358 = arith.constant 64 : i32
        %dma_wait3A_359 = tpu.memref_slice %arg12[%dma_wait3A_354, %dma_wait3A_358] : memref<16384x128xf32, #tpu.memory_space<hbm>> -> memref<1x32xf32, #tpu.memory_space<hbm>>
        %dma_wait3A_360 = tpu.memref_squeeze %dma_wait3A_359 : memref<1x32xf32, #tpu.memory_space<hbm>> -> memref<32xf32, #tpu.memory_space<hbm>>
        %dma_wait3A_361 = arith.constant 64 : i32
        %dma_wait3A_362 = tpu.memref_slice %arg12[%dma_wait3A_354, %dma_wait3A_361] : memref<16384x128xf32, #tpu.memory_space<hbm>> -> memref<1x32xf32, #tpu.memory_space<hbm>>
        %dma_wait3A_363 = tpu.memref_squeeze %dma_wait3A_362 : memref<1x32xf32, #tpu.memory_space<hbm>> -> memref<32xf32, #tpu.memory_space<hbm>>
        %dma_wait3A_364 = arith.constant 0 : i32
        %dma_wait3A_365 = tpu.memref_slice %arg25[%dma_wait3A_353, %dma_wait3A_364] : memref<8x32xf32, #tpu.memory_space<vmem>> -> memref<1x32xf32, #tpu.memory_space<vmem>>
        %dma_wait3A_366 = tpu.memref_squeeze %dma_wait3A_365 : memref<1x32xf32, #tpu.memory_space<vmem>> -> memref<32xf32, #tpu.memory_space<vmem>>
        tpu.wait_dma2 semaphore(%arg26 : memref<!tpu.dma_semaphore, #tpu.memory_space<semaphore_mem>>) src(%dma_wait3A_366 : memref<32xf32, #tpu.memory_space<vmem>>) dst(%dma_wait3A_363 : memref<32xf32, #tpu.memory_space<hbm>>)
      }
      %multiple_of3A_270 = arith.constant 0 : i32
      %multiple_of3A_271 = tpu.assume_multiple %multiple_of3A_270, 128 : i32
      %dma_wait3A_272 = arith.constant 0 : i32
      %dma_wait3A_273 = tpu.memref_slice %arg4[%dma_wait3A_272, %multiple_of3A_271] : memref<32x1000000xf32, #tpu.memory_space<hbm>> -> memref<32x768xf32, #tpu.memory_space<hbm>>
      %dma_wait3A_274 = arith.constant 0 : i32
      %dma_wait3A_275 = tpu.memref_slice %arg4[%dma_wait3A_274, %multiple_of3A_271] : memref<32x1000000xf32, #tpu.memory_space<hbm>> -> memref<32x768xf32, #tpu.memory_space<hbm>>
      tpu.wait_dma2 semaphore(%arg27 : memref<!tpu.dma_semaphore, #tpu.memory_space<semaphore_mem>>) src(%dma_wait3A_275 : memref<32x768xf32, #tpu.memory_space<hbm>>) dst(%arg20 : memref<32x768xf32, #tpu.memory_space<vmem>>)
      %dma_wait3A_276 = arith.constant 0 : i32
      %dma_wait3A_277 = tpu.memref_slice %arg6[%dma_wait3A_276, %multiple_of3A_271] : memref<32x1000000xf32, #tpu.memory_space<hbm>> -> memref<32x768xf32, #tpu.memory_space<hbm>>
      %dma_wait3A_278 = arith.constant 0 : i32
      %dma_wait3A_279 = tpu.memref_slice %arg6[%dma_wait3A_278, %multiple_of3A_271] : memref<32x1000000xf32, #tpu.memory_space<hbm>> -> memref<32x768xf32, #tpu.memory_space<hbm>>
      tpu.wait_dma2 semaphore(%arg27 : memref<!tpu.dma_semaphore, #tpu.memory_space<semaphore_mem>>) src(%dma_wait3A_279 : memref<32x768xf32, #tpu.memory_space<hbm>>) dst(%arg21 : memref<32x768xf32, #tpu.memory_space<vmem>>)
      %add3A_280 = arith.constant 2 : i32
      %add3A_281 = arith.addi %mul3A_203, %add3A_280 : i32
      %mul3A_282 = arith.constant 768 : i32
      %mul3A_283 = arith.muli %add3A_281, %mul3A_282 : i32
      %add3A_284 = arith.addi %mul3A_22, %mul3A_283 : i32
      %min3A_285 = arith.constant 999168 : i32
      %min3A_286 = arith.minsi %add3A_284, %min3A_285 : i32
      %multiple_of3A_287 = tpu.assume_multiple %min3A_286, 128 : i32
      %dma_start3A_288 = arith.constant 0 : i32
      %dma_start3A_289 = tpu.memref_slice %arg4[%dma_start3A_288, %multiple_of3A_287] : memref<32x1000000xf32, #tpu.memory_space<hbm>> -> memref<32x768xf32, #tpu.memory_space<hbm>>
      %dma_start3A_290 = arith.constant 0 : i32
      %dma_start3A_291 = tpu.memref_slice %arg4[%dma_start3A_290, %multiple_of3A_287] : memref<32x1000000xf32, #tpu.memory_space<hbm>> -> memref<32x768xf32, #tpu.memory_space<hbm>>
      tpu.enqueue_dma source(%dma_start3A_291 : memref<32x768xf32, #tpu.memory_space<hbm>>) target(%arg18 : memref<32x768xf32, #tpu.memory_space<vmem>>) target_semaphore(%arg27 : memref<!tpu.dma_semaphore, #tpu.memory_space<semaphore_mem>>)
      %dma_start3A_292 = arith.constant 0 : i32
      %dma_start3A_293 = tpu.memref_slice %arg6[%dma_start3A_292, %multiple_of3A_287] : memref<32x1000000xf32, #tpu.memory_space<hbm>> -> memref<32x768xf32, #tpu.memory_space<hbm>>
      %dma_start3A_294 = arith.constant 0 : i32
      %dma_start3A_295 = tpu.memref_slice %arg6[%dma_start3A_294, %multiple_of3A_287] : memref<32x1000000xf32, #tpu.memory_space<hbm>> -> memref<32x768xf32, #tpu.memory_space<hbm>>
      tpu.enqueue_dma source(%dma_start3A_295 : memref<32x768xf32, #tpu.memory_space<hbm>>) target(%arg19 : memref<32x768xf32, #tpu.memory_space<vmem>>) target_semaphore(%arg27 : memref<!tpu.dma_semaphore, #tpu.memory_space<semaphore_mem>>)
      %add3A_296 = arith.constant 1 : i32
      %add3A_297 = arith.addi %mul3A_203, %add3A_296 : i32
      %mul3A_298 = arith.constant 768 : i32
      %mul3A_299 = arith.muli %add3A_297, %mul3A_298 : i32
      %add3A_300 = arith.addi %mul3A_22, %mul3A_299 : i32
      %min3A_301 = arith.constant 999168 : i32
      %min3A_302 = arith.minsi %add3A_300, %min3A_301 : i32
      %multiple_of3A_303 = tpu.assume_multiple %min3A_302, 128 : i32
      %while3A_304 = arith.constant 0 : i32
      %while3A_305 = arith.constant 0 : i32
      %while3A_306 = arith.subi %select_n3A_61, %while3A_304 : i32
      %while3A_307 = arith.addi %while3A_304, %while3A_306 : i32
      %while3A_308 = arith.constant 1 : i32
      %while3A_309 = arith.divsi %while3A_306, %while3A_308 : i32
      %while3A_310 = arith.muli %while3A_309, %while3A_308 : i32
      %while3A_311 = arith.addi %while3A_304, %while3A_310 : i32
      %while3A_312 = arith.constant 1 : i32
      %while3A_313 = scf.for %while3A_338 = %while3A_304 to %while3A_311 step %while3A_312 iter_args(%while3A_339 = %while3A_305) -> (i32)  : i32 {
        %mul3A_340 = arith.constant 16 : i32
        %mul3A_341 = arith.muli %while3A_338, %mul3A_340 : i32
        %get3A = arith.index_cast %mul3A_341 : i32 to index
        %get3A_342 = tpu.vector_load %arg14[%get3A] {strides = array<i32>} : memref<2080xi32, #tpu.memory_space<vmem>>, vector<16xi32>,
        %mul3A_343 = arith.constant 16 : i32
        %mul3A_344 = arith.muli %while3A_338, %mul3A_343 : i32
        %get3A_345 = arith.index_cast %mul3A_344 : i32 to index
        %get3A_346 = tpu.vector_load %arg15[%get3A_345] {strides = array<i32>} : memref<2080xi32, #tpu.memory_space<vmem>>, vector<16xi32>,
        %sub3A_347 = vector.broadcast %multiple_of3A_303 : i32 to vector<16xi32>
        %sub3A_348 = arith.subi %get3A_342, %sub3A_347 : vector<16xi32>
        %ge3A = arith.constant 0 : i32
        %ge3A_349 = vector.broadcast %ge3A : i32 to vector<16xi32>
        %ge3A_350 = arith.cmpi sge, %sub3A_348, %ge3A_349 : vector<16xi32>
        %lt3A = arith.constant 768 : i32
        %lt3A_351 = vector.broadcast %lt3A : i32 to vector<16xi32>
        %lt3A_352 = arith.cmpi slt, %sub3A_348, %lt3A_351 : vector<16xi32>
        %and3A_353 = arith.andi %ge3A_350, %lt3A_352 : vector<16xi1>
        %lt3A_354 = arith.constant 999936 : i32
        %lt3A_355 = vector.broadcast %lt3A_354 : i32 to vector<16xi32>
        %lt3A_356 = arith.cmpi slt, %get3A_342, %lt3A_355 : vector<16xi32>
        %and3A_357 = arith.andi %and3A_353, %lt3A_356 : vector<16xi1>
        %mul3A_358 = arith.constant 16 : i32
        %mul3A_359 = arith.muli %while3A_338, %mul3A_358 : i32
        %add3A_360 = vector.broadcast %mul3A_359 : i32 to vector<16xi32>
        %add3A_361 = arith.addi %add3A_360, %iota3A : vector<16xi32>
        %lt3A_362 = vector.broadcast %scan3A_34 : i32 to vector<16xi32>
        %lt3A_363 = arith.cmpi slt, %add3A_361, %lt3A_362 : vector<16xi32>
        %and3A_364 = arith.andi %and3A_357, %lt3A_363 : vector<16xi1>
        %swap3A = arith.index_cast %while3A_339 : i32 to index
        %swap3A_365 = tpu.vector_load %arg16[%swap3A] masked %and3A_364 {strides = array<i32>} : memref<160xi32, #tpu.memory_space<vmem>>, vector<16xi32>, vector<16xi1>
        tpu.vector_store %arg16[%swap3A], %sub3A_348 masked %and3A_364 {strides = array<i32>} : memref<160xi32, #tpu.memory_space<vmem>>, vector<16xi32>, vector<16xi1>
        %swap3A_366 = arith.index_cast %while3A_339 : i32 to index
        %swap3A_367 = tpu.vector_load %arg17[%swap3A_366] masked %and3A_364 {strides = array<i32>} : memref<160xi32, #tpu.memory_space<vmem>>, vector<16xi32>, vector<16xi1>
        tpu.vector_store %arg17[%swap3A_366], %get3A_346 masked %and3A_364 {strides = array<i32>} : memref<160xi32, #tpu.memory_space<vmem>>, vector<16xi32>, vector<16xi1>
        %all_reduce_population_count3A = tpu.all_reduce %and3A_364 {dim = 0 : i64, kind = #tpu.reduction_kind<sum>} : vector<16xi1> -> vector<16xi32>
        %slice3A = vector.extract_strided_slice %all_reduce_population_count3A {offsets = [0], sizes = [1], strides = [1]} : vector<16xi32> to vector<1xi32>
        %squeeze3A = vector.extract %slice3A[0] : i32 from vector<1xi32>
        %add3A_368 = arith.addi %while3A_339, %squeeze3A : i32
        scf.yield %add3A_368 : i32
      }
      %while3A_314 = arith.constant 1 : i32
      %while3A_315 = scf.for %while3A_338 = %while3A_311 to %while3A_307 step %while3A_314 iter_args(%while3A_339 = %while3A_313) -> (i32)  : i32 {
        %mul3A_340 = arith.constant 16 : i32
        %mul3A_341 = arith.muli %while3A_338, %mul3A_340 : i32
        %get3A = arith.index_cast %mul3A_341 : i32 to index
        %get3A_342 = tpu.vector_load %arg14[%get3A] {strides = array<i32>} : memref<2080xi32, #tpu.memory_space<vmem>>, vector<16xi32>,
        %mul3A_343 = arith.constant 16 : i32
        %mul3A_344 = arith.muli %while3A_338, %mul3A_343 : i32
        %get3A_345 = arith.index_cast %mul3A_344 : i32 to index
        %get3A_346 = tpu.vector_load %arg15[%get3A_345] {strides = array<i32>} : memref<2080xi32, #tpu.memory_space<vmem>>, vector<16xi32>,
        %sub3A_347 = vector.broadcast %multiple_of3A_303 : i32 to vector<16xi32>
        %sub3A_348 = arith.subi %get3A_342, %sub3A_347 : vector<16xi32>
        %ge3A = arith.constant 0 : i32
        %ge3A_349 = vector.broadcast %ge3A : i32 to vector<16xi32>
        %ge3A_350 = arith.cmpi sge, %sub3A_348, %ge3A_349 : vector<16xi32>
        %lt3A = arith.constant 768 : i32
        %lt3A_351 = vector.broadcast %lt3A : i32 to vector<16xi32>
        %lt3A_352 = arith.cmpi slt, %sub3A_348, %lt3A_351 : vector<16xi32>
        %and3A_353 = arith.andi %ge3A_350, %lt3A_352 : vector<16xi1>
        %lt3A_354 = arith.constant 999936 : i32
        %lt3A_355 = vector.broadcast %lt3A_354 : i32 to vector<16xi32>
        %lt3A_356 = arith.cmpi slt, %get3A_342, %lt3A_355 : vector<16xi32>
        %and3A_357 = arith.andi %and3A_353, %lt3A_356 : vector<16xi1>
        %mul3A_358 = arith.constant 16 : i32
        %mul3A_359 = arith.muli %while3A_338, %mul3A_358 : i32
        %add3A_360 = vector.broadcast %mul3A_359 : i32 to vector<16xi32>
        %add3A_361 = arith.addi %add3A_360, %iota3A : vector<16xi32>
        %lt3A_362 = vector.broadcast %scan3A_34 : i32 to vector<16xi32>
        %lt3A_363 = arith.cmpi slt, %add3A_361, %lt3A_362 : vector<16xi32>
        %and3A_364 = arith.andi %and3A_357, %lt3A_363 : vector<16xi1>
        %swap3A = arith.index_cast %while3A_339 : i32 to index
        %swap3A_365 = tpu.vector_load %arg16[%swap3A] masked %and3A_364 {strides = array<i32>} : memref<160xi32, #tpu.memory_space<vmem>>, vector<16xi32>, vector<16xi1>
        tpu.vector_store %arg16[%swap3A], %sub3A_348 masked %and3A_364 {strides = array<i32>} : memref<160xi32, #tpu.memory_space<vmem>>, vector<16xi32>, vector<16xi1>
        %swap3A_366 = arith.index_cast %while3A_339 : i32 to index
        %swap3A_367 = tpu.vector_load %arg17[%swap3A_366] masked %and3A_364 {strides = array<i32>} : memref<160xi32, #tpu.memory_space<vmem>>, vector<16xi32>, vector<16xi1>
        tpu.vector_store %arg17[%swap3A_366], %get3A_346 masked %and3A_364 {strides = array<i32>} : memref<160xi32, #tpu.memory_space<vmem>>, vector<16xi32>, vector<16xi1>
        %all_reduce_population_count3A = tpu.all_reduce %and3A_364 {dim = 0 : i64, kind = #tpu.reduction_kind<sum>} : vector<16xi1> -> vector<16xi32>
        %slice3A = vector.extract_strided_slice %all_reduce_population_count3A {offsets = [0], sizes = [1], strides = [1]} : vector<16xi32> to vector<1xi32>
        %squeeze3A = vector.extract %slice3A[0] : i32 from vector<1xi32>
        %add3A_368 = arith.addi %while3A_339, %squeeze3A : i32
        scf.yield %add3A_368 : i32
      }
      %while3A_316 = arith.constant 0 : i32
      %while3A_317 = arith.constant 0 : i32
      %while3A_318 = arith.subi %while3A_315, %while3A_317 : i32
      %while3A_319 = arith.addi %while3A_317, %while3A_318 : i32
      %while3A_320 = arith.constant 1 : i32
      %while3A_321 = arith.divsi %while3A_318, %while3A_320 : i32
      %while3A_322 = arith.muli %while3A_321, %while3A_320 : i32
      %while3A_323 = arith.addi %while3A_317, %while3A_322 : i32
      %while3A_324 = arith.constant 1 : i32
      scf.for %while3A_338 = %while3A_317 to %while3A_323 step %while3A_324  : i32 {
        %rem3A_339 = arith.constant 8 : i32
        %rem3A_340 = arith.remsi %while3A_338, %rem3A_339 : i32
        %get3A = arith.index_cast %while3A_338 : i32 to index
        %get3A_341 = tpu.vector_load %arg16[%get3A] {strides = array<i32>} : memref<160xi32, #tpu.memory_space<vmem>>, vector<16xi32>,
        %slice3A = vector.extract_strided_slice %get3A_341 {offsets = [0], sizes = [1], strides = [1]} : vector<16xi32> to vector<1xi32>
        %squeeze3A = vector.extract %slice3A[0] : i32 from vector<1xi32>
        %get3A_342 = arith.index_cast %while3A_338 : i32 to index
        %get3A_343 = tpu.vector_load %arg17[%get3A_342] {strides = array<i32>} : memref<160xi32, #tpu.memory_space<vmem>>, vector<16xi32>,
        %slice3A_344 = vector.extract_strided_slice %get3A_343 {offsets = [0], sizes = [1], strides = [1]} : vector<16xi32> to vector<1xi32>
        %squeeze3A_345 = vector.extract %slice3A_344[0] : i32 from vector<1xi32>
        %broadcast_in_dim3A = arith.constant 0 : i32
        %broadcast_in_dim3A_346 = vector.broadcast %broadcast_in_dim3A : i32 to vector<16xi32>
        %add3A_347 = vector.broadcast %squeeze3A : i32 to vector<16xi32>
        %add3A_348 = arith.addi %broadcast_in_dim3A_346, %add3A_347 : vector<16xi32>
        %broadcast_in_dim3A_349 = arith.constant 0 : i32
        %broadcast_in_dim3A_350 = vector.broadcast %broadcast_in_dim3A_349 : i32 to vector<16xi32>
        %add3A_351 = vector.broadcast %rem3A_340 : i32 to vector<16xi32>
        %add3A_352 = arith.addi %broadcast_in_dim3A_350, %add3A_351 : vector<16xi32>
        %ge3A = arith.constant 8 : i32
        %ge3A_353 = arith.cmpi sge, %while3A_338, %ge3A : i32
        %convert_element_type3A = arith.extui %ge3A_353 : i1 to i32
        %cond3A = arith.constant 0 : i32
        %cond3A_354 = arith.cmpi ne, %convert_element_type3A, %cond3A : i32
        scf.if %cond3A_354 {
          %dma_wait3A_394 = arith.constant 0 : i32
          %dma_wait3A_395 = arith.constant 0 : i32
          %dma_wait3A_396 = tpu.memref_slice %arg24[%rem3A_340, %dma_wait3A_395] : memref<8x32xf32, #tpu.memory_space<vmem>> -> memref<1x32xf32, #tpu.memory_space<vmem>>
          %dma_wait3A_397 = tpu.memref_squeeze %dma_wait3A_396 : memref<1x32xf32, #tpu.memory_space<vmem>> -> memref<32xf32, #tpu.memory_space<vmem>>
          %dma_wait3A_398 = arith.constant 0 : i32
          %dma_wait3A_399 = tpu.memref_slice %arg12[%dma_wait3A_394, %dma_wait3A_398] : memref<16384x128xf32, #tpu.memory_space<hbm>> -> memref<1x32xf32, #tpu.memory_space<hbm>>
          %dma_wait3A_400 = tpu.memref_squeeze %dma_wait3A_399 : memref<1x32xf32, #tpu.memory_space<hbm>> -> memref<32xf32, #tpu.memory_space<hbm>>
          %dma_wait3A_401 = arith.constant 0 : i32
          %dma_wait3A_402 = tpu.memref_slice %arg12[%dma_wait3A_394, %dma_wait3A_401] : memref<16384x128xf32, #tpu.memory_space<hbm>> -> memref<1x32xf32, #tpu.memory_space<hbm>>
          %dma_wait3A_403 = tpu.memref_squeeze %dma_wait3A_402 : memref<1x32xf32, #tpu.memory_space<hbm>> -> memref<32xf32, #tpu.memory_space<hbm>>
          %dma_wait3A_404 = arith.constant 0 : i32
          %dma_wait3A_405 = tpu.memref_slice %arg24[%rem3A_340, %dma_wait3A_404] : memref<8x32xf32, #tpu.memory_space<vmem>> -> memref<1x32xf32, #tpu.memory_space<vmem>>
          %dma_wait3A_406 = tpu.memref_squeeze %dma_wait3A_405 : memref<1x32xf32, #tpu.memory_space<vmem>> -> memref<32xf32, #tpu.memory_space<vmem>>
          tpu.wait_dma2 semaphore(%arg26 : memref<!tpu.dma_semaphore, #tpu.memory_space<semaphore_mem>>) src(%dma_wait3A_406 : memref<32xf32, #tpu.memory_space<vmem>>) dst(%dma_wait3A_403 : memref<32xf32, #tpu.memory_space<hbm>>)
          %dma_wait3A_407 = arith.constant 0 : i32
          %dma_wait3A_408 = arith.constant 0 : i32
          %dma_wait3A_409 = tpu.memref_slice %arg25[%rem3A_340, %dma_wait3A_408] : memref<8x32xf32, #tpu.memory_space<vmem>> -> memref<1x32xf32, #tpu.memory_space<vmem>>
          %dma_wait3A_410 = tpu.memref_squeeze %dma_wait3A_409 : memref<1x32xf32, #tpu.memory_space<vmem>> -> memref<32xf32, #tpu.memory_space<vmem>>
          %dma_wait3A_411 = arith.constant 64 : i32
          %dma_wait3A_412 = tpu.memref_slice %arg12[%dma_wait3A_407, %dma_wait3A_411] : memref<16384x128xf32, #tpu.memory_space<hbm>> -> memref<1x32xf32, #tpu.memory_space<hbm>>
          %dma_wait3A_413 = tpu.memref_squeeze %dma_wait3A_412 : memref<1x32xf32, #tpu.memory_space<hbm>> -> memref<32xf32, #tpu.memory_space<hbm>>
          %dma_wait3A_414 = arith.constant 64 : i32
          %dma_wait3A_415 = tpu.memref_slice %arg12[%dma_wait3A_407, %dma_wait3A_414] : memref<16384x128xf32, #tpu.memory_space<hbm>> -> memref<1x32xf32, #tpu.memory_space<hbm>>
          %dma_wait3A_416 = tpu.memref_squeeze %dma_wait3A_415 : memref<1x32xf32, #tpu.memory_space<hbm>> -> memref<32xf32, #tpu.memory_space<hbm>>
          %dma_wait3A_417 = arith.constant 0 : i32
          %dma_wait3A_418 = tpu.memref_slice %arg25[%rem3A_340, %dma_wait3A_417] : memref<8x32xf32, #tpu.memory_space<vmem>> -> memref<1x32xf32, #tpu.memory_space<vmem>>
          %dma_wait3A_419 = tpu.memref_squeeze %dma_wait3A_418 : memref<1x32xf32, #tpu.memory_space<vmem>> -> memref<32xf32, #tpu.memory_space<vmem>>
          tpu.wait_dma2 semaphore(%arg26 : memref<!tpu.dma_semaphore, #tpu.memory_space<semaphore_mem>>) src(%dma_wait3A_419 : memref<32xf32, #tpu.memory_space<vmem>>) dst(%dma_wait3A_416 : memref<32xf32, #tpu.memory_space<hbm>>)
        } else {
        }
        %gather3A = tpu.vector_load_idx %arg20[%iota3A, %add3A_348] : memref<32x768xf32, #tpu.memory_space<vmem>>[vector<16xi32>, vector<16xi32>], vector<16xf32>,
        tpu.vector_store_idx %arg24[%add3A_352, %iota3A], %gather3A : memref<8x32xf32, #tpu.memory_space<vmem>>[vector<16xi32>, vector<16xi32>], vector<16xf32>,
        %add3A_355 = arith.constant 16 : i32
        %add3A_356 = vector.broadcast %add3A_355 : i32 to vector<16xi32>
        %add3A_357 = arith.addi %iota3A, %add3A_356 : vector<16xi32>
        %add3A_358 = arith.constant 16 : i32
        %add3A_359 = vector.broadcast %add3A_358 : i32 to vector<16xi32>
        %add3A_360 = arith.addi %iota3A, %add3A_359 : vector<16xi32>
        %gather3A_361 = tpu.vector_load_idx %arg20[%add3A_360, %add3A_348] : memref<32x768xf32, #tpu.memory_space<vmem>>[vector<16xi32>, vector<16xi32>], vector<16xf32>,
        tpu.vector_store_idx %arg24[%add3A_352, %add3A_357], %gather3A_361 : memref<8x32xf32, #tpu.memory_space<vmem>>[vector<16xi32>, vector<16xi32>], vector<16xf32>,
        %gather3A_362 = tpu.vector_load_idx %arg21[%iota3A, %add3A_348] : memref<32x768xf32, #tpu.memory_space<vmem>>[vector<16xi32>, vector<16xi32>], vector<16xf32>,
        tpu.vector_store_idx %arg25[%add3A_352, %iota3A], %gather3A_362 : memref<8x32xf32, #tpu.memory_space<vmem>>[vector<16xi32>, vector<16xi32>], vector<16xf32>,
        %add3A_363 = arith.constant 16 : i32
        %add3A_364 = vector.broadcast %add3A_363 : i32 to vector<16xi32>
        %add3A_365 = arith.addi %iota3A, %add3A_364 : vector<16xi32>
        %add3A_366 = arith.constant 16 : i32
        %add3A_367 = vector.broadcast %add3A_366 : i32 to vector<16xi32>
        %add3A_368 = arith.addi %iota3A, %add3A_367 : vector<16xi32>
        %gather3A_369 = tpu.vector_load_idx %arg21[%add3A_368, %add3A_348] : memref<32x768xf32, #tpu.memory_space<vmem>>[vector<16xi32>, vector<16xi32>], vector<16xf32>,
        tpu.vector_store_idx %arg25[%add3A_352, %add3A_365], %gather3A_369 : memref<8x32xf32, #tpu.memory_space<vmem>>[vector<16xi32>, vector<16xi32>], vector<16xf32>,
        %dma_start3A_370 = arith.constant 0 : i32
        %dma_start3A_371 = tpu.memref_slice %arg24[%rem3A_340, %dma_start3A_370] : memref<8x32xf32, #tpu.memory_space<vmem>> -> memref<1x32xf32, #tpu.memory_space<vmem>>
        %dma_start3A_372 = tpu.memref_squeeze %dma_start3A_371 : memref<1x32xf32, #tpu.memory_space<vmem>> -> memref<32xf32, #tpu.memory_space<vmem>>
        %dma_start3A_373 = arith.constant 0 : i32
        %dma_start3A_374 = tpu.memref_slice %arg12[%squeeze3A_345, %dma_start3A_373] : memref<16384x128xf32, #tpu.memory_space<hbm>> -> memref<1x32xf32, #tpu.memory_space<hbm>>
        %dma_start3A_375 = tpu.memref_squeeze %dma_start3A_374 : memref<1x32xf32, #tpu.memory_space<hbm>> -> memref<32xf32, #tpu.memory_space<hbm>>
        %dma_start3A_376 = arith.constant 0 : i32
        %dma_start3A_377 = tpu.memref_slice %arg12[%squeeze3A_345, %dma_start3A_376] : memref<16384x128xf32, #tpu.memory_space<hbm>> -> memref<1x32xf32, #tpu.memory_space<hbm>>
        %dma_start3A_378 = tpu.memref_squeeze %dma_start3A_377 : memref<1x32xf32, #tpu.memory_space<hbm>> -> memref<32xf32, #tpu.memory_space<hbm>>
        %dma_start3A_379 = arith.constant 0 : i32
        %dma_start3A_380 = tpu.memref_slice %arg24[%rem3A_340, %dma_start3A_379] : memref<8x32xf32, #tpu.memory_space<vmem>> -> memref<1x32xf32, #tpu.memory_space<vmem>>
        %dma_start3A_381 = tpu.memref_squeeze %dma_start3A_380 : memref<1x32xf32, #tpu.memory_space<vmem>> -> memref<32xf32, #tpu.memory_space<vmem>>
        tpu.enqueue_dma source(%dma_start3A_381 : memref<32xf32, #tpu.memory_space<vmem>>) target(%dma_start3A_378 : memref<32xf32, #tpu.memory_space<hbm>>) target_semaphore(%arg26 : memref<!tpu.dma_semaphore, #tpu.memory_space<semaphore_mem>>)
        %dma_start3A_382 = arith.constant 0 : i32
        %dma_start3A_383 = tpu.memref_slice %arg25[%rem3A_340, %dma_start3A_382] : memref<8x32xf32, #tpu.memory_space<vmem>> -> memref<1x32xf32, #tpu.memory_space<vmem>>
        %dma_start3A_384 = tpu.memref_squeeze %dma_start3A_383 : memref<1x32xf32, #tpu.memory_space<vmem>> -> memref<32xf32, #tpu.memory_space<vmem>>
        %dma_start3A_385 = arith.constant 64 : i32
        %dma_start3A_386 = tpu.memref_slice %arg12[%squeeze3A_345, %dma_start3A_385] : memref<16384x128xf32, #tpu.memory_space<hbm>> -> memref<1x32xf32, #tpu.memory_space<hbm>>
        %dma_start3A_387 = tpu.memref_squeeze %dma_start3A_386 : memref<1x32xf32, #tpu.memory_space<hbm>> -> memref<32xf32, #tpu.memory_space<hbm>>
        %dma_start3A_388 = arith.constant 64 : i32
        %dma_start3A_389 = tpu.memref_slice %arg12[%squeeze3A_345, %dma_start3A_388] : memref<16384x128xf32, #tpu.memory_space<hbm>> -> memref<1x32xf32, #tpu.memory_space<hbm>>
        %dma_start3A_390 = tpu.memref_squeeze %dma_start3A_389 : memref<1x32xf32, #tpu.memory_space<hbm>> -> memref<32xf32, #tpu.memory_space<hbm>>
        %dma_start3A_391 = arith.constant 0 : i32
        %dma_start3A_392 = tpu.memref_slice %arg25[%rem3A_340, %dma_start3A_391] : memref<8x32xf32, #tpu.memory_space<vmem>> -> memref<1x32xf32, #tpu.memory_space<vmem>>
        %dma_start3A_393 = tpu.memref_squeeze %dma_start3A_392 : memref<1x32xf32, #tpu.memory_space<vmem>> -> memref<32xf32, #tpu.memory_space<vmem>>
        tpu.enqueue_dma source(%dma_start3A_393 : memref<32xf32, #tpu.memory_space<vmem>>) target(%dma_start3A_390 : memref<32xf32, #tpu.memory_space<hbm>>) target_semaphore(%arg26 : memref<!tpu.dma_semaphore, #tpu.memory_space<semaphore_mem>>)
      }
      %while3A_325 = arith.constant 1 : i32
      scf.for %while3A_338 = %while3A_323 to %while3A_319 step %while3A_325  : i32 {
        %rem3A_339 = arith.constant 8 : i32
        %rem3A_340 = arith.remsi %while3A_338, %rem3A_339 : i32
        %get3A = arith.index_cast %while3A_338 : i32 to index
        %get3A_341 = tpu.vector_load %arg16[%get3A] {strides = array<i32>} : memref<160xi32, #tpu.memory_space<vmem>>, vector<16xi32>,
        %slice3A = vector.extract_strided_slice %get3A_341 {offsets = [0], sizes = [1], strides = [1]} : vector<16xi32> to vector<1xi32>
        %squeeze3A = vector.extract %slice3A[0] : i32 from vector<1xi32>
        %get3A_342 = arith.index_cast %while3A_338 : i32 to index
        %get3A_343 = tpu.vector_load %arg17[%get3A_342] {strides = array<i32>} : memref<160xi32, #tpu.memory_space<vmem>>, vector<16xi32>,
        %slice3A_344 = vector.extract_strided_slice %get3A_343 {offsets = [0], sizes = [1], strides = [1]} : vector<16xi32> to vector<1xi32>
        %squeeze3A_345 = vector.extract %slice3A_344[0] : i32 from vector<1xi32>
        %broadcast_in_dim3A = arith.constant 0 : i32
        %broadcast_in_dim3A_346 = vector.broadcast %broadcast_in_dim3A : i32 to vector<16xi32>
        %add3A_347 = vector.broadcast %squeeze3A : i32 to vector<16xi32>
        %add3A_348 = arith.addi %broadcast_in_dim3A_346, %add3A_347 : vector<16xi32>
        %broadcast_in_dim3A_349 = arith.constant 0 : i32
        %broadcast_in_dim3A_350 = vector.broadcast %broadcast_in_dim3A_349 : i32 to vector<16xi32>
        %add3A_351 = vector.broadcast %rem3A_340 : i32 to vector<16xi32>
        %add3A_352 = arith.addi %broadcast_in_dim3A_350, %add3A_351 : vector<16xi32>
        %ge3A = arith.constant 8 : i32
        %ge3A_353 = arith.cmpi sge, %while3A_338, %ge3A : i32
        %convert_element_type3A = arith.extui %ge3A_353 : i1 to i32
        %cond3A = arith.constant 0 : i32
        %cond3A_354 = arith.cmpi ne, %convert_element_type3A, %cond3A : i32
        scf.if %cond3A_354 {
          %dma_wait3A_394 = arith.constant 0 : i32
          %dma_wait3A_395 = arith.constant 0 : i32
          %dma_wait3A_396 = tpu.memref_slice %arg24[%rem3A_340, %dma_wait3A_395] : memref<8x32xf32, #tpu.memory_space<vmem>> -> memref<1x32xf32, #tpu.memory_space<vmem>>
          %dma_wait3A_397 = tpu.memref_squeeze %dma_wait3A_396 : memref<1x32xf32, #tpu.memory_space<vmem>> -> memref<32xf32, #tpu.memory_space<vmem>>
          %dma_wait3A_398 = arith.constant 0 : i32
          %dma_wait3A_399 = tpu.memref_slice %arg12[%dma_wait3A_394, %dma_wait3A_398] : memref<16384x128xf32, #tpu.memory_space<hbm>> -> memref<1x32xf32, #tpu.memory_space<hbm>>
          %dma_wait3A_400 = tpu.memref_squeeze %dma_wait3A_399 : memref<1x32xf32, #tpu.memory_space<hbm>> -> memref<32xf32, #tpu.memory_space<hbm>>
          %dma_wait3A_401 = arith.constant 0 : i32
          %dma_wait3A_402 = tpu.memref_slice %arg12[%dma_wait3A_394, %dma_wait3A_401] : memref<16384x128xf32, #tpu.memory_space<hbm>> -> memref<1x32xf32, #tpu.memory_space<hbm>>
          %dma_wait3A_403 = tpu.memref_squeeze %dma_wait3A_402 : memref<1x32xf32, #tpu.memory_space<hbm>> -> memref<32xf32, #tpu.memory_space<hbm>>
          %dma_wait3A_404 = arith.constant 0 : i32
          %dma_wait3A_405 = tpu.memref_slice %arg24[%rem3A_340, %dma_wait3A_404] : memref<8x32xf32, #tpu.memory_space<vmem>> -> memref<1x32xf32, #tpu.memory_space<vmem>>
          %dma_wait3A_406 = tpu.memref_squeeze %dma_wait3A_405 : memref<1x32xf32, #tpu.memory_space<vmem>> -> memref<32xf32, #tpu.memory_space<vmem>>
          tpu.wait_dma2 semaphore(%arg26 : memref<!tpu.dma_semaphore, #tpu.memory_space<semaphore_mem>>) src(%dma_wait3A_406 : memref<32xf32, #tpu.memory_space<vmem>>) dst(%dma_wait3A_403 : memref<32xf32, #tpu.memory_space<hbm>>)
          %dma_wait3A_407 = arith.constant 0 : i32
          %dma_wait3A_408 = arith.constant 0 : i32
          %dma_wait3A_409 = tpu.memref_slice %arg25[%rem3A_340, %dma_wait3A_408] : memref<8x32xf32, #tpu.memory_space<vmem>> -> memref<1x32xf32, #tpu.memory_space<vmem>>
          %dma_wait3A_410 = tpu.memref_squeeze %dma_wait3A_409 : memref<1x32xf32, #tpu.memory_space<vmem>> -> memref<32xf32, #tpu.memory_space<vmem>>
          %dma_wait3A_411 = arith.constant 64 : i32
          %dma_wait3A_412 = tpu.memref_slice %arg12[%dma_wait3A_407, %dma_wait3A_411] : memref<16384x128xf32, #tpu.memory_space<hbm>> -> memref<1x32xf32, #tpu.memory_space<hbm>>
          %dma_wait3A_413 = tpu.memref_squeeze %dma_wait3A_412 : memref<1x32xf32, #tpu.memory_space<hbm>> -> memref<32xf32, #tpu.memory_space<hbm>>
          %dma_wait3A_414 = arith.constant 64 : i32
          %dma_wait3A_415 = tpu.memref_slice %arg12[%dma_wait3A_407, %dma_wait3A_414] : memref<16384x128xf32, #tpu.memory_space<hbm>> -> memref<1x32xf32, #tpu.memory_space<hbm>>
          %dma_wait3A_416 = tpu.memref_squeeze %dma_wait3A_415 : memref<1x32xf32, #tpu.memory_space<hbm>> -> memref<32xf32, #tpu.memory_space<hbm>>
          %dma_wait3A_417 = arith.constant 0 : i32
          %dma_wait3A_418 = tpu.memref_slice %arg25[%rem3A_340, %dma_wait3A_417] : memref<8x32xf32, #tpu.memory_space<vmem>> -> memref<1x32xf32, #tpu.memory_space<vmem>>
          %dma_wait3A_419 = tpu.memref_squeeze %dma_wait3A_418 : memref<1x32xf32, #tpu.memory_space<vmem>> -> memref<32xf32, #tpu.memory_space<vmem>>
          tpu.wait_dma2 semaphore(%arg26 : memref<!tpu.dma_semaphore, #tpu.memory_space<semaphore_mem>>) src(%dma_wait3A_419 : memref<32xf32, #tpu.memory_space<vmem>>) dst(%dma_wait3A_416 : memref<32xf32, #tpu.memory_space<hbm>>)
        } else {
        }
        %gather3A = tpu.vector_load_idx %arg20[%iota3A, %add3A_348] : memref<32x768xf32, #tpu.memory_space<vmem>>[vector<16xi32>, vector<16xi32>], vector<16xf32>,
        tpu.vector_store_idx %arg24[%add3A_352, %iota3A], %gather3A : memref<8x32xf32, #tpu.memory_space<vmem>>[vector<16xi32>, vector<16xi32>], vector<16xf32>,
        %add3A_355 = arith.constant 16 : i32
        %add3A_356 = vector.broadcast %add3A_355 : i32 to vector<16xi32>
        %add3A_357 = arith.addi %iota3A, %add3A_356 : vector<16xi32>
        %add3A_358 = arith.constant 16 : i32
        %add3A_359 = vector.broadcast %add3A_358 : i32 to vector<16xi32>
        %add3A_360 = arith.addi %iota3A, %add3A_359 : vector<16xi32>
        %gather3A_361 = tpu.vector_load_idx %arg20[%add3A_360, %add3A_348] : memref<32x768xf32, #tpu.memory_space<vmem>>[vector<16xi32>, vector<16xi32>], vector<16xf32>,
        tpu.vector_store_idx %arg24[%add3A_352, %add3A_357], %gather3A_361 : memref<8x32xf32, #tpu.memory_space<vmem>>[vector<16xi32>, vector<16xi32>], vector<16xf32>,
        %gather3A_362 = tpu.vector_load_idx %arg21[%iota3A, %add3A_348] : memref<32x768xf32, #tpu.memory_space<vmem>>[vector<16xi32>, vector<16xi32>], vector<16xf32>,
        tpu.vector_store_idx %arg25[%add3A_352, %iota3A], %gather3A_362 : memref<8x32xf32, #tpu.memory_space<vmem>>[vector<16xi32>, vector<16xi32>], vector<16xf32>,
        %add3A_363 = arith.constant 16 : i32
        %add3A_364 = vector.broadcast %add3A_363 : i32 to vector<16xi32>
        %add3A_365 = arith.addi %iota3A, %add3A_364 : vector<16xi32>
        %add3A_366 = arith.constant 16 : i32
        %add3A_367 = vector.broadcast %add3A_366 : i32 to vector<16xi32>
        %add3A_368 = arith.addi %iota3A, %add3A_367 : vector<16xi32>
        %gather3A_369 = tpu.vector_load_idx %arg21[%add3A_368, %add3A_348] : memref<32x768xf32, #tpu.memory_space<vmem>>[vector<16xi32>, vector<16xi32>], vector<16xf32>,
        tpu.vector_store_idx %arg25[%add3A_352, %add3A_365], %gather3A_369 : memref<8x32xf32, #tpu.memory_space<vmem>>[vector<16xi32>, vector<16xi32>], vector<16xf32>,
        %dma_start3A_370 = arith.constant 0 : i32
        %dma_start3A_371 = tpu.memref_slice %arg24[%rem3A_340, %dma_start3A_370] : memref<8x32xf32, #tpu.memory_space<vmem>> -> memref<1x32xf32, #tpu.memory_space<vmem>>
        %dma_start3A_372 = tpu.memref_squeeze %dma_start3A_371 : memref<1x32xf32, #tpu.memory_space<vmem>> -> memref<32xf32, #tpu.memory_space<vmem>>
        %dma_start3A_373 = arith.constant 0 : i32
        %dma_start3A_374 = tpu.memref_slice %arg12[%squeeze3A_345, %dma_start3A_373] : memref<16384x128xf32, #tpu.memory_space<hbm>> -> memref<1x32xf32, #tpu.memory_space<hbm>>
        %dma_start3A_375 = tpu.memref_squeeze %dma_start3A_374 : memref<1x32xf32, #tpu.memory_space<hbm>> -> memref<32xf32, #tpu.memory_space<hbm>>
        %dma_start3A_376 = arith.constant 0 : i32
        %dma_start3A_377 = tpu.memref_slice %arg12[%squeeze3A_345, %dma_start3A_376] : memref<16384x128xf32, #tpu.memory_space<hbm>> -> memref<1x32xf32, #tpu.memory_space<hbm>>
        %dma_start3A_378 = tpu.memref_squeeze %dma_start3A_377 : memref<1x32xf32, #tpu.memory_space<hbm>> -> memref<32xf32, #tpu.memory_space<hbm>>
        %dma_start3A_379 = arith.constant 0 : i32
        %dma_start3A_380 = tpu.memref_slice %arg24[%rem3A_340, %dma_start3A_379] : memref<8x32xf32, #tpu.memory_space<vmem>> -> memref<1x32xf32, #tpu.memory_space<vmem>>
        %dma_start3A_381 = tpu.memref_squeeze %dma_start3A_380 : memref<1x32xf32, #tpu.memory_space<vmem>> -> memref<32xf32, #tpu.memory_space<vmem>>
        tpu.enqueue_dma source(%dma_start3A_381 : memref<32xf32, #tpu.memory_space<vmem>>) target(%dma_start3A_378 : memref<32xf32, #tpu.memory_space<hbm>>) target_semaphore(%arg26 : memref<!tpu.dma_semaphore, #tpu.memory_space<semaphore_mem>>)
        %dma_start3A_382 = arith.constant 0 : i32
        %dma_start3A_383 = tpu.memref_slice %arg25[%rem3A_340, %dma_start3A_382] : memref<8x32xf32, #tpu.memory_space<vmem>> -> memref<1x32xf32, #tpu.memory_space<vmem>>
        %dma_start3A_384 = tpu.memref_squeeze %dma_start3A_383 : memref<1x32xf32, #tpu.memory_space<vmem>> -> memref<32xf32, #tpu.memory_space<vmem>>
        %dma_start3A_385 = arith.constant 64 : i32
        %dma_start3A_386 = tpu.memref_slice %arg12[%squeeze3A_345, %dma_start3A_385] : memref<16384x128xf32, #tpu.memory_space<hbm>> -> memref<1x32xf32, #tpu.memory_space<hbm>>
        %dma_start3A_387 = tpu.memref_squeeze %dma_start3A_386 : memref<1x32xf32, #tpu.memory_space<hbm>> -> memref<32xf32, #tpu.memory_space<hbm>>
        %dma_start3A_388 = arith.constant 64 : i32
        %dma_start3A_389 = tpu.memref_slice %arg12[%squeeze3A_345, %dma_start3A_388] : memref<16384x128xf32, #tpu.memory_space<hbm>> -> memref<1x32xf32, #tpu.memory_space<hbm>>
        %dma_start3A_390 = tpu.memref_squeeze %dma_start3A_389 : memref<1x32xf32, #tpu.memory_space<hbm>> -> memref<32xf32, #tpu.memory_space<hbm>>
        %dma_start3A_391 = arith.constant 0 : i32
        %dma_start3A_392 = tpu.memref_slice %arg25[%rem3A_340, %dma_start3A_391] : memref<8x32xf32, #tpu.memory_space<vmem>> -> memref<1x32xf32, #tpu.memory_space<vmem>>
        %dma_start3A_393 = tpu.memref_squeeze %dma_start3A_392 : memref<1x32xf32, #tpu.memory_space<vmem>> -> memref<32xf32, #tpu.memory_space<vmem>>
        tpu.enqueue_dma source(%dma_start3A_393 : memref<32xf32, #tpu.memory_space<vmem>>) target(%dma_start3A_390 : memref<32xf32, #tpu.memory_space<hbm>>) target_semaphore(%arg26 : memref<!tpu.dma_semaphore, #tpu.memory_space<semaphore_mem>>)
      }
      %min3A_326 = arith.constant 8 : i32
      %min3A_327 = arith.minsi %while3A_315, %min3A_326 : i32
      %while3A_328 = arith.constant 0 : i32
      %while3A_329 = arith.constant 0 : i32
      %while3A_330 = arith.subi %min3A_327, %while3A_329 : i32
      %while3A_331 = arith.addi %while3A_329, %while3A_330 : i32
      %while3A_332 = arith.constant 1 : i32
      %while3A_333 = arith.divsi %while3A_330, %while3A_332 : i32
      %while3A_334 = arith.muli %while3A_333, %while3A_332 : i32
      %while3A_335 = arith.addi %while3A_329, %while3A_334 : i32
      %while3A_336 = arith.constant 1 : i32
      scf.for %while3A_338 = %while3A_329 to %while3A_335 step %while3A_336  : i32 {
        %dma_wait3A_339 = arith.constant 0 : i32
        %dma_wait3A_340 = arith.constant 0 : i32
        %dma_wait3A_341 = arith.constant 0 : i32
        %dma_wait3A_342 = tpu.memref_slice %arg24[%dma_wait3A_339, %dma_wait3A_341] : memref<8x32xf32, #tpu.memory_space<vmem>> -> memref<1x32xf32, #tpu.memory_space<vmem>>
        %dma_wait3A_343 = tpu.memref_squeeze %dma_wait3A_342 : memref<1x32xf32, #tpu.memory_space<vmem>> -> memref<32xf32, #tpu.memory_space<vmem>>
        %dma_wait3A_344 = arith.constant 0 : i32
        %dma_wait3A_345 = tpu.memref_slice %arg12[%dma_wait3A_340, %dma_wait3A_344] : memref<16384x128xf32, #tpu.memory_space<hbm>> -> memref<1x32xf32, #tpu.memory_space<hbm>>
        %dma_wait3A_346 = tpu.memref_squeeze %dma_wait3A_345 : memref<1x32xf32, #tpu.memory_space<hbm>> -> memref<32xf32, #tpu.memory_space<hbm>>
        %dma_wait3A_347 = arith.constant 0 : i32
        %dma_wait3A_348 = tpu.memref_slice %arg12[%dma_wait3A_340, %dma_wait3A_347] : memref<16384x128xf32, #tpu.memory_space<hbm>> -> memref<1x32xf32, #tpu.memory_space<hbm>>
        %dma_wait3A_349 = tpu.memref_squeeze %dma_wait3A_348 : memref<1x32xf32, #tpu.memory_space<hbm>> -> memref<32xf32, #tpu.memory_space<hbm>>
        %dma_wait3A_350 = arith.constant 0 : i32
        %dma_wait3A_351 = tpu.memref_slice %arg24[%dma_wait3A_339, %dma_wait3A_350] : memref<8x32xf32, #tpu.memory_space<vmem>> -> memref<1x32xf32, #tpu.memory_space<vmem>>
        %dma_wait3A_352 = tpu.memref_squeeze %dma_wait3A_351 : memref<1x32xf32, #tpu.memory_space<vmem>> -> memref<32xf32, #tpu.memory_space<vmem>>
        tpu.wait_dma2 semaphore(%arg26 : memref<!tpu.dma_semaphore, #tpu.memory_space<semaphore_mem>>) src(%dma_wait3A_352 : memref<32xf32, #tpu.memory_space<vmem>>) dst(%dma_wait3A_349 : memref<32xf32, #tpu.memory_space<hbm>>)
        %dma_wait3A_353 = arith.constant 0 : i32
        %dma_wait3A_354 = arith.constant 0 : i32
        %dma_wait3A_355 = arith.constant 0 : i32
        %dma_wait3A_356 = tpu.memref_slice %arg25[%dma_wait3A_353, %dma_wait3A_355] : memref<8x32xf32, #tpu.memory_space<vmem>> -> memref<1x32xf32, #tpu.memory_space<vmem>>
        %dma_wait3A_357 = tpu.memref_squeeze %dma_wait3A_356 : memref<1x32xf32, #tpu.memory_space<vmem>> -> memref<32xf32, #tpu.memory_space<vmem>>
        %dma_wait3A_358 = arith.constant 64 : i32
        %dma_wait3A_359 = tpu.memref_slice %arg12[%dma_wait3A_354, %dma_wait3A_358] : memref<16384x128xf32, #tpu.memory_space<hbm>> -> memref<1x32xf32, #tpu.memory_space<hbm>>
        %dma_wait3A_360 = tpu.memref_squeeze %dma_wait3A_359 : memref<1x32xf32, #tpu.memory_space<hbm>> -> memref<32xf32, #tpu.memory_space<hbm>>
        %dma_wait3A_361 = arith.constant 64 : i32
        %dma_wait3A_362 = tpu.memref_slice %arg12[%dma_wait3A_354, %dma_wait3A_361] : memref<16384x128xf32, #tpu.memory_space<hbm>> -> memref<1x32xf32, #tpu.memory_space<hbm>>
        %dma_wait3A_363 = tpu.memref_squeeze %dma_wait3A_362 : memref<1x32xf32, #tpu.memory_space<hbm>> -> memref<32xf32, #tpu.memory_space<hbm>>
        %dma_wait3A_364 = arith.constant 0 : i32
        %dma_wait3A_365 = tpu.memref_slice %arg25[%dma_wait3A_353, %dma_wait3A_364] : memref<8x32xf32, #tpu.memory_space<vmem>> -> memref<1x32xf32, #tpu.memory_space<vmem>>
        %dma_wait3A_366 = tpu.memref_squeeze %dma_wait3A_365 : memref<1x32xf32, #tpu.memory_space<vmem>> -> memref<32xf32, #tpu.memory_space<vmem>>
        tpu.wait_dma2 semaphore(%arg26 : memref<!tpu.dma_semaphore, #tpu.memory_space<semaphore_mem>>) src(%dma_wait3A_366 : memref<32xf32, #tpu.memory_space<vmem>>) dst(%dma_wait3A_363 : memref<32xf32, #tpu.memory_space<hbm>>)
      }
      %while3A_337 = arith.constant 1 : i32
      scf.for %while3A_338 = %while3A_335 to %while3A_331 step %while3A_337  : i32 {
        %dma_wait3A_339 = arith.constant 0 : i32
        %dma_wait3A_340 = arith.constant 0 : i32
        %dma_wait3A_341 = arith.constant 0 : i32
        %dma_wait3A_342 = tpu.memref_slice %arg24[%dma_wait3A_339, %dma_wait3A_341] : memref<8x32xf32, #tpu.memory_space<vmem>> -> memref<1x32xf32, #tpu.memory_space<vmem>>
        %dma_wait3A_343 = tpu.memref_squeeze %dma_wait3A_342 : memref<1x32xf32, #tpu.memory_space<vmem>> -> memref<32xf32, #tpu.memory_space<vmem>>
        %dma_wait3A_344 = arith.constant 0 : i32
        %dma_wait3A_345 = tpu.memref_slice %arg12[%dma_wait3A_340, %dma_wait3A_344] : memref<16384x128xf32, #tpu.memory_space<hbm>> -> memref<1x32xf32, #tpu.memory_space<hbm>>
        %dma_wait3A_346 = tpu.memref_squeeze %dma_wait3A_345 : memref<1x32xf32, #tpu.memory_space<hbm>> -> memref<32xf32, #tpu.memory_space<hbm>>
        %dma_wait3A_347 = arith.constant 0 : i32
        %dma_wait3A_348 = tpu.memref_slice %arg12[%dma_wait3A_340, %dma_wait3A_347] : memref<16384x128xf32, #tpu.memory_space<hbm>> -> memref<1x32xf32, #tpu.memory_space<hbm>>
        %dma_wait3A_349 = tpu.memref_squeeze %dma_wait3A_348 : memref<1x32xf32, #tpu.memory_space<hbm>> -> memref<32xf32, #tpu.memory_space<hbm>>
        %dma_wait3A_350 = arith.constant 0 : i32
        %dma_wait3A_351 = tpu.memref_slice %arg24[%dma_wait3A_339, %dma_wait3A_350] : memref<8x32xf32, #tpu.memory_space<vmem>> -> memref<1x32xf32, #tpu.memory_space<vmem>>
        %dma_wait3A_352 = tpu.memref_squeeze %dma_wait3A_351 : memref<1x32xf32, #tpu.memory_space<vmem>> -> memref<32xf32, #tpu.memory_space<vmem>>
        tpu.wait_dma2 semaphore(%arg26 : memref<!tpu.dma_semaphore, #tpu.memory_space<semaphore_mem>>) src(%dma_wait3A_352 : memref<32xf32, #tpu.memory_space<vmem>>) dst(%dma_wait3A_349 : memref<32xf32, #tpu.memory_space<hbm>>)
        %dma_wait3A_353 = arith.constant 0 : i32
        %dma_wait3A_354 = arith.constant 0 : i32
        %dma_wait3A_355 = arith.constant 0 : i32
        %dma_wait3A_356 = tpu.memref_slice %arg25[%dma_wait3A_353, %dma_wait3A_355] : memref<8x32xf32, #tpu.memory_space<vmem>> -> memref<1x32xf32, #tpu.memory_space<vmem>>
        %dma_wait3A_357 = tpu.memref_squeeze %dma_wait3A_356 : memref<1x32xf32, #tpu.memory_space<vmem>> -> memref<32xf32, #tpu.memory_space<vmem>>
        %dma_wait3A_358 = arith.constant 64 : i32
        %dma_wait3A_359 = tpu.memref_slice %arg12[%dma_wait3A_354, %dma_wait3A_358] : memref<16384x128xf32, #tpu.memory_space<hbm>> -> memref<1x32xf32, #tpu.memory_space<hbm>>
        %dma_wait3A_360 = tpu.memref_squeeze %dma_wait3A_359 : memref<1x32xf32, #tpu.memory_space<hbm>> -> memref<32xf32, #tpu.memory_space<hbm>>
        %dma_wait3A_361 = arith.constant 64 : i32
        %dma_wait3A_362 = tpu.memref_slice %arg12[%dma_wait3A_354, %dma_wait3A_361] : memref<16384x128xf32, #tpu.memory_space<hbm>> -> memref<1x32xf32, #tpu.memory_space<hbm>>
        %dma_wait3A_363 = tpu.memref_squeeze %dma_wait3A_362 : memref<1x32xf32, #tpu.memory_space<hbm>> -> memref<32xf32, #tpu.memory_space<hbm>>
        %dma_wait3A_364 = arith.constant 0 : i32
        %dma_wait3A_365 = tpu.memref_slice %arg25[%dma_wait3A_353, %dma_wait3A_364] : memref<8x32xf32, #tpu.memory_space<vmem>> -> memref<1x32xf32, #tpu.memory_space<vmem>>
        %dma_wait3A_366 = tpu.memref_squeeze %dma_wait3A_365 : memref<1x32xf32, #tpu.memory_space<vmem>> -> memref<32xf32, #tpu.memory_space<vmem>>
        tpu.wait_dma2 semaphore(%arg26 : memref<!tpu.dma_semaphore, #tpu.memory_space<semaphore_mem>>) src(%dma_wait3A_366 : memref<32xf32, #tpu.memory_space<vmem>>) dst(%dma_wait3A_363 : memref<32xf32, #tpu.memory_space<hbm>>)
      }
    }
    %scan3A_67 = arith.constant 21 : i32
    %multiple_of3A_68 = arith.constant 0 : i32
    %multiple_of3A_69 = tpu.assume_multiple %multiple_of3A_68, 128 : i32
    %dma_wait3A = arith.constant 0 : i32
    %dma_wait3A_70 = tpu.memref_slice %arg4[%dma_wait3A, %multiple_of3A_69] : memref<32x1000000xf32, #tpu.memory_space<hbm>> -> memref<32x768xf32, #tpu.memory_space<hbm>>
    %dma_wait3A_71 = arith.constant 0 : i32
    %dma_wait3A_72 = tpu.memref_slice %arg4[%dma_wait3A_71, %multiple_of3A_69] : memref<32x1000000xf32, #tpu.memory_space<hbm>> -> memref<32x768xf32, #tpu.memory_space<hbm>>
    tpu.wait_dma2 semaphore(%arg27 : memref<!tpu.dma_semaphore, #tpu.memory_space<semaphore_mem>>) src(%dma_wait3A_72 : memref<32x768xf32, #tpu.memory_space<hbm>>) dst(%arg18 : memref<32x768xf32, #tpu.memory_space<vmem>>)
    %dma_wait3A_73 = arith.constant 0 : i32
    %dma_wait3A_74 = tpu.memref_slice %arg6[%dma_wait3A_73, %multiple_of3A_69] : memref<32x1000000xf32, #tpu.memory_space<hbm>> -> memref<32x768xf32, #tpu.memory_space<hbm>>
    %dma_wait3A_75 = arith.constant 0 : i32
    %dma_wait3A_76 = tpu.memref_slice %arg6[%dma_wait3A_75, %multiple_of3A_69] : memref<32x1000000xf32, #tpu.memory_space<hbm>> -> memref<32x768xf32, #tpu.memory_space<hbm>>
    tpu.wait_dma2 semaphore(%arg27 : memref<!tpu.dma_semaphore, #tpu.memory_space<semaphore_mem>>) src(%dma_wait3A_76 : memref<32x768xf32, #tpu.memory_space<hbm>>) dst(%arg19 : memref<32x768xf32, #tpu.memory_space<vmem>>)
    "tpu.region"() ({
      %run_scoped3A = tpu.sem_alloc : memref<!tpu.dma_semaphore, #tpu.memory_space<semaphore_mem>>
      tpu.enqueue_dma source(%arg8 : memref<32x64xf32, #tpu.memory_space<hbm>>) target(%arg22 : memref<32x64xf32, #tpu.memory_space<vmem>>) target_semaphore(%run_scoped3A : memref<!tpu.dma_semaphore, #tpu.memory_space<semaphore_mem>>)
      tpu.wait_dma2 semaphore(%run_scoped3A : memref<!tpu.dma_semaphore, #tpu.memory_space<semaphore_mem>>) src(%arg8 : memref<32x64xf32, #tpu.memory_space<hbm>>) dst(%arg22 : memref<32x64xf32, #tpu.memory_space<vmem>>)
      tpu.yield
    }) : () -> ()
    "tpu.region"() ({
      %run_scoped3A = tpu.sem_alloc : memref<!tpu.dma_semaphore, #tpu.memory_space<semaphore_mem>>
      tpu.enqueue_dma source(%arg10 : memref<32x64xf32, #tpu.memory_space<hbm>>) target(%arg23 : memref<32x64xf32, #tpu.memory_space<vmem>>) target_semaphore(%run_scoped3A : memref<!tpu.dma_semaphore, #tpu.memory_space<semaphore_mem>>)
      tpu.wait_dma2 semaphore(%run_scoped3A : memref<!tpu.dma_semaphore, #tpu.memory_space<semaphore_mem>>) src(%arg10 : memref<32x64xf32, #tpu.memory_space<hbm>>) dst(%arg23 : memref<32x64xf32, #tpu.memory_space<vmem>>)
      tpu.yield
    }) : () -> ()
    %while3A = arith.constant 0 : i32
    %while3A_77 = arith.constant 0 : i32
    %while3A_78 = arith.subi %select_n3A_61, %while3A : i32
    %while3A_79 = arith.addi %while3A, %while3A_78 : i32
    %while3A_80 = arith.constant 1 : i32
    %while3A_81 = arith.divsi %while3A_78, %while3A_80 : i32
    %while3A_82 = arith.muli %while3A_81, %while3A_80 : i32
    %while3A_83 = arith.addi %while3A, %while3A_82 : i32
    %while3A_84 = arith.constant 1 : i32
    %while3A_85 = scf.for %while3A_201 = %while3A to %while3A_83 step %while3A_84 iter_args(%while3A_202 = %while3A_77) -> (i32)  : i32 {
      %mul3A_203 = arith.constant 16 : i32
      %mul3A_204 = arith.muli %while3A_201, %mul3A_203 : i32
      %get3A = arith.index_cast %mul3A_204 : i32 to index
      %get3A_205 = tpu.vector_load %arg14[%get3A] {strides = array<i32>} : memref<2080xi32, #tpu.memory_space<vmem>>, vector<16xi32>,
      %mul3A_206 = arith.constant 16 : i32
      %mul3A_207 = arith.muli %while3A_201, %mul3A_206 : i32
      %get3A_208 = arith.index_cast %mul3A_207 : i32 to index
      %get3A_209 = tpu.vector_load %arg15[%get3A_208] {strides = array<i32>} : memref<2080xi32, #tpu.memory_space<vmem>>, vector<16xi32>,
      %sub3A_210 = arith.constant 999936 : i32
      %sub3A_211 = vector.broadcast %sub3A_210 : i32 to vector<16xi32>
      %sub3A_212 = arith.subi %get3A_205, %sub3A_211 : vector<16xi32>
      %ge3A = arith.constant 0 : i32
      %ge3A_213 = vector.broadcast %ge3A : i32 to vector<16xi32>
      %ge3A_214 = arith.cmpi sge, %sub3A_212, %ge3A_213 : vector<16xi32>
      %mul3A_215 = arith.constant 16 : i32
      %mul3A_216 = arith.muli %while3A_201, %mul3A_215 : i32
      %add3A_217 = vector.broadcast %mul3A_216 : i32 to vector<16xi32>
      %add3A_218 = arith.addi %add3A_217, %iota3A : vector<16xi32>
      %lt3A = vector.broadcast %scan3A_34 : i32 to vector<16xi32>
      %lt3A_219 = arith.cmpi slt, %add3A_218, %lt3A : vector<16xi32>
      %and3A_220 = arith.andi %ge3A_214, %lt3A_219 : vector<16xi1>
      %swap3A = arith.index_cast %while3A_202 : i32 to index
      %swap3A_221 = tpu.vector_load %arg16[%swap3A] masked %and3A_220 {strides = array<i32>} : memref<160xi32, #tpu.memory_space<vmem>>, vector<16xi32>, vector<16xi1>
      tpu.vector_store %arg16[%swap3A], %sub3A_212 masked %and3A_220 {strides = array<i32>} : memref<160xi32, #tpu.memory_space<vmem>>, vector<16xi32>, vector<16xi1>
      %swap3A_222 = arith.index_cast %while3A_202 : i32 to index
      %swap3A_223 = tpu.vector_load %arg17[%swap3A_222] masked %and3A_220 {strides = array<i32>} : memref<160xi32, #tpu.memory_space<vmem>>, vector<16xi32>, vector<16xi1>
      tpu.vector_store %arg17[%swap3A_222], %get3A_209 masked %and3A_220 {strides = array<i32>} : memref<160xi32, #tpu.memory_space<vmem>>, vector<16xi32>, vector<16xi1>
      %all_reduce_population_count3A = tpu.all_reduce %and3A_220 {dim = 0 : i64, kind = #tpu.reduction_kind<sum>} : vector<16xi1> -> vector<16xi32>
      %slice3A = vector.extract_strided_slice %all_reduce_population_count3A {offsets = [0], sizes = [1], strides = [1]} : vector<16xi32> to vector<1xi32>
      %squeeze3A = vector.extract %slice3A[0] : i32 from vector<1xi32>
      %add3A_224 = arith.addi %while3A_202, %squeeze3A : i32
      scf.yield %add3A_224 : i32
    }
    %while3A_86 = arith.constant 1 : i32
    %while3A_87 = scf.for %while3A_201 = %while3A_83 to %while3A_79 step %while3A_86 iter_args(%while3A_202 = %while3A_85) -> (i32)  : i32 {
      %mul3A_203 = arith.constant 16 : i32
      %mul3A_204 = arith.muli %while3A_201, %mul3A_203 : i32
      %get3A = arith.index_cast %mul3A_204 : i32 to index
      %get3A_205 = tpu.vector_load %arg14[%get3A] {strides = array<i32>} : memref<2080xi32, #tpu.memory_space<vmem>>, vector<16xi32>,
      %mul3A_206 = arith.constant 16 : i32
      %mul3A_207 = arith.muli %while3A_201, %mul3A_206 : i32
      %get3A_208 = arith.index_cast %mul3A_207 : i32 to index
      %get3A_209 = tpu.vector_load %arg15[%get3A_208] {strides = array<i32>} : memref<2080xi32, #tpu.memory_space<vmem>>, vector<16xi32>,
      %sub3A_210 = arith.constant 999936 : i32
      %sub3A_211 = vector.broadcast %sub3A_210 : i32 to vector<16xi32>
      %sub3A_212 = arith.subi %get3A_205, %sub3A_211 : vector<16xi32>
      %ge3A = arith.constant 0 : i32
      %ge3A_213 = vector.broadcast %ge3A : i32 to vector<16xi32>
      %ge3A_214 = arith.cmpi sge, %sub3A_212, %ge3A_213 : vector<16xi32>
      %mul3A_215 = arith.constant 16 : i32
      %mul3A_216 = arith.muli %while3A_201, %mul3A_215 : i32
      %add3A_217 = vector.broadcast %mul3A_216 : i32 to vector<16xi32>
      %add3A_218 = arith.addi %add3A_217, %iota3A : vector<16xi32>
      %lt3A = vector.broadcast %scan3A_34 : i32 to vector<16xi32>
      %lt3A_219 = arith.cmpi slt, %add3A_218, %lt3A : vector<16xi32>
      %and3A_220 = arith.andi %ge3A_214, %lt3A_219 : vector<16xi1>
      %swap3A = arith.index_cast %while3A_202 : i32 to index
      %swap3A_221 = tpu.vector_load %arg16[%swap3A] masked %and3A_220 {strides = array<i32>} : memref<160xi32, #tpu.memory_space<vmem>>, vector<16xi32>, vector<16xi1>
      tpu.vector_store %arg16[%swap3A], %sub3A_212 masked %and3A_220 {strides = array<i32>} : memref<160xi32, #tpu.memory_space<vmem>>, vector<16xi32>, vector<16xi1>
      %swap3A_222 = arith.index_cast %while3A_202 : i32 to index
      %swap3A_223 = tpu.vector_load %arg17[%swap3A_222] masked %and3A_220 {strides = array<i32>} : memref<160xi32, #tpu.memory_space<vmem>>, vector<16xi32>, vector<16xi1>
      tpu.vector_store %arg17[%swap3A_222], %get3A_209 masked %and3A_220 {strides = array<i32>} : memref<160xi32, #tpu.memory_space<vmem>>, vector<16xi32>, vector<16xi1>
      %all_reduce_population_count3A = tpu.all_reduce %and3A_220 {dim = 0 : i64, kind = #tpu.reduction_kind<sum>} : vector<16xi1> -> vector<16xi32>
      %slice3A = vector.extract_strided_slice %all_reduce_population_count3A {offsets = [0], sizes = [1], strides = [1]} : vector<16xi32> to vector<1xi32>
      %squeeze3A = vector.extract %slice3A[0] : i32 from vector<1xi32>
      %add3A_224 = arith.addi %while3A_202, %squeeze3A : i32
      scf.yield %add3A_224 : i32
    }
    %while3A_88 = arith.constant 0 : i32
    %while3A_89 = arith.constant 0 : i32
    %while3A_90 = arith.subi %while3A_87, %while3A_89 : i32
    %while3A_91 = arith.addi %while3A_89, %while3A_90 : i32
    %while3A_92 = arith.constant 1 : i32
    %while3A_93 = arith.divsi %while3A_90, %while3A_92 : i32
    %while3A_94 = arith.muli %while3A_93, %while3A_92 : i32
    %while3A_95 = arith.addi %while3A_89, %while3A_94 : i32
    %while3A_96 = arith.constant 1 : i32
    scf.for %while3A_201 = %while3A_89 to %while3A_95 step %while3A_96  : i32 {
      %rem3A_202 = arith.constant 8 : i32
      %rem3A_203 = arith.remsi %while3A_201, %rem3A_202 : i32
      %get3A = arith.index_cast %while3A_201 : i32 to index
      %get3A_204 = tpu.vector_load %arg16[%get3A] {strides = array<i32>} : memref<160xi32, #tpu.memory_space<vmem>>, vector<16xi32>,
      %slice3A = vector.extract_strided_slice %get3A_204 {offsets = [0], sizes = [1], strides = [1]} : vector<16xi32> to vector<1xi32>
      %squeeze3A = vector.extract %slice3A[0] : i32 from vector<1xi32>
      %get3A_205 = arith.index_cast %while3A_201 : i32 to index
      %get3A_206 = tpu.vector_load %arg17[%get3A_205] {strides = array<i32>} : memref<160xi32, #tpu.memory_space<vmem>>, vector<16xi32>,
      %slice3A_207 = vector.extract_strided_slice %get3A_206 {offsets = [0], sizes = [1], strides = [1]} : vector<16xi32> to vector<1xi32>
      %squeeze3A_208 = vector.extract %slice3A_207[0] : i32 from vector<1xi32>
      %broadcast_in_dim3A = arith.constant 0 : i32
      %broadcast_in_dim3A_209 = vector.broadcast %broadcast_in_dim3A : i32 to vector<16xi32>
      %add3A_210 = vector.broadcast %squeeze3A : i32 to vector<16xi32>
      %add3A_211 = arith.addi %broadcast_in_dim3A_209, %add3A_210 : vector<16xi32>
      %broadcast_in_dim3A_212 = arith.constant 0 : i32
      %broadcast_in_dim3A_213 = vector.broadcast %broadcast_in_dim3A_212 : i32 to vector<16xi32>
      %add3A_214 = vector.broadcast %rem3A_203 : i32 to vector<16xi32>
      %add3A_215 = arith.addi %broadcast_in_dim3A_213, %add3A_214 : vector<16xi32>
      %ge3A = arith.constant 8 : i32
      %ge3A_216 = arith.cmpi sge, %while3A_201, %ge3A : i32
      %convert_element_type3A = arith.extui %ge3A_216 : i1 to i32
      %cond3A = arith.constant 0 : i32
      %cond3A_217 = arith.cmpi ne, %convert_element_type3A, %cond3A : i32
      scf.if %cond3A_217 {
        %dma_wait3A_257 = arith.constant 0 : i32
        %dma_wait3A_258 = arith.constant 0 : i32
        %dma_wait3A_259 = tpu.memref_slice %arg24[%rem3A_203, %dma_wait3A_258] : memref<8x32xf32, #tpu.memory_space<vmem>> -> memref<1x32xf32, #tpu.memory_space<vmem>>
        %dma_wait3A_260 = tpu.memref_squeeze %dma_wait3A_259 : memref<1x32xf32, #tpu.memory_space<vmem>> -> memref<32xf32, #tpu.memory_space<vmem>>
        %dma_wait3A_261 = arith.constant 0 : i32
        %dma_wait3A_262 = tpu.memref_slice %arg12[%dma_wait3A_257, %dma_wait3A_261] : memref<16384x128xf32, #tpu.memory_space<hbm>> -> memref<1x32xf32, #tpu.memory_space<hbm>>
        %dma_wait3A_263 = tpu.memref_squeeze %dma_wait3A_262 : memref<1x32xf32, #tpu.memory_space<hbm>> -> memref<32xf32, #tpu.memory_space<hbm>>
        %dma_wait3A_264 = arith.constant 0 : i32
        %dma_wait3A_265 = tpu.memref_slice %arg12[%dma_wait3A_257, %dma_wait3A_264] : memref<16384x128xf32, #tpu.memory_space<hbm>> -> memref<1x32xf32, #tpu.memory_space<hbm>>
        %dma_wait3A_266 = tpu.memref_squeeze %dma_wait3A_265 : memref<1x32xf32, #tpu.memory_space<hbm>> -> memref<32xf32, #tpu.memory_space<hbm>>
        %dma_wait3A_267 = arith.constant 0 : i32
        %dma_wait3A_268 = tpu.memref_slice %arg24[%rem3A_203, %dma_wait3A_267] : memref<8x32xf32, #tpu.memory_space<vmem>> -> memref<1x32xf32, #tpu.memory_space<vmem>>
        %dma_wait3A_269 = tpu.memref_squeeze %dma_wait3A_268 : memref<1x32xf32, #tpu.memory_space<vmem>> -> memref<32xf32, #tpu.memory_space<vmem>>
        tpu.wait_dma2 semaphore(%arg26 : memref<!tpu.dma_semaphore, #tpu.memory_space<semaphore_mem>>) src(%dma_wait3A_269 : memref<32xf32, #tpu.memory_space<vmem>>) dst(%dma_wait3A_266 : memref<32xf32, #tpu.memory_space<hbm>>)
        %dma_wait3A_270 = arith.constant 0 : i32
        %dma_wait3A_271 = arith.constant 0 : i32
        %dma_wait3A_272 = tpu.memref_slice %arg25[%rem3A_203, %dma_wait3A_271] : memref<8x32xf32, #tpu.memory_space<vmem>> -> memref<1x32xf32, #tpu.memory_space<vmem>>
        %dma_wait3A_273 = tpu.memref_squeeze %dma_wait3A_272 : memref<1x32xf32, #tpu.memory_space<vmem>> -> memref<32xf32, #tpu.memory_space<vmem>>
        %dma_wait3A_274 = arith.constant 64 : i32
        %dma_wait3A_275 = tpu.memref_slice %arg12[%dma_wait3A_270, %dma_wait3A_274] : memref<16384x128xf32, #tpu.memory_space<hbm>> -> memref<1x32xf32, #tpu.memory_space<hbm>>
        %dma_wait3A_276 = tpu.memref_squeeze %dma_wait3A_275 : memref<1x32xf32, #tpu.memory_space<hbm>> -> memref<32xf32, #tpu.memory_space<hbm>>
        %dma_wait3A_277 = arith.constant 64 : i32
        %dma_wait3A_278 = tpu.memref_slice %arg12[%dma_wait3A_270, %dma_wait3A_277] : memref<16384x128xf32, #tpu.memory_space<hbm>> -> memref<1x32xf32, #tpu.memory_space<hbm>>
        %dma_wait3A_279 = tpu.memref_squeeze %dma_wait3A_278 : memref<1x32xf32, #tpu.memory_space<hbm>> -> memref<32xf32, #tpu.memory_space<hbm>>
        %dma_wait3A_280 = arith.constant 0 : i32
        %dma_wait3A_281 = tpu.memref_slice %arg25[%rem3A_203, %dma_wait3A_280] : memref<8x32xf32, #tpu.memory_space<vmem>> -> memref<1x32xf32, #tpu.memory_space<vmem>>
        %dma_wait3A_282 = tpu.memref_squeeze %dma_wait3A_281 : memref<1x32xf32, #tpu.memory_space<vmem>> -> memref<32xf32, #tpu.memory_space<vmem>>
        tpu.wait_dma2 semaphore(%arg26 : memref<!tpu.dma_semaphore, #tpu.memory_space<semaphore_mem>>) src(%dma_wait3A_282 : memref<32xf32, #tpu.memory_space<vmem>>) dst(%dma_wait3A_279 : memref<32xf32, #tpu.memory_space<hbm>>)
      } else {
      }
      %gather3A = tpu.vector_load_idx %arg22[%iota3A, %add3A_211] : memref<32x64xf32, #tpu.memory_space<vmem>>[vector<16xi32>, vector<16xi32>], vector<16xf32>,
      tpu.vector_store_idx %arg24[%add3A_215, %iota3A], %gather3A : memref<8x32xf32, #tpu.memory_space<vmem>>[vector<16xi32>, vector<16xi32>], vector<16xf32>,
      %add3A_218 = arith.constant 16 : i32
      %add3A_219 = vector.broadcast %add3A_218 : i32 to vector<16xi32>
      %add3A_220 = arith.addi %iota3A, %add3A_219 : vector<16xi32>
      %add3A_221 = arith.constant 16 : i32
      %add3A_222 = vector.broadcast %add3A_221 : i32 to vector<16xi32>
      %add3A_223 = arith.addi %iota3A, %add3A_222 : vector<16xi32>
      %gather3A_224 = tpu.vector_load_idx %arg22[%add3A_223, %add3A_211] : memref<32x64xf32, #tpu.memory_space<vmem>>[vector<16xi32>, vector<16xi32>], vector<16xf32>,
      tpu.vector_store_idx %arg24[%add3A_215, %add3A_220], %gather3A_224 : memref<8x32xf32, #tpu.memory_space<vmem>>[vector<16xi32>, vector<16xi32>], vector<16xf32>,
      %gather3A_225 = tpu.vector_load_idx %arg23[%iota3A, %add3A_211] : memref<32x64xf32, #tpu.memory_space<vmem>>[vector<16xi32>, vector<16xi32>], vector<16xf32>,
      tpu.vector_store_idx %arg25[%add3A_215, %iota3A], %gather3A_225 : memref<8x32xf32, #tpu.memory_space<vmem>>[vector<16xi32>, vector<16xi32>], vector<16xf32>,
      %add3A_226 = arith.constant 16 : i32
      %add3A_227 = vector.broadcast %add3A_226 : i32 to vector<16xi32>
      %add3A_228 = arith.addi %iota3A, %add3A_227 : vector<16xi32>
      %add3A_229 = arith.constant 16 : i32
      %add3A_230 = vector.broadcast %add3A_229 : i32 to vector<16xi32>
      %add3A_231 = arith.addi %iota3A, %add3A_230 : vector<16xi32>
      %gather3A_232 = tpu.vector_load_idx %arg23[%add3A_231, %add3A_211] : memref<32x64xf32, #tpu.memory_space<vmem>>[vector<16xi32>, vector<16xi32>], vector<16xf32>,
      tpu.vector_store_idx %arg25[%add3A_215, %add3A_228], %gather3A_232 : memref<8x32xf32, #tpu.memory_space<vmem>>[vector<16xi32>, vector<16xi32>], vector<16xf32>,
      %dma_start3A_233 = arith.constant 0 : i32
      %dma_start3A_234 = tpu.memref_slice %arg24[%rem3A_203, %dma_start3A_233] : memref<8x32xf32, #tpu.memory_space<vmem>> -> memref<1x32xf32, #tpu.memory_space<vmem>>
      %dma_start3A_235 = tpu.memref_squeeze %dma_start3A_234 : memref<1x32xf32, #tpu.memory_space<vmem>> -> memref<32xf32, #tpu.memory_space<vmem>>
      %dma_start3A_236 = arith.constant 0 : i32
      %dma_start3A_237 = tpu.memref_slice %arg12[%squeeze3A_208, %dma_start3A_236] : memref<16384x128xf32, #tpu.memory_space<hbm>> -> memref<1x32xf32, #tpu.memory_space<hbm>>
      %dma_start3A_238 = tpu.memref_squeeze %dma_start3A_237 : memref<1x32xf32, #tpu.memory_space<hbm>> -> memref<32xf32, #tpu.memory_space<hbm>>
      %dma_start3A_239 = arith.constant 0 : i32
      %dma_start3A_240 = tpu.memref_slice %arg12[%squeeze3A_208, %dma_start3A_239] : memref<16384x128xf32, #tpu.memory_space<hbm>> -> memref<1x32xf32, #tpu.memory_space<hbm>>
      %dma_start3A_241 = tpu.memref_squeeze %dma_start3A_240 : memref<1x32xf32, #tpu.memory_space<hbm>> -> memref<32xf32, #tpu.memory_space<hbm>>
      %dma_start3A_242 = arith.constant 0 : i32
      %dma_start3A_243 = tpu.memref_slice %arg24[%rem3A_203, %dma_start3A_242] : memref<8x32xf32, #tpu.memory_space<vmem>> -> memref<1x32xf32, #tpu.memory_space<vmem>>
      %dma_start3A_244 = tpu.memref_squeeze %dma_start3A_243 : memref<1x32xf32, #tpu.memory_space<vmem>> -> memref<32xf32, #tpu.memory_space<vmem>>
      tpu.enqueue_dma source(%dma_start3A_244 : memref<32xf32, #tpu.memory_space<vmem>>) target(%dma_start3A_241 : memref<32xf32, #tpu.memory_space<hbm>>) target_semaphore(%arg26 : memref<!tpu.dma_semaphore, #tpu.memory_space<semaphore_mem>>)
      %dma_start3A_245 = arith.constant 0 : i32
      %dma_start3A_246 = tpu.memref_slice %arg25[%rem3A_203, %dma_start3A_245] : memref<8x32xf32, #tpu.memory_space<vmem>> -> memref<1x32xf32, #tpu.memory_space<vmem>>
      %dma_start3A_247 = tpu.memref_squeeze %dma_start3A_246 : memref<1x32xf32, #tpu.memory_space<vmem>> -> memref<32xf32, #tpu.memory_space<vmem>>
      %dma_start3A_248 = arith.constant 64 : i32
      %dma_start3A_249 = tpu.memref_slice %arg12[%squeeze3A_208, %dma_start3A_248] : memref<16384x128xf32, #tpu.memory_space<hbm>> -> memref<1x32xf32, #tpu.memory_space<hbm>>
      %dma_start3A_250 = tpu.memref_squeeze %dma_start3A_249 : memref<1x32xf32, #tpu.memory_space<hbm>> -> memref<32xf32, #tpu.memory_space<hbm>>
      %dma_start3A_251 = arith.constant 64 : i32
      %dma_start3A_252 = tpu.memref_slice %arg12[%squeeze3A_208, %dma_start3A_251] : memref<16384x128xf32, #tpu.memory_space<hbm>> -> memref<1x32xf32, #tpu.memory_space<hbm>>
      %dma_start3A_253 = tpu.memref_squeeze %dma_start3A_252 : memref<1x32xf32, #tpu.memory_space<hbm>> -> memref<32xf32, #tpu.memory_space<hbm>>
      %dma_start3A_254 = arith.constant 0 : i32
      %dma_start3A_255 = tpu.memref_slice %arg25[%rem3A_203, %dma_start3A_254] : memref<8x32xf32, #tpu.memory_space<vmem>> -> memref<1x32xf32, #tpu.memory_space<vmem>>
      %dma_start3A_256 = tpu.memref_squeeze %dma_start3A_255 : memref<1x32xf32, #tpu.memory_space<vmem>> -> memref<32xf32, #tpu.memory_space<vmem>>
      tpu.enqueue_dma source(%dma_start3A_256 : memref<32xf32, #tpu.memory_space<vmem>>) target(%dma_start3A_253 : memref<32xf32, #tpu.memory_space<hbm>>) target_semaphore(%arg26 : memref<!tpu.dma_semaphore, #tpu.memory_space<semaphore_mem>>)
    }
    %while3A_97 = arith.constant 1 : i32
    scf.for %while3A_201 = %while3A_95 to %while3A_91 step %while3A_97  : i32 {
      %rem3A_202 = arith.constant 8 : i32
      %rem3A_203 = arith.remsi %while3A_201, %rem3A_202 : i32
      %get3A = arith.index_cast %while3A_201 : i32 to index
      %get3A_204 = tpu.vector_load %arg16[%get3A] {strides = array<i32>} : memref<160xi32, #tpu.memory_space<vmem>>, vector<16xi32>,
      %slice3A = vector.extract_strided_slice %get3A_204 {offsets = [0], sizes = [1], strides = [1]} : vector<16xi32> to vector<1xi32>
      %squeeze3A = vector.extract %slice3A[0] : i32 from vector<1xi32>
      %get3A_205 = arith.index_cast %while3A_201 : i32 to index
      %get3A_206 = tpu.vector_load %arg17[%get3A_205] {strides = array<i32>} : memref<160xi32, #tpu.memory_space<vmem>>, vector<16xi32>,
      %slice3A_207 = vector.extract_strided_slice %get3A_206 {offsets = [0], sizes = [1], strides = [1]} : vector<16xi32> to vector<1xi32>
      %squeeze3A_208 = vector.extract %slice3A_207[0] : i32 from vector<1xi32>
      %broadcast_in_dim3A = arith.constant 0 : i32
      %broadcast_in_dim3A_209 = vector.broadcast %broadcast_in_dim3A : i32 to vector<16xi32>
      %add3A_210 = vector.broadcast %squeeze3A : i32 to vector<16xi32>
      %add3A_211 = arith.addi %broadcast_in_dim3A_209, %add3A_210 : vector<16xi32>
      %broadcast_in_dim3A_212 = arith.constant 0 : i32
      %broadcast_in_dim3A_213 = vector.broadcast %broadcast_in_dim3A_212 : i32 to vector<16xi32>
      %add3A_214 = vector.broadcast %rem3A_203 : i32 to vector<16xi32>
      %add3A_215 = arith.addi %broadcast_in_dim3A_213, %add3A_214 : vector<16xi32>
      %ge3A = arith.constant 8 : i32
      %ge3A_216 = arith.cmpi sge, %while3A_201, %ge3A : i32
      %convert_element_type3A = arith.extui %ge3A_216 : i1 to i32
      %cond3A = arith.constant 0 : i32
      %cond3A_217 = arith.cmpi ne, %convert_element_type3A, %cond3A : i32
      scf.if %cond3A_217 {
        %dma_wait3A_257 = arith.constant 0 : i32
        %dma_wait3A_258 = arith.constant 0 : i32
        %dma_wait3A_259 = tpu.memref_slice %arg24[%rem3A_203, %dma_wait3A_258] : memref<8x32xf32, #tpu.memory_space<vmem>> -> memref<1x32xf32, #tpu.memory_space<vmem>>
        %dma_wait3A_260 = tpu.memref_squeeze %dma_wait3A_259 : memref<1x32xf32, #tpu.memory_space<vmem>> -> memref<32xf32, #tpu.memory_space<vmem>>
        %dma_wait3A_261 = arith.constant 0 : i32
        %dma_wait3A_262 = tpu.memref_slice %arg12[%dma_wait3A_257, %dma_wait3A_261] : memref<16384x128xf32, #tpu.memory_space<hbm>> -> memref<1x32xf32, #tpu.memory_space<hbm>>
        %dma_wait3A_263 = tpu.memref_squeeze %dma_wait3A_262 : memref<1x32xf32, #tpu.memory_space<hbm>> -> memref<32xf32, #tpu.memory_space<hbm>>
        %dma_wait3A_264 = arith.constant 0 : i32
        %dma_wait3A_265 = tpu.memref_slice %arg12[%dma_wait3A_257, %dma_wait3A_264] : memref<16384x128xf32, #tpu.memory_space<hbm>> -> memref<1x32xf32, #tpu.memory_space<hbm>>
        %dma_wait3A_266 = tpu.memref_squeeze %dma_wait3A_265 : memref<1x32xf32, #tpu.memory_space<hbm>> -> memref<32xf32, #tpu.memory_space<hbm>>
        %dma_wait3A_267 = arith.constant 0 : i32
        %dma_wait3A_268 = tpu.memref_slice %arg24[%rem3A_203, %dma_wait3A_267] : memref<8x32xf32, #tpu.memory_space<vmem>> -> memref<1x32xf32, #tpu.memory_space<vmem>>
        %dma_wait3A_269 = tpu.memref_squeeze %dma_wait3A_268 : memref<1x32xf32, #tpu.memory_space<vmem>> -> memref<32xf32, #tpu.memory_space<vmem>>
        tpu.wait_dma2 semaphore(%arg26 : memref<!tpu.dma_semaphore, #tpu.memory_space<semaphore_mem>>) src(%dma_wait3A_269 : memref<32xf32, #tpu.memory_space<vmem>>) dst(%dma_wait3A_266 : memref<32xf32, #tpu.memory_space<hbm>>)
        %dma_wait3A_270 = arith.constant 0 : i32
        %dma_wait3A_271 = arith.constant 0 : i32
        %dma_wait3A_272 = tpu.memref_slice %arg25[%rem3A_203, %dma_wait3A_271] : memref<8x32xf32, #tpu.memory_space<vmem>> -> memref<1x32xf32, #tpu.memory_space<vmem>>
        %dma_wait3A_273 = tpu.memref_squeeze %dma_wait3A_272 : memref<1x32xf32, #tpu.memory_space<vmem>> -> memref<32xf32, #tpu.memory_space<vmem>>
        %dma_wait3A_274 = arith.constant 64 : i32
        %dma_wait3A_275 = tpu.memref_slice %arg12[%dma_wait3A_270, %dma_wait3A_274] : memref<16384x128xf32, #tpu.memory_space<hbm>> -> memref<1x32xf32, #tpu.memory_space<hbm>>
        %dma_wait3A_276 = tpu.memref_squeeze %dma_wait3A_275 : memref<1x32xf32, #tpu.memory_space<hbm>> -> memref<32xf32, #tpu.memory_space<hbm>>
        %dma_wait3A_277 = arith.constant 64 : i32
        %dma_wait3A_278 = tpu.memref_slice %arg12[%dma_wait3A_270, %dma_wait3A_277] : memref<16384x128xf32, #tpu.memory_space<hbm>> -> memref<1x32xf32, #tpu.memory_space<hbm>>
        %dma_wait3A_279 = tpu.memref_squeeze %dma_wait3A_278 : memref<1x32xf32, #tpu.memory_space<hbm>> -> memref<32xf32, #tpu.memory_space<hbm>>
        %dma_wait3A_280 = arith.constant 0 : i32
        %dma_wait3A_281 = tpu.memref_slice %arg25[%rem3A_203, %dma_wait3A_280] : memref<8x32xf32, #tpu.memory_space<vmem>> -> memref<1x32xf32, #tpu.memory_space<vmem>>
        %dma_wait3A_282 = tpu.memref_squeeze %dma_wait3A_281 : memref<1x32xf32, #tpu.memory_space<vmem>> -> memref<32xf32, #tpu.memory_space<vmem>>
        tpu.wait_dma2 semaphore(%arg26 : memref<!tpu.dma_semaphore, #tpu.memory_space<semaphore_mem>>) src(%dma_wait3A_282 : memref<32xf32, #tpu.memory_space<vmem>>) dst(%dma_wait3A_279 : memref<32xf32, #tpu.memory_space<hbm>>)
      } else {
      }
      %gather3A = tpu.vector_load_idx %arg22[%iota3A, %add3A_211] : memref<32x64xf32, #tpu.memory_space<vmem>>[vector<16xi32>, vector<16xi32>], vector<16xf32>,
      tpu.vector_store_idx %arg24[%add3A_215, %iota3A], %gather3A : memref<8x32xf32, #tpu.memory_space<vmem>>[vector<16xi32>, vector<16xi32>], vector<16xf32>,
      %add3A_218 = arith.constant 16 : i32
      %add3A_219 = vector.broadcast %add3A_218 : i32 to vector<16xi32>
      %add3A_220 = arith.addi %iota3A, %add3A_219 : vector<16xi32>
      %add3A_221 = arith.constant 16 : i32
      %add3A_222 = vector.broadcast %add3A_221 : i32 to vector<16xi32>
      %add3A_223 = arith.addi %iota3A, %add3A_222 : vector<16xi32>
      %gather3A_224 = tpu.vector_load_idx %arg22[%add3A_223, %add3A_211] : memref<32x64xf32, #tpu.memory_space<vmem>>[vector<16xi32>, vector<16xi32>], vector<16xf32>,
      tpu.vector_store_idx %arg24[%add3A_215, %add3A_220], %gather3A_224 : memref<8x32xf32, #tpu.memory_space<vmem>>[vector<16xi32>, vector<16xi32>], vector<16xf32>,
      %gather3A_225 = tpu.vector_load_idx %arg23[%iota3A, %add3A_211] : memref<32x64xf32, #tpu.memory_space<vmem>>[vector<16xi32>, vector<16xi32>], vector<16xf32>,
      tpu.vector_store_idx %arg25[%add3A_215, %iota3A], %gather3A_225 : memref<8x32xf32, #tpu.memory_space<vmem>>[vector<16xi32>, vector<16xi32>], vector<16xf32>,
      %add3A_226 = arith.constant 16 : i32
      %add3A_227 = vector.broadcast %add3A_226 : i32 to vector<16xi32>
      %add3A_228 = arith.addi %iota3A, %add3A_227 : vector<16xi32>
      %add3A_229 = arith.constant 16 : i32
      %add3A_230 = vector.broadcast %add3A_229 : i32 to vector<16xi32>
      %add3A_231 = arith.addi %iota3A, %add3A_230 : vector<16xi32>
      %gather3A_232 = tpu.vector_load_idx %arg23[%add3A_231, %add3A_211] : memref<32x64xf32, #tpu.memory_space<vmem>>[vector<16xi32>, vector<16xi32>], vector<16xf32>,
      tpu.vector_store_idx %arg25[%add3A_215, %add3A_228], %gather3A_232 : memref<8x32xf32, #tpu.memory_space<vmem>>[vector<16xi32>, vector<16xi32>], vector<16xf32>,
      %dma_start3A_233 = arith.constant 0 : i32
      %dma_start3A_234 = tpu.memref_slice %arg24[%rem3A_203, %dma_start3A_233] : memref<8x32xf32, #tpu.memory_space<vmem>> -> memref<1x32xf32, #tpu.memory_space<vmem>>
      %dma_start3A_235 = tpu.memref_squeeze %dma_start3A_234 : memref<1x32xf32, #tpu.memory_space<vmem>> -> memref<32xf32, #tpu.memory_space<vmem>>
      %dma_start3A_236 = arith.constant 0 : i32
      %dma_start3A_237 = tpu.memref_slice %arg12[%squeeze3A_208, %dma_start3A_236] : memref<16384x128xf32, #tpu.memory_space<hbm>> -> memref<1x32xf32, #tpu.memory_space<hbm>>
      %dma_start3A_238 = tpu.memref_squeeze %dma_start3A_237 : memref<1x32xf32, #tpu.memory_space<hbm>> -> memref<32xf32, #tpu.memory_space<hbm>>
      %dma_start3A_239 = arith.constant 0 : i32
      %dma_start3A_240 = tpu.memref_slice %arg12[%squeeze3A_208, %dma_start3A_239] : memref<16384x128xf32, #tpu.memory_space<hbm>> -> memref<1x32xf32, #tpu.memory_space<hbm>>
      %dma_start3A_241 = tpu.memref_squeeze %dma_start3A_240 : memref<1x32xf32, #tpu.memory_space<hbm>> -> memref<32xf32, #tpu.memory_space<hbm>>
      %dma_start3A_242 = arith.constant 0 : i32
      %dma_start3A_243 = tpu.memref_slice %arg24[%rem3A_203, %dma_start3A_242] : memref<8x32xf32, #tpu.memory_space<vmem>> -> memref<1x32xf32, #tpu.memory_space<vmem>>
      %dma_start3A_244 = tpu.memref_squeeze %dma_start3A_243 : memref<1x32xf32, #tpu.memory_space<vmem>> -> memref<32xf32, #tpu.memory_space<vmem>>
      tpu.enqueue_dma source(%dma_start3A_244 : memref<32xf32, #tpu.memory_space<vmem>>) target(%dma_start3A_241 : memref<32xf32, #tpu.memory_space<hbm>>) target_semaphore(%arg26 : memref<!tpu.dma_semaphore, #tpu.memory_space<semaphore_mem>>)
      %dma_start3A_245 = arith.constant 0 : i32
      %dma_start3A_246 = tpu.memref_slice %arg25[%rem3A_203, %dma_start3A_245] : memref<8x32xf32, #tpu.memory_space<vmem>> -> memref<1x32xf32, #tpu.memory_space<vmem>>
      %dma_start3A_247 = tpu.memref_squeeze %dma_start3A_246 : memref<1x32xf32, #tpu.memory_space<vmem>> -> memref<32xf32, #tpu.memory_space<vmem>>
      %dma_start3A_248 = arith.constant 64 : i32
      %dma_start3A_249 = tpu.memref_slice %arg12[%squeeze3A_208, %dma_start3A_248] : memref<16384x128xf32, #tpu.memory_space<hbm>> -> memref<1x32xf32, #tpu.memory_space<hbm>>
      %dma_start3A_250 = tpu.memref_squeeze %dma_start3A_249 : memref<1x32xf32, #tpu.memory_space<hbm>> -> memref<32xf32, #tpu.memory_space<hbm>>
      %dma_start3A_251 = arith.constant 64 : i32
      %dma_start3A_252 = tpu.memref_slice %arg12[%squeeze3A_208, %dma_start3A_251] : memref<16384x128xf32, #tpu.memory_space<hbm>> -> memref<1x32xf32, #tpu.memory_space<hbm>>
      %dma_start3A_253 = tpu.memref_squeeze %dma_start3A_252 : memref<1x32xf32, #tpu.memory_space<hbm>> -> memref<32xf32, #tpu.memory_space<hbm>>
      %dma_start3A_254 = arith.constant 0 : i32
      %dma_start3A_255 = tpu.memref_slice %arg25[%rem3A_203, %dma_start3A_254] : memref<8x32xf32, #tpu.memory_space<vmem>> -> memref<1x32xf32, #tpu.memory_space<vmem>>
      %dma_start3A_256 = tpu.memref_squeeze %dma_start3A_255 : memref<1x32xf32, #tpu.memory_space<vmem>> -> memref<32xf32, #tpu.memory_space<vmem>>
      tpu.enqueue_dma source(%dma_start3A_256 : memref<32xf32, #tpu.memory_space<vmem>>) target(%dma_start3A_253 : memref<32xf32, #tpu.memory_space<hbm>>) target_semaphore(%arg26 : memref<!tpu.dma_semaphore, #tpu.memory_space<semaphore_mem>>)
    }
    %min3A = arith.constant 8 : i32
    %min3A_98 = arith.minsi %while3A_87, %min3A : i32
    %while3A_99 = arith.constant 0 : i32
    %while3A_100 = arith.constant 0 : i32
    %while3A_101 = arith.subi %min3A_98, %while3A_100 : i32
    %while3A_102 = arith.addi %while3A_100, %while3A_101 : i32
    %while3A_103 = arith.constant 1 : i32
    %while3A_104 = arith.divsi %while3A_101, %while3A_103 : i32
    %while3A_105 = arith.muli %while3A_104, %while3A_103 : i32
    %while3A_106 = arith.addi %while3A_100, %while3A_105 : i32
    %while3A_107 = arith.constant 1 : i32
    scf.for %while3A_201 = %while3A_100 to %while3A_106 step %while3A_107  : i32 {
      %dma_wait3A_202 = arith.constant 0 : i32
      %dma_wait3A_203 = arith.constant 0 : i32
      %dma_wait3A_204 = arith.constant 0 : i32
      %dma_wait3A_205 = tpu.memref_slice %arg24[%dma_wait3A_202, %dma_wait3A_204] : memref<8x32xf32, #tpu.memory_space<vmem>> -> memref<1x32xf32, #tpu.memory_space<vmem>>
      %dma_wait3A_206 = tpu.memref_squeeze %dma_wait3A_205 : memref<1x32xf32, #tpu.memory_space<vmem>> -> memref<32xf32, #tpu.memory_space<vmem>>
      %dma_wait3A_207 = arith.constant 0 : i32
      %dma_wait3A_208 = tpu.memref_slice %arg12[%dma_wait3A_203, %dma_wait3A_207] : memref<16384x128xf32, #tpu.memory_space<hbm>> -> memref<1x32xf32, #tpu.memory_space<hbm>>
      %dma_wait3A_209 = tpu.memref_squeeze %dma_wait3A_208 : memref<1x32xf32, #tpu.memory_space<hbm>> -> memref<32xf32, #tpu.memory_space<hbm>>
      %dma_wait3A_210 = arith.constant 0 : i32
      %dma_wait3A_211 = tpu.memref_slice %arg12[%dma_wait3A_203, %dma_wait3A_210] : memref<16384x128xf32, #tpu.memory_space<hbm>> -> memref<1x32xf32, #tpu.memory_space<hbm>>
      %dma_wait3A_212 = tpu.memref_squeeze %dma_wait3A_211 : memref<1x32xf32, #tpu.memory_space<hbm>> -> memref<32xf32, #tpu.memory_space<hbm>>
      %dma_wait3A_213 = arith.constant 0 : i32
      %dma_wait3A_214 = tpu.memref_slice %arg24[%dma_wait3A_202, %dma_wait3A_213] : memref<8x32xf32, #tpu.memory_space<vmem>> -> memref<1x32xf32, #tpu.memory_space<vmem>>
      %dma_wait3A_215 = tpu.memref_squeeze %dma_wait3A_214 : memref<1x32xf32, #tpu.memory_space<vmem>> -> memref<32xf32, #tpu.memory_space<vmem>>
      tpu.wait_dma2 semaphore(%arg26 : memref<!tpu.dma_semaphore, #tpu.memory_space<semaphore_mem>>) src(%dma_wait3A_215 : memref<32xf32, #tpu.memory_space<vmem>>) dst(%dma_wait3A_212 : memref<32xf32, #tpu.memory_space<hbm>>)
      %dma_wait3A_216 = arith.constant 0 : i32
      %dma_wait3A_217 = arith.constant 0 : i32
      %dma_wait3A_218 = arith.constant 0 : i32
      %dma_wait3A_219 = tpu.memref_slice %arg25[%dma_wait3A_216, %dma_wait3A_218] : memref<8x32xf32, #tpu.memory_space<vmem>> -> memref<1x32xf32, #tpu.memory_space<vmem>>
      %dma_wait3A_220 = tpu.memref_squeeze %dma_wait3A_219 : memref<1x32xf32, #tpu.memory_space<vmem>> -> memref<32xf32, #tpu.memory_space<vmem>>
      %dma_wait3A_221 = arith.constant 64 : i32
      %dma_wait3A_222 = tpu.memref_slice %arg12[%dma_wait3A_217, %dma_wait3A_221] : memref<16384x128xf32, #tpu.memory_space<hbm>> -> memref<1x32xf32, #tpu.memory_space<hbm>>
      %dma_wait3A_223 = tpu.memref_squeeze %dma_wait3A_222 : memref<1x32xf32, #tpu.memory_space<hbm>> -> memref<32xf32, #tpu.memory_space<hbm>>
      %dma_wait3A_224 = arith.constant 64 : i32
      %dma_wait3A_225 = tpu.memref_slice %arg12[%dma_wait3A_217, %dma_wait3A_224] : memref<16384x128xf32, #tpu.memory_space<hbm>> -> memref<1x32xf32, #tpu.memory_space<hbm>>
      %dma_wait3A_226 = tpu.memref_squeeze %dma_wait3A_225 : memref<1x32xf32, #tpu.memory_space<hbm>> -> memref<32xf32, #tpu.memory_space<hbm>>
      %dma_wait3A_227 = arith.constant 0 : i32
      %dma_wait3A_228 = tpu.memref_slice %arg25[%dma_wait3A_216, %dma_wait3A_227] : memref<8x32xf32, #tpu.memory_space<vmem>> -> memref<1x32xf32, #tpu.memory_space<vmem>>
      %dma_wait3A_229 = tpu.memref_squeeze %dma_wait3A_228 : memref<1x32xf32, #tpu.memory_space<vmem>> -> memref<32xf32, #tpu.memory_space<vmem>>
      tpu.wait_dma2 semaphore(%arg26 : memref<!tpu.dma_semaphore, #tpu.memory_space<semaphore_mem>>) src(%dma_wait3A_229 : memref<32xf32, #tpu.memory_space<vmem>>) dst(%dma_wait3A_226 : memref<32xf32, #tpu.memory_space<hbm>>)
    }
    %while3A_108 = arith.constant 1 : i32
    scf.for %while3A_201 = %while3A_106 to %while3A_102 step %while3A_108  : i32 {
      %dma_wait3A_202 = arith.constant 0 : i32
      %dma_wait3A_203 = arith.constant 0 : i32
      %dma_wait3A_204 = arith.constant 0 : i32
      %dma_wait3A_205 = tpu.memref_slice %arg24[%dma_wait3A_202, %dma_wait3A_204] : memref<8x32xf32, #tpu.memory_space<vmem>> -> memref<1x32xf32, #tpu.memory_space<vmem>>
      %dma_wait3A_206 = tpu.memref_squeeze %dma_wait3A_205 : memref<1x32xf32, #tpu.memory_space<vmem>> -> memref<32xf32, #tpu.memory_space<vmem>>
      %dma_wait3A_207 = arith.constant 0 : i32
      %dma_wait3A_208 = tpu.memref_slice %arg12[%dma_wait3A_203, %dma_wait3A_207] : memref<16384x128xf32, #tpu.memory_space<hbm>> -> memref<1x32xf32, #tpu.memory_space<hbm>>
      %dma_wait3A_209 = tpu.memref_squeeze %dma_wait3A_208 : memref<1x32xf32, #tpu.memory_space<hbm>> -> memref<32xf32, #tpu.memory_space<hbm>>
      %dma_wait3A_210 = arith.constant 0 : i32
      %dma_wait3A_211 = tpu.memref_slice %arg12[%dma_wait3A_203, %dma_wait3A_210] : memref<16384x128xf32, #tpu.memory_space<hbm>> -> memref<1x32xf32, #tpu.memory_space<hbm>>
      %dma_wait3A_212 = tpu.memref_squeeze %dma_wait3A_211 : memref<1x32xf32, #tpu.memory_space<hbm>> -> memref<32xf32, #tpu.memory_space<hbm>>
      %dma_wait3A_213 = arith.constant 0 : i32
      %dma_wait3A_214 = tpu.memref_slice %arg24[%dma_wait3A_202, %dma_wait3A_213] : memref<8x32xf32, #tpu.memory_space<vmem>> -> memref<1x32xf32, #tpu.memory_space<vmem>>
      %dma_wait3A_215 = tpu.memref_squeeze %dma_wait3A_214 : memref<1x32xf32, #tpu.memory_space<vmem>> -> memref<32xf32, #tpu.memory_space<vmem>>
      tpu.wait_dma2 semaphore(%arg26 : memref<!tpu.dma_semaphore, #tpu.memory_space<semaphore_mem>>) src(%dma_wait3A_215 : memref<32xf32, #tpu.memory_space<vmem>>) dst(%dma_wait3A_212 : memref<32xf32, #tpu.memory_space<hbm>>)
      %dma_wait3A_216 = arith.constant 0 : i32
      %dma_wait3A_217 = arith.constant 0 : i32
      %dma_wait3A_218 = arith.constant 0 : i32
      %dma_wait3A_219 = tpu.memref_slice %arg25[%dma_wait3A_216, %dma_wait3A_218] : memref<8x32xf32, #tpu.memory_space<vmem>> -> memref<1x32xf32, #tpu.memory_space<vmem>>
      %dma_wait3A_220 = tpu.memref_squeeze %dma_wait3A_219 : memref<1x32xf32, #tpu.memory_space<vmem>> -> memref<32xf32, #tpu.memory_space<vmem>>
      %dma_wait3A_221 = arith.constant 64 : i32
      %dma_wait3A_222 = tpu.memref_slice %arg12[%dma_wait3A_217, %dma_wait3A_221] : memref<16384x128xf32, #tpu.memory_space<hbm>> -> memref<1x32xf32, #tpu.memory_space<hbm>>
      %dma_wait3A_223 = tpu.memref_squeeze %dma_wait3A_222 : memref<1x32xf32, #tpu.memory_space<hbm>> -> memref<32xf32, #tpu.memory_space<hbm>>
      %dma_wait3A_224 = arith.constant 64 : i32
      %dma_wait3A_225 = tpu.memref_slice %arg12[%dma_wait3A_217, %dma_wait3A_224] : memref<16384x128xf32, #tpu.memory_space<hbm>> -> memref<1x32xf32, #tpu.memory_space<hbm>>
      %dma_wait3A_226 = tpu.memref_squeeze %dma_wait3A_225 : memref<1x32xf32, #tpu.memory_space<hbm>> -> memref<32xf32, #tpu.memory_space<hbm>>
      %dma_wait3A_227 = arith.constant 0 : i32
      %dma_wait3A_228 = tpu.memref_slice %arg25[%dma_wait3A_216, %dma_wait3A_227] : memref<8x32xf32, #tpu.memory_space<vmem>> -> memref<1x32xf32, #tpu.memory_space<vmem>>
      %dma_wait3A_229 = tpu.memref_squeeze %dma_wait3A_228 : memref<1x32xf32, #tpu.memory_space<vmem>> -> memref<32xf32, #tpu.memory_space<vmem>>
      tpu.wait_dma2 semaphore(%arg26 : memref<!tpu.dma_semaphore, #tpu.memory_space<semaphore_mem>>) src(%dma_wait3A_229 : memref<32xf32, #tpu.memory_space<vmem>>) dst(%dma_wait3A_226 : memref<32xf32, #tpu.memory_space<hbm>>)
    }
    %multiple_of3A_109 = tpu.assume_multiple %mul3A_22, 128 : i32
    %dma_start3A_110 = arith.constant 0 : i32
    %dma_start3A_111 = tpu.memref_slice %arg5[%dma_start3A_110, %multiple_of3A_109] : memref<32x1000000xf32, #tpu.memory_space<hbm>> -> memref<32x768xf32, #tpu.memory_space<hbm>>
    %dma_start3A_112 = arith.constant 0 : i32
    %dma_start3A_113 = tpu.memref_slice %arg5[%dma_start3A_112, %multiple_of3A_109] : memref<32x1000000xf32, #tpu.memory_space<hbm>> -> memref<32x768xf32, #tpu.memory_space<hbm>>
    tpu.enqueue_dma source(%dma_start3A_113 : memref<32x768xf32, #tpu.memory_space<hbm>>) target(%arg18 : memref<32x768xf32, #tpu.memory_space<vmem>>) target_semaphore(%arg27 : memref<!tpu.dma_semaphore, #tpu.memory_space<semaphore_mem>>)
    %dma_start3A_114 = arith.constant 0 : i32
    %dma_start3A_115 = tpu.memref_slice %arg7[%dma_start3A_114, %multiple_of3A_109] : memref<32x1000000xf32, #tpu.memory_space<hbm>> -> memref<32x768xf32, #tpu.memory_space<hbm>>
    %dma_start3A_116 = arith.constant 0 : i32
    %dma_start3A_117 = tpu.memref_slice %arg7[%dma_start3A_116, %multiple_of3A_109] : memref<32x1000000xf32, #tpu.memory_space<hbm>> -> memref<32x768xf32, #tpu.memory_space<hbm>>
    tpu.enqueue_dma source(%dma_start3A_117 : memref<32x768xf32, #tpu.memory_space<hbm>>) target(%arg19 : memref<32x768xf32, #tpu.memory_space<vmem>>) target_semaphore(%arg27 : memref<!tpu.dma_semaphore, #tpu.memory_space<semaphore_mem>>)
    "tpu.region"() ({
      %run_scoped3A = tpu.sem_alloc : memref<!tpu.dma_semaphore, #tpu.memory_space<semaphore_mem>>
      tpu.enqueue_dma source(%arg3 : memref<16384xi32, #tpu.memory_space<hbm>>) target(%arg13 : memref<16384xi32, #tpu.memory_space<vmem>>) target_semaphore(%run_scoped3A : memref<!tpu.dma_semaphore, #tpu.memory_space<semaphore_mem>>)
      tpu.wait_dma2 semaphore(%run_scoped3A : memref<!tpu.dma_semaphore, #tpu.memory_space<semaphore_mem>>) src(%arg3 : memref<16384xi32, #tpu.memory_space<hbm>>) dst(%arg13 : memref<16384xi32, #tpu.memory_space<vmem>>)
      tpu.yield
    }) : () -> ()
    %scan3A_118 = arith.constant 0 : i32
    %scan3A_119 = arith.constant 0 : i32
    %scan3A_120 = arith.constant 1024 : i32
    %scan3A_121 = arith.addi %scan3A_119, %scan3A_120 : i32
    %scan3A_122 = arith.constant 1 : i32
    %scan3A_123 = scf.for %scan3A_201 = %scan3A_119 to %scan3A_121 step %scan3A_122 iter_args(%scan3A_202 = %scan3A_118) -> (i32)  : i32 {
      %mul3A_203 = arith.constant 16 : i32
      %mul3A_204 = arith.muli %scan3A_201, %mul3A_203 : i32
      %get3A = arith.index_cast %mul3A_204 : i32 to index
      %get3A_205 = tpu.vector_load %arg13[%get3A] {strides = array<i32>} : memref<16384xi32, #tpu.memory_space<vmem>>, vector<16xi32>,
      %mul3A_206 = arith.constant 16 : i32
      %mul3A_207 = arith.muli %scan3A_201, %mul3A_206 : i32
      %add3A_208 = vector.broadcast %mul3A_207 : i32 to vector<16xi32>
      %add3A_209 = arith.addi %add3A_208, %iota3A : vector<16xi32>
      %ge3A = vector.broadcast %mul3A_2 : i32 to vector<16xi32>
      %ge3A_210 = arith.cmpi sge, %get3A_205, %ge3A : vector<16xi32>
      %lt3A = vector.broadcast %add3A_4 : i32 to vector<16xi32>
      %lt3A_211 = arith.cmpi slt, %get3A_205, %lt3A : vector<16xi32>
      %and3A_212 = arith.andi %ge3A_210, %lt3A_211 : vector<16xi1>
      %swap3A = arith.index_cast %scan3A_202 : i32 to index
      %swap3A_213 = tpu.vector_load %arg14[%swap3A] masked %and3A_212 {strides = array<i32>} : memref<2080xi32, #tpu.memory_space<vmem>>, vector<16xi32>, vector<16xi1>
      tpu.vector_store %arg14[%swap3A], %get3A_205 masked %and3A_212 {strides = array<i32>} : memref<2080xi32, #tpu.memory_space<vmem>>, vector<16xi32>, vector<16xi1>
      %swap3A_214 = arith.index_cast %scan3A_202 : i32 to index
      %swap3A_215 = tpu.vector_load %arg15[%swap3A_214] masked %and3A_212 {strides = array<i32>} : memref<2080xi32, #tpu.memory_space<vmem>>, vector<16xi32>, vector<16xi1>
      tpu.vector_store %arg15[%swap3A_214], %add3A_209 masked %and3A_212 {strides = array<i32>} : memref<2080xi32, #tpu.memory_space<vmem>>, vector<16xi32>, vector<16xi1>
      %all_reduce_population_count3A = tpu.all_reduce %and3A_212 {dim = 0 : i64, kind = #tpu.reduction_kind<sum>} : vector<16xi1> -> vector<16xi32>
      %slice3A = vector.extract_strided_slice %all_reduce_population_count3A {offsets = [0], sizes = [1], strides = [1]} : vector<16xi32> to vector<1xi32>
      %squeeze3A = vector.extract %slice3A[0] : i32 from vector<1xi32>
      %add3A_216 = arith.addi %scan3A_202, %squeeze3A : i32
      scf.yield %add3A_216 : i32
    }
    %scan3A_124 = arith.constant 1024 : i32
    %add3A_125 = arith.constant 15 : i32
    %add3A_126 = arith.addi %scan3A_123, %add3A_125 : i32
    %jit3A_127 = arith.constant 16 : i32
    %div3A_128 = arith.divsi %add3A_126, %jit3A_127 : i32
    %sign3A_129 = arith.constant 0 : i32
    %sign3A_130 = arith.cmpi sgt, %add3A_126, %sign3A_129 : i32
    %sign3A_131 = arith.extui %sign3A_130 : i1 to i32
    %sign3A_132 = arith.constant 0 : i32
    %sign3A_133 = arith.cmpi slt, %add3A_126, %sign3A_132 : i32
    %sign3A_134 = arith.extui %sign3A_133 : i1 to i32
    %sign3A_135 = arith.subi %sign3A_131, %sign3A_134 : i32
    %sign3A_136 = arith.constant 0 : i32
    %sign3A_137 = arith.cmpi sgt, %jit3A_127, %sign3A_136 : i32
    %sign3A_138 = arith.extui %sign3A_137 : i1 to i32
    %sign3A_139 = arith.constant 0 : i32
    %sign3A_140 = arith.cmpi slt, %jit3A_127, %sign3A_139 : i32
    %sign3A_141 = arith.extui %sign3A_140 : i1 to i32
    %sign3A_142 = arith.subi %sign3A_138, %sign3A_141 : i32
    %ne3A_143 = arith.cmpi ne, %sign3A_135, %sign3A_142 : i32
    %rem3A_144 = arith.remsi %add3A_126, %jit3A_127 : i32
    %ne3A_145 = arith.constant 0 : i32
    %ne3A_146 = arith.cmpi ne, %rem3A_144, %ne3A_145 : i32
    %and3A_147 = arith.andi %ne3A_143, %ne3A_146 : i1
    %sub3A_148 = arith.constant 1 : i32
    %sub3A_149 = arith.subi %div3A_128, %sub3A_148 : i32
    %select_n3A_150 = arith.select %and3A_147, %sub3A_149, %div3A_128 : i32
    %scan3A_151 = arith.constant 0 : i32
    %scan3A_152 = arith.constant 0 : i32
    %scan3A_153 = arith.constant 21 : i32
    %scan3A_154 = arith.addi %scan3A_152, %scan3A_153 : i32
    %scan3A_155 = arith.constant 1 : i32
    scf.for %scan3A_201 = %scan3A_152 to %scan3A_154 step %scan3A_155  : i32 {
      %mul3A_202 = arith.constant 2 : i32
      %mul3A_203 = arith.muli %scan3A_201, %mul3A_202 : i32
      %multiple_of3A_204 = arith.constant 0 : i32
      %multiple_of3A_205 = tpu.assume_multiple %multiple_of3A_204, 128 : i32
      %dma_wait3A_206 = arith.constant 0 : i32
      %dma_wait3A_207 = tpu.memref_slice %arg5[%dma_wait3A_206, %multiple_of3A_205] : memref<32x1000000xf32, #tpu.memory_space<hbm>> -> memref<32x768xf32, #tpu.memory_space<hbm>>
      %dma_wait3A_208 = arith.constant 0 : i32
      %dma_wait3A_209 = tpu.memref_slice %arg5[%dma_wait3A_208, %multiple_of3A_205] : memref<32x1000000xf32, #tpu.memory_space<hbm>> -> memref<32x768xf32, #tpu.memory_space<hbm>>
      tpu.wait_dma2 semaphore(%arg27 : memref<!tpu.dma_semaphore, #tpu.memory_space<semaphore_mem>>) src(%dma_wait3A_209 : memref<32x768xf32, #tpu.memory_space<hbm>>) dst(%arg18 : memref<32x768xf32, #tpu.memory_space<vmem>>)
      %dma_wait3A_210 = arith.constant 0 : i32
      %dma_wait3A_211 = tpu.memref_slice %arg7[%dma_wait3A_210, %multiple_of3A_205] : memref<32x1000000xf32, #tpu.memory_space<hbm>> -> memref<32x768xf32, #tpu.memory_space<hbm>>
      %dma_wait3A_212 = arith.constant 0 : i32
      %dma_wait3A_213 = tpu.memref_slice %arg7[%dma_wait3A_212, %multiple_of3A_205] : memref<32x1000000xf32, #tpu.memory_space<hbm>> -> memref<32x768xf32, #tpu.memory_space<hbm>>
      tpu.wait_dma2 semaphore(%arg27 : memref<!tpu.dma_semaphore, #tpu.memory_space<semaphore_mem>>) src(%dma_wait3A_213 : memref<32x768xf32, #tpu.memory_space<hbm>>) dst(%arg19 : memref<32x768xf32, #tpu.memory_space<vmem>>)
      %add3A_214 = arith.constant 1 : i32
      %add3A_215 = arith.addi %mul3A_203, %add3A_214 : i32
      %mul3A_216 = arith.constant 768 : i32
      %mul3A_217 = arith.muli %add3A_215, %mul3A_216 : i32
      %add3A_218 = arith.addi %mul3A_22, %mul3A_217 : i32
      %min3A_219 = arith.constant 999168 : i32
      %min3A_220 = arith.minsi %add3A_218, %min3A_219 : i32
      %multiple_of3A_221 = tpu.assume_multiple %min3A_220, 128 : i32
      %dma_start3A_222 = arith.constant 0 : i32
      %dma_start3A_223 = tpu.memref_slice %arg5[%dma_start3A_222, %multiple_of3A_221] : memref<32x1000000xf32, #tpu.memory_space<hbm>> -> memref<32x768xf32, #tpu.memory_space<hbm>>
      %dma_start3A_224 = arith.constant 0 : i32
      %dma_start3A_225 = tpu.memref_slice %arg5[%dma_start3A_224, %multiple_of3A_221] : memref<32x1000000xf32, #tpu.memory_space<hbm>> -> memref<32x768xf32, #tpu.memory_space<hbm>>
      tpu.enqueue_dma source(%dma_start3A_225 : memref<32x768xf32, #tpu.memory_space<hbm>>) target(%arg20 : memref<32x768xf32, #tpu.memory_space<vmem>>) target_semaphore(%arg27 : memref<!tpu.dma_semaphore, #tpu.memory_space<semaphore_mem>>)
      %dma_start3A_226 = arith.constant 0 : i32
      %dma_start3A_227 = tpu.memref_slice %arg7[%dma_start3A_226, %multiple_of3A_221] : memref<32x1000000xf32, #tpu.memory_space<hbm>> -> memref<32x768xf32, #tpu.memory_space<hbm>>
      %dma_start3A_228 = arith.constant 0 : i32
      %dma_start3A_229 = tpu.memref_slice %arg7[%dma_start3A_228, %multiple_of3A_221] : memref<32x1000000xf32, #tpu.memory_space<hbm>> -> memref<32x768xf32, #tpu.memory_space<hbm>>
      tpu.enqueue_dma source(%dma_start3A_229 : memref<32x768xf32, #tpu.memory_space<hbm>>) target(%arg21 : memref<32x768xf32, #tpu.memory_space<vmem>>) target_semaphore(%arg27 : memref<!tpu.dma_semaphore, #tpu.memory_space<semaphore_mem>>)
      %mul3A_230 = arith.constant 768 : i32
      %mul3A_231 = arith.muli %mul3A_203, %mul3A_230 : i32
      %add3A_232 = arith.addi %mul3A_22, %mul3A_231 : i32
      %min3A_233 = arith.constant 999168 : i32
      %min3A_234 = arith.minsi %add3A_232, %min3A_233 : i32
      %multiple_of3A_235 = tpu.assume_multiple %min3A_234, 128 : i32
      %while3A_236 = arith.constant 0 : i32
      %while3A_237 = arith.constant 0 : i32
      %while3A_238 = arith.subi %select_n3A_150, %while3A_236 : i32
      %while3A_239 = arith.addi %while3A_236, %while3A_238 : i32
      %while3A_240 = arith.constant 1 : i32
      %while3A_241 = arith.divsi %while3A_238, %while3A_240 : i32
      %while3A_242 = arith.muli %while3A_241, %while3A_240 : i32
      %while3A_243 = arith.addi %while3A_236, %while3A_242 : i32
      %while3A_244 = arith.constant 1 : i32
      %while3A_245 = scf.for %while3A_338 = %while3A_236 to %while3A_243 step %while3A_244 iter_args(%while3A_339 = %while3A_237) -> (i32)  : i32 {
        %mul3A_340 = arith.constant 16 : i32
        %mul3A_341 = arith.muli %while3A_338, %mul3A_340 : i32
        %get3A = arith.index_cast %mul3A_341 : i32 to index
        %get3A_342 = tpu.vector_load %arg14[%get3A] {strides = array<i32>} : memref<2080xi32, #tpu.memory_space<vmem>>, vector<16xi32>,
        %mul3A_343 = arith.constant 16 : i32
        %mul3A_344 = arith.muli %while3A_338, %mul3A_343 : i32
        %get3A_345 = arith.index_cast %mul3A_344 : i32 to index
        %get3A_346 = tpu.vector_load %arg15[%get3A_345] {strides = array<i32>} : memref<2080xi32, #tpu.memory_space<vmem>>, vector<16xi32>,
        %sub3A_347 = vector.broadcast %multiple_of3A_235 : i32 to vector<16xi32>
        %sub3A_348 = arith.subi %get3A_342, %sub3A_347 : vector<16xi32>
        %ge3A = arith.constant 0 : i32
        %ge3A_349 = vector.broadcast %ge3A : i32 to vector<16xi32>
        %ge3A_350 = arith.cmpi sge, %sub3A_348, %ge3A_349 : vector<16xi32>
        %lt3A = arith.constant 768 : i32
        %lt3A_351 = vector.broadcast %lt3A : i32 to vector<16xi32>
        %lt3A_352 = arith.cmpi slt, %sub3A_348, %lt3A_351 : vector<16xi32>
        %and3A_353 = arith.andi %ge3A_350, %lt3A_352 : vector<16xi1>
        %lt3A_354 = arith.constant 999936 : i32
        %lt3A_355 = vector.broadcast %lt3A_354 : i32 to vector<16xi32>
        %lt3A_356 = arith.cmpi slt, %get3A_342, %lt3A_355 : vector<16xi32>
        %and3A_357 = arith.andi %and3A_353, %lt3A_356 : vector<16xi1>
        %mul3A_358 = arith.constant 16 : i32
        %mul3A_359 = arith.muli %while3A_338, %mul3A_358 : i32
        %add3A_360 = vector.broadcast %mul3A_359 : i32 to vector<16xi32>
        %add3A_361 = arith.addi %add3A_360, %iota3A : vector<16xi32>
        %lt3A_362 = vector.broadcast %scan3A_123 : i32 to vector<16xi32>
        %lt3A_363 = arith.cmpi slt, %add3A_361, %lt3A_362 : vector<16xi32>
        %and3A_364 = arith.andi %and3A_357, %lt3A_363 : vector<16xi1>
        %swap3A = arith.index_cast %while3A_339 : i32 to index
        %swap3A_365 = tpu.vector_load %arg16[%swap3A] masked %and3A_364 {strides = array<i32>} : memref<160xi32, #tpu.memory_space<vmem>>, vector<16xi32>, vector<16xi1>
        tpu.vector_store %arg16[%swap3A], %sub3A_348 masked %and3A_364 {strides = array<i32>} : memref<160xi32, #tpu.memory_space<vmem>>, vector<16xi32>, vector<16xi1>
        %swap3A_366 = arith.index_cast %while3A_339 : i32 to index
        %swap3A_367 = tpu.vector_load %arg17[%swap3A_366] masked %and3A_364 {strides = array<i32>} : memref<160xi32, #tpu.memory_space<vmem>>, vector<16xi32>, vector<16xi1>
        tpu.vector_store %arg17[%swap3A_366], %get3A_346 masked %and3A_364 {strides = array<i32>} : memref<160xi32, #tpu.memory_space<vmem>>, vector<16xi32>, vector<16xi1>
        %all_reduce_population_count3A = tpu.all_reduce %and3A_364 {dim = 0 : i64, kind = #tpu.reduction_kind<sum>} : vector<16xi1> -> vector<16xi32>
        %slice3A = vector.extract_strided_slice %all_reduce_population_count3A {offsets = [0], sizes = [1], strides = [1]} : vector<16xi32> to vector<1xi32>
        %squeeze3A = vector.extract %slice3A[0] : i32 from vector<1xi32>
        %add3A_368 = arith.addi %while3A_339, %squeeze3A : i32
        scf.yield %add3A_368 : i32
      }
      %while3A_246 = arith.constant 1 : i32
      %while3A_247 = scf.for %while3A_338 = %while3A_243 to %while3A_239 step %while3A_246 iter_args(%while3A_339 = %while3A_245) -> (i32)  : i32 {
        %mul3A_340 = arith.constant 16 : i32
        %mul3A_341 = arith.muli %while3A_338, %mul3A_340 : i32
        %get3A = arith.index_cast %mul3A_341 : i32 to index
        %get3A_342 = tpu.vector_load %arg14[%get3A] {strides = array<i32>} : memref<2080xi32, #tpu.memory_space<vmem>>, vector<16xi32>,
        %mul3A_343 = arith.constant 16 : i32
        %mul3A_344 = arith.muli %while3A_338, %mul3A_343 : i32
        %get3A_345 = arith.index_cast %mul3A_344 : i32 to index
        %get3A_346 = tpu.vector_load %arg15[%get3A_345] {strides = array<i32>} : memref<2080xi32, #tpu.memory_space<vmem>>, vector<16xi32>,
        %sub3A_347 = vector.broadcast %multiple_of3A_235 : i32 to vector<16xi32>
        %sub3A_348 = arith.subi %get3A_342, %sub3A_347 : vector<16xi32>
        %ge3A = arith.constant 0 : i32
        %ge3A_349 = vector.broadcast %ge3A : i32 to vector<16xi32>
        %ge3A_350 = arith.cmpi sge, %sub3A_348, %ge3A_349 : vector<16xi32>
        %lt3A = arith.constant 768 : i32
        %lt3A_351 = vector.broadcast %lt3A : i32 to vector<16xi32>
        %lt3A_352 = arith.cmpi slt, %sub3A_348, %lt3A_351 : vector<16xi32>
        %and3A_353 = arith.andi %ge3A_350, %lt3A_352 : vector<16xi1>
        %lt3A_354 = arith.constant 999936 : i32
        %lt3A_355 = vector.broadcast %lt3A_354 : i32 to vector<16xi32>
        %lt3A_356 = arith.cmpi slt, %get3A_342, %lt3A_355 : vector<16xi32>
        %and3A_357 = arith.andi %and3A_353, %lt3A_356 : vector<16xi1>
        %mul3A_358 = arith.constant 16 : i32
        %mul3A_359 = arith.muli %while3A_338, %mul3A_358 : i32
        %add3A_360 = vector.broadcast %mul3A_359 : i32 to vector<16xi32>
        %add3A_361 = arith.addi %add3A_360, %iota3A : vector<16xi32>
        %lt3A_362 = vector.broadcast %scan3A_123 : i32 to vector<16xi32>
        %lt3A_363 = arith.cmpi slt, %add3A_361, %lt3A_362 : vector<16xi32>
        %and3A_364 = arith.andi %and3A_357, %lt3A_363 : vector<16xi1>
        %swap3A = arith.index_cast %while3A_339 : i32 to index
        %swap3A_365 = tpu.vector_load %arg16[%swap3A] masked %and3A_364 {strides = array<i32>} : memref<160xi32, #tpu.memory_space<vmem>>, vector<16xi32>, vector<16xi1>
        tpu.vector_store %arg16[%swap3A], %sub3A_348 masked %and3A_364 {strides = array<i32>} : memref<160xi32, #tpu.memory_space<vmem>>, vector<16xi32>, vector<16xi1>
        %swap3A_366 = arith.index_cast %while3A_339 : i32 to index
        %swap3A_367 = tpu.vector_load %arg17[%swap3A_366] masked %and3A_364 {strides = array<i32>} : memref<160xi32, #tpu.memory_space<vmem>>, vector<16xi32>, vector<16xi1>
        tpu.vector_store %arg17[%swap3A_366], %get3A_346 masked %and3A_364 {strides = array<i32>} : memref<160xi32, #tpu.memory_space<vmem>>, vector<16xi32>, vector<16xi1>
        %all_reduce_population_count3A = tpu.all_reduce %and3A_364 {dim = 0 : i64, kind = #tpu.reduction_kind<sum>} : vector<16xi1> -> vector<16xi32>
        %slice3A = vector.extract_strided_slice %all_reduce_population_count3A {offsets = [0], sizes = [1], strides = [1]} : vector<16xi32> to vector<1xi32>
        %squeeze3A = vector.extract %slice3A[0] : i32 from vector<1xi32>
        %add3A_368 = arith.addi %while3A_339, %squeeze3A : i32
        scf.yield %add3A_368 : i32
      }
      %while3A_248 = arith.constant 0 : i32
      %while3A_249 = arith.constant 0 : i32
      %while3A_250 = arith.subi %while3A_247, %while3A_249 : i32
      %while3A_251 = arith.addi %while3A_249, %while3A_250 : i32
      %while3A_252 = arith.constant 1 : i32
      %while3A_253 = arith.divsi %while3A_250, %while3A_252 : i32
      %while3A_254 = arith.muli %while3A_253, %while3A_252 : i32
      %while3A_255 = arith.addi %while3A_249, %while3A_254 : i32
      %while3A_256 = arith.constant 1 : i32
      scf.for %while3A_338 = %while3A_249 to %while3A_255 step %while3A_256  : i32 {
        %rem3A_339 = arith.constant 8 : i32
        %rem3A_340 = arith.remsi %while3A_338, %rem3A_339 : i32
        %get3A = arith.index_cast %while3A_338 : i32 to index
        %get3A_341 = tpu.vector_load %arg16[%get3A] {strides = array<i32>} : memref<160xi32, #tpu.memory_space<vmem>>, vector<16xi32>,
        %slice3A = vector.extract_strided_slice %get3A_341 {offsets = [0], sizes = [1], strides = [1]} : vector<16xi32> to vector<1xi32>
        %squeeze3A = vector.extract %slice3A[0] : i32 from vector<1xi32>
        %get3A_342 = arith.index_cast %while3A_338 : i32 to index
        %get3A_343 = tpu.vector_load %arg17[%get3A_342] {strides = array<i32>} : memref<160xi32, #tpu.memory_space<vmem>>, vector<16xi32>,
        %slice3A_344 = vector.extract_strided_slice %get3A_343 {offsets = [0], sizes = [1], strides = [1]} : vector<16xi32> to vector<1xi32>
        %squeeze3A_345 = vector.extract %slice3A_344[0] : i32 from vector<1xi32>
        %broadcast_in_dim3A = arith.constant 0 : i32
        %broadcast_in_dim3A_346 = vector.broadcast %broadcast_in_dim3A : i32 to vector<16xi32>
        %add3A_347 = vector.broadcast %squeeze3A : i32 to vector<16xi32>
        %add3A_348 = arith.addi %broadcast_in_dim3A_346, %add3A_347 : vector<16xi32>
        %broadcast_in_dim3A_349 = arith.constant 0 : i32
        %broadcast_in_dim3A_350 = vector.broadcast %broadcast_in_dim3A_349 : i32 to vector<16xi32>
        %add3A_351 = vector.broadcast %rem3A_340 : i32 to vector<16xi32>
        %add3A_352 = arith.addi %broadcast_in_dim3A_350, %add3A_351 : vector<16xi32>
        %ge3A = arith.constant 8 : i32
        %ge3A_353 = arith.cmpi sge, %while3A_338, %ge3A : i32
        %convert_element_type3A = arith.extui %ge3A_353 : i1 to i32
        %cond3A = arith.constant 0 : i32
        %cond3A_354 = arith.cmpi ne, %convert_element_type3A, %cond3A : i32
        scf.if %cond3A_354 {
          %dma_wait3A_394 = arith.constant 0 : i32
          %dma_wait3A_395 = arith.constant 0 : i32
          %dma_wait3A_396 = tpu.memref_slice %arg24[%rem3A_340, %dma_wait3A_395] : memref<8x32xf32, #tpu.memory_space<vmem>> -> memref<1x32xf32, #tpu.memory_space<vmem>>
          %dma_wait3A_397 = tpu.memref_squeeze %dma_wait3A_396 : memref<1x32xf32, #tpu.memory_space<vmem>> -> memref<32xf32, #tpu.memory_space<vmem>>
          %dma_wait3A_398 = arith.constant 32 : i32
          %dma_wait3A_399 = tpu.memref_slice %arg12[%dma_wait3A_394, %dma_wait3A_398] : memref<16384x128xf32, #tpu.memory_space<hbm>> -> memref<1x32xf32, #tpu.memory_space<hbm>>
          %dma_wait3A_400 = tpu.memref_squeeze %dma_wait3A_399 : memref<1x32xf32, #tpu.memory_space<hbm>> -> memref<32xf32, #tpu.memory_space<hbm>>
          %dma_wait3A_401 = arith.constant 32 : i32
          %dma_wait3A_402 = tpu.memref_slice %arg12[%dma_wait3A_394, %dma_wait3A_401] : memref<16384x128xf32, #tpu.memory_space<hbm>> -> memref<1x32xf32, #tpu.memory_space<hbm>>
          %dma_wait3A_403 = tpu.memref_squeeze %dma_wait3A_402 : memref<1x32xf32, #tpu.memory_space<hbm>> -> memref<32xf32, #tpu.memory_space<hbm>>
          %dma_wait3A_404 = arith.constant 0 : i32
          %dma_wait3A_405 = tpu.memref_slice %arg24[%rem3A_340, %dma_wait3A_404] : memref<8x32xf32, #tpu.memory_space<vmem>> -> memref<1x32xf32, #tpu.memory_space<vmem>>
          %dma_wait3A_406 = tpu.memref_squeeze %dma_wait3A_405 : memref<1x32xf32, #tpu.memory_space<vmem>> -> memref<32xf32, #tpu.memory_space<vmem>>
          tpu.wait_dma2 semaphore(%arg26 : memref<!tpu.dma_semaphore, #tpu.memory_space<semaphore_mem>>) src(%dma_wait3A_406 : memref<32xf32, #tpu.memory_space<vmem>>) dst(%dma_wait3A_403 : memref<32xf32, #tpu.memory_space<hbm>>)
          %dma_wait3A_407 = arith.constant 0 : i32
          %dma_wait3A_408 = arith.constant 0 : i32
          %dma_wait3A_409 = tpu.memref_slice %arg25[%rem3A_340, %dma_wait3A_408] : memref<8x32xf32, #tpu.memory_space<vmem>> -> memref<1x32xf32, #tpu.memory_space<vmem>>
          %dma_wait3A_410 = tpu.memref_squeeze %dma_wait3A_409 : memref<1x32xf32, #tpu.memory_space<vmem>> -> memref<32xf32, #tpu.memory_space<vmem>>
          %dma_wait3A_411 = arith.constant 96 : i32
          %dma_wait3A_412 = tpu.memref_slice %arg12[%dma_wait3A_407, %dma_wait3A_411] : memref<16384x128xf32, #tpu.memory_space<hbm>> -> memref<1x32xf32, #tpu.memory_space<hbm>>
          %dma_wait3A_413 = tpu.memref_squeeze %dma_wait3A_412 : memref<1x32xf32, #tpu.memory_space<hbm>> -> memref<32xf32, #tpu.memory_space<hbm>>
          %dma_wait3A_414 = arith.constant 96 : i32
          %dma_wait3A_415 = tpu.memref_slice %arg12[%dma_wait3A_407, %dma_wait3A_414] : memref<16384x128xf32, #tpu.memory_space<hbm>> -> memref<1x32xf32, #tpu.memory_space<hbm>>
          %dma_wait3A_416 = tpu.memref_squeeze %dma_wait3A_415 : memref<1x32xf32, #tpu.memory_space<hbm>> -> memref<32xf32, #tpu.memory_space<hbm>>
          %dma_wait3A_417 = arith.constant 0 : i32
          %dma_wait3A_418 = tpu.memref_slice %arg25[%rem3A_340, %dma_wait3A_417] : memref<8x32xf32, #tpu.memory_space<vmem>> -> memref<1x32xf32, #tpu.memory_space<vmem>>
          %dma_wait3A_419 = tpu.memref_squeeze %dma_wait3A_418 : memref<1x32xf32, #tpu.memory_space<vmem>> -> memref<32xf32, #tpu.memory_space<vmem>>
          tpu.wait_dma2 semaphore(%arg26 : memref<!tpu.dma_semaphore, #tpu.memory_space<semaphore_mem>>) src(%dma_wait3A_419 : memref<32xf32, #tpu.memory_space<vmem>>) dst(%dma_wait3A_416 : memref<32xf32, #tpu.memory_space<hbm>>)
        } else {
        }
        %gather3A = tpu.vector_load_idx %arg18[%iota3A, %add3A_348] : memref<32x768xf32, #tpu.memory_space<vmem>>[vector<16xi32>, vector<16xi32>], vector<16xf32>,
        tpu.vector_store_idx %arg24[%add3A_352, %iota3A], %gather3A : memref<8x32xf32, #tpu.memory_space<vmem>>[vector<16xi32>, vector<16xi32>], vector<16xf32>,
        %add3A_355 = arith.constant 16 : i32
        %add3A_356 = vector.broadcast %add3A_355 : i32 to vector<16xi32>
        %add3A_357 = arith.addi %iota3A, %add3A_356 : vector<16xi32>
        %add3A_358 = arith.constant 16 : i32
        %add3A_359 = vector.broadcast %add3A_358 : i32 to vector<16xi32>
        %add3A_360 = arith.addi %iota3A, %add3A_359 : vector<16xi32>
        %gather3A_361 = tpu.vector_load_idx %arg18[%add3A_360, %add3A_348] : memref<32x768xf32, #tpu.memory_space<vmem>>[vector<16xi32>, vector<16xi32>], vector<16xf32>,
        tpu.vector_store_idx %arg24[%add3A_352, %add3A_357], %gather3A_361 : memref<8x32xf32, #tpu.memory_space<vmem>>[vector<16xi32>, vector<16xi32>], vector<16xf32>,
        %gather3A_362 = tpu.vector_load_idx %arg19[%iota3A, %add3A_348] : memref<32x768xf32, #tpu.memory_space<vmem>>[vector<16xi32>, vector<16xi32>], vector<16xf32>,
        tpu.vector_store_idx %arg25[%add3A_352, %iota3A], %gather3A_362 : memref<8x32xf32, #tpu.memory_space<vmem>>[vector<16xi32>, vector<16xi32>], vector<16xf32>,
        %add3A_363 = arith.constant 16 : i32
        %add3A_364 = vector.broadcast %add3A_363 : i32 to vector<16xi32>
        %add3A_365 = arith.addi %iota3A, %add3A_364 : vector<16xi32>
        %add3A_366 = arith.constant 16 : i32
        %add3A_367 = vector.broadcast %add3A_366 : i32 to vector<16xi32>
        %add3A_368 = arith.addi %iota3A, %add3A_367 : vector<16xi32>
        %gather3A_369 = tpu.vector_load_idx %arg19[%add3A_368, %add3A_348] : memref<32x768xf32, #tpu.memory_space<vmem>>[vector<16xi32>, vector<16xi32>], vector<16xf32>,
        tpu.vector_store_idx %arg25[%add3A_352, %add3A_365], %gather3A_369 : memref<8x32xf32, #tpu.memory_space<vmem>>[vector<16xi32>, vector<16xi32>], vector<16xf32>,
        %dma_start3A_370 = arith.constant 0 : i32
        %dma_start3A_371 = tpu.memref_slice %arg24[%rem3A_340, %dma_start3A_370] : memref<8x32xf32, #tpu.memory_space<vmem>> -> memref<1x32xf32, #tpu.memory_space<vmem>>
        %dma_start3A_372 = tpu.memref_squeeze %dma_start3A_371 : memref<1x32xf32, #tpu.memory_space<vmem>> -> memref<32xf32, #tpu.memory_space<vmem>>
        %dma_start3A_373 = arith.constant 32 : i32
        %dma_start3A_374 = tpu.memref_slice %arg12[%squeeze3A_345, %dma_start3A_373] : memref<16384x128xf32, #tpu.memory_space<hbm>> -> memref<1x32xf32, #tpu.memory_space<hbm>>
        %dma_start3A_375 = tpu.memref_squeeze %dma_start3A_374 : memref<1x32xf32, #tpu.memory_space<hbm>> -> memref<32xf32, #tpu.memory_space<hbm>>
        %dma_start3A_376 = arith.constant 32 : i32
        %dma_start3A_377 = tpu.memref_slice %arg12[%squeeze3A_345, %dma_start3A_376] : memref<16384x128xf32, #tpu.memory_space<hbm>> -> memref<1x32xf32, #tpu.memory_space<hbm>>
        %dma_start3A_378 = tpu.memref_squeeze %dma_start3A_377 : memref<1x32xf32, #tpu.memory_space<hbm>> -> memref<32xf32, #tpu.memory_space<hbm>>
        %dma_start3A_379 = arith.constant 0 : i32
        %dma_start3A_380 = tpu.memref_slice %arg24[%rem3A_340, %dma_start3A_379] : memref<8x32xf32, #tpu.memory_space<vmem>> -> memref<1x32xf32, #tpu.memory_space<vmem>>
        %dma_start3A_381 = tpu.memref_squeeze %dma_start3A_380 : memref<1x32xf32, #tpu.memory_space<vmem>> -> memref<32xf32, #tpu.memory_space<vmem>>
        tpu.enqueue_dma source(%dma_start3A_381 : memref<32xf32, #tpu.memory_space<vmem>>) target(%dma_start3A_378 : memref<32xf32, #tpu.memory_space<hbm>>) target_semaphore(%arg26 : memref<!tpu.dma_semaphore, #tpu.memory_space<semaphore_mem>>)
        %dma_start3A_382 = arith.constant 0 : i32
        %dma_start3A_383 = tpu.memref_slice %arg25[%rem3A_340, %dma_start3A_382] : memref<8x32xf32, #tpu.memory_space<vmem>> -> memref<1x32xf32, #tpu.memory_space<vmem>>
        %dma_start3A_384 = tpu.memref_squeeze %dma_start3A_383 : memref<1x32xf32, #tpu.memory_space<vmem>> -> memref<32xf32, #tpu.memory_space<vmem>>
        %dma_start3A_385 = arith.constant 96 : i32
        %dma_start3A_386 = tpu.memref_slice %arg12[%squeeze3A_345, %dma_start3A_385] : memref<16384x128xf32, #tpu.memory_space<hbm>> -> memref<1x32xf32, #tpu.memory_space<hbm>>
        %dma_start3A_387 = tpu.memref_squeeze %dma_start3A_386 : memref<1x32xf32, #tpu.memory_space<hbm>> -> memref<32xf32, #tpu.memory_space<hbm>>
        %dma_start3A_388 = arith.constant 96 : i32
        %dma_start3A_389 = tpu.memref_slice %arg12[%squeeze3A_345, %dma_start3A_388] : memref<16384x128xf32, #tpu.memory_space<hbm>> -> memref<1x32xf32, #tpu.memory_space<hbm>>
        %dma_start3A_390 = tpu.memref_squeeze %dma_start3A_389 : memref<1x32xf32, #tpu.memory_space<hbm>> -> memref<32xf32, #tpu.memory_space<hbm>>
        %dma_start3A_391 = arith.constant 0 : i32
        %dma_start3A_392 = tpu.memref_slice %arg25[%rem3A_340, %dma_start3A_391] : memref<8x32xf32, #tpu.memory_space<vmem>> -> memref<1x32xf32, #tpu.memory_space<vmem>>
        %dma_start3A_393 = tpu.memref_squeeze %dma_start3A_392 : memref<1x32xf32, #tpu.memory_space<vmem>> -> memref<32xf32, #tpu.memory_space<vmem>>
        tpu.enqueue_dma source(%dma_start3A_393 : memref<32xf32, #tpu.memory_space<vmem>>) target(%dma_start3A_390 : memref<32xf32, #tpu.memory_space<hbm>>) target_semaphore(%arg26 : memref<!tpu.dma_semaphore, #tpu.memory_space<semaphore_mem>>)
      }
      %while3A_257 = arith.constant 1 : i32
      scf.for %while3A_338 = %while3A_255 to %while3A_251 step %while3A_257  : i32 {
        %rem3A_339 = arith.constant 8 : i32
        %rem3A_340 = arith.remsi %while3A_338, %rem3A_339 : i32
        %get3A = arith.index_cast %while3A_338 : i32 to index
        %get3A_341 = tpu.vector_load %arg16[%get3A] {strides = array<i32>} : memref<160xi32, #tpu.memory_space<vmem>>, vector<16xi32>,
        %slice3A = vector.extract_strided_slice %get3A_341 {offsets = [0], sizes = [1], strides = [1]} : vector<16xi32> to vector<1xi32>
        %squeeze3A = vector.extract %slice3A[0] : i32 from vector<1xi32>
        %get3A_342 = arith.index_cast %while3A_338 : i32 to index
        %get3A_343 = tpu.vector_load %arg17[%get3A_342] {strides = array<i32>} : memref<160xi32, #tpu.memory_space<vmem>>, vector<16xi32>,
        %slice3A_344 = vector.extract_strided_slice %get3A_343 {offsets = [0], sizes = [1], strides = [1]} : vector<16xi32> to vector<1xi32>
        %squeeze3A_345 = vector.extract %slice3A_344[0] : i32 from vector<1xi32>
        %broadcast_in_dim3A = arith.constant 0 : i32
        %broadcast_in_dim3A_346 = vector.broadcast %broadcast_in_dim3A : i32 to vector<16xi32>
        %add3A_347 = vector.broadcast %squeeze3A : i32 to vector<16xi32>
        %add3A_348 = arith.addi %broadcast_in_dim3A_346, %add3A_347 : vector<16xi32>
        %broadcast_in_dim3A_349 = arith.constant 0 : i32
        %broadcast_in_dim3A_350 = vector.broadcast %broadcast_in_dim3A_349 : i32 to vector<16xi32>
        %add3A_351 = vector.broadcast %rem3A_340 : i32 to vector<16xi32>
        %add3A_352 = arith.addi %broadcast_in_dim3A_350, %add3A_351 : vector<16xi32>
        %ge3A = arith.constant 8 : i32
        %ge3A_353 = arith.cmpi sge, %while3A_338, %ge3A : i32
        %convert_element_type3A = arith.extui %ge3A_353 : i1 to i32
        %cond3A = arith.constant 0 : i32
        %cond3A_354 = arith.cmpi ne, %convert_element_type3A, %cond3A : i32
        scf.if %cond3A_354 {
          %dma_wait3A_394 = arith.constant 0 : i32
          %dma_wait3A_395 = arith.constant 0 : i32
          %dma_wait3A_396 = tpu.memref_slice %arg24[%rem3A_340, %dma_wait3A_395] : memref<8x32xf32, #tpu.memory_space<vmem>> -> memref<1x32xf32, #tpu.memory_space<vmem>>
          %dma_wait3A_397 = tpu.memref_squeeze %dma_wait3A_396 : memref<1x32xf32, #tpu.memory_space<vmem>> -> memref<32xf32, #tpu.memory_space<vmem>>
          %dma_wait3A_398 = arith.constant 32 : i32
          %dma_wait3A_399 = tpu.memref_slice %arg12[%dma_wait3A_394, %dma_wait3A_398] : memref<16384x128xf32, #tpu.memory_space<hbm>> -> memref<1x32xf32, #tpu.memory_space<hbm>>
          %dma_wait3A_400 = tpu.memref_squeeze %dma_wait3A_399 : memref<1x32xf32, #tpu.memory_space<hbm>> -> memref<32xf32, #tpu.memory_space<hbm>>
          %dma_wait3A_401 = arith.constant 32 : i32
          %dma_wait3A_402 = tpu.memref_slice %arg12[%dma_wait3A_394, %dma_wait3A_401] : memref<16384x128xf32, #tpu.memory_space<hbm>> -> memref<1x32xf32, #tpu.memory_space<hbm>>
          %dma_wait3A_403 = tpu.memref_squeeze %dma_wait3A_402 : memref<1x32xf32, #tpu.memory_space<hbm>> -> memref<32xf32, #tpu.memory_space<hbm>>
          %dma_wait3A_404 = arith.constant 0 : i32
          %dma_wait3A_405 = tpu.memref_slice %arg24[%rem3A_340, %dma_wait3A_404] : memref<8x32xf32, #tpu.memory_space<vmem>> -> memref<1x32xf32, #tpu.memory_space<vmem>>
          %dma_wait3A_406 = tpu.memref_squeeze %dma_wait3A_405 : memref<1x32xf32, #tpu.memory_space<vmem>> -> memref<32xf32, #tpu.memory_space<vmem>>
          tpu.wait_dma2 semaphore(%arg26 : memref<!tpu.dma_semaphore, #tpu.memory_space<semaphore_mem>>) src(%dma_wait3A_406 : memref<32xf32, #tpu.memory_space<vmem>>) dst(%dma_wait3A_403 : memref<32xf32, #tpu.memory_space<hbm>>)
          %dma_wait3A_407 = arith.constant 0 : i32
          %dma_wait3A_408 = arith.constant 0 : i32
          %dma_wait3A_409 = tpu.memref_slice %arg25[%rem3A_340, %dma_wait3A_408] : memref<8x32xf32, #tpu.memory_space<vmem>> -> memref<1x32xf32, #tpu.memory_space<vmem>>
          %dma_wait3A_410 = tpu.memref_squeeze %dma_wait3A_409 : memref<1x32xf32, #tpu.memory_space<vmem>> -> memref<32xf32, #tpu.memory_space<vmem>>
          %dma_wait3A_411 = arith.constant 96 : i32
          %dma_wait3A_412 = tpu.memref_slice %arg12[%dma_wait3A_407, %dma_wait3A_411] : memref<16384x128xf32, #tpu.memory_space<hbm>> -> memref<1x32xf32, #tpu.memory_space<hbm>>
          %dma_wait3A_413 = tpu.memref_squeeze %dma_wait3A_412 : memref<1x32xf32, #tpu.memory_space<hbm>> -> memref<32xf32, #tpu.memory_space<hbm>>
          %dma_wait3A_414 = arith.constant 96 : i32
          %dma_wait3A_415 = tpu.memref_slice %arg12[%dma_wait3A_407, %dma_wait3A_414] : memref<16384x128xf32, #tpu.memory_space<hbm>> -> memref<1x32xf32, #tpu.memory_space<hbm>>
          %dma_wait3A_416 = tpu.memref_squeeze %dma_wait3A_415 : memref<1x32xf32, #tpu.memory_space<hbm>> -> memref<32xf32, #tpu.memory_space<hbm>>
          %dma_wait3A_417 = arith.constant 0 : i32
          %dma_wait3A_418 = tpu.memref_slice %arg25[%rem3A_340, %dma_wait3A_417] : memref<8x32xf32, #tpu.memory_space<vmem>> -> memref<1x32xf32, #tpu.memory_space<vmem>>
          %dma_wait3A_419 = tpu.memref_squeeze %dma_wait3A_418 : memref<1x32xf32, #tpu.memory_space<vmem>> -> memref<32xf32, #tpu.memory_space<vmem>>
          tpu.wait_dma2 semaphore(%arg26 : memref<!tpu.dma_semaphore, #tpu.memory_space<semaphore_mem>>) src(%dma_wait3A_419 : memref<32xf32, #tpu.memory_space<vmem>>) dst(%dma_wait3A_416 : memref<32xf32, #tpu.memory_space<hbm>>)
        } else {
        }
        %gather3A = tpu.vector_load_idx %arg18[%iota3A, %add3A_348] : memref<32x768xf32, #tpu.memory_space<vmem>>[vector<16xi32>, vector<16xi32>], vector<16xf32>,
        tpu.vector_store_idx %arg24[%add3A_352, %iota3A], %gather3A : memref<8x32xf32, #tpu.memory_space<vmem>>[vector<16xi32>, vector<16xi32>], vector<16xf32>,
        %add3A_355 = arith.constant 16 : i32
        %add3A_356 = vector.broadcast %add3A_355 : i32 to vector<16xi32>
        %add3A_357 = arith.addi %iota3A, %add3A_356 : vector<16xi32>
        %add3A_358 = arith.constant 16 : i32
        %add3A_359 = vector.broadcast %add3A_358 : i32 to vector<16xi32>
        %add3A_360 = arith.addi %iota3A, %add3A_359 : vector<16xi32>
        %gather3A_361 = tpu.vector_load_idx %arg18[%add3A_360, %add3A_348] : memref<32x768xf32, #tpu.memory_space<vmem>>[vector<16xi32>, vector<16xi32>], vector<16xf32>,
        tpu.vector_store_idx %arg24[%add3A_352, %add3A_357], %gather3A_361 : memref<8x32xf32, #tpu.memory_space<vmem>>[vector<16xi32>, vector<16xi32>], vector<16xf32>,
        %gather3A_362 = tpu.vector_load_idx %arg19[%iota3A, %add3A_348] : memref<32x768xf32, #tpu.memory_space<vmem>>[vector<16xi32>, vector<16xi32>], vector<16xf32>,
        tpu.vector_store_idx %arg25[%add3A_352, %iota3A], %gather3A_362 : memref<8x32xf32, #tpu.memory_space<vmem>>[vector<16xi32>, vector<16xi32>], vector<16xf32>,
        %add3A_363 = arith.constant 16 : i32
        %add3A_364 = vector.broadcast %add3A_363 : i32 to vector<16xi32>
        %add3A_365 = arith.addi %iota3A, %add3A_364 : vector<16xi32>
        %add3A_366 = arith.constant 16 : i32
        %add3A_367 = vector.broadcast %add3A_366 : i32 to vector<16xi32>
        %add3A_368 = arith.addi %iota3A, %add3A_367 : vector<16xi32>
        %gather3A_369 = tpu.vector_load_idx %arg19[%add3A_368, %add3A_348] : memref<32x768xf32, #tpu.memory_space<vmem>>[vector<16xi32>, vector<16xi32>], vector<16xf32>,
        tpu.vector_store_idx %arg25[%add3A_352, %add3A_365], %gather3A_369 : memref<8x32xf32, #tpu.memory_space<vmem>>[vector<16xi32>, vector<16xi32>], vector<16xf32>,
        %dma_start3A_370 = arith.constant 0 : i32
        %dma_start3A_371 = tpu.memref_slice %arg24[%rem3A_340, %dma_start3A_370] : memref<8x32xf32, #tpu.memory_space<vmem>> -> memref<1x32xf32, #tpu.memory_space<vmem>>
        %dma_start3A_372 = tpu.memref_squeeze %dma_start3A_371 : memref<1x32xf32, #tpu.memory_space<vmem>> -> memref<32xf32, #tpu.memory_space<vmem>>
        %dma_start3A_373 = arith.constant 32 : i32
        %dma_start3A_374 = tpu.memref_slice %arg12[%squeeze3A_345, %dma_start3A_373] : memref<16384x128xf32, #tpu.memory_space<hbm>> -> memref<1x32xf32, #tpu.memory_space<hbm>>
        %dma_start3A_375 = tpu.memref_squeeze %dma_start3A_374 : memref<1x32xf32, #tpu.memory_space<hbm>> -> memref<32xf32, #tpu.memory_space<hbm>>
        %dma_start3A_376 = arith.constant 32 : i32
        %dma_start3A_377 = tpu.memref_slice %arg12[%squeeze3A_345, %dma_start3A_376] : memref<16384x128xf32, #tpu.memory_space<hbm>> -> memref<1x32xf32, #tpu.memory_space<hbm>>
        %dma_start3A_378 = tpu.memref_squeeze %dma_start3A_377 : memref<1x32xf32, #tpu.memory_space<hbm>> -> memref<32xf32, #tpu.memory_space<hbm>>
        %dma_start3A_379 = arith.constant 0 : i32
        %dma_start3A_380 = tpu.memref_slice %arg24[%rem3A_340, %dma_start3A_379] : memref<8x32xf32, #tpu.memory_space<vmem>> -> memref<1x32xf32, #tpu.memory_space<vmem>>
        %dma_start3A_381 = tpu.memref_squeeze %dma_start3A_380 : memref<1x32xf32, #tpu.memory_space<vmem>> -> memref<32xf32, #tpu.memory_space<vmem>>
        tpu.enqueue_dma source(%dma_start3A_381 : memref<32xf32, #tpu.memory_space<vmem>>) target(%dma_start3A_378 : memref<32xf32, #tpu.memory_space<hbm>>) target_semaphore(%arg26 : memref<!tpu.dma_semaphore, #tpu.memory_space<semaphore_mem>>)
        %dma_start3A_382 = arith.constant 0 : i32
        %dma_start3A_383 = tpu.memref_slice %arg25[%rem3A_340, %dma_start3A_382] : memref<8x32xf32, #tpu.memory_space<vmem>> -> memref<1x32xf32, #tpu.memory_space<vmem>>
        %dma_start3A_384 = tpu.memref_squeeze %dma_start3A_383 : memref<1x32xf32, #tpu.memory_space<vmem>> -> memref<32xf32, #tpu.memory_space<vmem>>
        %dma_start3A_385 = arith.constant 96 : i32
        %dma_start3A_386 = tpu.memref_slice %arg12[%squeeze3A_345, %dma_start3A_385] : memref<16384x128xf32, #tpu.memory_space<hbm>> -> memref<1x32xf32, #tpu.memory_space<hbm>>
        %dma_start3A_387 = tpu.memref_squeeze %dma_start3A_386 : memref<1x32xf32, #tpu.memory_space<hbm>> -> memref<32xf32, #tpu.memory_space<hbm>>
        %dma_start3A_388 = arith.constant 96 : i32
        %dma_start3A_389 = tpu.memref_slice %arg12[%squeeze3A_345, %dma_start3A_388] : memref<16384x128xf32, #tpu.memory_space<hbm>> -> memref<1x32xf32, #tpu.memory_space<hbm>>
        %dma_start3A_390 = tpu.memref_squeeze %dma_start3A_389 : memref<1x32xf32, #tpu.memory_space<hbm>> -> memref<32xf32, #tpu.memory_space<hbm>>
        %dma_start3A_391 = arith.constant 0 : i32
        %dma_start3A_392 = tpu.memref_slice %arg25[%rem3A_340, %dma_start3A_391] : memref<8x32xf32, #tpu.memory_space<vmem>> -> memref<1x32xf32, #tpu.memory_space<vmem>>
        %dma_start3A_393 = tpu.memref_squeeze %dma_start3A_392 : memref<1x32xf32, #tpu.memory_space<vmem>> -> memref<32xf32, #tpu.memory_space<vmem>>
        tpu.enqueue_dma source(%dma_start3A_393 : memref<32xf32, #tpu.memory_space<vmem>>) target(%dma_start3A_390 : memref<32xf32, #tpu.memory_space<hbm>>) target_semaphore(%arg26 : memref<!tpu.dma_semaphore, #tpu.memory_space<semaphore_mem>>)
      }
      %min3A_258 = arith.constant 8 : i32
      %min3A_259 = arith.minsi %while3A_247, %min3A_258 : i32
      %while3A_260 = arith.constant 0 : i32
      %while3A_261 = arith.constant 0 : i32
      %while3A_262 = arith.subi %min3A_259, %while3A_261 : i32
      %while3A_263 = arith.addi %while3A_261, %while3A_262 : i32
      %while3A_264 = arith.constant 1 : i32
      %while3A_265 = arith.divsi %while3A_262, %while3A_264 : i32
      %while3A_266 = arith.muli %while3A_265, %while3A_264 : i32
      %while3A_267 = arith.addi %while3A_261, %while3A_266 : i32
      %while3A_268 = arith.constant 1 : i32
      scf.for %while3A_338 = %while3A_261 to %while3A_267 step %while3A_268  : i32 {
        %dma_wait3A_339 = arith.constant 0 : i32
        %dma_wait3A_340 = arith.constant 0 : i32
        %dma_wait3A_341 = arith.constant 0 : i32
        %dma_wait3A_342 = tpu.memref_slice %arg24[%dma_wait3A_339, %dma_wait3A_341] : memref<8x32xf32, #tpu.memory_space<vmem>> -> memref<1x32xf32, #tpu.memory_space<vmem>>
        %dma_wait3A_343 = tpu.memref_squeeze %dma_wait3A_342 : memref<1x32xf32, #tpu.memory_space<vmem>> -> memref<32xf32, #tpu.memory_space<vmem>>
        %dma_wait3A_344 = arith.constant 32 : i32
        %dma_wait3A_345 = tpu.memref_slice %arg12[%dma_wait3A_340, %dma_wait3A_344] : memref<16384x128xf32, #tpu.memory_space<hbm>> -> memref<1x32xf32, #tpu.memory_space<hbm>>
        %dma_wait3A_346 = tpu.memref_squeeze %dma_wait3A_345 : memref<1x32xf32, #tpu.memory_space<hbm>> -> memref<32xf32, #tpu.memory_space<hbm>>
        %dma_wait3A_347 = arith.constant 32 : i32
        %dma_wait3A_348 = tpu.memref_slice %arg12[%dma_wait3A_340, %dma_wait3A_347] : memref<16384x128xf32, #tpu.memory_space<hbm>> -> memref<1x32xf32, #tpu.memory_space<hbm>>
        %dma_wait3A_349 = tpu.memref_squeeze %dma_wait3A_348 : memref<1x32xf32, #tpu.memory_space<hbm>> -> memref<32xf32, #tpu.memory_space<hbm>>
        %dma_wait3A_350 = arith.constant 0 : i32
        %dma_wait3A_351 = tpu.memref_slice %arg24[%dma_wait3A_339, %dma_wait3A_350] : memref<8x32xf32, #tpu.memory_space<vmem>> -> memref<1x32xf32, #tpu.memory_space<vmem>>
        %dma_wait3A_352 = tpu.memref_squeeze %dma_wait3A_351 : memref<1x32xf32, #tpu.memory_space<vmem>> -> memref<32xf32, #tpu.memory_space<vmem>>
        tpu.wait_dma2 semaphore(%arg26 : memref<!tpu.dma_semaphore, #tpu.memory_space<semaphore_mem>>) src(%dma_wait3A_352 : memref<32xf32, #tpu.memory_space<vmem>>) dst(%dma_wait3A_349 : memref<32xf32, #tpu.memory_space<hbm>>)
        %dma_wait3A_353 = arith.constant 0 : i32
        %dma_wait3A_354 = arith.constant 0 : i32
        %dma_wait3A_355 = arith.constant 0 : i32
        %dma_wait3A_356 = tpu.memref_slice %arg25[%dma_wait3A_353, %dma_wait3A_355] : memref<8x32xf32, #tpu.memory_space<vmem>> -> memref<1x32xf32, #tpu.memory_space<vmem>>
        %dma_wait3A_357 = tpu.memref_squeeze %dma_wait3A_356 : memref<1x32xf32, #tpu.memory_space<vmem>> -> memref<32xf32, #tpu.memory_space<vmem>>
        %dma_wait3A_358 = arith.constant 96 : i32
        %dma_wait3A_359 = tpu.memref_slice %arg12[%dma_wait3A_354, %dma_wait3A_358] : memref<16384x128xf32, #tpu.memory_space<hbm>> -> memref<1x32xf32, #tpu.memory_space<hbm>>
        %dma_wait3A_360 = tpu.memref_squeeze %dma_wait3A_359 : memref<1x32xf32, #tpu.memory_space<hbm>> -> memref<32xf32, #tpu.memory_space<hbm>>
        %dma_wait3A_361 = arith.constant 96 : i32
        %dma_wait3A_362 = tpu.memref_slice %arg12[%dma_wait3A_354, %dma_wait3A_361] : memref<16384x128xf32, #tpu.memory_space<hbm>> -> memref<1x32xf32, #tpu.memory_space<hbm>>
        %dma_wait3A_363 = tpu.memref_squeeze %dma_wait3A_362 : memref<1x32xf32, #tpu.memory_space<hbm>> -> memref<32xf32, #tpu.memory_space<hbm>>
        %dma_wait3A_364 = arith.constant 0 : i32
        %dma_wait3A_365 = tpu.memref_slice %arg25[%dma_wait3A_353, %dma_wait3A_364] : memref<8x32xf32, #tpu.memory_space<vmem>> -> memref<1x32xf32, #tpu.memory_space<vmem>>
        %dma_wait3A_366 = tpu.memref_squeeze %dma_wait3A_365 : memref<1x32xf32, #tpu.memory_space<vmem>> -> memref<32xf32, #tpu.memory_space<vmem>>
        tpu.wait_dma2 semaphore(%arg26 : memref<!tpu.dma_semaphore, #tpu.memory_space<semaphore_mem>>) src(%dma_wait3A_366 : memref<32xf32, #tpu.memory_space<vmem>>) dst(%dma_wait3A_363 : memref<32xf32, #tpu.memory_space<hbm>>)
      }
      %while3A_269 = arith.constant 1 : i32
      scf.for %while3A_338 = %while3A_267 to %while3A_263 step %while3A_269  : i32 {
        %dma_wait3A_339 = arith.constant 0 : i32
        %dma_wait3A_340 = arith.constant 0 : i32
        %dma_wait3A_341 = arith.constant 0 : i32
        %dma_wait3A_342 = tpu.memref_slice %arg24[%dma_wait3A_339, %dma_wait3A_341] : memref<8x32xf32, #tpu.memory_space<vmem>> -> memref<1x32xf32, #tpu.memory_space<vmem>>
        %dma_wait3A_343 = tpu.memref_squeeze %dma_wait3A_342 : memref<1x32xf32, #tpu.memory_space<vmem>> -> memref<32xf32, #tpu.memory_space<vmem>>
        %dma_wait3A_344 = arith.constant 32 : i32
        %dma_wait3A_345 = tpu.memref_slice %arg12[%dma_wait3A_340, %dma_wait3A_344] : memref<16384x128xf32, #tpu.memory_space<hbm>> -> memref<1x32xf32, #tpu.memory_space<hbm>>
        %dma_wait3A_346 = tpu.memref_squeeze %dma_wait3A_345 : memref<1x32xf32, #tpu.memory_space<hbm>> -> memref<32xf32, #tpu.memory_space<hbm>>
        %dma_wait3A_347 = arith.constant 32 : i32
        %dma_wait3A_348 = tpu.memref_slice %arg12[%dma_wait3A_340, %dma_wait3A_347] : memref<16384x128xf32, #tpu.memory_space<hbm>> -> memref<1x32xf32, #tpu.memory_space<hbm>>
        %dma_wait3A_349 = tpu.memref_squeeze %dma_wait3A_348 : memref<1x32xf32, #tpu.memory_space<hbm>> -> memref<32xf32, #tpu.memory_space<hbm>>
        %dma_wait3A_350 = arith.constant 0 : i32
        %dma_wait3A_351 = tpu.memref_slice %arg24[%dma_wait3A_339, %dma_wait3A_350] : memref<8x32xf32, #tpu.memory_space<vmem>> -> memref<1x32xf32, #tpu.memory_space<vmem>>
        %dma_wait3A_352 = tpu.memref_squeeze %dma_wait3A_351 : memref<1x32xf32, #tpu.memory_space<vmem>> -> memref<32xf32, #tpu.memory_space<vmem>>
        tpu.wait_dma2 semaphore(%arg26 : memref<!tpu.dma_semaphore, #tpu.memory_space<semaphore_mem>>) src(%dma_wait3A_352 : memref<32xf32, #tpu.memory_space<vmem>>) dst(%dma_wait3A_349 : memref<32xf32, #tpu.memory_space<hbm>>)
        %dma_wait3A_353 = arith.constant 0 : i32
        %dma_wait3A_354 = arith.constant 0 : i32
        %dma_wait3A_355 = arith.constant 0 : i32
        %dma_wait3A_356 = tpu.memref_slice %arg25[%dma_wait3A_353, %dma_wait3A_355] : memref<8x32xf32, #tpu.memory_space<vmem>> -> memref<1x32xf32, #tpu.memory_space<vmem>>
        %dma_wait3A_357 = tpu.memref_squeeze %dma_wait3A_356 : memref<1x32xf32, #tpu.memory_space<vmem>> -> memref<32xf32, #tpu.memory_space<vmem>>
        %dma_wait3A_358 = arith.constant 96 : i32
        %dma_wait3A_359 = tpu.memref_slice %arg12[%dma_wait3A_354, %dma_wait3A_358] : memref<16384x128xf32, #tpu.memory_space<hbm>> -> memref<1x32xf32, #tpu.memory_space<hbm>>
        %dma_wait3A_360 = tpu.memref_squeeze %dma_wait3A_359 : memref<1x32xf32, #tpu.memory_space<hbm>> -> memref<32xf32, #tpu.memory_space<hbm>>
        %dma_wait3A_361 = arith.constant 96 : i32
        %dma_wait3A_362 = tpu.memref_slice %arg12[%dma_wait3A_354, %dma_wait3A_361] : memref<16384x128xf32, #tpu.memory_space<hbm>> -> memref<1x32xf32, #tpu.memory_space<hbm>>
        %dma_wait3A_363 = tpu.memref_squeeze %dma_wait3A_362 : memref<1x32xf32, #tpu.memory_space<hbm>> -> memref<32xf32, #tpu.memory_space<hbm>>
        %dma_wait3A_364 = arith.constant 0 : i32
        %dma_wait3A_365 = tpu.memref_slice %arg25[%dma_wait3A_353, %dma_wait3A_364] : memref<8x32xf32, #tpu.memory_space<vmem>> -> memref<1x32xf32, #tpu.memory_space<vmem>>
        %dma_wait3A_366 = tpu.memref_squeeze %dma_wait3A_365 : memref<1x32xf32, #tpu.memory_space<vmem>> -> memref<32xf32, #tpu.memory_space<vmem>>
        tpu.wait_dma2 semaphore(%arg26 : memref<!tpu.dma_semaphore, #tpu.memory_space<semaphore_mem>>) src(%dma_wait3A_366 : memref<32xf32, #tpu.memory_space<vmem>>) dst(%dma_wait3A_363 : memref<32xf32, #tpu.memory_space<hbm>>)
      }
      %multiple_of3A_270 = arith.constant 0 : i32
      %multiple_of3A_271 = tpu.assume_multiple %multiple_of3A_270, 128 : i32
      %dma_wait3A_272 = arith.constant 0 : i32
      %dma_wait3A_273 = tpu.memref_slice %arg5[%dma_wait3A_272, %multiple_of3A_271] : memref<32x1000000xf32, #tpu.memory_space<hbm>> -> memref<32x768xf32, #tpu.memory_space<hbm>>
      %dma_wait3A_274 = arith.constant 0 : i32
      %dma_wait3A_275 = tpu.memref_slice %arg5[%dma_wait3A_274, %multiple_of3A_271] : memref<32x1000000xf32, #tpu.memory_space<hbm>> -> memref<32x768xf32, #tpu.memory_space<hbm>>
      tpu.wait_dma2 semaphore(%arg27 : memref<!tpu.dma_semaphore, #tpu.memory_space<semaphore_mem>>) src(%dma_wait3A_275 : memref<32x768xf32, #tpu.memory_space<hbm>>) dst(%arg20 : memref<32x768xf32, #tpu.memory_space<vmem>>)
      %dma_wait3A_276 = arith.constant 0 : i32
      %dma_wait3A_277 = tpu.memref_slice %arg7[%dma_wait3A_276, %multiple_of3A_271] : memref<32x1000000xf32, #tpu.memory_space<hbm>> -> memref<32x768xf32, #tpu.memory_space<hbm>>
      %dma_wait3A_278 = arith.constant 0 : i32
      %dma_wait3A_279 = tpu.memref_slice %arg7[%dma_wait3A_278, %multiple_of3A_271] : memref<32x1000000xf32, #tpu.memory_space<hbm>> -> memref<32x768xf32, #tpu.memory_space<hbm>>
      tpu.wait_dma2 semaphore(%arg27 : memref<!tpu.dma_semaphore, #tpu.memory_space<semaphore_mem>>) src(%dma_wait3A_279 : memref<32x768xf32, #tpu.memory_space<hbm>>) dst(%arg21 : memref<32x768xf32, #tpu.memory_space<vmem>>)
      %add3A_280 = arith.constant 2 : i32
      %add3A_281 = arith.addi %mul3A_203, %add3A_280 : i32
      %mul3A_282 = arith.constant 768 : i32
      %mul3A_283 = arith.muli %add3A_281, %mul3A_282 : i32
      %add3A_284 = arith.addi %mul3A_22, %mul3A_283 : i32
      %min3A_285 = arith.constant 999168 : i32
      %min3A_286 = arith.minsi %add3A_284, %min3A_285 : i32
      %multiple_of3A_287 = tpu.assume_multiple %min3A_286, 128 : i32
      %dma_start3A_288 = arith.constant 0 : i32
      %dma_start3A_289 = tpu.memref_slice %arg5[%dma_start3A_288, %multiple_of3A_287] : memref<32x1000000xf32, #tpu.memory_space<hbm>> -> memref<32x768xf32, #tpu.memory_space<hbm>>
      %dma_start3A_290 = arith.constant 0 : i32
      %dma_start3A_291 = tpu.memref_slice %arg5[%dma_start3A_290, %multiple_of3A_287] : memref<32x1000000xf32, #tpu.memory_space<hbm>> -> memref<32x768xf32, #tpu.memory_space<hbm>>
      tpu.enqueue_dma source(%dma_start3A_291 : memref<32x768xf32, #tpu.memory_space<hbm>>) target(%arg18 : memref<32x768xf32, #tpu.memory_space<vmem>>) target_semaphore(%arg27 : memref<!tpu.dma_semaphore, #tpu.memory_space<semaphore_mem>>)
      %dma_start3A_292 = arith.constant 0 : i32
      %dma_start3A_293 = tpu.memref_slice %arg7[%dma_start3A_292, %multiple_of3A_287] : memref<32x1000000xf32, #tpu.memory_space<hbm>> -> memref<32x768xf32, #tpu.memory_space<hbm>>
      %dma_start3A_294 = arith.constant 0 : i32
      %dma_start3A_295 = tpu.memref_slice %arg7[%dma_start3A_294, %multiple_of3A_287] : memref<32x1000000xf32, #tpu.memory_space<hbm>> -> memref<32x768xf32, #tpu.memory_space<hbm>>
      tpu.enqueue_dma source(%dma_start3A_295 : memref<32x768xf32, #tpu.memory_space<hbm>>) target(%arg19 : memref<32x768xf32, #tpu.memory_space<vmem>>) target_semaphore(%arg27 : memref<!tpu.dma_semaphore, #tpu.memory_space<semaphore_mem>>)
      %add3A_296 = arith.constant 1 : i32
      %add3A_297 = arith.addi %mul3A_203, %add3A_296 : i32
      %mul3A_298 = arith.constant 768 : i32
      %mul3A_299 = arith.muli %add3A_297, %mul3A_298 : i32
      %add3A_300 = arith.addi %mul3A_22, %mul3A_299 : i32
      %min3A_301 = arith.constant 999168 : i32
      %min3A_302 = arith.minsi %add3A_300, %min3A_301 : i32
      %multiple_of3A_303 = tpu.assume_multiple %min3A_302, 128 : i32
      %while3A_304 = arith.constant 0 : i32
      %while3A_305 = arith.constant 0 : i32
      %while3A_306 = arith.subi %select_n3A_150, %while3A_304 : i32
      %while3A_307 = arith.addi %while3A_304, %while3A_306 : i32
      %while3A_308 = arith.constant 1 : i32
      %while3A_309 = arith.divsi %while3A_306, %while3A_308 : i32
      %while3A_310 = arith.muli %while3A_309, %while3A_308 : i32
      %while3A_311 = arith.addi %while3A_304, %while3A_310 : i32
      %while3A_312 = arith.constant 1 : i32
      %while3A_313 = scf.for %while3A_338 = %while3A_304 to %while3A_311 step %while3A_312 iter_args(%while3A_339 = %while3A_305) -> (i32)  : i32 {
        %mul3A_340 = arith.constant 16 : i32
        %mul3A_341 = arith.muli %while3A_338, %mul3A_340 : i32
        %get3A = arith.index_cast %mul3A_341 : i32 to index
        %get3A_342 = tpu.vector_load %arg14[%get3A] {strides = array<i32>} : memref<2080xi32, #tpu.memory_space<vmem>>, vector<16xi32>,
        %mul3A_343 = arith.constant 16 : i32
        %mul3A_344 = arith.muli %while3A_338, %mul3A_343 : i32
        %get3A_345 = arith.index_cast %mul3A_344 : i32 to index
        %get3A_346 = tpu.vector_load %arg15[%get3A_345] {strides = array<i32>} : memref<2080xi32, #tpu.memory_space<vmem>>, vector<16xi32>,
        %sub3A_347 = vector.broadcast %multiple_of3A_303 : i32 to vector<16xi32>
        %sub3A_348 = arith.subi %get3A_342, %sub3A_347 : vector<16xi32>
        %ge3A = arith.constant 0 : i32
        %ge3A_349 = vector.broadcast %ge3A : i32 to vector<16xi32>
        %ge3A_350 = arith.cmpi sge, %sub3A_348, %ge3A_349 : vector<16xi32>
        %lt3A = arith.constant 768 : i32
        %lt3A_351 = vector.broadcast %lt3A : i32 to vector<16xi32>
        %lt3A_352 = arith.cmpi slt, %sub3A_348, %lt3A_351 : vector<16xi32>
        %and3A_353 = arith.andi %ge3A_350, %lt3A_352 : vector<16xi1>
        %lt3A_354 = arith.constant 999936 : i32
        %lt3A_355 = vector.broadcast %lt3A_354 : i32 to vector<16xi32>
        %lt3A_356 = arith.cmpi slt, %get3A_342, %lt3A_355 : vector<16xi32>
        %and3A_357 = arith.andi %and3A_353, %lt3A_356 : vector<16xi1>
        %mul3A_358 = arith.constant 16 : i32
        %mul3A_359 = arith.muli %while3A_338, %mul3A_358 : i32
        %add3A_360 = vector.broadcast %mul3A_359 : i32 to vector<16xi32>
        %add3A_361 = arith.addi %add3A_360, %iota3A : vector<16xi32>
        %lt3A_362 = vector.broadcast %scan3A_123 : i32 to vector<16xi32>
        %lt3A_363 = arith.cmpi slt, %add3A_361, %lt3A_362 : vector<16xi32>
        %and3A_364 = arith.andi %and3A_357, %lt3A_363 : vector<16xi1>
        %swap3A = arith.index_cast %while3A_339 : i32 to index
        %swap3A_365 = tpu.vector_load %arg16[%swap3A] masked %and3A_364 {strides = array<i32>} : memref<160xi32, #tpu.memory_space<vmem>>, vector<16xi32>, vector<16xi1>
        tpu.vector_store %arg16[%swap3A], %sub3A_348 masked %and3A_364 {strides = array<i32>} : memref<160xi32, #tpu.memory_space<vmem>>, vector<16xi32>, vector<16xi1>
        %swap3A_366 = arith.index_cast %while3A_339 : i32 to index
        %swap3A_367 = tpu.vector_load %arg17[%swap3A_366] masked %and3A_364 {strides = array<i32>} : memref<160xi32, #tpu.memory_space<vmem>>, vector<16xi32>, vector<16xi1>
        tpu.vector_store %arg17[%swap3A_366], %get3A_346 masked %and3A_364 {strides = array<i32>} : memref<160xi32, #tpu.memory_space<vmem>>, vector<16xi32>, vector<16xi1>
        %all_reduce_population_count3A = tpu.all_reduce %and3A_364 {dim = 0 : i64, kind = #tpu.reduction_kind<sum>} : vector<16xi1> -> vector<16xi32>
        %slice3A = vector.extract_strided_slice %all_reduce_population_count3A {offsets = [0], sizes = [1], strides = [1]} : vector<16xi32> to vector<1xi32>
        %squeeze3A = vector.extract %slice3A[0] : i32 from vector<1xi32>
        %add3A_368 = arith.addi %while3A_339, %squeeze3A : i32
        scf.yield %add3A_368 : i32
      }
      %while3A_314 = arith.constant 1 : i32
      %while3A_315 = scf.for %while3A_338 = %while3A_311 to %while3A_307 step %while3A_314 iter_args(%while3A_339 = %while3A_313) -> (i32)  : i32 {
        %mul3A_340 = arith.constant 16 : i32
        %mul3A_341 = arith.muli %while3A_338, %mul3A_340 : i32
        %get3A = arith.index_cast %mul3A_341 : i32 to index
        %get3A_342 = tpu.vector_load %arg14[%get3A] {strides = array<i32>} : memref<2080xi32, #tpu.memory_space<vmem>>, vector<16xi32>,
        %mul3A_343 = arith.constant 16 : i32
        %mul3A_344 = arith.muli %while3A_338, %mul3A_343 : i32
        %get3A_345 = arith.index_cast %mul3A_344 : i32 to index
        %get3A_346 = tpu.vector_load %arg15[%get3A_345] {strides = array<i32>} : memref<2080xi32, #tpu.memory_space<vmem>>, vector<16xi32>,
        %sub3A_347 = vector.broadcast %multiple_of3A_303 : i32 to vector<16xi32>
        %sub3A_348 = arith.subi %get3A_342, %sub3A_347 : vector<16xi32>
        %ge3A = arith.constant 0 : i32
        %ge3A_349 = vector.broadcast %ge3A : i32 to vector<16xi32>
        %ge3A_350 = arith.cmpi sge, %sub3A_348, %ge3A_349 : vector<16xi32>
        %lt3A = arith.constant 768 : i32
        %lt3A_351 = vector.broadcast %lt3A : i32 to vector<16xi32>
        %lt3A_352 = arith.cmpi slt, %sub3A_348, %lt3A_351 : vector<16xi32>
        %and3A_353 = arith.andi %ge3A_350, %lt3A_352 : vector<16xi1>
        %lt3A_354 = arith.constant 999936 : i32
        %lt3A_355 = vector.broadcast %lt3A_354 : i32 to vector<16xi32>
        %lt3A_356 = arith.cmpi slt, %get3A_342, %lt3A_355 : vector<16xi32>
        %and3A_357 = arith.andi %and3A_353, %lt3A_356 : vector<16xi1>
        %mul3A_358 = arith.constant 16 : i32
        %mul3A_359 = arith.muli %while3A_338, %mul3A_358 : i32
        %add3A_360 = vector.broadcast %mul3A_359 : i32 to vector<16xi32>
        %add3A_361 = arith.addi %add3A_360, %iota3A : vector<16xi32>
        %lt3A_362 = vector.broadcast %scan3A_123 : i32 to vector<16xi32>
        %lt3A_363 = arith.cmpi slt, %add3A_361, %lt3A_362 : vector<16xi32>
        %and3A_364 = arith.andi %and3A_357, %lt3A_363 : vector<16xi1>
        %swap3A = arith.index_cast %while3A_339 : i32 to index
        %swap3A_365 = tpu.vector_load %arg16[%swap3A] masked %and3A_364 {strides = array<i32>} : memref<160xi32, #tpu.memory_space<vmem>>, vector<16xi32>, vector<16xi1>
        tpu.vector_store %arg16[%swap3A], %sub3A_348 masked %and3A_364 {strides = array<i32>} : memref<160xi32, #tpu.memory_space<vmem>>, vector<16xi32>, vector<16xi1>
        %swap3A_366 = arith.index_cast %while3A_339 : i32 to index
        %swap3A_367 = tpu.vector_load %arg17[%swap3A_366] masked %and3A_364 {strides = array<i32>} : memref<160xi32, #tpu.memory_space<vmem>>, vector<16xi32>, vector<16xi1>
        tpu.vector_store %arg17[%swap3A_366], %get3A_346 masked %and3A_364 {strides = array<i32>} : memref<160xi32, #tpu.memory_space<vmem>>, vector<16xi32>, vector<16xi1>
        %all_reduce_population_count3A = tpu.all_reduce %and3A_364 {dim = 0 : i64, kind = #tpu.reduction_kind<sum>} : vector<16xi1> -> vector<16xi32>
        %slice3A = vector.extract_strided_slice %all_reduce_population_count3A {offsets = [0], sizes = [1], strides = [1]} : vector<16xi32> to vector<1xi32>
        %squeeze3A = vector.extract %slice3A[0] : i32 from vector<1xi32>
        %add3A_368 = arith.addi %while3A_339, %squeeze3A : i32
        scf.yield %add3A_368 : i32
      }
      %while3A_316 = arith.constant 0 : i32
      %while3A_317 = arith.constant 0 : i32
      %while3A_318 = arith.subi %while3A_315, %while3A_317 : i32
      %while3A_319 = arith.addi %while3A_317, %while3A_318 : i32
      %while3A_320 = arith.constant 1 : i32
      %while3A_321 = arith.divsi %while3A_318, %while3A_320 : i32
      %while3A_322 = arith.muli %while3A_321, %while3A_320 : i32
      %while3A_323 = arith.addi %while3A_317, %while3A_322 : i32
      %while3A_324 = arith.constant 1 : i32
      scf.for %while3A_338 = %while3A_317 to %while3A_323 step %while3A_324  : i32 {
        %rem3A_339 = arith.constant 8 : i32
        %rem3A_340 = arith.remsi %while3A_338, %rem3A_339 : i32
        %get3A = arith.index_cast %while3A_338 : i32 to index
        %get3A_341 = tpu.vector_load %arg16[%get3A] {strides = array<i32>} : memref<160xi32, #tpu.memory_space<vmem>>, vector<16xi32>,
        %slice3A = vector.extract_strided_slice %get3A_341 {offsets = [0], sizes = [1], strides = [1]} : vector<16xi32> to vector<1xi32>
        %squeeze3A = vector.extract %slice3A[0] : i32 from vector<1xi32>
        %get3A_342 = arith.index_cast %while3A_338 : i32 to index
        %get3A_343 = tpu.vector_load %arg17[%get3A_342] {strides = array<i32>} : memref<160xi32, #tpu.memory_space<vmem>>, vector<16xi32>,
        %slice3A_344 = vector.extract_strided_slice %get3A_343 {offsets = [0], sizes = [1], strides = [1]} : vector<16xi32> to vector<1xi32>
        %squeeze3A_345 = vector.extract %slice3A_344[0] : i32 from vector<1xi32>
        %broadcast_in_dim3A = arith.constant 0 : i32
        %broadcast_in_dim3A_346 = vector.broadcast %broadcast_in_dim3A : i32 to vector<16xi32>
        %add3A_347 = vector.broadcast %squeeze3A : i32 to vector<16xi32>
        %add3A_348 = arith.addi %broadcast_in_dim3A_346, %add3A_347 : vector<16xi32>
        %broadcast_in_dim3A_349 = arith.constant 0 : i32
        %broadcast_in_dim3A_350 = vector.broadcast %broadcast_in_dim3A_349 : i32 to vector<16xi32>
        %add3A_351 = vector.broadcast %rem3A_340 : i32 to vector<16xi32>
        %add3A_352 = arith.addi %broadcast_in_dim3A_350, %add3A_351 : vector<16xi32>
        %ge3A = arith.constant 8 : i32
        %ge3A_353 = arith.cmpi sge, %while3A_338, %ge3A : i32
        %convert_element_type3A = arith.extui %ge3A_353 : i1 to i32
        %cond3A = arith.constant 0 : i32
        %cond3A_354 = arith.cmpi ne, %convert_element_type3A, %cond3A : i32
        scf.if %cond3A_354 {
          %dma_wait3A_394 = arith.constant 0 : i32
          %dma_wait3A_395 = arith.constant 0 : i32
          %dma_wait3A_396 = tpu.memref_slice %arg24[%rem3A_340, %dma_wait3A_395] : memref<8x32xf32, #tpu.memory_space<vmem>> -> memref<1x32xf32, #tpu.memory_space<vmem>>
          %dma_wait3A_397 = tpu.memref_squeeze %dma_wait3A_396 : memref<1x32xf32, #tpu.memory_space<vmem>> -> memref<32xf32, #tpu.memory_space<vmem>>
          %dma_wait3A_398 = arith.constant 32 : i32
          %dma_wait3A_399 = tpu.memref_slice %arg12[%dma_wait3A_394, %dma_wait3A_398] : memref<16384x128xf32, #tpu.memory_space<hbm>> -> memref<1x32xf32, #tpu.memory_space<hbm>>
          %dma_wait3A_400 = tpu.memref_squeeze %dma_wait3A_399 : memref<1x32xf32, #tpu.memory_space<hbm>> -> memref<32xf32, #tpu.memory_space<hbm>>
          %dma_wait3A_401 = arith.constant 32 : i32
          %dma_wait3A_402 = tpu.memref_slice %arg12[%dma_wait3A_394, %dma_wait3A_401] : memref<16384x128xf32, #tpu.memory_space<hbm>> -> memref<1x32xf32, #tpu.memory_space<hbm>>
          %dma_wait3A_403 = tpu.memref_squeeze %dma_wait3A_402 : memref<1x32xf32, #tpu.memory_space<hbm>> -> memref<32xf32, #tpu.memory_space<hbm>>
          %dma_wait3A_404 = arith.constant 0 : i32
          %dma_wait3A_405 = tpu.memref_slice %arg24[%rem3A_340, %dma_wait3A_404] : memref<8x32xf32, #tpu.memory_space<vmem>> -> memref<1x32xf32, #tpu.memory_space<vmem>>
          %dma_wait3A_406 = tpu.memref_squeeze %dma_wait3A_405 : memref<1x32xf32, #tpu.memory_space<vmem>> -> memref<32xf32, #tpu.memory_space<vmem>>
          tpu.wait_dma2 semaphore(%arg26 : memref<!tpu.dma_semaphore, #tpu.memory_space<semaphore_mem>>) src(%dma_wait3A_406 : memref<32xf32, #tpu.memory_space<vmem>>) dst(%dma_wait3A_403 : memref<32xf32, #tpu.memory_space<hbm>>)
          %dma_wait3A_407 = arith.constant 0 : i32
          %dma_wait3A_408 = arith.constant 0 : i32
          %dma_wait3A_409 = tpu.memref_slice %arg25[%rem3A_340, %dma_wait3A_408] : memref<8x32xf32, #tpu.memory_space<vmem>> -> memref<1x32xf32, #tpu.memory_space<vmem>>
          %dma_wait3A_410 = tpu.memref_squeeze %dma_wait3A_409 : memref<1x32xf32, #tpu.memory_space<vmem>> -> memref<32xf32, #tpu.memory_space<vmem>>
          %dma_wait3A_411 = arith.constant 96 : i32
          %dma_wait3A_412 = tpu.memref_slice %arg12[%dma_wait3A_407, %dma_wait3A_411] : memref<16384x128xf32, #tpu.memory_space<hbm>> -> memref<1x32xf32, #tpu.memory_space<hbm>>
          %dma_wait3A_413 = tpu.memref_squeeze %dma_wait3A_412 : memref<1x32xf32, #tpu.memory_space<hbm>> -> memref<32xf32, #tpu.memory_space<hbm>>
          %dma_wait3A_414 = arith.constant 96 : i32
          %dma_wait3A_415 = tpu.memref_slice %arg12[%dma_wait3A_407, %dma_wait3A_414] : memref<16384x128xf32, #tpu.memory_space<hbm>> -> memref<1x32xf32, #tpu.memory_space<hbm>>
          %dma_wait3A_416 = tpu.memref_squeeze %dma_wait3A_415 : memref<1x32xf32, #tpu.memory_space<hbm>> -> memref<32xf32, #tpu.memory_space<hbm>>
          %dma_wait3A_417 = arith.constant 0 : i32
          %dma_wait3A_418 = tpu.memref_slice %arg25[%rem3A_340, %dma_wait3A_417] : memref<8x32xf32, #tpu.memory_space<vmem>> -> memref<1x32xf32, #tpu.memory_space<vmem>>
          %dma_wait3A_419 = tpu.memref_squeeze %dma_wait3A_418 : memref<1x32xf32, #tpu.memory_space<vmem>> -> memref<32xf32, #tpu.memory_space<vmem>>
          tpu.wait_dma2 semaphore(%arg26 : memref<!tpu.dma_semaphore, #tpu.memory_space<semaphore_mem>>) src(%dma_wait3A_419 : memref<32xf32, #tpu.memory_space<vmem>>) dst(%dma_wait3A_416 : memref<32xf32, #tpu.memory_space<hbm>>)
        } else {
        }
        %gather3A = tpu.vector_load_idx %arg20[%iota3A, %add3A_348] : memref<32x768xf32, #tpu.memory_space<vmem>>[vector<16xi32>, vector<16xi32>], vector<16xf32>,
        tpu.vector_store_idx %arg24[%add3A_352, %iota3A], %gather3A : memref<8x32xf32, #tpu.memory_space<vmem>>[vector<16xi32>, vector<16xi32>], vector<16xf32>,
        %add3A_355 = arith.constant 16 : i32
        %add3A_356 = vector.broadcast %add3A_355 : i32 to vector<16xi32>
        %add3A_357 = arith.addi %iota3A, %add3A_356 : vector<16xi32>
        %add3A_358 = arith.constant 16 : i32
        %add3A_359 = vector.broadcast %add3A_358 : i32 to vector<16xi32>
        %add3A_360 = arith.addi %iota3A, %add3A_359 : vector<16xi32>
        %gather3A_361 = tpu.vector_load_idx %arg20[%add3A_360, %add3A_348] : memref<32x768xf32, #tpu.memory_space<vmem>>[vector<16xi32>, vector<16xi32>], vector<16xf32>,
        tpu.vector_store_idx %arg24[%add3A_352, %add3A_357], %gather3A_361 : memref<8x32xf32, #tpu.memory_space<vmem>>[vector<16xi32>, vector<16xi32>], vector<16xf32>,
        %gather3A_362 = tpu.vector_load_idx %arg21[%iota3A, %add3A_348] : memref<32x768xf32, #tpu.memory_space<vmem>>[vector<16xi32>, vector<16xi32>], vector<16xf32>,
        tpu.vector_store_idx %arg25[%add3A_352, %iota3A], %gather3A_362 : memref<8x32xf32, #tpu.memory_space<vmem>>[vector<16xi32>, vector<16xi32>], vector<16xf32>,
        %add3A_363 = arith.constant 16 : i32
        %add3A_364 = vector.broadcast %add3A_363 : i32 to vector<16xi32>
        %add3A_365 = arith.addi %iota3A, %add3A_364 : vector<16xi32>
        %add3A_366 = arith.constant 16 : i32
        %add3A_367 = vector.broadcast %add3A_366 : i32 to vector<16xi32>
        %add3A_368 = arith.addi %iota3A, %add3A_367 : vector<16xi32>
        %gather3A_369 = tpu.vector_load_idx %arg21[%add3A_368, %add3A_348] : memref<32x768xf32, #tpu.memory_space<vmem>>[vector<16xi32>, vector<16xi32>], vector<16xf32>,
        tpu.vector_store_idx %arg25[%add3A_352, %add3A_365], %gather3A_369 : memref<8x32xf32, #tpu.memory_space<vmem>>[vector<16xi32>, vector<16xi32>], vector<16xf32>,
        %dma_start3A_370 = arith.constant 0 : i32
        %dma_start3A_371 = tpu.memref_slice %arg24[%rem3A_340, %dma_start3A_370] : memref<8x32xf32, #tpu.memory_space<vmem>> -> memref<1x32xf32, #tpu.memory_space<vmem>>
        %dma_start3A_372 = tpu.memref_squeeze %dma_start3A_371 : memref<1x32xf32, #tpu.memory_space<vmem>> -> memref<32xf32, #tpu.memory_space<vmem>>
        %dma_start3A_373 = arith.constant 32 : i32
        %dma_start3A_374 = tpu.memref_slice %arg12[%squeeze3A_345, %dma_start3A_373] : memref<16384x128xf32, #tpu.memory_space<hbm>> -> memref<1x32xf32, #tpu.memory_space<hbm>>
        %dma_start3A_375 = tpu.memref_squeeze %dma_start3A_374 : memref<1x32xf32, #tpu.memory_space<hbm>> -> memref<32xf32, #tpu.memory_space<hbm>>
        %dma_start3A_376 = arith.constant 32 : i32
        %dma_start3A_377 = tpu.memref_slice %arg12[%squeeze3A_345, %dma_start3A_376] : memref<16384x128xf32, #tpu.memory_space<hbm>> -> memref<1x32xf32, #tpu.memory_space<hbm>>
        %dma_start3A_378 = tpu.memref_squeeze %dma_start3A_377 : memref<1x32xf32, #tpu.memory_space<hbm>> -> memref<32xf32, #tpu.memory_space<hbm>>
        %dma_start3A_379 = arith.constant 0 : i32
        %dma_start3A_380 = tpu.memref_slice %arg24[%rem3A_340, %dma_start3A_379] : memref<8x32xf32, #tpu.memory_space<vmem>> -> memref<1x32xf32, #tpu.memory_space<vmem>>
        %dma_start3A_381 = tpu.memref_squeeze %dma_start3A_380 : memref<1x32xf32, #tpu.memory_space<vmem>> -> memref<32xf32, #tpu.memory_space<vmem>>
        tpu.enqueue_dma source(%dma_start3A_381 : memref<32xf32, #tpu.memory_space<vmem>>) target(%dma_start3A_378 : memref<32xf32, #tpu.memory_space<hbm>>) target_semaphore(%arg26 : memref<!tpu.dma_semaphore, #tpu.memory_space<semaphore_mem>>)
        %dma_start3A_382 = arith.constant 0 : i32
        %dma_start3A_383 = tpu.memref_slice %arg25[%rem3A_340, %dma_start3A_382] : memref<8x32xf32, #tpu.memory_space<vmem>> -> memref<1x32xf32, #tpu.memory_space<vmem>>
        %dma_start3A_384 = tpu.memref_squeeze %dma_start3A_383 : memref<1x32xf32, #tpu.memory_space<vmem>> -> memref<32xf32, #tpu.memory_space<vmem>>
        %dma_start3A_385 = arith.constant 96 : i32
        %dma_start3A_386 = tpu.memref_slice %arg12[%squeeze3A_345, %dma_start3A_385] : memref<16384x128xf32, #tpu.memory_space<hbm>> -> memref<1x32xf32, #tpu.memory_space<hbm>>
        %dma_start3A_387 = tpu.memref_squeeze %dma_start3A_386 : memref<1x32xf32, #tpu.memory_space<hbm>> -> memref<32xf32, #tpu.memory_space<hbm>>
        %dma_start3A_388 = arith.constant 96 : i32
        %dma_start3A_389 = tpu.memref_slice %arg12[%squeeze3A_345, %dma_start3A_388] : memref<16384x128xf32, #tpu.memory_space<hbm>> -> memref<1x32xf32, #tpu.memory_space<hbm>>
        %dma_start3A_390 = tpu.memref_squeeze %dma_start3A_389 : memref<1x32xf32, #tpu.memory_space<hbm>> -> memref<32xf32, #tpu.memory_space<hbm>>
        %dma_start3A_391 = arith.constant 0 : i32
        %dma_start3A_392 = tpu.memref_slice %arg25[%rem3A_340, %dma_start3A_391] : memref<8x32xf32, #tpu.memory_space<vmem>> -> memref<1x32xf32, #tpu.memory_space<vmem>>
        %dma_start3A_393 = tpu.memref_squeeze %dma_start3A_392 : memref<1x32xf32, #tpu.memory_space<vmem>> -> memref<32xf32, #tpu.memory_space<vmem>>
        tpu.enqueue_dma source(%dma_start3A_393 : memref<32xf32, #tpu.memory_space<vmem>>) target(%dma_start3A_390 : memref<32xf32, #tpu.memory_space<hbm>>) target_semaphore(%arg26 : memref<!tpu.dma_semaphore, #tpu.memory_space<semaphore_mem>>)
      }
      %while3A_325 = arith.constant 1 : i32
      scf.for %while3A_338 = %while3A_323 to %while3A_319 step %while3A_325  : i32 {
        %rem3A_339 = arith.constant 8 : i32
        %rem3A_340 = arith.remsi %while3A_338, %rem3A_339 : i32
        %get3A = arith.index_cast %while3A_338 : i32 to index
        %get3A_341 = tpu.vector_load %arg16[%get3A] {strides = array<i32>} : memref<160xi32, #tpu.memory_space<vmem>>, vector<16xi32>,
        %slice3A = vector.extract_strided_slice %get3A_341 {offsets = [0], sizes = [1], strides = [1]} : vector<16xi32> to vector<1xi32>
        %squeeze3A = vector.extract %slice3A[0] : i32 from vector<1xi32>
        %get3A_342 = arith.index_cast %while3A_338 : i32 to index
        %get3A_343 = tpu.vector_load %arg17[%get3A_342] {strides = array<i32>} : memref<160xi32, #tpu.memory_space<vmem>>, vector<16xi32>,
        %slice3A_344 = vector.extract_strided_slice %get3A_343 {offsets = [0], sizes = [1], strides = [1]} : vector<16xi32> to vector<1xi32>
        %squeeze3A_345 = vector.extract %slice3A_344[0] : i32 from vector<1xi32>
        %broadcast_in_dim3A = arith.constant 0 : i32
        %broadcast_in_dim3A_346 = vector.broadcast %broadcast_in_dim3A : i32 to vector<16xi32>
        %add3A_347 = vector.broadcast %squeeze3A : i32 to vector<16xi32>
        %add3A_348 = arith.addi %broadcast_in_dim3A_346, %add3A_347 : vector<16xi32>
        %broadcast_in_dim3A_349 = arith.constant 0 : i32
        %broadcast_in_dim3A_350 = vector.broadcast %broadcast_in_dim3A_349 : i32 to vector<16xi32>
        %add3A_351 = vector.broadcast %rem3A_340 : i32 to vector<16xi32>
        %add3A_352 = arith.addi %broadcast_in_dim3A_350, %add3A_351 : vector<16xi32>
        %ge3A = arith.constant 8 : i32
        %ge3A_353 = arith.cmpi sge, %while3A_338, %ge3A : i32
        %convert_element_type3A = arith.extui %ge3A_353 : i1 to i32
        %cond3A = arith.constant 0 : i32
        %cond3A_354 = arith.cmpi ne, %convert_element_type3A, %cond3A : i32
        scf.if %cond3A_354 {
          %dma_wait3A_394 = arith.constant 0 : i32
          %dma_wait3A_395 = arith.constant 0 : i32
          %dma_wait3A_396 = tpu.memref_slice %arg24[%rem3A_340, %dma_wait3A_395] : memref<8x32xf32, #tpu.memory_space<vmem>> -> memref<1x32xf32, #tpu.memory_space<vmem>>
          %dma_wait3A_397 = tpu.memref_squeeze %dma_wait3A_396 : memref<1x32xf32, #tpu.memory_space<vmem>> -> memref<32xf32, #tpu.memory_space<vmem>>
          %dma_wait3A_398 = arith.constant 32 : i32
          %dma_wait3A_399 = tpu.memref_slice %arg12[%dma_wait3A_394, %dma_wait3A_398] : memref<16384x128xf32, #tpu.memory_space<hbm>> -> memref<1x32xf32, #tpu.memory_space<hbm>>
          %dma_wait3A_400 = tpu.memref_squeeze %dma_wait3A_399 : memref<1x32xf32, #tpu.memory_space<hbm>> -> memref<32xf32, #tpu.memory_space<hbm>>
          %dma_wait3A_401 = arith.constant 32 : i32
          %dma_wait3A_402 = tpu.memref_slice %arg12[%dma_wait3A_394, %dma_wait3A_401] : memref<16384x128xf32, #tpu.memory_space<hbm>> -> memref<1x32xf32, #tpu.memory_space<hbm>>
          %dma_wait3A_403 = tpu.memref_squeeze %dma_wait3A_402 : memref<1x32xf32, #tpu.memory_space<hbm>> -> memref<32xf32, #tpu.memory_space<hbm>>
          %dma_wait3A_404 = arith.constant 0 : i32
          %dma_wait3A_405 = tpu.memref_slice %arg24[%rem3A_340, %dma_wait3A_404] : memref<8x32xf32, #tpu.memory_space<vmem>> -> memref<1x32xf32, #tpu.memory_space<vmem>>
          %dma_wait3A_406 = tpu.memref_squeeze %dma_wait3A_405 : memref<1x32xf32, #tpu.memory_space<vmem>> -> memref<32xf32, #tpu.memory_space<vmem>>
          tpu.wait_dma2 semaphore(%arg26 : memref<!tpu.dma_semaphore, #tpu.memory_space<semaphore_mem>>) src(%dma_wait3A_406 : memref<32xf32, #tpu.memory_space<vmem>>) dst(%dma_wait3A_403 : memref<32xf32, #tpu.memory_space<hbm>>)
          %dma_wait3A_407 = arith.constant 0 : i32
          %dma_wait3A_408 = arith.constant 0 : i32
          %dma_wait3A_409 = tpu.memref_slice %arg25[%rem3A_340, %dma_wait3A_408] : memref<8x32xf32, #tpu.memory_space<vmem>> -> memref<1x32xf32, #tpu.memory_space<vmem>>
          %dma_wait3A_410 = tpu.memref_squeeze %dma_wait3A_409 : memref<1x32xf32, #tpu.memory_space<vmem>> -> memref<32xf32, #tpu.memory_space<vmem>>
          %dma_wait3A_411 = arith.constant 96 : i32
          %dma_wait3A_412 = tpu.memref_slice %arg12[%dma_wait3A_407, %dma_wait3A_411] : memref<16384x128xf32, #tpu.memory_space<hbm>> -> memref<1x32xf32, #tpu.memory_space<hbm>>
          %dma_wait3A_413 = tpu.memref_squeeze %dma_wait3A_412 : memref<1x32xf32, #tpu.memory_space<hbm>> -> memref<32xf32, #tpu.memory_space<hbm>>
          %dma_wait3A_414 = arith.constant 96 : i32
          %dma_wait3A_415 = tpu.memref_slice %arg12[%dma_wait3A_407, %dma_wait3A_414] : memref<16384x128xf32, #tpu.memory_space<hbm>> -> memref<1x32xf32, #tpu.memory_space<hbm>>
          %dma_wait3A_416 = tpu.memref_squeeze %dma_wait3A_415 : memref<1x32xf32, #tpu.memory_space<hbm>> -> memref<32xf32, #tpu.memory_space<hbm>>
          %dma_wait3A_417 = arith.constant 0 : i32
          %dma_wait3A_418 = tpu.memref_slice %arg25[%rem3A_340, %dma_wait3A_417] : memref<8x32xf32, #tpu.memory_space<vmem>> -> memref<1x32xf32, #tpu.memory_space<vmem>>
          %dma_wait3A_419 = tpu.memref_squeeze %dma_wait3A_418 : memref<1x32xf32, #tpu.memory_space<vmem>> -> memref<32xf32, #tpu.memory_space<vmem>>
          tpu.wait_dma2 semaphore(%arg26 : memref<!tpu.dma_semaphore, #tpu.memory_space<semaphore_mem>>) src(%dma_wait3A_419 : memref<32xf32, #tpu.memory_space<vmem>>) dst(%dma_wait3A_416 : memref<32xf32, #tpu.memory_space<hbm>>)
        } else {
        }
        %gather3A = tpu.vector_load_idx %arg20[%iota3A, %add3A_348] : memref<32x768xf32, #tpu.memory_space<vmem>>[vector<16xi32>, vector<16xi32>], vector<16xf32>,
        tpu.vector_store_idx %arg24[%add3A_352, %iota3A], %gather3A : memref<8x32xf32, #tpu.memory_space<vmem>>[vector<16xi32>, vector<16xi32>], vector<16xf32>,
        %add3A_355 = arith.constant 16 : i32
        %add3A_356 = vector.broadcast %add3A_355 : i32 to vector<16xi32>
        %add3A_357 = arith.addi %iota3A, %add3A_356 : vector<16xi32>
        %add3A_358 = arith.constant 16 : i32
        %add3A_359 = vector.broadcast %add3A_358 : i32 to vector<16xi32>
        %add3A_360 = arith.addi %iota3A, %add3A_359 : vector<16xi32>
        %gather3A_361 = tpu.vector_load_idx %arg20[%add3A_360, %add3A_348] : memref<32x768xf32, #tpu.memory_space<vmem>>[vector<16xi32>, vector<16xi32>], vector<16xf32>,
        tpu.vector_store_idx %arg24[%add3A_352, %add3A_357], %gather3A_361 : memref<8x32xf32, #tpu.memory_space<vmem>>[vector<16xi32>, vector<16xi32>], vector<16xf32>,
        %gather3A_362 = tpu.vector_load_idx %arg21[%iota3A, %add3A_348] : memref<32x768xf32, #tpu.memory_space<vmem>>[vector<16xi32>, vector<16xi32>], vector<16xf32>,
        tpu.vector_store_idx %arg25[%add3A_352, %iota3A], %gather3A_362 : memref<8x32xf32, #tpu.memory_space<vmem>>[vector<16xi32>, vector<16xi32>], vector<16xf32>,
        %add3A_363 = arith.constant 16 : i32
        %add3A_364 = vector.broadcast %add3A_363 : i32 to vector<16xi32>
        %add3A_365 = arith.addi %iota3A, %add3A_364 : vector<16xi32>
        %add3A_366 = arith.constant 16 : i32
        %add3A_367 = vector.broadcast %add3A_366 : i32 to vector<16xi32>
        %add3A_368 = arith.addi %iota3A, %add3A_367 : vector<16xi32>
        %gather3A_369 = tpu.vector_load_idx %arg21[%add3A_368, %add3A_348] : memref<32x768xf32, #tpu.memory_space<vmem>>[vector<16xi32>, vector<16xi32>], vector<16xf32>,
        tpu.vector_store_idx %arg25[%add3A_352, %add3A_365], %gather3A_369 : memref<8x32xf32, #tpu.memory_space<vmem>>[vector<16xi32>, vector<16xi32>], vector<16xf32>,
        %dma_start3A_370 = arith.constant 0 : i32
        %dma_start3A_371 = tpu.memref_slice %arg24[%rem3A_340, %dma_start3A_370] : memref<8x32xf32, #tpu.memory_space<vmem>> -> memref<1x32xf32, #tpu.memory_space<vmem>>
        %dma_start3A_372 = tpu.memref_squeeze %dma_start3A_371 : memref<1x32xf32, #tpu.memory_space<vmem>> -> memref<32xf32, #tpu.memory_space<vmem>>
        %dma_start3A_373 = arith.constant 32 : i32
        %dma_start3A_374 = tpu.memref_slice %arg12[%squeeze3A_345, %dma_start3A_373] : memref<16384x128xf32, #tpu.memory_space<hbm>> -> memref<1x32xf32, #tpu.memory_space<hbm>>
        %dma_start3A_375 = tpu.memref_squeeze %dma_start3A_374 : memref<1x32xf32, #tpu.memory_space<hbm>> -> memref<32xf32, #tpu.memory_space<hbm>>
        %dma_start3A_376 = arith.constant 32 : i32
        %dma_start3A_377 = tpu.memref_slice %arg12[%squeeze3A_345, %dma_start3A_376] : memref<16384x128xf32, #tpu.memory_space<hbm>> -> memref<1x32xf32, #tpu.memory_space<hbm>>
        %dma_start3A_378 = tpu.memref_squeeze %dma_start3A_377 : memref<1x32xf32, #tpu.memory_space<hbm>> -> memref<32xf32, #tpu.memory_space<hbm>>
        %dma_start3A_379 = arith.constant 0 : i32
        %dma_start3A_380 = tpu.memref_slice %arg24[%rem3A_340, %dma_start3A_379] : memref<8x32xf32, #tpu.memory_space<vmem>> -> memref<1x32xf32, #tpu.memory_space<vmem>>
        %dma_start3A_381 = tpu.memref_squeeze %dma_start3A_380 : memref<1x32xf32, #tpu.memory_space<vmem>> -> memref<32xf32, #tpu.memory_space<vmem>>
        tpu.enqueue_dma source(%dma_start3A_381 : memref<32xf32, #tpu.memory_space<vmem>>) target(%dma_start3A_378 : memref<32xf32, #tpu.memory_space<hbm>>) target_semaphore(%arg26 : memref<!tpu.dma_semaphore, #tpu.memory_space<semaphore_mem>>)
        %dma_start3A_382 = arith.constant 0 : i32
        %dma_start3A_383 = tpu.memref_slice %arg25[%rem3A_340, %dma_start3A_382] : memref<8x32xf32, #tpu.memory_space<vmem>> -> memref<1x32xf32, #tpu.memory_space<vmem>>
        %dma_start3A_384 = tpu.memref_squeeze %dma_start3A_383 : memref<1x32xf32, #tpu.memory_space<vmem>> -> memref<32xf32, #tpu.memory_space<vmem>>
        %dma_start3A_385 = arith.constant 96 : i32
        %dma_start3A_386 = tpu.memref_slice %arg12[%squeeze3A_345, %dma_start3A_385] : memref<16384x128xf32, #tpu.memory_space<hbm>> -> memref<1x32xf32, #tpu.memory_space<hbm>>
        %dma_start3A_387 = tpu.memref_squeeze %dma_start3A_386 : memref<1x32xf32, #tpu.memory_space<hbm>> -> memref<32xf32, #tpu.memory_space<hbm>>
        %dma_start3A_388 = arith.constant 96 : i32
        %dma_start3A_389 = tpu.memref_slice %arg12[%squeeze3A_345, %dma_start3A_388] : memref<16384x128xf32, #tpu.memory_space<hbm>> -> memref<1x32xf32, #tpu.memory_space<hbm>>
        %dma_start3A_390 = tpu.memref_squeeze %dma_start3A_389 : memref<1x32xf32, #tpu.memory_space<hbm>> -> memref<32xf32, #tpu.memory_space<hbm>>
        %dma_start3A_391 = arith.constant 0 : i32
        %dma_start3A_392 = tpu.memref_slice %arg25[%rem3A_340, %dma_start3A_391] : memref<8x32xf32, #tpu.memory_space<vmem>> -> memref<1x32xf32, #tpu.memory_space<vmem>>
        %dma_start3A_393 = tpu.memref_squeeze %dma_start3A_392 : memref<1x32xf32, #tpu.memory_space<vmem>> -> memref<32xf32, #tpu.memory_space<vmem>>
        tpu.enqueue_dma source(%dma_start3A_393 : memref<32xf32, #tpu.memory_space<vmem>>) target(%dma_start3A_390 : memref<32xf32, #tpu.memory_space<hbm>>) target_semaphore(%arg26 : memref<!tpu.dma_semaphore, #tpu.memory_space<semaphore_mem>>)
      }
      %min3A_326 = arith.constant 8 : i32
      %min3A_327 = arith.minsi %while3A_315, %min3A_326 : i32
      %while3A_328 = arith.constant 0 : i32
      %while3A_329 = arith.constant 0 : i32
      %while3A_330 = arith.subi %min3A_327, %while3A_329 : i32
      %while3A_331 = arith.addi %while3A_329, %while3A_330 : i32
      %while3A_332 = arith.constant 1 : i32
      %while3A_333 = arith.divsi %while3A_330, %while3A_332 : i32
      %while3A_334 = arith.muli %while3A_333, %while3A_332 : i32
      %while3A_335 = arith.addi %while3A_329, %while3A_334 : i32
      %while3A_336 = arith.constant 1 : i32
      scf.for %while3A_338 = %while3A_329 to %while3A_335 step %while3A_336  : i32 {
        %dma_wait3A_339 = arith.constant 0 : i32
        %dma_wait3A_340 = arith.constant 0 : i32
        %dma_wait3A_341 = arith.constant 0 : i32
        %dma_wait3A_342 = tpu.memref_slice %arg24[%dma_wait3A_339, %dma_wait3A_341] : memref<8x32xf32, #tpu.memory_space<vmem>> -> memref<1x32xf32, #tpu.memory_space<vmem>>
        %dma_wait3A_343 = tpu.memref_squeeze %dma_wait3A_342 : memref<1x32xf32, #tpu.memory_space<vmem>> -> memref<32xf32, #tpu.memory_space<vmem>>
        %dma_wait3A_344 = arith.constant 32 : i32
        %dma_wait3A_345 = tpu.memref_slice %arg12[%dma_wait3A_340, %dma_wait3A_344] : memref<16384x128xf32, #tpu.memory_space<hbm>> -> memref<1x32xf32, #tpu.memory_space<hbm>>
        %dma_wait3A_346 = tpu.memref_squeeze %dma_wait3A_345 : memref<1x32xf32, #tpu.memory_space<hbm>> -> memref<32xf32, #tpu.memory_space<hbm>>
        %dma_wait3A_347 = arith.constant 32 : i32
        %dma_wait3A_348 = tpu.memref_slice %arg12[%dma_wait3A_340, %dma_wait3A_347] : memref<16384x128xf32, #tpu.memory_space<hbm>> -> memref<1x32xf32, #tpu.memory_space<hbm>>
        %dma_wait3A_349 = tpu.memref_squeeze %dma_wait3A_348 : memref<1x32xf32, #tpu.memory_space<hbm>> -> memref<32xf32, #tpu.memory_space<hbm>>
        %dma_wait3A_350 = arith.constant 0 : i32
        %dma_wait3A_351 = tpu.memref_slice %arg24[%dma_wait3A_339, %dma_wait3A_350] : memref<8x32xf32, #tpu.memory_space<vmem>> -> memref<1x32xf32, #tpu.memory_space<vmem>>
        %dma_wait3A_352 = tpu.memref_squeeze %dma_wait3A_351 : memref<1x32xf32, #tpu.memory_space<vmem>> -> memref<32xf32, #tpu.memory_space<vmem>>
        tpu.wait_dma2 semaphore(%arg26 : memref<!tpu.dma_semaphore, #tpu.memory_space<semaphore_mem>>) src(%dma_wait3A_352 : memref<32xf32, #tpu.memory_space<vmem>>) dst(%dma_wait3A_349 : memref<32xf32, #tpu.memory_space<hbm>>)
        %dma_wait3A_353 = arith.constant 0 : i32
        %dma_wait3A_354 = arith.constant 0 : i32
        %dma_wait3A_355 = arith.constant 0 : i32
        %dma_wait3A_356 = tpu.memref_slice %arg25[%dma_wait3A_353, %dma_wait3A_355] : memref<8x32xf32, #tpu.memory_space<vmem>> -> memref<1x32xf32, #tpu.memory_space<vmem>>
        %dma_wait3A_357 = tpu.memref_squeeze %dma_wait3A_356 : memref<1x32xf32, #tpu.memory_space<vmem>> -> memref<32xf32, #tpu.memory_space<vmem>>
        %dma_wait3A_358 = arith.constant 96 : i32
        %dma_wait3A_359 = tpu.memref_slice %arg12[%dma_wait3A_354, %dma_wait3A_358] : memref<16384x128xf32, #tpu.memory_space<hbm>> -> memref<1x32xf32, #tpu.memory_space<hbm>>
        %dma_wait3A_360 = tpu.memref_squeeze %dma_wait3A_359 : memref<1x32xf32, #tpu.memory_space<hbm>> -> memref<32xf32, #tpu.memory_space<hbm>>
        %dma_wait3A_361 = arith.constant 96 : i32
        %dma_wait3A_362 = tpu.memref_slice %arg12[%dma_wait3A_354, %dma_wait3A_361] : memref<16384x128xf32, #tpu.memory_space<hbm>> -> memref<1x32xf32, #tpu.memory_space<hbm>>
        %dma_wait3A_363 = tpu.memref_squeeze %dma_wait3A_362 : memref<1x32xf32, #tpu.memory_space<hbm>> -> memref<32xf32, #tpu.memory_space<hbm>>
        %dma_wait3A_364 = arith.constant 0 : i32
        %dma_wait3A_365 = tpu.memref_slice %arg25[%dma_wait3A_353, %dma_wait3A_364] : memref<8x32xf32, #tpu.memory_space<vmem>> -> memref<1x32xf32, #tpu.memory_space<vmem>>
        %dma_wait3A_366 = tpu.memref_squeeze %dma_wait3A_365 : memref<1x32xf32, #tpu.memory_space<vmem>> -> memref<32xf32, #tpu.memory_space<vmem>>
        tpu.wait_dma2 semaphore(%arg26 : memref<!tpu.dma_semaphore, #tpu.memory_space<semaphore_mem>>) src(%dma_wait3A_366 : memref<32xf32, #tpu.memory_space<vmem>>) dst(%dma_wait3A_363 : memref<32xf32, #tpu.memory_space<hbm>>)
      }
      %while3A_337 = arith.constant 1 : i32
      scf.for %while3A_338 = %while3A_335 to %while3A_331 step %while3A_337  : i32 {
        %dma_wait3A_339 = arith.constant 0 : i32
        %dma_wait3A_340 = arith.constant 0 : i32
        %dma_wait3A_341 = arith.constant 0 : i32
        %dma_wait3A_342 = tpu.memref_slice %arg24[%dma_wait3A_339, %dma_wait3A_341] : memref<8x32xf32, #tpu.memory_space<vmem>> -> memref<1x32xf32, #tpu.memory_space<vmem>>
        %dma_wait3A_343 = tpu.memref_squeeze %dma_wait3A_342 : memref<1x32xf32, #tpu.memory_space<vmem>> -> memref<32xf32, #tpu.memory_space<vmem>>
        %dma_wait3A_344 = arith.constant 32 : i32
        %dma_wait3A_345 = tpu.memref_slice %arg12[%dma_wait3A_340, %dma_wait3A_344] : memref<16384x128xf32, #tpu.memory_space<hbm>> -> memref<1x32xf32, #tpu.memory_space<hbm>>
        %dma_wait3A_346 = tpu.memref_squeeze %dma_wait3A_345 : memref<1x32xf32, #tpu.memory_space<hbm>> -> memref<32xf32, #tpu.memory_space<hbm>>
        %dma_wait3A_347 = arith.constant 32 : i32
        %dma_wait3A_348 = tpu.memref_slice %arg12[%dma_wait3A_340, %dma_wait3A_347] : memref<16384x128xf32, #tpu.memory_space<hbm>> -> memref<1x32xf32, #tpu.memory_space<hbm>>
        %dma_wait3A_349 = tpu.memref_squeeze %dma_wait3A_348 : memref<1x32xf32, #tpu.memory_space<hbm>> -> memref<32xf32, #tpu.memory_space<hbm>>
        %dma_wait3A_350 = arith.constant 0 : i32
        %dma_wait3A_351 = tpu.memref_slice %arg24[%dma_wait3A_339, %dma_wait3A_350] : memref<8x32xf32, #tpu.memory_space<vmem>> -> memref<1x32xf32, #tpu.memory_space<vmem>>
        %dma_wait3A_352 = tpu.memref_squeeze %dma_wait3A_351 : memref<1x32xf32, #tpu.memory_space<vmem>> -> memref<32xf32, #tpu.memory_space<vmem>>
        tpu.wait_dma2 semaphore(%arg26 : memref<!tpu.dma_semaphore, #tpu.memory_space<semaphore_mem>>) src(%dma_wait3A_352 : memref<32xf32, #tpu.memory_space<vmem>>) dst(%dma_wait3A_349 : memref<32xf32, #tpu.memory_space<hbm>>)
        %dma_wait3A_353 = arith.constant 0 : i32
        %dma_wait3A_354 = arith.constant 0 : i32
        %dma_wait3A_355 = arith.constant 0 : i32
        %dma_wait3A_356 = tpu.memref_slice %arg25[%dma_wait3A_353, %dma_wait3A_355] : memref<8x32xf32, #tpu.memory_space<vmem>> -> memref<1x32xf32, #tpu.memory_space<vmem>>
        %dma_wait3A_357 = tpu.memref_squeeze %dma_wait3A_356 : memref<1x32xf32, #tpu.memory_space<vmem>> -> memref<32xf32, #tpu.memory_space<vmem>>
        %dma_wait3A_358 = arith.constant 96 : i32
        %dma_wait3A_359 = tpu.memref_slice %arg12[%dma_wait3A_354, %dma_wait3A_358] : memref<16384x128xf32, #tpu.memory_space<hbm>> -> memref<1x32xf32, #tpu.memory_space<hbm>>
        %dma_wait3A_360 = tpu.memref_squeeze %dma_wait3A_359 : memref<1x32xf32, #tpu.memory_space<hbm>> -> memref<32xf32, #tpu.memory_space<hbm>>
        %dma_wait3A_361 = arith.constant 96 : i32
        %dma_wait3A_362 = tpu.memref_slice %arg12[%dma_wait3A_354, %dma_wait3A_361] : memref<16384x128xf32, #tpu.memory_space<hbm>> -> memref<1x32xf32, #tpu.memory_space<hbm>>
        %dma_wait3A_363 = tpu.memref_squeeze %dma_wait3A_362 : memref<1x32xf32, #tpu.memory_space<hbm>> -> memref<32xf32, #tpu.memory_space<hbm>>
        %dma_wait3A_364 = arith.constant 0 : i32
        %dma_wait3A_365 = tpu.memref_slice %arg25[%dma_wait3A_353, %dma_wait3A_364] : memref<8x32xf32, #tpu.memory_space<vmem>> -> memref<1x32xf32, #tpu.memory_space<vmem>>
        %dma_wait3A_366 = tpu.memref_squeeze %dma_wait3A_365 : memref<1x32xf32, #tpu.memory_space<vmem>> -> memref<32xf32, #tpu.memory_space<vmem>>
        tpu.wait_dma2 semaphore(%arg26 : memref<!tpu.dma_semaphore, #tpu.memory_space<semaphore_mem>>) src(%dma_wait3A_366 : memref<32xf32, #tpu.memory_space<vmem>>) dst(%dma_wait3A_363 : memref<32xf32, #tpu.memory_space<hbm>>)
      }
    }
    %scan3A_156 = arith.constant 21 : i32
    %multiple_of3A_157 = arith.constant 0 : i32
    %multiple_of3A_158 = tpu.assume_multiple %multiple_of3A_157, 128 : i32
    %dma_wait3A_159 = arith.constant 0 : i32
    %dma_wait3A_160 = tpu.memref_slice %arg5[%dma_wait3A_159, %multiple_of3A_158] : memref<32x1000000xf32, #tpu.memory_space<hbm>> -> memref<32x768xf32, #tpu.memory_space<hbm>>
    %dma_wait3A_161 = arith.constant 0 : i32
    %dma_wait3A_162 = tpu.memref_slice %arg5[%dma_wait3A_161, %multiple_of3A_158] : memref<32x1000000xf32, #tpu.memory_space<hbm>> -> memref<32x768xf32, #tpu.memory_space<hbm>>
    tpu.wait_dma2 semaphore(%arg27 : memref<!tpu.dma_semaphore, #tpu.memory_space<semaphore_mem>>) src(%dma_wait3A_162 : memref<32x768xf32, #tpu.memory_space<hbm>>) dst(%arg18 : memref<32x768xf32, #tpu.memory_space<vmem>>)
    %dma_wait3A_163 = arith.constant 0 : i32
    %dma_wait3A_164 = tpu.memref_slice %arg7[%dma_wait3A_163, %multiple_of3A_158] : memref<32x1000000xf32, #tpu.memory_space<hbm>> -> memref<32x768xf32, #tpu.memory_space<hbm>>
    %dma_wait3A_165 = arith.constant 0 : i32
    %dma_wait3A_166 = tpu.memref_slice %arg7[%dma_wait3A_165, %multiple_of3A_158] : memref<32x1000000xf32, #tpu.memory_space<hbm>> -> memref<32x768xf32, #tpu.memory_space<hbm>>
    tpu.wait_dma2 semaphore(%arg27 : memref<!tpu.dma_semaphore, #tpu.memory_space<semaphore_mem>>) src(%dma_wait3A_166 : memref<32x768xf32, #tpu.memory_space<hbm>>) dst(%arg19 : memref<32x768xf32, #tpu.memory_space<vmem>>)
    "tpu.region"() ({
      %run_scoped3A = tpu.sem_alloc : memref<!tpu.dma_semaphore, #tpu.memory_space<semaphore_mem>>
      tpu.enqueue_dma source(%arg9 : memref<32x64xf32, #tpu.memory_space<hbm>>) target(%arg22 : memref<32x64xf32, #tpu.memory_space<vmem>>) target_semaphore(%run_scoped3A : memref<!tpu.dma_semaphore, #tpu.memory_space<semaphore_mem>>)
      tpu.wait_dma2 semaphore(%run_scoped3A : memref<!tpu.dma_semaphore, #tpu.memory_space<semaphore_mem>>) src(%arg9 : memref<32x64xf32, #tpu.memory_space<hbm>>) dst(%arg22 : memref<32x64xf32, #tpu.memory_space<vmem>>)
      tpu.yield
    }) : () -> ()
    "tpu.region"() ({
      %run_scoped3A = tpu.sem_alloc : memref<!tpu.dma_semaphore, #tpu.memory_space<semaphore_mem>>
      tpu.enqueue_dma source(%arg11 : memref<32x64xf32, #tpu.memory_space<hbm>>) target(%arg23 : memref<32x64xf32, #tpu.memory_space<vmem>>) target_semaphore(%run_scoped3A : memref<!tpu.dma_semaphore, #tpu.memory_space<semaphore_mem>>)
      tpu.wait_dma2 semaphore(%run_scoped3A : memref<!tpu.dma_semaphore, #tpu.memory_space<semaphore_mem>>) src(%arg11 : memref<32x64xf32, #tpu.memory_space<hbm>>) dst(%arg23 : memref<32x64xf32, #tpu.memory_space<vmem>>)
      tpu.yield
    }) : () -> ()
    %while3A_167 = arith.constant 0 : i32
    %while3A_168 = arith.constant 0 : i32
    %while3A_169 = arith.subi %select_n3A_150, %while3A_167 : i32
    %while3A_170 = arith.addi %while3A_167, %while3A_169 : i32
    %while3A_171 = arith.constant 1 : i32
    %while3A_172 = arith.divsi %while3A_169, %while3A_171 : i32
    %while3A_173 = arith.muli %while3A_172, %while3A_171 : i32
    %while3A_174 = arith.addi %while3A_167, %while3A_173 : i32
    %while3A_175 = arith.constant 1 : i32
    %while3A_176 = scf.for %while3A_201 = %while3A_167 to %while3A_174 step %while3A_175 iter_args(%while3A_202 = %while3A_168) -> (i32)  : i32 {
      %mul3A_203 = arith.constant 16 : i32
      %mul3A_204 = arith.muli %while3A_201, %mul3A_203 : i32
      %get3A = arith.index_cast %mul3A_204 : i32 to index
      %get3A_205 = tpu.vector_load %arg14[%get3A] {strides = array<i32>} : memref<2080xi32, #tpu.memory_space<vmem>>, vector<16xi32>,
      %mul3A_206 = arith.constant 16 : i32
      %mul3A_207 = arith.muli %while3A_201, %mul3A_206 : i32
      %get3A_208 = arith.index_cast %mul3A_207 : i32 to index
      %get3A_209 = tpu.vector_load %arg15[%get3A_208] {strides = array<i32>} : memref<2080xi32, #tpu.memory_space<vmem>>, vector<16xi32>,
      %sub3A_210 = arith.constant 999936 : i32
      %sub3A_211 = vector.broadcast %sub3A_210 : i32 to vector<16xi32>
      %sub3A_212 = arith.subi %get3A_205, %sub3A_211 : vector<16xi32>
      %ge3A = arith.constant 0 : i32
      %ge3A_213 = vector.broadcast %ge3A : i32 to vector<16xi32>
      %ge3A_214 = arith.cmpi sge, %sub3A_212, %ge3A_213 : vector<16xi32>
      %mul3A_215 = arith.constant 16 : i32
      %mul3A_216 = arith.muli %while3A_201, %mul3A_215 : i32
      %add3A_217 = vector.broadcast %mul3A_216 : i32 to vector<16xi32>
      %add3A_218 = arith.addi %add3A_217, %iota3A : vector<16xi32>
      %lt3A = vector.broadcast %scan3A_123 : i32 to vector<16xi32>
      %lt3A_219 = arith.cmpi slt, %add3A_218, %lt3A : vector<16xi32>
      %and3A_220 = arith.andi %ge3A_214, %lt3A_219 : vector<16xi1>
      %swap3A = arith.index_cast %while3A_202 : i32 to index
      %swap3A_221 = tpu.vector_load %arg16[%swap3A] masked %and3A_220 {strides = array<i32>} : memref<160xi32, #tpu.memory_space<vmem>>, vector<16xi32>, vector<16xi1>
      tpu.vector_store %arg16[%swap3A], %sub3A_212 masked %and3A_220 {strides = array<i32>} : memref<160xi32, #tpu.memory_space<vmem>>, vector<16xi32>, vector<16xi1>
      %swap3A_222 = arith.index_cast %while3A_202 : i32 to index
      %swap3A_223 = tpu.vector_load %arg17[%swap3A_222] masked %and3A_220 {strides = array<i32>} : memref<160xi32, #tpu.memory_space<vmem>>, vector<16xi32>, vector<16xi1>
      tpu.vector_store %arg17[%swap3A_222], %get3A_209 masked %and3A_220 {strides = array<i32>} : memref<160xi32, #tpu.memory_space<vmem>>, vector<16xi32>, vector<16xi1>
      %all_reduce_population_count3A = tpu.all_reduce %and3A_220 {dim = 0 : i64, kind = #tpu.reduction_kind<sum>} : vector<16xi1> -> vector<16xi32>
      %slice3A = vector.extract_strided_slice %all_reduce_population_count3A {offsets = [0], sizes = [1], strides = [1]} : vector<16xi32> to vector<1xi32>
      %squeeze3A = vector.extract %slice3A[0] : i32 from vector<1xi32>
      %add3A_224 = arith.addi %while3A_202, %squeeze3A : i32
      scf.yield %add3A_224 : i32
    }
    %while3A_177 = arith.constant 1 : i32
    %while3A_178 = scf.for %while3A_201 = %while3A_174 to %while3A_170 step %while3A_177 iter_args(%while3A_202 = %while3A_176) -> (i32)  : i32 {
      %mul3A_203 = arith.constant 16 : i32
      %mul3A_204 = arith.muli %while3A_201, %mul3A_203 : i32
      %get3A = arith.index_cast %mul3A_204 : i32 to index
      %get3A_205 = tpu.vector_load %arg14[%get3A] {strides = array<i32>} : memref<2080xi32, #tpu.memory_space<vmem>>, vector<16xi32>,
      %mul3A_206 = arith.constant 16 : i32
      %mul3A_207 = arith.muli %while3A_201, %mul3A_206 : i32
      %get3A_208 = arith.index_cast %mul3A_207 : i32 to index
      %get3A_209 = tpu.vector_load %arg15[%get3A_208] {strides = array<i32>} : memref<2080xi32, #tpu.memory_space<vmem>>, vector<16xi32>,
      %sub3A_210 = arith.constant 999936 : i32
      %sub3A_211 = vector.broadcast %sub3A_210 : i32 to vector<16xi32>
      %sub3A_212 = arith.subi %get3A_205, %sub3A_211 : vector<16xi32>
      %ge3A = arith.constant 0 : i32
      %ge3A_213 = vector.broadcast %ge3A : i32 to vector<16xi32>
      %ge3A_214 = arith.cmpi sge, %sub3A_212, %ge3A_213 : vector<16xi32>
      %mul3A_215 = arith.constant 16 : i32
      %mul3A_216 = arith.muli %while3A_201, %mul3A_215 : i32
      %add3A_217 = vector.broadcast %mul3A_216 : i32 to vector<16xi32>
      %add3A_218 = arith.addi %add3A_217, %iota3A : vector<16xi32>
      %lt3A = vector.broadcast %scan3A_123 : i32 to vector<16xi32>
      %lt3A_219 = arith.cmpi slt, %add3A_218, %lt3A : vector<16xi32>
      %and3A_220 = arith.andi %ge3A_214, %lt3A_219 : vector<16xi1>
      %swap3A = arith.index_cast %while3A_202 : i32 to index
      %swap3A_221 = tpu.vector_load %arg16[%swap3A] masked %and3A_220 {strides = array<i32>} : memref<160xi32, #tpu.memory_space<vmem>>, vector<16xi32>, vector<16xi1>
      tpu.vector_store %arg16[%swap3A], %sub3A_212 masked %and3A_220 {strides = array<i32>} : memref<160xi32, #tpu.memory_space<vmem>>, vector<16xi32>, vector<16xi1>
      %swap3A_222 = arith.index_cast %while3A_202 : i32 to index
      %swap3A_223 = tpu.vector_load %arg17[%swap3A_222] masked %and3A_220 {strides = array<i32>} : memref<160xi32, #tpu.memory_space<vmem>>, vector<16xi32>, vector<16xi1>
      tpu.vector_store %arg17[%swap3A_222], %get3A_209 masked %and3A_220 {strides = array<i32>} : memref<160xi32, #tpu.memory_space<vmem>>, vector<16xi32>, vector<16xi1>
      %all_reduce_population_count3A = tpu.all_reduce %and3A_220 {dim = 0 : i64, kind = #tpu.reduction_kind<sum>} : vector<16xi1> -> vector<16xi32>
      %slice3A = vector.extract_strided_slice %all_reduce_population_count3A {offsets = [0], sizes = [1], strides = [1]} : vector<16xi32> to vector<1xi32>
      %squeeze3A = vector.extract %slice3A[0] : i32 from vector<1xi32>
      %add3A_224 = arith.addi %while3A_202, %squeeze3A : i32
      scf.yield %add3A_224 : i32
    }
    %while3A_179 = arith.constant 0 : i32
    %while3A_180 = arith.constant 0 : i32
    %while3A_181 = arith.subi %while3A_178, %while3A_180 : i32
    %while3A_182 = arith.addi %while3A_180, %while3A_181 : i32
    %while3A_183 = arith.constant 1 : i32
    %while3A_184 = arith.divsi %while3A_181, %while3A_183 : i32
    %while3A_185 = arith.muli %while3A_184, %while3A_183 : i32
    %while3A_186 = arith.addi %while3A_180, %while3A_185 : i32
    %while3A_187 = arith.constant 1 : i32
    scf.for %while3A_201 = %while3A_180 to %while3A_186 step %while3A_187  : i32 {
      %rem3A_202 = arith.constant 8 : i32
      %rem3A_203 = arith.remsi %while3A_201, %rem3A_202 : i32
      %get3A = arith.index_cast %while3A_201 : i32 to index
      %get3A_204 = tpu.vector_load %arg16[%get3A] {strides = array<i32>} : memref<160xi32, #tpu.memory_space<vmem>>, vector<16xi32>,
      %slice3A = vector.extract_strided_slice %get3A_204 {offsets = [0], sizes = [1], strides = [1]} : vector<16xi32> to vector<1xi32>
      %squeeze3A = vector.extract %slice3A[0] : i32 from vector<1xi32>
      %get3A_205 = arith.index_cast %while3A_201 : i32 to index
      %get3A_206 = tpu.vector_load %arg17[%get3A_205] {strides = array<i32>} : memref<160xi32, #tpu.memory_space<vmem>>, vector<16xi32>,
      %slice3A_207 = vector.extract_strided_slice %get3A_206 {offsets = [0], sizes = [1], strides = [1]} : vector<16xi32> to vector<1xi32>
      %squeeze3A_208 = vector.extract %slice3A_207[0] : i32 from vector<1xi32>
      %broadcast_in_dim3A = arith.constant 0 : i32
      %broadcast_in_dim3A_209 = vector.broadcast %broadcast_in_dim3A : i32 to vector<16xi32>
      %add3A_210 = vector.broadcast %squeeze3A : i32 to vector<16xi32>
      %add3A_211 = arith.addi %broadcast_in_dim3A_209, %add3A_210 : vector<16xi32>
      %broadcast_in_dim3A_212 = arith.constant 0 : i32
      %broadcast_in_dim3A_213 = vector.broadcast %broadcast_in_dim3A_212 : i32 to vector<16xi32>
      %add3A_214 = vector.broadcast %rem3A_203 : i32 to vector<16xi32>
      %add3A_215 = arith.addi %broadcast_in_dim3A_213, %add3A_214 : vector<16xi32>
      %ge3A = arith.constant 8 : i32
      %ge3A_216 = arith.cmpi sge, %while3A_201, %ge3A : i32
      %convert_element_type3A = arith.extui %ge3A_216 : i1 to i32
      %cond3A = arith.constant 0 : i32
      %cond3A_217 = arith.cmpi ne, %convert_element_type3A, %cond3A : i32
      scf.if %cond3A_217 {
        %dma_wait3A_257 = arith.constant 0 : i32
        %dma_wait3A_258 = arith.constant 0 : i32
        %dma_wait3A_259 = tpu.memref_slice %arg24[%rem3A_203, %dma_wait3A_258] : memref<8x32xf32, #tpu.memory_space<vmem>> -> memref<1x32xf32, #tpu.memory_space<vmem>>
        %dma_wait3A_260 = tpu.memref_squeeze %dma_wait3A_259 : memref<1x32xf32, #tpu.memory_space<vmem>> -> memref<32xf32, #tpu.memory_space<vmem>>
        %dma_wait3A_261 = arith.constant 32 : i32
        %dma_wait3A_262 = tpu.memref_slice %arg12[%dma_wait3A_257, %dma_wait3A_261] : memref<16384x128xf32, #tpu.memory_space<hbm>> -> memref<1x32xf32, #tpu.memory_space<hbm>>
        %dma_wait3A_263 = tpu.memref_squeeze %dma_wait3A_262 : memref<1x32xf32, #tpu.memory_space<hbm>> -> memref<32xf32, #tpu.memory_space<hbm>>
        %dma_wait3A_264 = arith.constant 32 : i32
        %dma_wait3A_265 = tpu.memref_slice %arg12[%dma_wait3A_257, %dma_wait3A_264] : memref<16384x128xf32, #tpu.memory_space<hbm>> -> memref<1x32xf32, #tpu.memory_space<hbm>>
        %dma_wait3A_266 = tpu.memref_squeeze %dma_wait3A_265 : memref<1x32xf32, #tpu.memory_space<hbm>> -> memref<32xf32, #tpu.memory_space<hbm>>
        %dma_wait3A_267 = arith.constant 0 : i32
        %dma_wait3A_268 = tpu.memref_slice %arg24[%rem3A_203, %dma_wait3A_267] : memref<8x32xf32, #tpu.memory_space<vmem>> -> memref<1x32xf32, #tpu.memory_space<vmem>>
        %dma_wait3A_269 = tpu.memref_squeeze %dma_wait3A_268 : memref<1x32xf32, #tpu.memory_space<vmem>> -> memref<32xf32, #tpu.memory_space<vmem>>
        tpu.wait_dma2 semaphore(%arg26 : memref<!tpu.dma_semaphore, #tpu.memory_space<semaphore_mem>>) src(%dma_wait3A_269 : memref<32xf32, #tpu.memory_space<vmem>>) dst(%dma_wait3A_266 : memref<32xf32, #tpu.memory_space<hbm>>)
        %dma_wait3A_270 = arith.constant 0 : i32
        %dma_wait3A_271 = arith.constant 0 : i32
        %dma_wait3A_272 = tpu.memref_slice %arg25[%rem3A_203, %dma_wait3A_271] : memref<8x32xf32, #tpu.memory_space<vmem>> -> memref<1x32xf32, #tpu.memory_space<vmem>>
        %dma_wait3A_273 = tpu.memref_squeeze %dma_wait3A_272 : memref<1x32xf32, #tpu.memory_space<vmem>> -> memref<32xf32, #tpu.memory_space<vmem>>
        %dma_wait3A_274 = arith.constant 96 : i32
        %dma_wait3A_275 = tpu.memref_slice %arg12[%dma_wait3A_270, %dma_wait3A_274] : memref<16384x128xf32, #tpu.memory_space<hbm>> -> memref<1x32xf32, #tpu.memory_space<hbm>>
        %dma_wait3A_276 = tpu.memref_squeeze %dma_wait3A_275 : memref<1x32xf32, #tpu.memory_space<hbm>> -> memref<32xf32, #tpu.memory_space<hbm>>
        %dma_wait3A_277 = arith.constant 96 : i32
        %dma_wait3A_278 = tpu.memref_slice %arg12[%dma_wait3A_270, %dma_wait3A_277] : memref<16384x128xf32, #tpu.memory_space<hbm>> -> memref<1x32xf32, #tpu.memory_space<hbm>>
        %dma_wait3A_279 = tpu.memref_squeeze %dma_wait3A_278 : memref<1x32xf32, #tpu.memory_space<hbm>> -> memref<32xf32, #tpu.memory_space<hbm>>
        %dma_wait3A_280 = arith.constant 0 : i32
        %dma_wait3A_281 = tpu.memref_slice %arg25[%rem3A_203, %dma_wait3A_280] : memref<8x32xf32, #tpu.memory_space<vmem>> -> memref<1x32xf32, #tpu.memory_space<vmem>>
        %dma_wait3A_282 = tpu.memref_squeeze %dma_wait3A_281 : memref<1x32xf32, #tpu.memory_space<vmem>> -> memref<32xf32, #tpu.memory_space<vmem>>
        tpu.wait_dma2 semaphore(%arg26 : memref<!tpu.dma_semaphore, #tpu.memory_space<semaphore_mem>>) src(%dma_wait3A_282 : memref<32xf32, #tpu.memory_space<vmem>>) dst(%dma_wait3A_279 : memref<32xf32, #tpu.memory_space<hbm>>)
      } else {
      }
      %gather3A = tpu.vector_load_idx %arg22[%iota3A, %add3A_211] : memref<32x64xf32, #tpu.memory_space<vmem>>[vector<16xi32>, vector<16xi32>], vector<16xf32>,
      tpu.vector_store_idx %arg24[%add3A_215, %iota3A], %gather3A : memref<8x32xf32, #tpu.memory_space<vmem>>[vector<16xi32>, vector<16xi32>], vector<16xf32>,
      %add3A_218 = arith.constant 16 : i32
      %add3A_219 = vector.broadcast %add3A_218 : i32 to vector<16xi32>
      %add3A_220 = arith.addi %iota3A, %add3A_219 : vector<16xi32>
      %add3A_221 = arith.constant 16 : i32
      %add3A_222 = vector.broadcast %add3A_221 : i32 to vector<16xi32>
      %add3A_223 = arith.addi %iota3A, %add3A_222 : vector<16xi32>
      %gather3A_224 = tpu.vector_load_idx %arg22[%add3A_223, %add3A_211] : memref<32x64xf32, #tpu.memory_space<vmem>>[vector<16xi32>, vector<16xi32>], vector<16xf32>,
      tpu.vector_store_idx %arg24[%add3A_215, %add3A_220], %gather3A_224 : memref<8x32xf32, #tpu.memory_space<vmem>>[vector<16xi32>, vector<16xi32>], vector<16xf32>,
      %gather3A_225 = tpu.vector_load_idx %arg23[%iota3A, %add3A_211] : memref<32x64xf32, #tpu.memory_space<vmem>>[vector<16xi32>, vector<16xi32>], vector<16xf32>,
      tpu.vector_store_idx %arg25[%add3A_215, %iota3A], %gather3A_225 : memref<8x32xf32, #tpu.memory_space<vmem>>[vector<16xi32>, vector<16xi32>], vector<16xf32>,
      %add3A_226 = arith.constant 16 : i32
      %add3A_227 = vector.broadcast %add3A_226 : i32 to vector<16xi32>
      %add3A_228 = arith.addi %iota3A, %add3A_227 : vector<16xi32>
      %add3A_229 = arith.constant 16 : i32
      %add3A_230 = vector.broadcast %add3A_229 : i32 to vector<16xi32>
      %add3A_231 = arith.addi %iota3A, %add3A_230 : vector<16xi32>
      %gather3A_232 = tpu.vector_load_idx %arg23[%add3A_231, %add3A_211] : memref<32x64xf32, #tpu.memory_space<vmem>>[vector<16xi32>, vector<16xi32>], vector<16xf32>,
      tpu.vector_store_idx %arg25[%add3A_215, %add3A_228], %gather3A_232 : memref<8x32xf32, #tpu.memory_space<vmem>>[vector<16xi32>, vector<16xi32>], vector<16xf32>,
      %dma_start3A_233 = arith.constant 0 : i32
      %dma_start3A_234 = tpu.memref_slice %arg24[%rem3A_203, %dma_start3A_233] : memref<8x32xf32, #tpu.memory_space<vmem>> -> memref<1x32xf32, #tpu.memory_space<vmem>>
      %dma_start3A_235 = tpu.memref_squeeze %dma_start3A_234 : memref<1x32xf32, #tpu.memory_space<vmem>> -> memref<32xf32, #tpu.memory_space<vmem>>
      %dma_start3A_236 = arith.constant 32 : i32
      %dma_start3A_237 = tpu.memref_slice %arg12[%squeeze3A_208, %dma_start3A_236] : memref<16384x128xf32, #tpu.memory_space<hbm>> -> memref<1x32xf32, #tpu.memory_space<hbm>>
      %dma_start3A_238 = tpu.memref_squeeze %dma_start3A_237 : memref<1x32xf32, #tpu.memory_space<hbm>> -> memref<32xf32, #tpu.memory_space<hbm>>
      %dma_start3A_239 = arith.constant 32 : i32
      %dma_start3A_240 = tpu.memref_slice %arg12[%squeeze3A_208, %dma_start3A_239] : memref<16384x128xf32, #tpu.memory_space<hbm>> -> memref<1x32xf32, #tpu.memory_space<hbm>>
      %dma_start3A_241 = tpu.memref_squeeze %dma_start3A_240 : memref<1x32xf32, #tpu.memory_space<hbm>> -> memref<32xf32, #tpu.memory_space<hbm>>
      %dma_start3A_242 = arith.constant 0 : i32
      %dma_start3A_243 = tpu.memref_slice %arg24[%rem3A_203, %dma_start3A_242] : memref<8x32xf32, #tpu.memory_space<vmem>> -> memref<1x32xf32, #tpu.memory_space<vmem>>
      %dma_start3A_244 = tpu.memref_squeeze %dma_start3A_243 : memref<1x32xf32, #tpu.memory_space<vmem>> -> memref<32xf32, #tpu.memory_space<vmem>>
      tpu.enqueue_dma source(%dma_start3A_244 : memref<32xf32, #tpu.memory_space<vmem>>) target(%dma_start3A_241 : memref<32xf32, #tpu.memory_space<hbm>>) target_semaphore(%arg26 : memref<!tpu.dma_semaphore, #tpu.memory_space<semaphore_mem>>)
      %dma_start3A_245 = arith.constant 0 : i32
      %dma_start3A_246 = tpu.memref_slice %arg25[%rem3A_203, %dma_start3A_245] : memref<8x32xf32, #tpu.memory_space<vmem>> -> memref<1x32xf32, #tpu.memory_space<vmem>>
      %dma_start3A_247 = tpu.memref_squeeze %dma_start3A_246 : memref<1x32xf32, #tpu.memory_space<vmem>> -> memref<32xf32, #tpu.memory_space<vmem>>
      %dma_start3A_248 = arith.constant 96 : i32
      %dma_start3A_249 = tpu.memref_slice %arg12[%squeeze3A_208, %dma_start3A_248] : memref<16384x128xf32, #tpu.memory_space<hbm>> -> memref<1x32xf32, #tpu.memory_space<hbm>>
      %dma_start3A_250 = tpu.memref_squeeze %dma_start3A_249 : memref<1x32xf32, #tpu.memory_space<hbm>> -> memref<32xf32, #tpu.memory_space<hbm>>
      %dma_start3A_251 = arith.constant 96 : i32
      %dma_start3A_252 = tpu.memref_slice %arg12[%squeeze3A_208, %dma_start3A_251] : memref<16384x128xf32, #tpu.memory_space<hbm>> -> memref<1x32xf32, #tpu.memory_space<hbm>>
      %dma_start3A_253 = tpu.memref_squeeze %dma_start3A_252 : memref<1x32xf32, #tpu.memory_space<hbm>> -> memref<32xf32, #tpu.memory_space<hbm>>
      %dma_start3A_254 = arith.constant 0 : i32
      %dma_start3A_255 = tpu.memref_slice %arg25[%rem3A_203, %dma_start3A_254] : memref<8x32xf32, #tpu.memory_space<vmem>> -> memref<1x32xf32, #tpu.memory_space<vmem>>
      %dma_start3A_256 = tpu.memref_squeeze %dma_start3A_255 : memref<1x32xf32, #tpu.memory_space<vmem>> -> memref<32xf32, #tpu.memory_space<vmem>>
      tpu.enqueue_dma source(%dma_start3A_256 : memref<32xf32, #tpu.memory_space<vmem>>) target(%dma_start3A_253 : memref<32xf32, #tpu.memory_space<hbm>>) target_semaphore(%arg26 : memref<!tpu.dma_semaphore, #tpu.memory_space<semaphore_mem>>)
    }
    %while3A_188 = arith.constant 1 : i32
    scf.for %while3A_201 = %while3A_186 to %while3A_182 step %while3A_188  : i32 {
      %rem3A_202 = arith.constant 8 : i32
      %rem3A_203 = arith.remsi %while3A_201, %rem3A_202 : i32
      %get3A = arith.index_cast %while3A_201 : i32 to index
      %get3A_204 = tpu.vector_load %arg16[%get3A] {strides = array<i32>} : memref<160xi32, #tpu.memory_space<vmem>>, vector<16xi32>,
      %slice3A = vector.extract_strided_slice %get3A_204 {offsets = [0], sizes = [1], strides = [1]} : vector<16xi32> to vector<1xi32>
      %squeeze3A = vector.extract %slice3A[0] : i32 from vector<1xi32>
      %get3A_205 = arith.index_cast %while3A_201 : i32 to index
      %get3A_206 = tpu.vector_load %arg17[%get3A_205] {strides = array<i32>} : memref<160xi32, #tpu.memory_space<vmem>>, vector<16xi32>,
      %slice3A_207 = vector.extract_strided_slice %get3A_206 {offsets = [0], sizes = [1], strides = [1]} : vector<16xi32> to vector<1xi32>
      %squeeze3A_208 = vector.extract %slice3A_207[0] : i32 from vector<1xi32>
      %broadcast_in_dim3A = arith.constant 0 : i32
      %broadcast_in_dim3A_209 = vector.broadcast %broadcast_in_dim3A : i32 to vector<16xi32>
      %add3A_210 = vector.broadcast %squeeze3A : i32 to vector<16xi32>
      %add3A_211 = arith.addi %broadcast_in_dim3A_209, %add3A_210 : vector<16xi32>
      %broadcast_in_dim3A_212 = arith.constant 0 : i32
      %broadcast_in_dim3A_213 = vector.broadcast %broadcast_in_dim3A_212 : i32 to vector<16xi32>
      %add3A_214 = vector.broadcast %rem3A_203 : i32 to vector<16xi32>
      %add3A_215 = arith.addi %broadcast_in_dim3A_213, %add3A_214 : vector<16xi32>
      %ge3A = arith.constant 8 : i32
      %ge3A_216 = arith.cmpi sge, %while3A_201, %ge3A : i32
      %convert_element_type3A = arith.extui %ge3A_216 : i1 to i32
      %cond3A = arith.constant 0 : i32
      %cond3A_217 = arith.cmpi ne, %convert_element_type3A, %cond3A : i32
      scf.if %cond3A_217 {
        %dma_wait3A_257 = arith.constant 0 : i32
        %dma_wait3A_258 = arith.constant 0 : i32
        %dma_wait3A_259 = tpu.memref_slice %arg24[%rem3A_203, %dma_wait3A_258] : memref<8x32xf32, #tpu.memory_space<vmem>> -> memref<1x32xf32, #tpu.memory_space<vmem>>
        %dma_wait3A_260 = tpu.memref_squeeze %dma_wait3A_259 : memref<1x32xf32, #tpu.memory_space<vmem>> -> memref<32xf32, #tpu.memory_space<vmem>>
        %dma_wait3A_261 = arith.constant 32 : i32
        %dma_wait3A_262 = tpu.memref_slice %arg12[%dma_wait3A_257, %dma_wait3A_261] : memref<16384x128xf32, #tpu.memory_space<hbm>> -> memref<1x32xf32, #tpu.memory_space<hbm>>
        %dma_wait3A_263 = tpu.memref_squeeze %dma_wait3A_262 : memref<1x32xf32, #tpu.memory_space<hbm>> -> memref<32xf32, #tpu.memory_space<hbm>>
        %dma_wait3A_264 = arith.constant 32 : i32
        %dma_wait3A_265 = tpu.memref_slice %arg12[%dma_wait3A_257, %dma_wait3A_264] : memref<16384x128xf32, #tpu.memory_space<hbm>> -> memref<1x32xf32, #tpu.memory_space<hbm>>
        %dma_wait3A_266 = tpu.memref_squeeze %dma_wait3A_265 : memref<1x32xf32, #tpu.memory_space<hbm>> -> memref<32xf32, #tpu.memory_space<hbm>>
        %dma_wait3A_267 = arith.constant 0 : i32
        %dma_wait3A_268 = tpu.memref_slice %arg24[%rem3A_203, %dma_wait3A_267] : memref<8x32xf32, #tpu.memory_space<vmem>> -> memref<1x32xf32, #tpu.memory_space<vmem>>
        %dma_wait3A_269 = tpu.memref_squeeze %dma_wait3A_268 : memref<1x32xf32, #tpu.memory_space<vmem>> -> memref<32xf32, #tpu.memory_space<vmem>>
        tpu.wait_dma2 semaphore(%arg26 : memref<!tpu.dma_semaphore, #tpu.memory_space<semaphore_mem>>) src(%dma_wait3A_269 : memref<32xf32, #tpu.memory_space<vmem>>) dst(%dma_wait3A_266 : memref<32xf32, #tpu.memory_space<hbm>>)
        %dma_wait3A_270 = arith.constant 0 : i32
        %dma_wait3A_271 = arith.constant 0 : i32
        %dma_wait3A_272 = tpu.memref_slice %arg25[%rem3A_203, %dma_wait3A_271] : memref<8x32xf32, #tpu.memory_space<vmem>> -> memref<1x32xf32, #tpu.memory_space<vmem>>
        %dma_wait3A_273 = tpu.memref_squeeze %dma_wait3A_272 : memref<1x32xf32, #tpu.memory_space<vmem>> -> memref<32xf32, #tpu.memory_space<vmem>>
        %dma_wait3A_274 = arith.constant 96 : i32
        %dma_wait3A_275 = tpu.memref_slice %arg12[%dma_wait3A_270, %dma_wait3A_274] : memref<16384x128xf32, #tpu.memory_space<hbm>> -> memref<1x32xf32, #tpu.memory_space<hbm>>
        %dma_wait3A_276 = tpu.memref_squeeze %dma_wait3A_275 : memref<1x32xf32, #tpu.memory_space<hbm>> -> memref<32xf32, #tpu.memory_space<hbm>>
        %dma_wait3A_277 = arith.constant 96 : i32
        %dma_wait3A_278 = tpu.memref_slice %arg12[%dma_wait3A_270, %dma_wait3A_277] : memref<16384x128xf32, #tpu.memory_space<hbm>> -> memref<1x32xf32, #tpu.memory_space<hbm>>
        %dma_wait3A_279 = tpu.memref_squeeze %dma_wait3A_278 : memref<1x32xf32, #tpu.memory_space<hbm>> -> memref<32xf32, #tpu.memory_space<hbm>>
        %dma_wait3A_280 = arith.constant 0 : i32
        %dma_wait3A_281 = tpu.memref_slice %arg25[%rem3A_203, %dma_wait3A_280] : memref<8x32xf32, #tpu.memory_space<vmem>> -> memref<1x32xf32, #tpu.memory_space<vmem>>
        %dma_wait3A_282 = tpu.memref_squeeze %dma_wait3A_281 : memref<1x32xf32, #tpu.memory_space<vmem>> -> memref<32xf32, #tpu.memory_space<vmem>>
        tpu.wait_dma2 semaphore(%arg26 : memref<!tpu.dma_semaphore, #tpu.memory_space<semaphore_mem>>) src(%dma_wait3A_282 : memref<32xf32, #tpu.memory_space<vmem>>) dst(%dma_wait3A_279 : memref<32xf32, #tpu.memory_space<hbm>>)
      } else {
      }
      %gather3A = tpu.vector_load_idx %arg22[%iota3A, %add3A_211] : memref<32x64xf32, #tpu.memory_space<vmem>>[vector<16xi32>, vector<16xi32>], vector<16xf32>,
      tpu.vector_store_idx %arg24[%add3A_215, %iota3A], %gather3A : memref<8x32xf32, #tpu.memory_space<vmem>>[vector<16xi32>, vector<16xi32>], vector<16xf32>,
      %add3A_218 = arith.constant 16 : i32
      %add3A_219 = vector.broadcast %add3A_218 : i32 to vector<16xi32>
      %add3A_220 = arith.addi %iota3A, %add3A_219 : vector<16xi32>
      %add3A_221 = arith.constant 16 : i32
      %add3A_222 = vector.broadcast %add3A_221 : i32 to vector<16xi32>
      %add3A_223 = arith.addi %iota3A, %add3A_222 : vector<16xi32>
      %gather3A_224 = tpu.vector_load_idx %arg22[%add3A_223, %add3A_211] : memref<32x64xf32, #tpu.memory_space<vmem>>[vector<16xi32>, vector<16xi32>], vector<16xf32>,
      tpu.vector_store_idx %arg24[%add3A_215, %add3A_220], %gather3A_224 : memref<8x32xf32, #tpu.memory_space<vmem>>[vector<16xi32>, vector<16xi32>], vector<16xf32>,
      %gather3A_225 = tpu.vector_load_idx %arg23[%iota3A, %add3A_211] : memref<32x64xf32, #tpu.memory_space<vmem>>[vector<16xi32>, vector<16xi32>], vector<16xf32>,
      tpu.vector_store_idx %arg25[%add3A_215, %iota3A], %gather3A_225 : memref<8x32xf32, #tpu.memory_space<vmem>>[vector<16xi32>, vector<16xi32>], vector<16xf32>,
      %add3A_226 = arith.constant 16 : i32
      %add3A_227 = vector.broadcast %add3A_226 : i32 to vector<16xi32>
      %add3A_228 = arith.addi %iota3A, %add3A_227 : vector<16xi32>
      %add3A_229 = arith.constant 16 : i32
      %add3A_230 = vector.broadcast %add3A_229 : i32 to vector<16xi32>
      %add3A_231 = arith.addi %iota3A, %add3A_230 : vector<16xi32>
      %gather3A_232 = tpu.vector_load_idx %arg23[%add3A_231, %add3A_211] : memref<32x64xf32, #tpu.memory_space<vmem>>[vector<16xi32>, vector<16xi32>], vector<16xf32>,
      tpu.vector_store_idx %arg25[%add3A_215, %add3A_228], %gather3A_232 : memref<8x32xf32, #tpu.memory_space<vmem>>[vector<16xi32>, vector<16xi32>], vector<16xf32>,
      %dma_start3A_233 = arith.constant 0 : i32
      %dma_start3A_234 = tpu.memref_slice %arg24[%rem3A_203, %dma_start3A_233] : memref<8x32xf32, #tpu.memory_space<vmem>> -> memref<1x32xf32, #tpu.memory_space<vmem>>
      %dma_start3A_235 = tpu.memref_squeeze %dma_start3A_234 : memref<1x32xf32, #tpu.memory_space<vmem>> -> memref<32xf32, #tpu.memory_space<vmem>>
      %dma_start3A_236 = arith.constant 32 : i32
      %dma_start3A_237 = tpu.memref_slice %arg12[%squeeze3A_208, %dma_start3A_236] : memref<16384x128xf32, #tpu.memory_space<hbm>> -> memref<1x32xf32, #tpu.memory_space<hbm>>
      %dma_start3A_238 = tpu.memref_squeeze %dma_start3A_237 : memref<1x32xf32, #tpu.memory_space<hbm>> -> memref<32xf32, #tpu.memory_space<hbm>>
      %dma_start3A_239 = arith.constant 32 : i32
      %dma_start3A_240 = tpu.memref_slice %arg12[%squeeze3A_208, %dma_start3A_239] : memref<16384x128xf32, #tpu.memory_space<hbm>> -> memref<1x32xf32, #tpu.memory_space<hbm>>
      %dma_start3A_241 = tpu.memref_squeeze %dma_start3A_240 : memref<1x32xf32, #tpu.memory_space<hbm>> -> memref<32xf32, #tpu.memory_space<hbm>>
      %dma_start3A_242 = arith.constant 0 : i32
      %dma_start3A_243 = tpu.memref_slice %arg24[%rem3A_203, %dma_start3A_242] : memref<8x32xf32, #tpu.memory_space<vmem>> -> memref<1x32xf32, #tpu.memory_space<vmem>>
      %dma_start3A_244 = tpu.memref_squeeze %dma_start3A_243 : memref<1x32xf32, #tpu.memory_space<vmem>> -> memref<32xf32, #tpu.memory_space<vmem>>
      tpu.enqueue_dma source(%dma_start3A_244 : memref<32xf32, #tpu.memory_space<vmem>>) target(%dma_start3A_241 : memref<32xf32, #tpu.memory_space<hbm>>) target_semaphore(%arg26 : memref<!tpu.dma_semaphore, #tpu.memory_space<semaphore_mem>>)
      %dma_start3A_245 = arith.constant 0 : i32
      %dma_start3A_246 = tpu.memref_slice %arg25[%rem3A_203, %dma_start3A_245] : memref<8x32xf32, #tpu.memory_space<vmem>> -> memref<1x32xf32, #tpu.memory_space<vmem>>
      %dma_start3A_247 = tpu.memref_squeeze %dma_start3A_246 : memref<1x32xf32, #tpu.memory_space<vmem>> -> memref<32xf32, #tpu.memory_space<vmem>>
      %dma_start3A_248 = arith.constant 96 : i32
      %dma_start3A_249 = tpu.memref_slice %arg12[%squeeze3A_208, %dma_start3A_248] : memref<16384x128xf32, #tpu.memory_space<hbm>> -> memref<1x32xf32, #tpu.memory_space<hbm>>
      %dma_start3A_250 = tpu.memref_squeeze %dma_start3A_249 : memref<1x32xf32, #tpu.memory_space<hbm>> -> memref<32xf32, #tpu.memory_space<hbm>>
      %dma_start3A_251 = arith.constant 96 : i32
      %dma_start3A_252 = tpu.memref_slice %arg12[%squeeze3A_208, %dma_start3A_251] : memref<16384x128xf32, #tpu.memory_space<hbm>> -> memref<1x32xf32, #tpu.memory_space<hbm>>
      %dma_start3A_253 = tpu.memref_squeeze %dma_start3A_252 : memref<1x32xf32, #tpu.memory_space<hbm>> -> memref<32xf32, #tpu.memory_space<hbm>>
      %dma_start3A_254 = arith.constant 0 : i32
      %dma_start3A_255 = tpu.memref_slice %arg25[%rem3A_203, %dma_start3A_254] : memref<8x32xf32, #tpu.memory_space<vmem>> -> memref<1x32xf32, #tpu.memory_space<vmem>>
      %dma_start3A_256 = tpu.memref_squeeze %dma_start3A_255 : memref<1x32xf32, #tpu.memory_space<vmem>> -> memref<32xf32, #tpu.memory_space<vmem>>
      tpu.enqueue_dma source(%dma_start3A_256 : memref<32xf32, #tpu.memory_space<vmem>>) target(%dma_start3A_253 : memref<32xf32, #tpu.memory_space<hbm>>) target_semaphore(%arg26 : memref<!tpu.dma_semaphore, #tpu.memory_space<semaphore_mem>>)
    }
    %min3A_189 = arith.constant 8 : i32
    %min3A_190 = arith.minsi %while3A_178, %min3A_189 : i32
    %while3A_191 = arith.constant 0 : i32
    %while3A_192 = arith.constant 0 : i32
    %while3A_193 = arith.subi %min3A_190, %while3A_192 : i32
    %while3A_194 = arith.addi %while3A_192, %while3A_193 : i32
    %while3A_195 = arith.constant 1 : i32
    %while3A_196 = arith.divsi %while3A_193, %while3A_195 : i32
    %while3A_197 = arith.muli %while3A_196, %while3A_195 : i32
    %while3A_198 = arith.addi %while3A_192, %while3A_197 : i32
    %while3A_199 = arith.constant 1 : i32
    scf.for %while3A_201 = %while3A_192 to %while3A_198 step %while3A_199  : i32 {
      %dma_wait3A_202 = arith.constant 0 : i32
      %dma_wait3A_203 = arith.constant 0 : i32
      %dma_wait3A_204 = arith.constant 0 : i32
      %dma_wait3A_205 = tpu.memref_slice %arg24[%dma_wait3A_202, %dma_wait3A_204] : memref<8x32xf32, #tpu.memory_space<vmem>> -> memref<1x32xf32, #tpu.memory_space<vmem>>
      %dma_wait3A_206 = tpu.memref_squeeze %dma_wait3A_205 : memref<1x32xf32, #tpu.memory_space<vmem>> -> memref<32xf32, #tpu.memory_space<vmem>>
      %dma_wait3A_207 = arith.constant 32 : i32
      %dma_wait3A_208 = tpu.memref_slice %arg12[%dma_wait3A_203, %dma_wait3A_207] : memref<16384x128xf32, #tpu.memory_space<hbm>> -> memref<1x32xf32, #tpu.memory_space<hbm>>
      %dma_wait3A_209 = tpu.memref_squeeze %dma_wait3A_208 : memref<1x32xf32, #tpu.memory_space<hbm>> -> memref<32xf32, #tpu.memory_space<hbm>>
      %dma_wait3A_210 = arith.constant 32 : i32
      %dma_wait3A_211 = tpu.memref_slice %arg12[%dma_wait3A_203, %dma_wait3A_210] : memref<16384x128xf32, #tpu.memory_space<hbm>> -> memref<1x32xf32, #tpu.memory_space<hbm>>
      %dma_wait3A_212 = tpu.memref_squeeze %dma_wait3A_211 : memref<1x32xf32, #tpu.memory_space<hbm>> -> memref<32xf32, #tpu.memory_space<hbm>>
      %dma_wait3A_213 = arith.constant 0 : i32
      %dma_wait3A_214 = tpu.memref_slice %arg24[%dma_wait3A_202, %dma_wait3A_213] : memref<8x32xf32, #tpu.memory_space<vmem>> -> memref<1x32xf32, #tpu.memory_space<vmem>>
      %dma_wait3A_215 = tpu.memref_squeeze %dma_wait3A_214 : memref<1x32xf32, #tpu.memory_space<vmem>> -> memref<32xf32, #tpu.memory_space<vmem>>
      tpu.wait_dma2 semaphore(%arg26 : memref<!tpu.dma_semaphore, #tpu.memory_space<semaphore_mem>>) src(%dma_wait3A_215 : memref<32xf32, #tpu.memory_space<vmem>>) dst(%dma_wait3A_212 : memref<32xf32, #tpu.memory_space<hbm>>)
      %dma_wait3A_216 = arith.constant 0 : i32
      %dma_wait3A_217 = arith.constant 0 : i32
      %dma_wait3A_218 = arith.constant 0 : i32
      %dma_wait3A_219 = tpu.memref_slice %arg25[%dma_wait3A_216, %dma_wait3A_218] : memref<8x32xf32, #tpu.memory_space<vmem>> -> memref<1x32xf32, #tpu.memory_space<vmem>>
      %dma_wait3A_220 = tpu.memref_squeeze %dma_wait3A_219 : memref<1x32xf32, #tpu.memory_space<vmem>> -> memref<32xf32, #tpu.memory_space<vmem>>
      %dma_wait3A_221 = arith.constant 96 : i32
      %dma_wait3A_222 = tpu.memref_slice %arg12[%dma_wait3A_217, %dma_wait3A_221] : memref<16384x128xf32, #tpu.memory_space<hbm>> -> memref<1x32xf32, #tpu.memory_space<hbm>>
      %dma_wait3A_223 = tpu.memref_squeeze %dma_wait3A_222 : memref<1x32xf32, #tpu.memory_space<hbm>> -> memref<32xf32, #tpu.memory_space<hbm>>
      %dma_wait3A_224 = arith.constant 96 : i32
      %dma_wait3A_225 = tpu.memref_slice %arg12[%dma_wait3A_217, %dma_wait3A_224] : memref<16384x128xf32, #tpu.memory_space<hbm>> -> memref<1x32xf32, #tpu.memory_space<hbm>>
      %dma_wait3A_226 = tpu.memref_squeeze %dma_wait3A_225 : memref<1x32xf32, #tpu.memory_space<hbm>> -> memref<32xf32, #tpu.memory_space<hbm>>
      %dma_wait3A_227 = arith.constant 0 : i32
      %dma_wait3A_228 = tpu.memref_slice %arg25[%dma_wait3A_216, %dma_wait3A_227] : memref<8x32xf32, #tpu.memory_space<vmem>> -> memref<1x32xf32, #tpu.memory_space<vmem>>
      %dma_wait3A_229 = tpu.memref_squeeze %dma_wait3A_228 : memref<1x32xf32, #tpu.memory_space<vmem>> -> memref<32xf32, #tpu.memory_space<vmem>>
      tpu.wait_dma2 semaphore(%arg26 : memref<!tpu.dma_semaphore, #tpu.memory_space<semaphore_mem>>) src(%dma_wait3A_229 : memref<32xf32, #tpu.memory_space<vmem>>) dst(%dma_wait3A_226 : memref<32xf32, #tpu.memory_space<hbm>>)
    }
    %while3A_200 = arith.constant 1 : i32
    scf.for %while3A_201 = %while3A_198 to %while3A_194 step %while3A_200  : i32 {
      %dma_wait3A_202 = arith.constant 0 : i32
      %dma_wait3A_203 = arith.constant 0 : i32
      %dma_wait3A_204 = arith.constant 0 : i32
      %dma_wait3A_205 = tpu.memref_slice %arg24[%dma_wait3A_202, %dma_wait3A_204] : memref<8x32xf32, #tpu.memory_space<vmem>> -> memref<1x32xf32, #tpu.memory_space<vmem>>
      %dma_wait3A_206 = tpu.memref_squeeze %dma_wait3A_205 : memref<1x32xf32, #tpu.memory_space<vmem>> -> memref<32xf32, #tpu.memory_space<vmem>>
      %dma_wait3A_207 = arith.constant 32 : i32
      %dma_wait3A_208 = tpu.memref_slice %arg12[%dma_wait3A_203, %dma_wait3A_207] : memref<16384x128xf32, #tpu.memory_space<hbm>> -> memref<1x32xf32, #tpu.memory_space<hbm>>
      %dma_wait3A_209 = tpu.memref_squeeze %dma_wait3A_208 : memref<1x32xf32, #tpu.memory_space<hbm>> -> memref<32xf32, #tpu.memory_space<hbm>>
      %dma_wait3A_210 = arith.constant 32 : i32
      %dma_wait3A_211 = tpu.memref_slice %arg12[%dma_wait3A_203, %dma_wait3A_210] : memref<16384x128xf32, #tpu.memory_space<hbm>> -> memref<1x32xf32, #tpu.memory_space<hbm>>
      %dma_wait3A_212 = tpu.memref_squeeze %dma_wait3A_211 : memref<1x32xf32, #tpu.memory_space<hbm>> -> memref<32xf32, #tpu.memory_space<hbm>>
      %dma_wait3A_213 = arith.constant 0 : i32
      %dma_wait3A_214 = tpu.memref_slice %arg24[%dma_wait3A_202, %dma_wait3A_213] : memref<8x32xf32, #tpu.memory_space<vmem>> -> memref<1x32xf32, #tpu.memory_space<vmem>>
      %dma_wait3A_215 = tpu.memref_squeeze %dma_wait3A_214 : memref<1x32xf32, #tpu.memory_space<vmem>> -> memref<32xf32, #tpu.memory_space<vmem>>
      tpu.wait_dma2 semaphore(%arg26 : memref<!tpu.dma_semaphore, #tpu.memory_space<semaphore_mem>>) src(%dma_wait3A_215 : memref<32xf32, #tpu.memory_space<vmem>>) dst(%dma_wait3A_212 : memref<32xf32, #tpu.memory_space<hbm>>)
      %dma_wait3A_216 = arith.constant 0 : i32
      %dma_wait3A_217 = arith.constant 0 : i32
      %dma_wait3A_218 = arith.constant 0 : i32
      %dma_wait3A_219 = tpu.memref_slice %arg25[%dma_wait3A_216, %dma_wait3A_218] : memref<8x32xf32, #tpu.memory_space<vmem>> -> memref<1x32xf32, #tpu.memory_space<vmem>>
      %dma_wait3A_220 = tpu.memref_squeeze %dma_wait3A_219 : memref<1x32xf32, #tpu.memory_space<vmem>> -> memref<32xf32, #tpu.memory_space<vmem>>
      %dma_wait3A_221 = arith.constant 96 : i32
      %dma_wait3A_222 = tpu.memref_slice %arg12[%dma_wait3A_217, %dma_wait3A_221] : memref<16384x128xf32, #tpu.memory_space<hbm>> -> memref<1x32xf32, #tpu.memory_space<hbm>>
      %dma_wait3A_223 = tpu.memref_squeeze %dma_wait3A_222 : memref<1x32xf32, #tpu.memory_space<hbm>> -> memref<32xf32, #tpu.memory_space<hbm>>
      %dma_wait3A_224 = arith.constant 96 : i32
      %dma_wait3A_225 = tpu.memref_slice %arg12[%dma_wait3A_217, %dma_wait3A_224] : memref<16384x128xf32, #tpu.memory_space<hbm>> -> memref<1x32xf32, #tpu.memory_space<hbm>>
      %dma_wait3A_226 = tpu.memref_squeeze %dma_wait3A_225 : memref<1x32xf32, #tpu.memory_space<hbm>> -> memref<32xf32, #tpu.memory_space<hbm>>
      %dma_wait3A_227 = arith.constant 0 : i32
      %dma_wait3A_228 = tpu.memref_slice %arg25[%dma_wait3A_216, %dma_wait3A_227] : memref<8x32xf32, #tpu.memory_space<vmem>> -> memref<1x32xf32, #tpu.memory_space<vmem>>
      %dma_wait3A_229 = tpu.memref_squeeze %dma_wait3A_228 : memref<1x32xf32, #tpu.memory_space<vmem>> -> memref<32xf32, #tpu.memory_space<vmem>>
      tpu.wait_dma2 semaphore(%arg26 : memref<!tpu.dma_semaphore, #tpu.memory_space<semaphore_mem>>) src(%dma_wait3A_229 : memref<32xf32, #tpu.memory_space<vmem>>) dst(%dma_wait3A_226 : memref<32xf32, #tpu.memory_space<hbm>>)
    }
    return
  }
}

module attributes {stable_mosaic.version = 14 : i64} {
  func.func @_tc_body(%arg0: i32, %arg1: memref<2048x128xf32, #tpu.memory_space<vmem>>, %arg2: memref<64x64xf32, #tpu.memory_space<vmem>>, %arg3: memref<1x64xf32, #tpu.memory_space<vmem>>, %arg4: memref<32x64xf32, #tpu.memory_space<vmem>>, %arg5: memref<1x32xf32, #tpu.memory_space<vmem>>, %arg6: memref<16x32xf32, #tpu.memory_space<vmem>>, %arg7: memref<1x16xf32, #tpu.memory_space<vmem>>, %arg8: memref<8x16xf32, #tpu.memory_space<vmem>>, %arg9: memref<1x8xf32, #tpu.memory_space<vmem>>, %arg10: memref<1x40xf32, #tpu.memory_space<vmem>>, %arg11: memref<1x1xf32, #tpu.memory_space<vmem>>, %arg12: memref<2048x1xf32, #tpu.memory_space<vmem>>) attributes {dimension_semantics = [#tpu.dimension_semantics<arbitrary>], iteration_bounds = array<i64: 8>, scalar_prefetch = 0 : i64, scratch_operands = 0 : i64, tpu.core_type = #tpu.core_type<tc>, window_params = [{transform_indices = @transform_0, window_bounds = array<i64: 2048, 128>}, {pipeline_mode = #tpu.pipeline_mode<synchronous>, transform_indices = @transform_1, window_bounds = array<i64: 64, 64>}, {pipeline_mode = #tpu.pipeline_mode<synchronous>, transform_indices = @transform_2, window_bounds = array<i64: 1, 64>}, {pipeline_mode = #tpu.pipeline_mode<synchronous>, transform_indices = @transform_3, window_bounds = array<i64: 32, 64>}, {pipeline_mode = #tpu.pipeline_mode<synchronous>, transform_indices = @transform_4, window_bounds = array<i64: 1, 32>}, {pipeline_mode = #tpu.pipeline_mode<synchronous>, transform_indices = @transform_5, window_bounds = array<i64: 16, 32>}, {pipeline_mode = #tpu.pipeline_mode<synchronous>, transform_indices = @transform_6, window_bounds = array<i64: 1, 16>}, {pipeline_mode = #tpu.pipeline_mode<synchronous>, transform_indices = @transform_7, window_bounds = array<i64: 8, 16>}, {pipeline_mode = #tpu.pipeline_mode<synchronous>, transform_indices = @transform_8, window_bounds = array<i64: 1, 8>}, {pipeline_mode = #tpu.pipeline_mode<synchronous>, transform_indices = @transform_9, window_bounds = array<i64: 1, 40>}, {pipeline_mode = #tpu.pipeline_mode<synchronous>, transform_indices = @transform_10, window_bounds = array<i64: 1, 1>}, {transform_indices = @transform_11, window_bounds = array<i64: 2048, 1>}]} {
    %get3A = arith.constant 0 : index
    %get3A_0 = arith.constant 0 : index
    %get3A_1 = vector.load %arg1[%get3A, %get3A_0] : memref<2048x128xf32, #tpu.memory_space<vmem>>, vector<2048x128xf32>
    %slice3A = vector.extract_strided_slice %get3A_1 {offsets = [0, 0], sizes = [2048, 32], strides = [1, 1]} : vector<2048x128xf32> to vector<2048x32xf32>
    %slice3A_2 = vector.extract_strided_slice %get3A_1 {offsets = [0, 32], sizes = [2048, 32], strides = [1, 1]} : vector<2048x128xf32> to vector<2048x32xf32>
    %mul3A = arith.mulf %slice3A, %slice3A_2 : vector<2048x32xf32>
    %slice3A_3 = vector.extract_strided_slice %get3A_1 {offsets = [0, 64], sizes = [2048, 64], strides = [1, 1]} : vector<2048x128xf32> to vector<2048x64xf32>
    %get3A_4 = arith.constant 0 : index
    %get3A_5 = arith.constant 0 : index
    %get3A_6 = vector.load %arg2[%get3A_4, %get3A_5] : memref<64x64xf32, #tpu.memory_space<vmem>>, vector<64x64xf32>
    %dot_general3A = arith.constant dense<0.000000e+00> : vector<2048x64xf32>
    %dot_general3A_7 = tpu.matmul %slice3A_3, %get3A_6, %dot_general3A {dimension_numbers = #tpu.dot_dimension_numbers<[1], [1], [0], [0], [0, 0, 1, 0], [], []>, transpose_lhs_hint = false} : vector<2048x64xf32>, vector<64x64xf32>, vector<2048x64xf32> -> vector<2048x64xf32>
    %get3A_8 = arith.constant 0 : index
    %get3A_9 = arith.constant 0 : index
    %get3A_10 = vector.load %arg3[%get3A_8, %get3A_9] : memref<1x64xf32, #tpu.memory_space<vmem>>, vector<1x64xf32>
    %add3A = vector.broadcast %get3A_10 : vector<1x64xf32> to vector<2048x64xf32>
    %add3A_11 = arith.addf %dot_general3A_7, %add3A : vector<2048x64xf32>
    %max3A = arith.constant 0.000000e+00 : f32
    %max3A_12 = vector.broadcast %max3A : f32 to vector<2048x64xf32>
    %max3A_13 = arith.maximumf %add3A_11, %max3A_12 : vector<2048x64xf32>
    %get3A_14 = arith.constant 0 : index
    %get3A_15 = arith.constant 0 : index
    %get3A_16 = vector.load %arg4[%get3A_14, %get3A_15] : memref<32x64xf32, #tpu.memory_space<vmem>>, vector<32x64xf32>
    %dot_general3A_17 = arith.constant dense<0.000000e+00> : vector<2048x32xf32>
    %dot_general3A_18 = tpu.matmul %max3A_13, %get3A_16, %dot_general3A_17 {dimension_numbers = #tpu.dot_dimension_numbers<[1], [1], [0], [0], [0, 0, 1, 0], [], []>, transpose_lhs_hint = false} : vector<2048x64xf32>, vector<32x64xf32>, vector<2048x32xf32> -> vector<2048x32xf32>
    %get3A_19 = arith.constant 0 : index
    %get3A_20 = arith.constant 0 : index
    %get3A_21 = vector.load %arg5[%get3A_19, %get3A_20] : memref<1x32xf32, #tpu.memory_space<vmem>>, vector<1x32xf32>
    %add3A_22 = vector.broadcast %get3A_21 : vector<1x32xf32> to vector<2048x32xf32>
    %add3A_23 = arith.addf %dot_general3A_18, %add3A_22 : vector<2048x32xf32>
    %max3A_24 = arith.constant 0.000000e+00 : f32
    %max3A_25 = vector.broadcast %max3A_24 : f32 to vector<2048x32xf32>
    %max3A_26 = arith.maximumf %add3A_23, %max3A_25 : vector<2048x32xf32>
    %get3A_27 = arith.constant 0 : index
    %get3A_28 = arith.constant 0 : index
    %get3A_29 = vector.load %arg6[%get3A_27, %get3A_28] : memref<16x32xf32, #tpu.memory_space<vmem>>, vector<16x32xf32>
    %dot_general3A_30 = arith.constant dense<0.000000e+00> : vector<2048x16xf32>
    %dot_general3A_31 = tpu.matmul %max3A_26, %get3A_29, %dot_general3A_30 {dimension_numbers = #tpu.dot_dimension_numbers<[1], [1], [0], [0], [0, 0, 1, 0], [], []>, transpose_lhs_hint = false} : vector<2048x32xf32>, vector<16x32xf32>, vector<2048x16xf32> -> vector<2048x16xf32>
    %get3A_32 = arith.constant 0 : index
    %get3A_33 = arith.constant 0 : index
    %get3A_34 = vector.load %arg7[%get3A_32, %get3A_33] : memref<1x16xf32, #tpu.memory_space<vmem>>, vector<1x16xf32>
    %add3A_35 = vector.broadcast %get3A_34 : vector<1x16xf32> to vector<2048x16xf32>
    %add3A_36 = arith.addf %dot_general3A_31, %add3A_35 : vector<2048x16xf32>
    %max3A_37 = arith.constant 0.000000e+00 : f32
    %max3A_38 = vector.broadcast %max3A_37 : f32 to vector<2048x16xf32>
    %max3A_39 = arith.maximumf %add3A_36, %max3A_38 : vector<2048x16xf32>
    %get3A_40 = arith.constant 0 : index
    %get3A_41 = arith.constant 0 : index
    %get3A_42 = vector.load %arg8[%get3A_40, %get3A_41] : memref<8x16xf32, #tpu.memory_space<vmem>>, vector<8x16xf32>
    %dot_general3A_43 = arith.constant dense<0.000000e+00> : vector<2048x8xf32>
    %dot_general3A_44 = tpu.matmul %max3A_39, %get3A_42, %dot_general3A_43 {dimension_numbers = #tpu.dot_dimension_numbers<[1], [1], [0], [0], [0, 0, 1, 0], [], []>, transpose_lhs_hint = false} : vector<2048x16xf32>, vector<8x16xf32>, vector<2048x8xf32> -> vector<2048x8xf32>
    %get3A_45 = arith.constant 0 : index
    %get3A_46 = arith.constant 0 : index
    %get3A_47 = vector.load %arg9[%get3A_45, %get3A_46] : memref<1x8xf32, #tpu.memory_space<vmem>>, vector<1x8xf32>
    %add3A_48 = vector.broadcast %get3A_47 : vector<1x8xf32> to vector<2048x8xf32>
    %add3A_49 = arith.addf %dot_general3A_44, %add3A_48 : vector<2048x8xf32>
    %max3A_50 = arith.constant 0.000000e+00 : f32
    %max3A_51 = vector.broadcast %max3A_50 : f32 to vector<2048x8xf32>
    %max3A_52 = arith.maximumf %add3A_49, %max3A_51 : vector<2048x8xf32>
    %concatenate3A = tpu.concatenate %mul3A, %max3A_52 in 1 : vector<2048x32xf32>, vector<2048x8xf32> -> vector<2048x40xf32>
    %get3A_53 = arith.constant 0 : index
    %get3A_54 = arith.constant 0 : index
    %get3A_55 = vector.load %arg10[%get3A_53, %get3A_54] : memref<1x40xf32, #tpu.memory_space<vmem>>, vector<1x40xf32>
    %mul3A_56 = vector.broadcast %get3A_55 : vector<1x40xf32> to vector<2048x40xf32>
    %mul3A_57 = arith.mulf %concatenate3A, %mul3A_56 : vector<2048x40xf32>
    %reduce_sum3A = arith.constant dense<0.000000e+00> : vector<2048xf32>
    %reduce_sum3A_58 = vector.multi_reduction <add>, %mul3A_57, %reduce_sum3A [1] : vector<2048x40xf32> to vector<2048xf32>
    %broadcast_in_dim3A = vector.shape_cast %reduce_sum3A_58 : vector<2048xf32> to vector<2048x1xf32>
    %get3A_59 = arith.constant 0 : index
    %get3A_60 = arith.constant 0 : index
    %get3A_61 = vector.load %arg11[%get3A_59, %get3A_60] : memref<1x1xf32, #tpu.memory_space<vmem>>, vector<1x1xf32>
    %add3A_62 = vector.broadcast %get3A_61 : vector<1x1xf32> to vector<2048x1xf32>
    %add3A_63 = arith.addf %broadcast_in_dim3A, %add3A_62 : vector<2048x1xf32>
    %neg3A = arith.constant 0.000000e+00 : f32
    %neg3A_64 = vector.broadcast %neg3A : f32 to vector<2048x1xf32>
    %neg3A_65 = arith.subf %neg3A_64, %add3A_63 : vector<2048x1xf32>
    %exp3A = math.exp %neg3A_65 : vector<2048x1xf32>
    %add3A_66 = arith.constant 1.000000e+00 : f32
    %add3A_67 = vector.broadcast %add3A_66 : f32 to vector<2048x1xf32>
    %add3A_68 = arith.addf %add3A_67, %exp3A : vector<2048x1xf32>
    %div3A = arith.constant 1.000000e+00 : f32
    %div3A_69 = vector.broadcast %div3A : f32 to vector<2048x1xf32>
    %div3A_70 = arith.divf %div3A_69, %add3A_68 : vector<2048x1xf32>
    %swap3A = arith.constant 0 : index
    %swap3A_71 = arith.constant 0 : index
    %swap3A_72 = vector.load %arg12[%swap3A, %swap3A_71] : memref<2048x1xf32, #tpu.memory_space<vmem>>, vector<2048x1xf32>
    tpu.vector_store %arg12[%swap3A, %swap3A_71], %div3A_70 {strides = array<i32>} : memref<2048x1xf32, #tpu.memory_space<vmem>>, vector<2048x1xf32>,
    return
  }
  func.func @transform_0(%arg0: i32) -> (i32, i32) {
    %c0_i32 = arith.constant 0 : i32
    %c0_i32_0 = arith.constant 0 : i32
    return %arg0, %c0_i32 : i32, i32
  }
  func.func @transform_1(%arg0: i32) -> (i32, i32) {
    %c0_i32 = arith.constant 0 : i32
    %c0_i32_0 = arith.constant 0 : i32
    %c0_i32_1 = arith.constant 0 : i32
    return %c0_i32, %c0_i32_0 : i32, i32
  }
  func.func @transform_2(%arg0: i32) -> (i32, i32) {
    %c0_i32 = arith.constant 0 : i32
    %c0_i32_0 = arith.constant 0 : i32
    %c0_i32_1 = arith.constant 0 : i32
    return %c0_i32, %c0_i32_0 : i32, i32
  }
  func.func @transform_3(%arg0: i32) -> (i32, i32) {
    %c0_i32 = arith.constant 0 : i32
    %c0_i32_0 = arith.constant 0 : i32
    %c0_i32_1 = arith.constant 0 : i32
    return %c0_i32, %c0_i32_0 : i32, i32
  }
  func.func @transform_4(%arg0: i32) -> (i32, i32) {
    %c0_i32 = arith.constant 0 : i32
    %c0_i32_0 = arith.constant 0 : i32
    %c0_i32_1 = arith.constant 0 : i32
    return %c0_i32, %c0_i32_0 : i32, i32
  }
  func.func @transform_5(%arg0: i32) -> (i32, i32) {
    %c0_i32 = arith.constant 0 : i32
    %c0_i32_0 = arith.constant 0 : i32
    %c0_i32_1 = arith.constant 0 : i32
    return %c0_i32, %c0_i32_0 : i32, i32
  }
  func.func @transform_6(%arg0: i32) -> (i32, i32) {
    %c0_i32 = arith.constant 0 : i32
    %c0_i32_0 = arith.constant 0 : i32
    %c0_i32_1 = arith.constant 0 : i32
    return %c0_i32, %c0_i32_0 : i32, i32
  }
  func.func @transform_7(%arg0: i32) -> (i32, i32) {
    %c0_i32 = arith.constant 0 : i32
    %c0_i32_0 = arith.constant 0 : i32
    %c0_i32_1 = arith.constant 0 : i32
    return %c0_i32, %c0_i32_0 : i32, i32
  }
  func.func @transform_8(%arg0: i32) -> (i32, i32) {
    %c0_i32 = arith.constant 0 : i32
    %c0_i32_0 = arith.constant 0 : i32
    %c0_i32_1 = arith.constant 0 : i32
    return %c0_i32, %c0_i32_0 : i32, i32
  }
  func.func @transform_9(%arg0: i32) -> (i32, i32) {
    %c0_i32 = arith.constant 0 : i32
    %c0_i32_0 = arith.constant 0 : i32
    %c0_i32_1 = arith.constant 0 : i32
    return %c0_i32, %c0_i32_0 : i32, i32
  }
  func.func @transform_10(%arg0: i32) -> (i32, i32) {
    %c0_i32 = arith.constant 0 : i32
    %c0_i32_0 = arith.constant 0 : i32
    %c0_i32_1 = arith.constant 0 : i32
    return %c0_i32, %c0_i32_0 : i32, i32
  }
  func.func @transform_11(%arg0: i32) -> (i32, i32) {
    %c0_i32 = arith.constant 0 : i32
    %c0_i32_0 = arith.constant 0 : i32
    return %arg0, %c0_i32 : i32, i32
  }
}

</mosaic_0001>

<sc_bundles>
// kernel: kernel.4.cloned.1.call-start
scs
__scs_entry_jumppad:
0x0: {  	(pc) =	sbr.rel $0x88, $3  }
0x1: {  	(tag) =	ssettag $0x0;
	lr =	simm.s32 $0x1  }
0x2: {  	[smem:$0x3F91] =	sst lr;
	_ =	strace $0xD0000000  }
0x3: {  	_ = 	snop  }
0x4: {  	_ = 	snop  }
0x5: {  	_ = 	snop  }
0x6: {  	_ = 	snop  }
0x7: {  	_ = 	snop  }
__scs_overlays_trampoline_lowered:
0x8: {  	[smem:$0x3FA0] =	sst s0  }
0x9: {  	[smem:$0x3FA1] =	sst s1  }
0xa: {  	[smem:$0x3FA2] =	sst s2  }
0xb: {  	[smem:$0x3FA3] =	sst s3  }
0xc: {  	[smem:$0x3FA4] =	sst s4  }
0xd: {  	[smem:$0x3FA5] =	sst s5  }
0xe: {  	[smem:$0x3FA6] =	sst s6  }
0xf: {  	[smem:$0x3FA7] =	sst s7  }
0x10: {  	[smem:$0x3FA8] =	sst s8  }
0x11: {  	[smem:$0x3FA9] =	sst s9;
	s0 =	simm.s32 @!p0 $0x0  }
0x12: {  	s1 =	sld [smem:$0x3F8F];
	s0 =	simm.s32 @p0 $0x1  }
0x13: {  	[smem:$0x3FAA] =	sst s0;
	s0 =	simm.s32 @!p1 $0x0  }
0x14: {  	s2 =	sld [smem:$0x3F8E];
	s0 =	simm.s32 @p1 $0x1  }
0x15: {  	[smem:$0x3FAB] =	sst s0;
	s0 =	simm.s32 @!p2 $0x0  }
0x16: {  	s3 =	sld [smem:$0x3FDB];
	s0 =	simm.s32 @p2 $0x1  }
0x17: {  	s4 =	simm.s32 $0x1BF5;
	[smem:$0x3FAD] =	sst s0  }
0x18: {  	s0 =	sld [smem:$0x3F90];
	_ =	swait.ge [sflag:s4], $0x0  }
0x19: {  	s7 =	sld [smem:$0x3F91]  }
0x1a: {  	s8 =	sadd.s32 $0xFFFFE003, lr  }
0x1b: {  	s9 =	sadd.s32 $0xFFFFFEF7, lr;
	s5 =	simm.s32 $0xFFFFFFFF;
	p2 =	slt.u32 s8, $0xFFFFF086  }
0x1c: {  	p1 =	slt.u32 s9, $0xF7A;
	s5 =	simm.s32 @!p2 $0x0  }
0x1d: {  	s5 =	simm.s32 @p1 $0x1;
	p0 =	seq.s32 s7, s2  }
0x1e: {  	s7 =	smul.u32 @!p0 $0xF7A, s2;
	p2 =	seq.s32 @!p0 s5, $0x0  }
0x1f: {  	s9 =	smul.u32 $0xF7A, s1;
	s8 =	simm.s32 @!p0 $0x1BF5;
	p2 =	por !p2, p0  }
0x20: {  	[sflag:s8] =	ssyncset.s32 @!p0 $0xFFFFF086;
	s6 =	sadd.s32 @!p0 s3, s7;
	s7 =	simm.s32 @!p0 $0x108  }
0x21: {  	s3 =	sadd.s32 s3, s9;
	s6 =	sadd.s32 @!p0 $0x88, s6;
	s7 =	simm.s32 @p2 $0x1082  }
0x22: {  	[simem:s7], [sflag:s8] =	dma.local @!p0 [hbm:s6], $0xF7A  }
0x23: {  	s9 =	sor.u32 $0xD0000000, s2;
	s6 =	simm.s32 $0x108;
	_ =	swait.ge @!p0 [sflag:s8], $0x0  }
0x24: {  	s3 =	sadd.s32 $0x88, s3;
	s6 =	simm.s32 @!p1 $0x1082;
	[sflag:s4] =	ssyncset.s32 $0xFFFFF086  }
0x25: {  	[simem:s6], [sflag:s4] =	dma.local [hbm:s3], $0xF7A  }
0x26: {  	[smem:$0x3F91] =	sst s1;
	(tag) =	ssettag s2;
	_ =	strace s9  }
0x27: {  	s1 =	sld [smem:$0x3FA1]  }
0x28: {  	s2 =	sld [smem:$0x3FA2]  }
0x29: {  	s4 =	sld [smem:$0x3FA4]  }
0x2a: {  	p0 =	seq.s32 s5, $0x0;
	s5 =	sld [smem:$0x3FA5]  }
0x2b: {  	s6 =	sld [smem:$0x3FA6]  }
0x2c: {  	s7 =	sld [smem:$0x3FA7]  }
0x2d: {  	s3 =	simm.s32 $0x108;
	s8 =	sld [smem:$0x3FA8]  }
0x2e: {  	s3 =	simm.s32 @!p0 $0x1082;
	s9 =	sld [smem:$0x3FA9]  }
0x2f: {  	lr =	sadd.s32 s0, s3;
	s0 =	sld [smem:$0x3FA0]  }
0x30: {  	s3 =	sld [smem:$0x3FA3]  }
0x31: {  	[smem:$0x3FAC] =	sst s10  }
0x32: {  	s10 =	sld [smem:$0x3FAA];
	_ =	sdelay $0x3  }
0x33: {  	p0 =	seq.s32 s10, $0x1;
	s10 =	sld [smem:$0x3FAC];
	_ =	sdelay $0x3  }
0x34: {  	[smem:$0x3FAC] =	sst s10  }
0x35: {  	s10 =	sld [smem:$0x3FAB];
	_ =	sdelay $0x3  }
0x36: {  	p1 =	seq.s32 s10, $0x1;
	s10 =	sld [smem:$0x3FAC];
	_ =	sdelay $0x3  }
0x37: {  	[smem:$0x3FAC] =	sst s10  }
0x38: {  	s10 =	sld [smem:$0x3FAD]  }
0x39: {  	_ = 	snop;
	(pc) =	sbr.ind lr, $3  }
0x3a: {  	_ = 	snop  }
0x3b: {  	_ = 	snop  }
0x3c: {  	p2 =	seq.s32 s10, $0x1;
	s10 =	sld [smem:$0x3FAC]  }
0x3d: {  	_ =	shalt  }
0x3e: {  	_ =	shalt  }
0x3f: {  	_ =	shalt  }
0x40: {  	_ =	shalt  }
0x41: {  	_ =	shalt  }
0x42: {  	_ =	shalt  }
0x43: {  	_ =	shalt  }
0x44: {  	_ =	shalt  }
0x45: {  	_ =	shalt  }
0x46: {  	_ =	shalt  }
0x47: {  	_ =	shalt  }
0x48: {  	_ =	shalt  }
0x49: {  	_ =	shalt  }
0x4a: {  	_ =	shalt  }
0x4b: {  	_ =	shalt  }
0x4c: {  	_ =	shalt  }
0x4d: {  	_ =	shalt  }
0x4e: {  	_ =	shalt  }
0x4f: {  	_ =	shalt  }
0x50: {  	_ =	shalt  }
0x51: {  	_ =	shalt  }
0x52: {  	_ =	shalt  }
0x53: {  	_ =	shalt  }
0x54: {  	_ =	shalt  }
0x55: {  	_ =	shalt  }
0x56: {  	_ =	shalt  }
0x57: {  	_ =	shalt  }
0x58: {  	_ =	shalt  }
0x59: {  	_ =	shalt  }
0x5a: {  	_ =	shalt  }
0x5b: {  	_ =	shalt  }
0x5c: {  	_ =	shalt  }
0x5d: {  	_ =	shalt  }
0x5e: {  	_ =	shalt  }
0x5f: {  	_ =	shalt  }
0x60: {  	_ =	shalt  }
0x61: {  	_ =	shalt  }
0x62: {  	_ =	shalt  }
0x63: {  	_ =	shalt  }
0x64: {  	_ =	shalt  }
0x65: {  	_ =	shalt  }
0x66: {  	_ =	shalt  }
0x67: {  	_ =	shalt  }
0x68: {  	_ =	shalt  }
0x69: {  	_ =	shalt  }
0x6a: {  	_ =	shalt  }
0x6b: {  	_ =	shalt  }
0x6c: {  	_ =	shalt  }
0x6d: {  	_ =	shalt  }
0x6e: {  	_ =	shalt  }
0x6f: {  	_ =	shalt  }
0x70: {  	_ =	shalt  }
0x71: {  	_ =	shalt  }
0x72: {  	_ =	shalt  }
0x73: {  	_ =	shalt  }
0x74: {  	_ =	shalt  }
0x75: {  	_ =	shalt  }
0x76: {  	_ =	shalt  }
0x77: {  	_ =	shalt  }
0x78: {  	_ =	shalt  }
0x79: {  	_ =	shalt  }
0x7a: {  	_ =	shalt  }
0x7b: {  	_ =	shalt  }
0x7c: {  	_ =	shalt  }
0x7d: {  	_ =	shalt  }
0x7e: {  	_ =	shalt  }
0x7f: {  	_ =	shalt  }
0x80: {  	_ =	shalt  }
0x81: {  	_ =	shalt  }
0x82: {  	_ =	shalt  }
0x83: {  	_ =	shalt  }
0x84: {  	_ =	shalt  }
0x85: {  	_ =	shalt  }
0x86: {  	_ =	shalt  }
0x87: {  	_ =	shalt  }
.Lfunc_end0:
.L_simem_size_0:
called_computation_lowered:
.L_overlay_start_0:
0x88: {  	s2 =	sld [smem:$0x3FD9]  }
0x89: {  	s3 =	sld [smem:$0x3FFE];
	_ =	sdelay $0x1  }
0x8a: {  	s1 =	srdreg.scid  }
0x8b: {  	s0 =	sand.u32 $0x1, s1  }
0x8c: {  	s17 =	sshll.u32 s0, $0xA;
	s2 =	sadd.s32 s3, s2  }
0x8d: {  	s2 =	sadd.s32 s2, s17  }
0x8e: {  	[smem:$0x3FB8] =	sst s2  }
0x8f: {  	_ = 	snop  }
0x90: {  	s2 =	sld [smem:$0x3FC9]  }
0x91: {  	s18 =	sld [smem:$0x3FC8]  }
0x92: {  	s4 =	sld [smem:$0x3FC7]  }
0x93: {  	s5 =	sld [smem:$0x3FC6]  }
0x94: {  	s6 =	sld [smem:$0x3FC5]  }
0x95: {  	s7 =	sld [smem:$0x3FC4]  }
0x96: {  	s8 =	sld [smem:$0x3FD0];
	(tm) =	ssettm $0x1  }
0x97: {  	s9 =	sld [smem:$0x3FFB];
	_ =	sdelay $0x3  }
0x98: {  	_ =	strace s9  }
0x99: {  	s9 =	sld [smem:$0x3FFC];
	_ =	sdelay $0x3  }
0x9a: {  	_ =	strace s9  }
0x9b: {  	s9 =	sld [smem:$0x3FFD];
	_ =	sdelay $0x3  }
0x9c: {  	_ =	strace s9  }
0x9d: {  	_ =	strace $0x8FFFFFFF  }
0x9e: {  	s19 =	sld [smem:$0x3FDB];
	_ =	sdelay $0x1  }
0x9f: {  	s10 =	simm.s32 $_scs_section_size  }
0xa0: {  	s11 =	simm.s32 $_size__tile_overlayer_lowered;
	s12 =	simm.s32 $_tile_overlayer_lowered  }
0xa1: {  	s22 =	simm.s32 $0x1BFF;
	s21 =	sshll.u32 s12, $0x1;
	s9 =	sadd.s32 s10, s19  }
0xa2: {  	s13 =	simm.s32 $0x0;
	s20 =	sshll.u32 s11, $0x1;
	s11 =	sadd.s32 s21, s9  }
0xa3: {  	[timem:s13], [sflag:s22] =	dma.local [hbm:s11], s20  }
0xa4: {  	_ =	swait.ge [sflag:s22], s20  }
0xa5: {  	s10 =	ssub.s32 $0x0, s20;
	[sflag:s22] =	ssyncset.done $0x0  }
0xa6: {  	[sflag:s22] =	ssyncadd.s32 s10;
	_ =	sdelay $0x1  }
0xa7: {  	s23 =	simm.s32 $0x1B8B  }
0xa8: {  	_ =	swait.ge [sflag:s23], $0x1  }
0xa9: {  	[sflag:s23] =	ssyncset.done $0x0  }
0xaa: {  	s25 =	simm.s32 $0x1B8E;
	s24 =	sld [smem:$0x3FFE];
	[sflag:s23] =	ssyncadd.s32 $0xFFFFFFFF  }
0xab: {  	s26 =	simm.s32 $execute0_lowered;
	[smem:$0x3FD2] =	sst s25  }
0xac: {  	s11 =	sshll.u32 s26, $0x1;
	_ =	strace $0x80000046;
	[dreg:$0x1] =	wrdreg $0xFFFFFFFF  }
0xad: {  	s28 =	simm.s32 $_size_execute0_lowered;
	s9 =	sadd.s32 s9, s11;
	[dreg:$0x0] =	wrdreg $0x0  }
0xae: {  	s11 =	sshll.u32 s28, $0x1;
	[dreg:$0x2] =	wrdreg s9  }
0xaf: {  	[dreg:$0x3] =	wrdreg s11  }
0xb0: {  	[dreg:$0x4] =	wrdreg $0xC0  }
0xb1: {  	_ =	task [dreg:s13], $0x5FFFF  }
0xb2: {  	[dreg:$0x1] =	wrdreg $0xFFFFFFFF  }
0xb3: {  	[dreg:$0x0] =	wrdreg $0x60  }
0xb4: {  	[dreg:$0x2] =	wrdreg s2  }
0xb5: {  	[dreg:$0x3] =	wrdreg s18  }
0xb6: {  	[dreg:$0x4] =	wrdreg s4  }
0xb7: {  	[dreg:$0x5] =	wrdreg s5  }
0xb8: {  	[dreg:$0x6] =	wrdreg s6  }
0xb9: {  	[dreg:$0x7] =	wrdreg s7  }
0xba: {  	[dreg:$0x8] =	wrdreg s24  }
0xbb: {  	[dreg:$0x9] =	wrdreg s8  }
0xbc: {  	[dreg:$0xa] =	wrdreg $0x9  }
0xbd: {  	_ =	task.clear_ibuf [dreg:s13], $0xBFFFF;
	_ =	strace $0x90000046  }
0xbe: {  	s29 =	simm.s32 $0x9;
	_ =	strace $0x80000048  }
0xbf: {  	_ =	swait.ge [sflag:s29], $0x1  }
0xc0: {  	[sflag:s29] =	ssyncadd.s32 $0xFFFFFFFF  }
0xc1: {  	_ =	strace $0x90000048  }
0xc2: {  	_ =	sfence  }
0xc3: {  	s30 =	sld [smem:$0x0];
	_ =	sdelay $0x2  }
0xc4: {  	s31 =	sshll.u32 s1, $0xD;
	s1 =	sshrl.u32 s1, $0x2  }
0xc5: {  	s3 =	sand.u32 $0x4000, s31;
	s1 =	sadd.s32 s1, s30  }
0xc6: {  	s0 =	sor.u32 s3, s0;
	s1 =	sshll.u32 s1, $0x11  }
0xc7: {  	s0 =	sor.u32 s1, s0  }
0xc8: {  	s0 =	sadd.s32 $0x8F2B, s0  }
0xc9: {  	[sflag:s0] =	ssyncadd.remote.s32 $0x1  }
0xca: {  	_ =	sfence.sel $0xFFFF  }
0xcb: {  	[dreg:$0x0] =	wrdreg $0xFFFFFFFF;
	(pc) =	sbr.abs _section_cstart, $3  }
0xcc: {  	[dreg:$0x1] =	wrdreg $0xFFFFFFFF  }
0xcd: {  	_ =	task.clear_ibuf [dreg:s13], $0x2FFFF;
	_ =	strace $0x9FFFFFFF  }
0xce: {  	(tm) =	ssettm $0x7FFFFFFF  }
0xcf: {  	_ =	shalt  }
tec
execute0_lowered:
.L_overlay_start_1:
0x0: {  	(tag) =	ssettag $0x1  }
0x1: {  	s4 =	rddreg [dreg:$0x2]  }
0x2: {  	s5 =	rddreg [dreg:$0x3]  }
0x3: {  	s0 =	srdreg.scid;
	s6 =	rddreg [dreg:$0x4]  }
0x4: {  	s1 =	stileid.u32;
	v1 =	vimm.s32 $0x1B80;
	vm0 =	vcmask $0x300;
	s7 =	rddreg [dreg:$0x5]  }
0x5: {  	vm1 =	vcmask $0x704;
	s2 =	rddreg [dreg:$0x6];
	vm2 =	vcmask $0xB08;
	v2 =	vimm.s32 $0x4B80;
	s9 =	simm.s32 $0x0;
	s25 =	simm.s32 $0x1800  }
0x6: {  	vm3 =	vcmask $0xF0C;
	vm15 =	vcmask $0x1310;
	s28 =	simm.s32 $0x5300;
	s29 =	simm.s32 $0xB300;
	s20 =	simm.s32 $0x3;
	v1 =	vsel vm0, $0x0, v1  }
0x7: {  	vm6 =	vcmask $0x1714;
	s31 =	simm.s32 $0x1;
	s8 =	simm.s32 $0x1F700;
	s10 =	simm.s32 $0x1D300;
	v2 =	vsel vm0, $0x3000, v2;
	v1 =	vsel vm1, $0x80, v1  }
0x8: {  	vm7 =	vcmask $0x1B18;
	s11 =	simm.s32 $0x1E300;
	s0 =	sand.u32 $0x1, s0;
	s1 =	sshll.u32 s1, $0x1;
	v2 =	vsel vm1, $0x3080, v2;
	v1 =	vsel vm2, $0x100, v1  }
0x9: {  	vm8 =	vcmask $0x1F1C;
	[smem:$0x7FF] =	sst s9;
	s3 =	sadd.s32 $0x1C00, s2;
	s21 =	sadd.s32 $0x2000, s2;
	v2 =	vsel vm2, $0x3100, v2;
	v1 =	vsel vm3, $0x180, v1  }
0xa: {  	vm9 =	vcmask $0x2320;
	s22 =	sadd.s32 $0x1E00, s2;
	s13 =	sadd.s32 $0x2200, s2;
	s18 =	sadd.s32 $0x2208, s2;
	v2 =	vsel vm3, $0x3180, v2;
	v1 =	vsel vm15, $0x200, v1  }
0xb: {  	vm10 =	vcmask $0x2724;
	s1 =	sor.u32 s0, s1;
	_ =	strace $0x80000047;
	[dreg:$0x9] =	wrdreg s3;
	v2 =	vsel vm15, $0x3200, v2;
	v1 =	vsel vm6, $0x280, v1  }
0xc: {  	vm11 =	vcmask $0x2B28;
	[dreg:$0xa] =	wrdreg s21;
	s0 =	ssub.s32 $0x2, s0;
	s1 =	smul.u32 $0x7A12, s1;
	v2 =	vsel vm6, $0x3280, v2;
	v1 =	vsel vm7, $0x300, v1  }
0xd: {  	vm12 =	vcmask $0x2F2C;
	[dreg:$0xb] =	wrdreg s22;
	s22 =	sadd.s32 $0x2204, s2;
	s23 =	sshrl.u32 s0, $0x1;
	v2 =	vsel vm7, $0x3300, v2;
	v1 =	vsel vm8, $0x380, v1  }
0xe: {  	s0 =	ssub.s32 s0, s23;
	v0 =	vmov s1;
	s24 =	sadd.s32 $0x7A12, s1;
	s1 =	sand.u32 $0xFFF80, s1;
	v2 =	vsel vm8, $0x3380, v2;
	v1 =	vsel vm9, $0x1800, v1  }
0xf: {  	vm13 =	vcmask $0x3330;
	s23 =	sadd.s32 $0x220C, s2;
	s0 =	smax.u32 s0, $0x1;
	[dreg:$0xc] =	wrdreg s1;
	v2 =	vsel vm9, $0x4800, v2;
	v1 =	vsel vm10, $0x1880, v1  }
0x10: {  	vm14 =	vcmask $0x3734;
	s2 =	simm.s32 $0x1F300;
	s4 =	sadd.s32 s4, s1;
	[dreg:$0x11] =	wrdreg s0;
	v2 =	vsel vm10, $0x4880, v2;
	v1 =	vsel vm11, $0x1900, v1  }
.Ltmp0:
0x11: {  	vm15 =	vcmask $0x3B38;
	s26 =	sadd.s32 s6, s1;
	[dreg:$0xd] =	wrdreg s4;
	v2 =	vsel vm11, $0x4900, v2;
	v1 =	vsel vm12, $0x1980, v1;
	(pc) =	sbr.rel .LBB2_1-.Ltmp0, $4  }
0x12: {  	s17 =	sadd.s32 $0x300, s1;
	s30 =	sadd.s32 s5, s1;
	[dreg:$0xe] =	wrdreg s26;
	v2 =	vsel vm12, $0x4980, v2;
	v3 =	vsel vm13, $0x1A00, v1;
	v1 =	vlaneseq.u32  }
0x13: {  	s19 =	sadd.s32 $0x600, s1;
	s1 =	sadd.s32 s7, s1;
	[dreg:$0xf] =	wrdreg s30;
	v5 =	vsel vm13, $0x4A00, v2;
	v4 =	vsel vm14, $0x1A80, v3;
	v2 =	vmul.u32 $0x80, v1  }
0x14: {  	s7 =	simm.s32 $0x2;
	s0 =	simm.s32 $0x11300;
	[dreg:$0x10] =	wrdreg s1;
	v3 =	vmov s24;
	v5 =	vsel vm14, $0x4A80, v5;
	v6 =	vor.u32 $0x10, v1  }
0x15: {  	s26 =	simm.s32 $0x7A1400;
	s1 =	simm.s32 $0x17300;
	s4 =	simm.s32 $0x0;
	v4 =	vsel vm15, $0x1B00, v4;
	v5 =	vsel vm15, $0x4B00, v5;
	v7 =	vor.u32 $0x800, v2  }
.LBB2_82:
0x16: {  	[sflag:s31] =	ssyncadd.s32 $0xFFFFFFE0;
	s4 =	rddreg [dreg:$0x12]  }
.LBB2_83:
0x17: {  	s4 =	sadd.s32 $0x1, s4;
	s3 =	rddreg [dreg:$0x11]  }
0x18: {  	p0 =	sne.s32 s4, s3  }
.Ltmp1:
0x19: {  	_ = 	snop;
	(pc) =	sbr.rel @!p0 .LBB2_84-.Ltmp1, $1  }
0x1a: {  	_ =	sdelay $0x3  }
.LBB2_1:
0x1b: {  	[dreg:$0x12] =	wrdreg s4  }
0x1c: {  	s3 =	rddreg [dreg:$0xd]  }
0x1d: {  	[tilespmem:s28], [sflag:$0x2] =	stream.strided.gather [hbm4b:s3+s25], $0x6000, s26, s25, $0x38;
	[tilespmem:$0x1FB00] =	vst v63  }
0x1e: {  	s24 =	rddreg [dreg:$0xe]  }
0x1f: {  	[tilespmem:s29], [sflag:$0x2] =	stream.strided.gather [hbm4b:s24+s25], $0x6000, s26, s25, $0x38;
	[tilespmem:$0x1FB00] =	vst v63  }
0x20: {  	s30 =	rddreg [dreg:$0x0]  }
0x21: {  	[tilespmem:s9], [sflag:$0x3] =	stream.linear.gather [hbm4b:s30+s9], $0x4000, $0x38;
	[tilespmem:$0x1FB00] =	vst v63  }
0x22: {  	_ =	swait.ge [sflag:s20], $0x4000  }
0x23: {  	[sflag:s20] =	ssyncset.done $0x0  }
0x24: {  	[sflag:s20] =	ssyncadd.s32 $0xFFFFC000  }
0x25: {  	v8 =	vld [tilespmem:s9+$0x0];
	_ =	sdelay $0x4  }
0x26: {  	vm0 =	vge.s32 v8, v0;
	vm1 =	vlt.s32 v8, v3  }
0x27: {  	vm0 =	vmand vm0, vm1  }
0x28: {  	v9 =	vmpcnt.ones.xlane vm0;
	_ =	sdelay $0x1  }
0x29: {  	(v2sf) =	vpush v9, $0x0;
	_ =	sdelay $0x4  }
0x2a: {  	[tilespmem:s9+$0x4000] =	vst.msk vm0, v8;
	v8 =	vor.u32 s9, v1  }
0x2b: {  	s3 =	simm.s32 $0x10;
	[tilespmem:s9+$0x4880] =	vst.msk vm0, v8  }
0x2c: {  	s5 =	simm.s32 $0x20;
	s4 =	simm.s32 $0x0;
	s6 =	simm.s32 $0x10;
	v8 =	vld [tilespmem:s3+$0x0]  }
.LBB2_2:
0x2d: {  	p0 =	sne.s32 s5, $0x3FF0;
	_ =	sdelay $0x3  }
0x2e: {  	vm0 =	vge.s32 v8, v0;
	vm1 =	vlt.s32 v8, v3  }
0x2f: {  	vm0 =	vmand vm0, vm1  }
0x30: {  	v9 =	vmpcnt.ones.xlane vm0  }
0x31: {  	s12 =	spop (v2sf)  }
0x32: {  	(v2sf) =	vpush v9, $0x0;
	s4 =	sadd.s32 s4, s12  }
0x33: {  	v9 =	vor.u32 s3, v1;
	s3 =	smov.u32 s5;
	[tilespmem:s4+$0x4000] =	vst.msk vm0, v8  }
0x34: {  	[tilespmem:s4+$0x4880] =	vst.msk vm0, v9  }
.Ltmp2:
0x35: {  	(pc) =	sbr.rel @p0 .LBB2_2-.Ltmp2, $3  }
0x36: {  	_ =	sdelay $0x1  }
0x37: {  	s6 =	sadd.s32 $0x10, s6  }
0x38: {  	s5 =	sadd.s32 $0x10, s5;
	v8 =	vld [tilespmem:s6+$0x0]  }
0x39: {  	_ =	sdelay $0x3  }
0x3a: {  	vm0 =	vge.s32 v8, v0;
	vm1 =	vlt.s32 v8, v3  }
0x3b: {  	vm0 =	vmand vm0, vm1  }
0x3c: {  	v9 =	vmpcnt.ones.xlane vm0;
	_ =	sdelay $0x1  }
0x3d: {  	(v2sf) =	vpush v9, $0x0;
	_ =	sdelay $0xd  }
0x3e: {  	s5 =	spop (v2sf)  }
0x3f: {  	s4 =	sadd.s32 s4, s5;
	s24 =	spop (v2sf)  }
0x40: {  	s5 =	sadd.s32 s4, s24  }
0x41: {  	s6 =	sadd.s32 $0xF, s5  }
0x42: {  	s12 =	sand.u32 $0xF, s6  }
0x43: {  	s30 =	sshra.s32 s6, $0x1F;
	p1 =	slt.s32 s6, $0x1;
	p0 =	sne.s32 s12, $0x0  }
.Ltmp3:
0x44: {  	s12 =	sshrl.u32 s30, $0x1C;
	p0 =	por !p1, !p0;
	(pc) =	sbr.rel .LBB2_4-.Ltmp3, $4  }
0x45: {  	s6 =	sadd.s32 s12, s6;
	s12 =	simm.s32 $0x1;
	p0 =	por !p0, !p0  }
0x46: {  	s6 =	sshra.s32 s6, $0x4;
	s12 =	simm.s32 @!p0 $0x0  }
0x47: {  	v9 =	vor.u32 s3, v1;
	[tilespmem:s4+$0x4000] =	vst.msk vm0, v8;
	s15 =	ssub.s32 s6, s12  }
0x48: {  	s16 =	simm.s32 $0x0;
	[tilespmem:s4+$0x4880] =	vst.msk vm0, v9;
	v8 =	vmov s5;
	p0 =	slt.s32 s15, $0x1  }
.LBB2_25:
0x49: {  	[sflag:s31] =	ssyncadd.s32 $0xFFFFFFE0  }
.LBB2_26:
0x4a: {  	s16 =	sadd.s32 $0x1, s16  }
0x4b: {  	p1 =	sne.s32 s16, $0x15  }
.Ltmp4:
0x4c: {  	_ = 	snop;
	(pc) =	sbr.rel @!p1 .LBB2_27-.Ltmp4, $1  }
0x4d: {  	_ =	sdelay $0x3  }
.LBB2_4:
0x4e: {  	_ =	swait.ge [sflag:s7], $0x6000  }
0x4f: {  	[sflag:s7] =	ssyncset.done $0x0  }
0x50: {  	s21 =	smul.u32 $0x600, s16;
	[sflag:s7] =	ssyncadd.s32 $0xFFFFA000  }
0x51: {  	_ =	swait.ge [sflag:s7], $0x6000  }
0x52: {  	s20 =	sadd.s32 s21, s17;
	[sflag:s7] =	ssyncset.done $0x0  }
0x53: {  	p1 =	slt.s32 s20, $0xF3F00;
	[sflag:s7] =	ssyncadd.s32 $0xFFFFA000  }
.Ltmp5:
0x54: {  	s20 =	simm.s32 @!p1 $0xF3F00;
	s3 =	rddreg [dreg:$0x2];
	(pc) =	sbr.rel @p0 .LBB2_13-.Ltmp5, $4  }
0x55: {  	s30 =	rddreg [dreg:$0x4];
	s3 =	sadd.s32 s3, s20  }
0x56: {  	[tilespmem:s0], [sflag:$0x2] =	stream.strided.gather [hbm4b:s3+s25], $0x6000, s26, s25, $0x38;
	[tilespmem:$0x1FB00] =	vst v63  }
0x57: {  	s3 =	sadd.s32 s30, s20  }
0x58: {  	[tilespmem:s1], [sflag:$0x2] =	stream.strided.gather [hbm4b:s3+s25], $0x6000, s26, s25, $0x38;
	[tilespmem:$0x1FB00] =	vst v63  }
0x59: {  	p2 =	seq.s32 s15, $0x1  }
.Ltmp6:
0x5a: {  	s3 =	rddreg [dreg:$0xc];
	(pc) =	sbr.rel @p2 .LBB2_6-.Ltmp6, $4  }
0x5b: {  	s3 =	sadd.s32 s3, s21  }
0x5c: {  	p1 =	slt.s32 s3, $0xF3F00  }
0x5d: {  	s30 =	simm.s32 $0x4000;
	s12 =	simm.s32 $0x4880;
	s3 =	simm.s32 @!p1 $0xF3F00  }
0x5e: {  	s24 =	simm.s32 $0x0;
	v10 =	vld [tilespmem:s30+$0x0];
	p1 =	por $0x0, $0x0;
	v9 =	vmov s3;
	s3 =	sadd.s32 $0xFFFFFFFF, s15  }
0x5f: {  	_ =	sdelay $0x2  }
0x60: {  	v11 =	vor.u32 s24, v1  }
0x61: {  	vm1 =	vlt.s32 v11, v8;
	vm0 =	vlt.s32 v10, $0xF4200;
	v10 =	vsub.s32 v10, v9  }
0x62: {  	vm0 =	vmand vm0, vm1;
	vm15 =	vlt.u32 v10, $0x300  }
0x63: {  	vm0 =	vmand vm0, vm15  }
0x64: {  	v11 =	vmpcnt.ones.xlane vm0;
	_ =	sdelay $0x1  }
0x65: {  	v12 =	vld [tilespmem:s12+$0x0];
	(v2sf) =	vpush v11, $0x0  }
0x66: {  	p2 =	seq.s32 s3, $0x1  }
.Ltmp7:
0x67: {  	_ = 	snop;
	(pc) =	sbr.rel @p2 .LBB2_17-.Ltmp7, $4  }
0x68: {  	_ = 	snop  }
0x69: {  	[tilespmem:s24+$0x5100] =	vst.msk vm0, v10  }
0x6a: {  	s5 =	simm.s32 $0x4010;
	s6 =	sadd.s32 $0xFFFFFFFF, s3;
	p1 =	por $0x1, $0x1;
	[tilespmem:s24+$0x5200] =	vst.msk vm0, v12  }
0x6b: {  	s4 =	simm.s32 $0x0;
	s3 =	simm.s32 $0x4880;
	s30 =	simm.s32 $0x0;
	v10 =	vld [tilespmem:s5+$0x0]  }
.LBB2_18:
0x6c: {  	p2 =	seq.s32 s6, $0x1;
	_ =	sdelay $0x1  }
0x6d: {  	s4 =	sadd.s32 $0x10, s4  }
0x6e: {  	v11 =	vor.u32 s4, v1  }
0x6f: {  	vm1 =	vlt.s32 v11, v8;
	v12 =	vsub.s32 v10, v9;
	vm0 =	vlt.s32 v10, $0xF4200  }
0x70: {  	s3 =	sadd.s32 $0x10, s3;
	vm2 =	vlt.u32 v12, $0x300;
	vm0 =	vmand vm0, vm1  }
0x71: {  	v10 =	vld [tilespmem:s3+$0x0];
	vm0 =	vmand vm0, vm2  }
0x72: {  	v11 =	vmpcnt.ones.xlane vm0  }
0x73: {  	s14 =	spop (v2sf)  }
0x74: {  	(v2sf) =	vpush v11, $0x0;
	s30 =	sadd.s32 s30, s14  }
0x75: {  	[tilespmem:s30+$0x5100] =	vst.msk vm0, v12  }
.Ltmp8:
0x76: {  	[tilespmem:s30+$0x5200] =	vst.msk vm0, v10;
	(pc) =	sbr.rel @!p2 .LBB2_18-.Ltmp8, $3  }
0x77: {  	_ =	sdelay $0x1  }
0x78: {  	s5 =	sadd.s32 $0x10, s5  }
0x79: {  	s6 =	sadd.s32 $0xFFFFFFFF, s6;
	v10 =	vld [tilespmem:s5+$0x0]  }
.LBB2_19:
0x7a: {  	_ = 	snop  }
0x7b: {  	s4 =	sadd.s32 @p1 $0x10, s4;
	s5 =	simm.s32 $0x0  }
0x7c: {  	s5 =	smov.u32 @p1 s4  }
0x7d: {  	v11 =	vor.u32 s5, v1  }
0x7e: {  	vm1 =	vlt.s32 v11, v8;
	v9 =	vsub.s32 v10, v9;
	vm0 =	vlt.s32 v10, $0xF4200  }
0x7f: {  	vm2 =	vlt.u32 v9, $0x300;
	vm0 =	vmand vm0, vm1  }
0x80: {  	vm0 =	vmand vm0, vm2  }
0x81: {  	v10 =	vmpcnt.ones.xlane vm0;
	_ =	sdelay $0x1  }
0x82: {  	(v2sf) =	vpush v10, $0x0;
	_ =	sdelay $0x8  }
0x83: {  	s3 =	sadd.s32 @p1 $0x10, s3  }
0x84: {  	s12 =	smov.u32 @p1 s3  }
0x85: {  	v10 =	vld [tilespmem:s12+$0x0]  }
0x86: {  	s3 =	spop @p1 (v2sf)  }
0x87: {  	s3 =	sadd.s32 @p1 s30, s3  }
0x88: {  	s24 =	smov.u32 @p1 s3  }
0x89: {  	[tilespmem:s24+$0x5100] =	vst.msk vm0, v9;
	s30 =	spop (v2sf)  }
0x8a: {  	[tilespmem:s24+$0x5200] =	vst.msk vm0, v10;
	s24 =	sadd.s32 s24, s30  }
0x8b: {  	p1 =	slt.s32 s24, $0x1  }
.Ltmp9:
0x8c: {  	_ = 	snop;
	(pc) =	sbr.rel @p1 .LBB2_13-.Ltmp9, $1  }
0x8d: {  	_ =	sdelay $0x3  }
0x8e: {  	s5 =	simm.s32 $0x5100  }
0x8f: {  	v9 =	vld.msk [tilespmem:s5+$0x0 ss:$0x0], $0xffff;
	_ =	sdelay $0x4  }
0x90: {  	s4 =	simm.s32 $0x5200;
	p1 =	por $0x1, $0x1;
	v10 =	vshll.u32 v9, $0x3  }
0x91: {  	v11 =	vld [tilespmem:s4+$0x0];
	s4 =	simm.s32 @!p1 $0x1;
	v9 =	vand.u32 $0x7F, v9;
	v10 =	vand.u32 $0xFFFFFC00, v10  }
0x92: {  	_ =	swait.ge @!p1 [sflag:s4], $0x20;
	v9 =	vor.u32 v9, v10  }
0x93: {  	[sflag:s4] =	ssyncset.done @!p1 $0x0;
	v10 =	vadd.s32 v4, v9  }
0x94: {  	[sflag:s4] =	ssyncadd.s32 @!p1 $0xFFFFFFE0  }
0x95: {  	s3 =	simm.s32 $0x0;
	_ =	swait.ge @!p1 [sflag:s4], $0x20  }
0x96: {  	s3 =	sand.u32 $0x7, s3;
	[sflag:s4] =	ssyncset.done @!p1 $0x0  }
0x97: {  	s3 =	sshll.u32 s3, $0x7;
	[sflag:s4] =	ssyncadd.s32 @!p1 $0xFFFFFFE0  }
0x98: {  	v13 =	vor.u32 s3, v1;
	v12 =	vld.idx.msk [tilespmem:v10+s28+$0x0], $0xffff  }
0x99: {  	v9 =	vadd.s32 v5, v9;
	_ =	sdelay $0x3  }
0x9a: {  	(v2sf) =	vpush v11, $0x0;
	[tilespmem:v13+s2+$0x0] =	vst.idx.msk $0xffff, v12  }
0x9b: {  	v63 =	vor.u32 s3, v6;
	v11 =	vld.idx.msk [tilespmem:v9+s28+$0x0], $0xffff;
	_ =	sdelay $0x4  }
0x9c: {  	[tilespmem:v63+s2+$0x0] =	vst.idx.msk $0xffff, v11  }
0x9d: {  	v10 =	vld.idx.msk [tilespmem:v10+s29+$0x0], $0xffff;
	_ =	sdelay $0x4  }
0x9e: {  	[tilespmem:v13+s8+$0x0] =	vst.idx.msk $0xffff, v10  }
0x9f: {  	v9 =	vld.idx.msk [tilespmem:v9+s29+$0x0], $0xffff  }
0xa0: {  	p1 =	sne.s32 s24, $0x1  }
.Ltmp10:
0xa1: {  	s12 =	spop (v2sf);
	(pc) =	sbr.rel @!p1 .LBB2_10-.Ltmp10, $4  }
0xa2: {  	s30 =	simm.s32 $0x5101;
	s6 =	sadd.s32 $0x1F300, s3;
	s4 =	sshll.u32 s12, $0x4  }
0xa3: {  	s5 =	sadd.s32 $0x1F700, s3;
	s3 =	simm.s32 $0x5201;
	s4 =	sand.u32 $0x1FFFFFF0, s4  }
0xa4: {  	s12 =	simm.s32 $0x1;
	s14 =	sadd.s32 s13, s4;
	s4 =	sadd.s32 s4, s18;
	[tilespmem:v63+s8+$0x0] =	vst.idx.msk $0xffff, v9  }
0xa5: {  	[hbm4b:s14+s9] =	stream.linear.scatter [tilespmem:s6], [sflag:$0x1], $0x20, $0x38;
	[tilespmem:$0x1FB00] =	vst v63  }
.LBB2_9:
0xa6: {  	[hbm4b:s4+s9] =	stream.linear.scatter [tilespmem:s5], [sflag:$0x1], $0x20, $0x38;
	[tilespmem:$0x1FB00] =	vst v63  }
0xa7: {  	s4 =	smov.u32 s12;
	s12 =	sadd.s32 $0x1, s12;
	v9 =	vld.msk [tilespmem:s30+$0x0 ss:$0x0], $0xffff  }
0xa8: {  	p1 =	sne.s32 s24, s12;
	_ =	sdelay $0x4  }
0xa9: {  	p2 =	slt.u32 s4, $0x8;
	v10 =	vshll.u32 v9, $0x3  }
0xaa: {  	s5 =	simm.s32 @!p2 $0x1;
	v9 =	vand.u32 $0x7F, v9;
	v10 =	vand.u32 $0xFFFFFC00, v10;
	v11 =	vld [tilespmem:s3+$0x0]  }
0xab: {  	v9 =	vor.u32 v9, v10;
	_ =	swait.ge @!p2 [sflag:s5], $0x20  }
0xac: {  	v10 =	vadd.s32 v4, v9;
	[sflag:s5] =	ssyncset.done @!p2 $0x0  }
0xad: {  	[sflag:s5] =	ssyncadd.s32 @!p2 $0xFFFFFFE0  }
0xae: {  	_ =	swait.ge @!p2 [sflag:s5], $0x20  }
0xaf: {  	[sflag:s5] =	ssyncset.done @!p2 $0x0;
	(v2sf) =	vpush v11, $0x0  }
0xb0: {  	s4 =	sand.u32 $0x7, s4;
	[sflag:s5] =	ssyncadd.s32 @!p2 $0xFFFFFFE0  }
0xb1: {  	s5 =	sshll.u32 s4, $0x7;
	v11 =	vld.idx.msk [tilespmem:v10+s28+$0x0], $0xffff  }
0xb2: {  	v12 =	vor.u32 s5, v1  }
0xb3: {  	v9 =	vadd.s32 v5, v9;
	_ =	sdelay $0x3  }
0xb4: {  	[tilespmem:v12+s2+$0x0] =	vst.idx.msk $0xffff, v11  }
0xb5: {  	v11 =	vld.idx.msk [tilespmem:v9+s28+$0x0], $0xffff  }
0xb6: {  	v13 =	vor.u32 s5, v6;
	_ =	sdelay $0x4  }
0xb7: {  	[tilespmem:v13+s2+$0x0] =	vst.idx.msk $0xffff, v11;
	s4 =	spop (v2sf)  }
0xb8: {  	v10 =	vld.idx.msk [tilespmem:v10+s29+$0x0], $0xffff;
	s4 =	sshll.u32 s4, $0x4  }
0xb9: {  	s4 =	sand.u32 $0x1FFFFFF0, s4;
	_ =	sdelay $0x4  }
0xba: {  	[tilespmem:v12+s8+$0x0] =	vst.idx.msk $0xffff, v10  }
0xbb: {  	v9 =	vld.idx.msk [tilespmem:v9+s29+$0x0], $0xffff;
	_ =	sdelay $0x3  }
.Ltmp11:
0xbc: {  	(pc) =	sbr.rel @p1 .LBB2_9-.Ltmp11, $4  }
0xbd: {  	_ = 	snop  }
0xbe: {  	s30 =	sadd.s32 $0x1, s30;
	s14 =	sadd.s32 $0x1F300, s5;
	s6 =	sadd.s32 s13, s4;
	[tilespmem:v13+s8+$0x0] =	vst.idx.msk $0xffff, v9  }
0xbf: {  	[hbm4b:s6+s9] =	stream.linear.scatter [tilespmem:s14], [sflag:$0x1], $0x20, $0x38;
	[tilespmem:$0x1FB00] =	vst v63  }
0xc0: {  	s3 =	sadd.s32 $0x1, s3;
	s5 =	sadd.s32 $0x1F700, s5;
	s4 =	sadd.s32 s4, s18  }
.LBB2_10:
0xc1: {  	[hbm4b:s4+s9] =	stream.linear.scatter [tilespmem:s5], [sflag:$0x1], $0x20, $0x38;
	[tilespmem:$0x1FB00] =	vst v63  }
0xc2: {  	p1 =	slt.s32 s24, $0x8  }
0xc3: {  	s24 =	simm.s32 @!p1 $0x8  }
0xc4: {  	p1 =	sne.s32 s24, $0x1  }
.Ltmp12:
0xc5: {  	_ =	swait.ge [sflag:s31], $0x20;
	(pc) =	sbr.rel @!p1 .LBB2_12-.Ltmp12, $4  }
0xc6: {  	[sflag:s31] =	ssyncset.done $0x0  }
0xc7: {  	[sflag:s31] =	ssyncadd.s32 $0xFFFFFFE0  }
0xc8: {  	_ =	swait.ge [sflag:s31], $0x20  }
0xc9: {  	s3 =	sadd.s32 $0xFFFFFFFF, s24;
	[sflag:s31] =	ssyncset.done $0x0  }
.LBB2_11:
0xca: {  	p1 =	sne.s32 s3, $0x1;
	s3 =	sadd.s32 $0xFFFFFFFF, s3;
	[sflag:s31] =	ssyncadd.s32 $0xFFFFFFE0  }
.Ltmp13:
0xcb: {  	_ =	swait.ge [sflag:s31], $0x20;
	(pc) =	sbr.rel @p1 .LBB2_11-.Ltmp13, $4  }
0xcc: {  	[sflag:s31] =	ssyncset.done $0x0  }
0xcd: {  	[sflag:s31] =	ssyncadd.s32 $0xFFFFFFE0  }
0xce: {  	_ =	swait.ge [sflag:s31], $0x20  }
0xcf: {  	[sflag:s31] =	ssyncset.done $0x0  }
.LBB2_12:
0xd0: {  	[sflag:s31] =	ssyncadd.s32 $0xFFFFFFE0  }
.LBB2_13:
0xd1: {  	_ =	swait.ge [sflag:s7], $0x6000  }
0xd2: {  	[sflag:s7] =	ssyncset.done $0x0  }
0xd3: {  	[sflag:s7] =	ssyncadd.s32 $0xFFFFA000  }
0xd4: {  	_ =	swait.ge [sflag:s7], $0x6000  }
0xd5: {  	s3 =	sadd.s32 s21, s19;
	[sflag:s7] =	ssyncset.done $0x0  }
0xd6: {  	p1 =	slt.s32 s3, $0xF3F00;
	[sflag:s7] =	ssyncadd.s32 $0xFFFFA000  }
.Ltmp14:
0xd7: {  	s3 =	simm.s32 @!p1 $0xF3F00;
	s4 =	rddreg [dreg:$0x2];
	(pc) =	sbr.rel @p0 .LBB2_26-.Ltmp14, $4  }
0xd8: {  	s30 =	rddreg [dreg:$0x4];
	s4 =	sadd.s32 s4, s3  }
0xd9: {  	[tilespmem:s28], [sflag:$0x2] =	stream.strided.gather [hbm4b:s4+s25], $0x6000, s26, s25, $0x38;
	[tilespmem:$0x1FB00] =	vst v63  }
0xda: {  	s3 =	sadd.s32 s30, s3  }
0xdb: {  	[tilespmem:s29], [sflag:$0x2] =	stream.strided.gather [hbm4b:s3+s25], $0x6000, s26, s25, $0x38;
	[tilespmem:$0x1FB00] =	vst v63  }
0xdc: {  	p2 =	seq.s32 s15, $0x1  }
.Ltmp15:
0xdd: {  	_ = 	snop;
	(pc) =	sbr.rel @p2 .LBB2_15-.Ltmp15, $3  }
0xde: {  	_ =	sdelay $0x1  }
0xdf: {  	s3 =	simm.s32 $0x4000;
	s12 =	simm.s32 $0x4880  }
0xe0: {  	v9 =	vmov s20;
	s20 =	simm.s32 $0x0;
	p1 =	por $0x0, $0x0;
	v10 =	vld [tilespmem:s3+$0x0];
	s3 =	sadd.s32 $0xFFFFFFFF, s15  }
0xe1: {  	_ =	sdelay $0x2  }
0xe2: {  	v11 =	vor.u32 s20, v1  }
0xe3: {  	vm1 =	vlt.s32 v11, v8;
	vm0 =	vlt.s32 v10, $0xF4200;
	v10 =	vsub.s32 v10, v9  }
0xe4: {  	vm0 =	vmand vm0, vm1;
	vm15 =	vlt.u32 v10, $0x300  }
0xe5: {  	vm0 =	vmand vm0, vm15  }
0xe6: {  	v11 =	vmpcnt.ones.xlane vm0;
	_ =	sdelay $0x1  }
0xe7: {  	v12 =	vld [tilespmem:s12+$0x0];
	(v2sf) =	vpush v11, $0x0  }
0xe8: {  	p2 =	seq.s32 s3, $0x1  }
.Ltmp16:
0xe9: {  	_ = 	snop;
	(pc) =	sbr.rel @p2 .LBB2_31-.Ltmp16, $4  }
0xea: {  	_ = 	snop  }
0xeb: {  	[tilespmem:s20+$0x5100] =	vst.msk vm0, v10  }
0xec: {  	s5 =	simm.s32 $0x4010;
	s6 =	sadd.s32 $0xFFFFFFFF, s3;
	p1 =	por $0x1, $0x1;
	[tilespmem:s20+$0x5200] =	vst.msk vm0, v12  }
0xed: {  	s4 =	simm.s32 $0x0;
	s3 =	simm.s32 $0x4880;
	s21 =	simm.s32 $0x0;
	v10 =	vld [tilespmem:s5+$0x0]  }
.LBB2_32:
0xee: {  	p2 =	seq.s32 s6, $0x1;
	_ =	sdelay $0x1  }
0xef: {  	s4 =	sadd.s32 $0x10, s4  }
0xf0: {  	v11 =	vor.u32 s4, v1  }
0xf1: {  	vm1 =	vlt.s32 v11, v8;
	v12 =	vsub.s32 v10, v9;
	vm0 =	vlt.s32 v10, $0xF4200  }
0xf2: {  	s3 =	sadd.s32 $0x10, s3;
	vm2 =	vlt.u32 v12, $0x300;
	vm0 =	vmand vm0, vm1  }
0xf3: {  	v10 =	vld [tilespmem:s3+$0x0];
	vm0 =	vmand vm0, vm2  }
0xf4: {  	v11 =	vmpcnt.ones.xlane vm0  }
0xf5: {  	s14 =	spop (v2sf)  }
0xf6: {  	(v2sf) =	vpush v11, $0x0;
	s21 =	sadd.s32 s21, s14  }
0xf7: {  	[tilespmem:s21+$0x5100] =	vst.msk vm0, v12  }
.Ltmp17:
0xf8: {  	[tilespmem:s21+$0x5200] =	vst.msk vm0, v10;
	(pc) =	sbr.rel @!p2 .LBB2_32-.Ltmp17, $3  }
0xf9: {  	_ =	sdelay $0x1  }
0xfa: {  	s5 =	sadd.s32 $0x10, s5  }
0xfb: {  	s6 =	sadd.s32 $0xFFFFFFFF, s6;
	v10 =	vld [tilespmem:s5+$0x0]  }
.LBB2_33:
0xfc: {  	_ = 	snop  }
0xfd: {  	s4 =	sadd.s32 @p1 $0x10, s4;
	s5 =	simm.s32 $0x0  }
0xfe: {  	s5 =	smov.u32 @p1 s4  }
0xff: {  	v11 =	vor.u32 s5, v1  }
0x100: {  	vm1 =	vlt.s32 v11, v8;
	v9 =	vsub.s32 v10, v9;
	vm0 =	vlt.s32 v10, $0xF4200  }
0x101: {  	vm2 =	vlt.u32 v9, $0x300;
	vm0 =	vmand vm0, vm1  }
0x102: {  	vm0 =	vmand vm0, vm2  }
0x103: {  	v10 =	vmpcnt.ones.xlane vm0;
	_ =	sdelay $0x1  }
0x104: {  	(v2sf) =	vpush v10, $0x0;
	_ =	sdelay $0x8  }
0x105: {  	s3 =	sadd.s32 @p1 $0x10, s3  }
0x106: {  	s12 =	smov.u32 @p1 s3  }
0x107: {  	v10 =	vld [tilespmem:s12+$0x0]  }
0x108: {  	s3 =	spop @p1 (v2sf)  }
0x109: {  	s3 =	sadd.s32 @p1 s21, s3  }
0x10a: {  	s20 =	smov.u32 @p1 s3  }
0x10b: {  	[tilespmem:s20+$0x5100] =	vst.msk vm0, v9;
	s30 =	spop (v2sf)  }
0x10c: {  	[tilespmem:s20+$0x5200] =	vst.msk vm0, v10;
	s20 =	sadd.s32 s20, s30  }
0x10d: {  	p1 =	slt.s32 s20, $0x1  }
.Ltmp18:
0x10e: {  	_ = 	snop;
	(pc) =	sbr.rel @p1 .LBB2_26-.Ltmp18, $1  }
0x10f: {  	_ =	sdelay $0x3  }
0x110: {  	s5 =	simm.s32 $0x5100  }
0x111: {  	v9 =	vld.msk [tilespmem:s5+$0x0 ss:$0x0], $0xffff;
	_ =	sdelay $0x4  }
0x112: {  	s4 =	simm.s32 $0x5200;
	p1 =	por $0x1, $0x1;
	v10 =	vshll.u32 v9, $0x3  }
0x113: {  	v11 =	vld [tilespmem:s4+$0x0];
	s4 =	simm.s32 @!p1 $0x1;
	v9 =	vand.u32 $0x7F, v9;
	v10 =	vand.u32 $0xFFFFFC00, v10  }
0x114: {  	_ =	swait.ge @!p1 [sflag:s4], $0x20;
	v9 =	vor.u32 v9, v10  }
0x115: {  	[sflag:s4] =	ssyncset.done @!p1 $0x0;
	v10 =	vadd.s32 v4, v9  }
0x116: {  	[sflag:s4] =	ssyncadd.s32 @!p1 $0xFFFFFFE0  }
0x117: {  	s3 =	simm.s32 $0x0;
	_ =	swait.ge @!p1 [sflag:s4], $0x20  }
0x118: {  	s3 =	sand.u32 $0x7, s3;
	[sflag:s4] =	ssyncset.done @!p1 $0x0  }
0x119: {  	s3 =	sshll.u32 s3, $0x7;
	[sflag:s4] =	ssyncadd.s32 @!p1 $0xFFFFFFE0  }
0x11a: {  	v13 =	vor.u32 s3, v1;
	v12 =	vld.idx.msk [tilespmem:v10+s0+$0x0], $0xffff  }
0x11b: {  	v9 =	vadd.s32 v5, v9;
	_ =	sdelay $0x3  }
0x11c: {  	(v2sf) =	vpush v11, $0x0;
	[tilespmem:v13+s2+$0x0] =	vst.idx.msk $0xffff, v12  }
0x11d: {  	v63 =	vor.u32 s3, v6;
	v11 =	vld.idx.msk [tilespmem:v9+s0+$0x0], $0xffff;
	_ =	sdelay $0x4  }
0x11e: {  	[tilespmem:v63+s2+$0x0] =	vst.idx.msk $0xffff, v11  }
0x11f: {  	v10 =	vld.idx.msk [tilespmem:v10+s1+$0x0], $0xffff;
	_ =	sdelay $0x4  }
0x120: {  	[tilespmem:v13+s8+$0x0] =	vst.idx.msk $0xffff, v10  }
0x121: {  	v9 =	vld.idx.msk [tilespmem:v9+s1+$0x0], $0xffff  }
0x122: {  	p1 =	sne.s32 s20, $0x1  }
.Ltmp19:
0x123: {  	s24 =	spop (v2sf);
	(pc) =	sbr.rel @!p1 .LBB2_23-.Ltmp19, $4  }
0x124: {  	s12 =	simm.s32 $0x1;
	s21 =	simm.s32 $0x5101;
	s4 =	sshll.u32 s24, $0x4  }
0x125: {  	s6 =	sadd.s32 $0x1F300, s3;
	s5 =	sadd.s32 $0x1F700, s3;
	s4 =	sand.u32 $0x1FFFFFF0, s4  }
0x126: {  	s3 =	simm.s32 $0x5201;
	s30 =	sadd.s32 s13, s4;
	s4 =	sadd.s32 s4, s18;
	[tilespmem:v63+s8+$0x0] =	vst.idx.msk $0xffff, v9  }
0x127: {  	[hbm4b:s30+s9] =	stream.linear.scatter [tilespmem:s6], [sflag:$0x1], $0x20, $0x38;
	[tilespmem:$0x1FB00] =	vst v63  }
.LBB2_22:
0x128: {  	[hbm4b:s4+s9] =	stream.linear.scatter [tilespmem:s5], [sflag:$0x1], $0x20, $0x38;
	[tilespmem:$0x1FB00] =	vst v63  }
0x129: {  	s4 =	smov.u32 s12;
	s12 =	sadd.s32 $0x1, s12;
	v9 =	vld.msk [tilespmem:s21+$0x0 ss:$0x0], $0xffff  }
0x12a: {  	p1 =	sne.s32 s20, s12;
	_ =	sdelay $0x4  }
0x12b: {  	p2 =	slt.u32 s4, $0x8;
	v10 =	vshll.u32 v9, $0x3  }
0x12c: {  	s5 =	simm.s32 @!p2 $0x1;
	v9 =	vand.u32 $0x7F, v9;
	v10 =	vand.u32 $0xFFFFFC00, v10;
	v11 =	vld [tilespmem:s3+$0x0]  }
0x12d: {  	v9 =	vor.u32 v9, v10;
	_ =	swait.ge @!p2 [sflag:s5], $0x20  }
0x12e: {  	v10 =	vadd.s32 v4, v9;
	[sflag:s5] =	ssyncset.done @!p2 $0x0  }
0x12f: {  	[sflag:s5] =	ssyncadd.s32 @!p2 $0xFFFFFFE0  }
0x130: {  	_ =	swait.ge @!p2 [sflag:s5], $0x20  }
0x131: {  	[sflag:s5] =	ssyncset.done @!p2 $0x0;
	(v2sf) =	vpush v11, $0x0  }
0x132: {  	s4 =	sand.u32 $0x7, s4;
	[sflag:s5] =	ssyncadd.s32 @!p2 $0xFFFFFFE0  }
0x133: {  	s5 =	sshll.u32 s4, $0x7;
	v11 =	vld.idx.msk [tilespmem:v10+s0+$0x0], $0xffff  }
0x134: {  	v12 =	vor.u32 s5, v1  }
0x135: {  	v9 =	vadd.s32 v5, v9;
	_ =	sdelay $0x3  }
0x136: {  	[tilespmem:v12+s2+$0x0] =	vst.idx.msk $0xffff, v11  }
0x137: {  	v11 =	vld.idx.msk [tilespmem:v9+s0+$0x0], $0xffff  }
0x138: {  	v13 =	vor.u32 s5, v6;
	_ =	sdelay $0x4  }
0x139: {  	[tilespmem:v13+s2+$0x0] =	vst.idx.msk $0xffff, v11;
	s4 =	spop (v2sf)  }
0x13a: {  	v10 =	vld.idx.msk [tilespmem:v10+s1+$0x0], $0xffff;
	s4 =	sshll.u32 s4, $0x4  }
0x13b: {  	s4 =	sand.u32 $0x1FFFFFF0, s4;
	_ =	sdelay $0x4  }
0x13c: {  	[tilespmem:v12+s8+$0x0] =	vst.idx.msk $0xffff, v10  }
0x13d: {  	v9 =	vld.idx.msk [tilespmem:v9+s1+$0x0], $0xffff;
	_ =	sdelay $0x3  }
.Ltmp20:
0x13e: {  	(pc) =	sbr.rel @p1 .LBB2_22-.Ltmp20, $4  }
0x13f: {  	_ = 	snop  }
0x140: {  	s21 =	sadd.s32 $0x1, s21;
	s14 =	sadd.s32 $0x1F300, s5;
	s6 =	sadd.s32 s13, s4;
	[tilespmem:v13+s8+$0x0] =	vst.idx.msk $0xffff, v9  }
0x141: {  	[hbm4b:s6+s9] =	stream.linear.scatter [tilespmem:s14], [sflag:$0x1], $0x20, $0x38;
	[tilespmem:$0x1FB00] =	vst v63  }
0x142: {  	s3 =	sadd.s32 $0x1, s3;
	s5 =	sadd.s32 $0x1F700, s5;
	s4 =	sadd.s32 s4, s18  }
.LBB2_23:
0x143: {  	[hbm4b:s4+s9] =	stream.linear.scatter [tilespmem:s5], [sflag:$0x1], $0x20, $0x38;
	[tilespmem:$0x1FB00] =	vst v63  }
0x144: {  	p1 =	slt.s32 s20, $0x8  }
0x145: {  	s20 =	simm.s32 @!p1 $0x8  }
0x146: {  	p1 =	sne.s32 s20, $0x1  }
.Ltmp21:
0x147: {  	_ =	swait.ge [sflag:s31], $0x20;
	(pc) =	sbr.rel @!p1 .LBB2_25-.Ltmp21, $4  }
0x148: {  	[sflag:s31] =	ssyncset.done $0x0  }
0x149: {  	[sflag:s31] =	ssyncadd.s32 $0xFFFFFFE0  }
0x14a: {  	_ =	swait.ge [sflag:s31], $0x20  }
0x14b: {  	s3 =	sadd.s32 $0xFFFFFFFF, s20;
	[sflag:s31] =	ssyncset.done $0x0  }
.LBB2_24:
0x14c: {  	p1 =	sne.s32 s3, $0x1;
	s3 =	sadd.s32 $0xFFFFFFFF, s3;
	[sflag:s31] =	ssyncadd.s32 $0xFFFFFFE0  }
.Ltmp22:
0x14d: {  	_ =	swait.ge [sflag:s31], $0x20;
	(pc) =	sbr.rel @p1 .LBB2_24-.Ltmp22, $4  }
0x14e: {  	[sflag:s31] =	ssyncset.done $0x0  }
0x14f: {  	[sflag:s31] =	ssyncadd.s32 $0xFFFFFFE0  }
0x150: {  	_ =	swait.ge [sflag:s31], $0x20  }
0x151: {  	[sflag:s31] =	ssyncset.done $0x0  }
.Ltmp23:
0x152: {  	_ = 	snop;
	(pc) =	sbr.rel .LBB2_25-.Ltmp23, $1  }
0x153: {  	_ =	sdelay $0x3  }
.LBB2_6:
.Ltmp24:
0x154: {  	(pc) =	sbr.rel .LBB2_19-.Ltmp24, $2  }
0x155: {  	_ =	sdelay $0x2  }
0x156: {  	s4 =	simm.s32 $0x0;
	s3 =	simm.s32 $0x4880;
	s30 =	simm.s32 $0x0  }
.LBB2_15:
.Ltmp25:
0x157: {  	(pc) =	sbr.rel .LBB2_33-.Ltmp25, $2  }
0x158: {  	_ =	sdelay $0x2  }
0x159: {  	s4 =	simm.s32 $0x0;
	s3 =	simm.s32 $0x4880;
	s21 =	simm.s32 $0x0  }
.LBB2_17:
.Ltmp26:
0x15a: {  	(pc) =	sbr.rel .LBB2_19-.Ltmp26, $2  }
0x15b: {  	_ =	sdelay $0x2  }
0x15c: {  	s4 =	simm.s32 $0x0;
	s3 =	simm.s32 $0x4880;
	s30 =	simm.s32 $0x0  }
.LBB2_31:
.Ltmp27:
0x15d: {  	(pc) =	sbr.rel .LBB2_33-.Ltmp27, $2  }
0x15e: {  	_ =	sdelay $0x2  }
0x15f: {  	s4 =	simm.s32 $0x0;
	s3 =	simm.s32 $0x4880;
	s21 =	simm.s32 $0x0  }
.LBB2_27:
0x160: {  	_ =	swait.ge [sflag:s7], $0x6000  }
0x161: {  	[sflag:s7] =	ssyncset.done $0x0  }
0x162: {  	[sflag:s7] =	ssyncadd.s32 $0xFFFFA000  }
0x163: {  	_ =	swait.ge [sflag:s7], $0x6000  }
0x164: {  	s16 =	simm.s32 $0x0;
	[sflag:s7] =	ssyncset.done $0x0  }
0x165: {  	s20 =	simm.s32 $0x3;
	s3 =	rddreg [dreg:$0x9];
	[sflag:s7] =	ssyncadd.s32 $0xFFFFA000  }
0x166: {  	[tilespmem:s10], [sflag:$0x3] =	stream.linear.gather [hbm4b:s3+s16], $0x1000, $0x38;
	[tilespmem:$0x1FB00] =	vst v63  }
0x167: {  	_ =	swait.ge [sflag:s20], $0x1000  }
0x168: {  	p0 =	sgt.s32 s15, $0x0;
	[sflag:s20] =	ssyncset.done $0x0  }
.Ltmp28:
0x169: {  	s30 =	rddreg [dreg:$0xa];
	[sflag:s20] =	ssyncadd.s32 $0xFFFFF000;
	(pc) =	sbr.rel @!p0 .LBB2_40-.Ltmp28, $4  }
0x16a: {  	[tilespmem:s11], [sflag:$0x3] =	stream.linear.gather [hbm4b:s30+s16], $0x1000, $0x38;
	[tilespmem:$0x1FB00] =	vst v63  }
0x16b: {  	_ =	swait.ge [sflag:s20], $0x1000  }
0x16c: {  	[sflag:s20] =	ssyncset.done $0x0  }
0x16d: {  	[sflag:s20] =	ssyncadd.s32 $0xFFFFF000  }
0x16e: {  	p1 =	seq.s32 s15, $0x1  }
.Ltmp29:
0x16f: {  	_ = 	snop;
	(pc) =	sbr.rel @p1 .LBB2_29-.Ltmp29, $3  }
0x170: {  	_ =	sdelay $0x1  }
0x171: {  	s4 =	simm.s32 $0x4000  }
0x172: {  	s3 =	simm.s32 $0x4880;
	p0 =	por $0x0, $0x0;
	v9 =	vld [tilespmem:s4+$0x0];
	s4 =	sadd.s32 $0xFFFFFFFF, s15  }
0x173: {  	_ =	sdelay $0x3  }
0x174: {  	v11 =	vor.u32 s16, v1;
	v9 =	vadd.s32 $0xFFF0BE00, v9  }
0x175: {  	vm1 =	vlt.s32 v11, v8;
	vm0 =	vgt.s32 v9, $0xFFFFFFFF  }
0x176: {  	vm0 =	vmand vm1, vm0  }
0x177: {  	v11 =	vmpcnt.ones.xlane vm0;
	_ =	sdelay $0x1  }
0x178: {  	v10 =	vld [tilespmem:s3+$0x0];
	(v2sf) =	vpush v11, $0x0  }
0x179: {  	p1 =	seq.s32 s4, $0x1  }
.Ltmp30:
0x17a: {  	_ = 	snop;
	(pc) =	sbr.rel @p1 .LBB2_47-.Ltmp30, $4  }
0x17b: {  	_ = 	snop  }
0x17c: {  	[tilespmem:s16+$0x5100] =	vst.msk vm0, v9  }
0x17d: {  	s5 =	simm.s32 $0x4010;
	s6 =	sadd.s32 $0xFFFFFFFF, s4;
	p0 =	por $0x1, $0x1;
	[tilespmem:s16+$0x5200] =	vst.msk vm0, v10  }
0x17e: {  	s4 =	simm.s32 $0x0;
	s12 =	simm.s32 $0x4880;
	s15 =	simm.s32 $0x0;
	v9 =	vld [tilespmem:s5+$0x0]  }
.LBB2_48:
0x17f: {  	p1 =	seq.s32 s6, $0x1;
	_ =	sdelay $0x2  }
0x180: {  	s4 =	sadd.s32 $0x10, s4  }
0x181: {  	v10 =	vor.u32 s4, v1;
	v9 =	vadd.s32 $0xFFF0BE00, v9  }
0x182: {  	s12 =	sadd.s32 $0x10, s12;
	vm1 =	vlt.s32 v10, v8;
	vm0 =	vgt.s32 v9, $0xFFFFFFFF  }
0x183: {  	v10 =	vld [tilespmem:s12+$0x0];
	vm0 =	vmand vm1, vm0  }
0x184: {  	v11 =	vmpcnt.ones.xlane vm0  }
0x185: {  	s14 =	spop (v2sf)  }
0x186: {  	(v2sf) =	vpush v11, $0x0;
	s15 =	sadd.s32 s15, s14  }
0x187: {  	[tilespmem:s15+$0x5100] =	vst.msk vm0, v9  }
.Ltmp31:
0x188: {  	[tilespmem:s15+$0x5200] =	vst.msk vm0, v10;
	(pc) =	sbr.rel @!p1 .LBB2_48-.Ltmp31, $3  }
0x189: {  	_ =	sdelay $0x1  }
0x18a: {  	s5 =	sadd.s32 $0x10, s5  }
0x18b: {  	s6 =	sadd.s32 $0xFFFFFFFF, s6;
	v9 =	vld [tilespmem:s5+$0x0]  }
.LBB2_49:
0x18c: {  	_ =	sdelay $0x1  }
0x18d: {  	s4 =	sadd.s32 @p0 $0x10, s4;
	s5 =	simm.s32 $0x0  }
0x18e: {  	s5 =	smov.u32 @p0 s4  }
0x18f: {  	v10 =	vor.u32 s5, v1;
	v9 =	vadd.s32 $0xFFF0BE00, v9  }
0x190: {  	vm1 =	vlt.s32 v10, v8;
	vm0 =	vgt.s32 v9, $0xFFFFFFFF  }
0x191: {  	vm0 =	vmand vm1, vm0  }
0x192: {  	v8 =	vmpcnt.ones.xlane vm0;
	_ =	sdelay $0x1  }
0x193: {  	(v2sf) =	vpush v8, $0x0;
	_ =	sdelay $0x8  }
0x194: {  	s4 =	sadd.s32 @p0 $0x10, s12  }
0x195: {  	s3 =	smov.u32 @p0 s4  }
0x196: {  	v8 =	vld [tilespmem:s3+$0x0]  }
0x197: {  	s3 =	spop @p0 (v2sf)  }
0x198: {  	s3 =	sadd.s32 @p0 s15, s3  }
0x199: {  	s16 =	smov.u32 @p0 s3  }
0x19a: {  	[tilespmem:s16+$0x5100] =	vst.msk vm0, v9;
	s30 =	spop (v2sf)  }
0x19b: {  	[tilespmem:s16+$0x5200] =	vst.msk vm0, v8;
	s15 =	sadd.s32 s16, s30  }
0x19c: {  	p0 =	slt.s32 s15, $0x1  }
.Ltmp32:
0x19d: {  	_ = 	snop;
	(pc) =	sbr.rel @p0 .LBB2_40-.Ltmp32, $1  }
0x19e: {  	_ =	sdelay $0x3  }
0x19f: {  	s5 =	simm.s32 $0x5100  }
0x1a0: {  	v8 =	vld.msk [tilespmem:s5+$0x0 ss:$0x0], $0xffff;
	_ =	sdelay $0x1  }
0x1a1: {  	s4 =	simm.s32 $0x5200;
	p0 =	por $0x1, $0x1  }
0x1a2: {  	v9 =	vld [tilespmem:s4+$0x0];
	s4 =	simm.s32 @!p0 $0x1  }
0x1a3: {  	_ =	swait.ge @!p0 [sflag:s4], $0x20  }
0x1a4: {  	[sflag:s4] =	ssyncset.done @!p0 $0x0;
	v10 =	vadd.s32 v2, v8  }
0x1a5: {  	[sflag:s4] =	ssyncadd.s32 @!p0 $0xFFFFFFE0  }
0x1a6: {  	s3 =	simm.s32 $0x0;
	_ =	swait.ge @!p0 [sflag:s4], $0x20  }
0x1a7: {  	s3 =	sand.u32 $0x7, s3;
	[sflag:s4] =	ssyncset.done @!p0 $0x0  }
0x1a8: {  	s21 =	sshll.u32 s3, $0x7;
	[sflag:s4] =	ssyncadd.s32 @!p0 $0xFFFFFFE0  }
0x1a9: {  	v12 =	vor.u32 s21, v1;
	v11 =	vld.idx.msk [tilespmem:v10+s10+$0x0], $0xffff  }
0x1aa: {  	v8 =	vadd.s32 v7, v8;
	_ =	sdelay $0x3  }
0x1ab: {  	(v2sf) =	vpush v9, $0x0;
	[tilespmem:v12+s2+$0x0] =	vst.idx.msk $0xffff, v11  }
0x1ac: {  	v63 =	vor.u32 s21, v6;
	v62 =	vld.idx.msk [tilespmem:v8+s10+$0x0], $0xffff;
	_ =	sdelay $0x4  }
0x1ad: {  	[tilespmem:v63+s2+$0x0] =	vst.idx.msk $0xffff, v62  }
0x1ae: {  	v9 =	vld.idx.msk [tilespmem:v10+s11+$0x0], $0xffff;
	_ =	sdelay $0x4  }
0x1af: {  	[tilespmem:v12+s8+$0x0] =	vst.idx.msk $0xffff, v9  }
0x1b0: {  	v8 =	vld.idx.msk [tilespmem:v8+s11+$0x0], $0xffff;
	_ =	sdelay $0x1  }
0x1b1: {  	p0 =	sne.s32 s15, $0x1;
	s24 =	spop (v2sf)  }
.Ltmp33:
0x1b2: {  	s3 =	sshll.u32 s24, $0x4;
	(pc) =	sbr.rel @!p0 .LBB2_37-.Ltmp33, $4  }
0x1b3: {  	s12 =	simm.s32 $0x5101;
	s30 =	sand.u32 $0x1FFFFFF0, s3  }
0x1b4: {  	s16 =	simm.s32 $0x5201;
	s6 =	sadd.s32 $0x1F300, s21;
	s3 =	sadd.s32 s13, s30;
	[tilespmem:v63+s8+$0x0] =	vst.idx.msk $0xffff, v8  }
0x1b5: {  	[hbm4b:s3+s9] =	stream.linear.scatter [tilespmem:s6], [sflag:$0x1], $0x20, $0x38;
	[tilespmem:$0x1FB00] =	vst v63  }
0x1b6: {  	s5 =	sadd.s32 $0x1F700, s21;
	s4 =	sadd.s32 s30, s18;
	s3 =	simm.s32 $0x1  }
.LBB2_36:
0x1b7: {  	[hbm4b:s4+s9] =	stream.linear.scatter [tilespmem:s5], [sflag:$0x1], $0x20, $0x38;
	[tilespmem:$0x1FB00] =	vst v63  }
0x1b8: {  	s4 =	smov.u32 s3;
	s3 =	sadd.s32 $0x1, s3;
	v8 =	vld.msk [tilespmem:s12+$0x0 ss:$0x0], $0xffff  }
0x1b9: {  	p0 =	sne.s32 s15, s3;
	_ =	sdelay $0x1  }
0x1ba: {  	p1 =	slt.u32 s4, $0x8  }
0x1bb: {  	s5 =	simm.s32 @!p1 $0x1;
	v9 =	vld [tilespmem:s16+$0x0]  }
0x1bc: {  	_ =	swait.ge @!p1 [sflag:s5], $0x20  }
0x1bd: {  	v10 =	vadd.s32 v2, v8;
	[sflag:s5] =	ssyncset.done @!p1 $0x0  }
0x1be: {  	[sflag:s5] =	ssyncadd.s32 @!p1 $0xFFFFFFE0  }
0x1bf: {  	_ =	swait.ge @!p1 [sflag:s5], $0x20  }
0x1c0: {  	[sflag:s5] =	ssyncset.done @!p1 $0x0;
	(v2sf) =	vpush v9, $0x0  }
0x1c1: {  	s4 =	sand.u32 $0x7, s4;
	[sflag:s5] =	ssyncadd.s32 @!p1 $0xFFFFFFE0  }
0x1c2: {  	s5 =	sshll.u32 s4, $0x7;
	v9 =	vld.idx.msk [tilespmem:v10+s10+$0x0], $0xffff  }
0x1c3: {  	v11 =	vor.u32 s5, v1  }
0x1c4: {  	v8 =	vadd.s32 v7, v8;
	_ =	sdelay $0x3  }
0x1c5: {  	[tilespmem:v11+s2+$0x0] =	vst.idx.msk $0xffff, v9  }
0x1c6: {  	v9 =	vld.idx.msk [tilespmem:v8+s10+$0x0], $0xffff  }
0x1c7: {  	v12 =	vor.u32 s5, v6;
	_ =	sdelay $0x4  }
0x1c8: {  	[tilespmem:v12+s2+$0x0] =	vst.idx.msk $0xffff, v9;
	s4 =	spop (v2sf)  }
0x1c9: {  	v9 =	vld.idx.msk [tilespmem:v10+s11+$0x0], $0xffff;
	s4 =	sshll.u32 s4, $0x4  }
0x1ca: {  	s4 =	sand.u32 $0x1FFFFFF0, s4;
	_ =	sdelay $0x4  }
0x1cb: {  	[tilespmem:v11+s8+$0x0] =	vst.idx.msk $0xffff, v9  }
0x1cc: {  	v8 =	vld.idx.msk [tilespmem:v8+s11+$0x0], $0xffff;
	_ =	sdelay $0x3  }
.Ltmp34:
0x1cd: {  	(pc) =	sbr.rel @p0 .LBB2_36-.Ltmp34, $4  }
0x1ce: {  	_ = 	snop  }
0x1cf: {  	s12 =	sadd.s32 $0x1, s12;
	s14 =	sadd.s32 $0x1F300, s5;
	s6 =	sadd.s32 s13, s4;
	[tilespmem:v12+s8+$0x0] =	vst.idx.msk $0xffff, v8  }
0x1d0: {  	[hbm4b:s6+s9] =	stream.linear.scatter [tilespmem:s14], [sflag:$0x1], $0x20, $0x38;
	[tilespmem:$0x1FB00] =	vst v63  }
0x1d1: {  	s16 =	sadd.s32 $0x1, s16;
	s5 =	sadd.s32 $0x1F700, s5;
	s4 =	sadd.s32 s4, s18  }
.LBB2_37:
0x1d2: {  	[hbm4b:s4+s9] =	stream.linear.scatter [tilespmem:s5], [sflag:$0x1], $0x20, $0x38;
	[tilespmem:$0x1FB00] =	vst v63  }
0x1d3: {  	p0 =	slt.s32 s15, $0x8  }
0x1d4: {  	s15 =	simm.s32 @!p0 $0x8  }
0x1d5: {  	p0 =	sne.s32 s15, $0x1  }
.Ltmp35:
0x1d6: {  	_ =	swait.ge [sflag:s31], $0x20;
	(pc) =	sbr.rel @!p0 .LBB2_39-.Ltmp35, $4  }
0x1d7: {  	[sflag:s31] =	ssyncset.done $0x0  }
0x1d8: {  	[sflag:s31] =	ssyncadd.s32 $0xFFFFFFE0  }
0x1d9: {  	_ =	swait.ge [sflag:s31], $0x20  }
0x1da: {  	s3 =	sadd.s32 $0xFFFFFFFF, s15;
	[sflag:s31] =	ssyncset.done $0x0  }
.LBB2_38:
0x1db: {  	p0 =	sne.s32 s3, $0x1;
	s3 =	sadd.s32 $0xFFFFFFFF, s3;
	[sflag:s31] =	ssyncadd.s32 $0xFFFFFFE0  }
.Ltmp36:
0x1dc: {  	_ =	swait.ge [sflag:s31], $0x20;
	(pc) =	sbr.rel @p0 .LBB2_38-.Ltmp36, $4  }
0x1dd: {  	[sflag:s31] =	ssyncset.done $0x0  }
0x1de: {  	[sflag:s31] =	ssyncadd.s32 $0xFFFFFFE0  }
0x1df: {  	_ =	swait.ge [sflag:s31], $0x20  }
0x1e0: {  	[sflag:s31] =	ssyncset.done $0x0  }
.LBB2_39:
0x1e1: {  	[sflag:s31] =	ssyncadd.s32 $0xFFFFFFE0  }
.LBB2_40:
0x1e2: {  	s3 =	rddreg [dreg:$0xf]  }
0x1e3: {  	[tilespmem:s28], [sflag:$0x2] =	stream.strided.gather [hbm4b:s3+s25], $0x6000, s26, s25, $0x38;
	[tilespmem:$0x1FB00] =	vst v63  }
0x1e4: {  	s24 =	rddreg [dreg:$0x10]  }
0x1e5: {  	[tilespmem:s29], [sflag:$0x2] =	stream.strided.gather [hbm4b:s24+s25], $0x6000, s26, s25, $0x38;
	[tilespmem:$0x1FB00] =	vst v63  }
0x1e6: {  	s12 =	simm.s32 $0x0;
	s30 =	rddreg [dreg:$0x1]  }
0x1e7: {  	[tilespmem:s12], [sflag:$0x3] =	stream.linear.gather [hbm4b:s30+s12], $0x4000, $0x38;
	[tilespmem:$0x1FB00] =	vst v63  }
0x1e8: {  	_ =	swait.ge [sflag:s20], $0x4000  }
0x1e9: {  	[sflag:s20] =	ssyncset.done $0x0  }
0x1ea: {  	[sflag:s20] =	ssyncadd.s32 $0xFFFFC000  }
0x1eb: {  	v8 =	vld [tilespmem:s12+$0x0];
	_ =	sdelay $0x4  }
0x1ec: {  	vm0 =	vge.s32 v8, v0;
	vm1 =	vlt.s32 v8, v3  }
0x1ed: {  	vm0 =	vmand vm0, vm1  }
0x1ee: {  	v9 =	vmpcnt.ones.xlane vm0;
	_ =	sdelay $0x1  }
0x1ef: {  	(v2sf) =	vpush v9, $0x0;
	_ =	sdelay $0x4  }
0x1f0: {  	[tilespmem:s12+$0x4000] =	vst.msk vm0, v8;
	v8 =	vor.u32 s12, v1  }
0x1f1: {  	s3 =	simm.s32 $0x10;
	[tilespmem:s12+$0x4880] =	vst.msk vm0, v8  }
0x1f2: {  	s4 =	simm.s32 $0x20;
	s5 =	simm.s32 $0x10;
	v8 =	vld [tilespmem:s3+$0x0]  }
.LBB2_41:
0x1f3: {  	p0 =	sne.s32 s4, $0x3FF0;
	_ =	sdelay $0x3  }
0x1f4: {  	vm0 =	vge.s32 v8, v0;
	vm1 =	vlt.s32 v8, v3  }
0x1f5: {  	vm0 =	vmand vm0, vm1  }
0x1f6: {  	v9 =	vmpcnt.ones.xlane vm0  }
0x1f7: {  	s6 =	spop (v2sf)  }
0x1f8: {  	(v2sf) =	vpush v9, $0x0;
	s12 =	sadd.s32 s12, s6  }
0x1f9: {  	v9 =	vor.u32 s3, v1;
	s3 =	smov.u32 s4;
	[tilespmem:s12+$0x4000] =	vst.msk vm0, v8  }
0x1fa: {  	[tilespmem:s12+$0x4880] =	vst.msk vm0, v9  }
.Ltmp37:
0x1fb: {  	(pc) =	sbr.rel @p0 .LBB2_41-.Ltmp37, $3  }
0x1fc: {  	_ =	sdelay $0x1  }
0x1fd: {  	s5 =	sadd.s32 $0x10, s5  }
0x1fe: {  	s4 =	sadd.s32 $0x10, s4;
	v8 =	vld [tilespmem:s5+$0x0]  }
0x1ff: {  	_ =	sdelay $0x3  }
0x200: {  	vm0 =	vge.s32 v8, v0;
	vm1 =	vlt.s32 v8, v3  }
0x201: {  	vm0 =	vmand vm0, vm1  }
0x202: {  	v9 =	vmpcnt.ones.xlane vm0;
	_ =	sdelay $0x1  }
0x203: {  	(v2sf) =	vpush v9, $0x0;
	_ =	sdelay $0xd  }
0x204: {  	s4 =	spop (v2sf)  }
0x205: {  	s4 =	sadd.s32 s12, s4;
	s5 =	spop (v2sf)  }
0x206: {  	s5 =	sadd.s32 s4, s5  }
0x207: {  	s6 =	sadd.s32 $0xF, s5  }
0x208: {  	s24 =	sand.u32 $0xF, s6  }
0x209: {  	s30 =	sshra.s32 s6, $0x1F;
	p1 =	slt.s32 s6, $0x1;
	p0 =	sne.s32 s24, $0x0  }
.Ltmp38:
0x20a: {  	s12 =	sshrl.u32 s30, $0x1C;
	p0 =	por !p1, !p0;
	(pc) =	sbr.rel .LBB2_43-.Ltmp38, $4  }
0x20b: {  	s6 =	sadd.s32 s12, s6;
	s12 =	simm.s32 $0x1;
	p0 =	por !p0, !p0  }
0x20c: {  	s6 =	sshra.s32 s6, $0x4;
	s12 =	simm.s32 @!p0 $0x0  }
0x20d: {  	v9 =	vor.u32 s3, v1;
	[tilespmem:s4+$0x4000] =	vst.msk vm0, v8;
	s15 =	ssub.s32 s6, s12  }
0x20e: {  	s16 =	simm.s32 $0x0;
	[tilespmem:s4+$0x4880] =	vst.msk vm0, v9;
	v8 =	vmov s5;
	p0 =	slt.s32 s15, $0x1  }
.LBB2_68:
0x20f: {  	[sflag:s31] =	ssyncadd.s32 $0xFFFFFFE0  }
.LBB2_69:
0x210: {  	s16 =	sadd.s32 $0x1, s16  }
0x211: {  	p1 =	sne.s32 s16, $0x15  }
.Ltmp39:
0x212: {  	_ = 	snop;
	(pc) =	sbr.rel @!p1 .LBB2_70-.Ltmp39, $1  }
0x213: {  	_ =	sdelay $0x3  }
.LBB2_43:
0x214: {  	_ =	swait.ge [sflag:s7], $0x6000  }
0x215: {  	[sflag:s7] =	ssyncset.done $0x0  }
0x216: {  	s21 =	smul.u32 $0x600, s16;
	[sflag:s7] =	ssyncadd.s32 $0xFFFFA000  }
0x217: {  	_ =	swait.ge [sflag:s7], $0x6000  }
0x218: {  	s20 =	sadd.s32 s21, s17;
	[sflag:s7] =	ssyncset.done $0x0  }
0x219: {  	p1 =	slt.s32 s20, $0xF3F00;
	[sflag:s7] =	ssyncadd.s32 $0xFFFFA000  }
.Ltmp40:
0x21a: {  	s20 =	simm.s32 @!p1 $0xF3F00;
	s3 =	rddreg [dreg:$0x3];
	(pc) =	sbr.rel @p0 .LBB2_56-.Ltmp40, $4  }
0x21b: {  	s30 =	rddreg [dreg:$0x5];
	s3 =	sadd.s32 s3, s20  }
0x21c: {  	[tilespmem:s0], [sflag:$0x2] =	stream.strided.gather [hbm4b:s3+s25], $0x6000, s26, s25, $0x38;
	[tilespmem:$0x1FB00] =	vst v63  }
0x21d: {  	s3 =	sadd.s32 s30, s20  }
0x21e: {  	[tilespmem:s1], [sflag:$0x2] =	stream.strided.gather [hbm4b:s3+s25], $0x6000, s26, s25, $0x38;
	[tilespmem:$0x1FB00] =	vst v63  }
0x21f: {  	p2 =	seq.s32 s15, $0x1  }
.Ltmp41:
0x220: {  	s3 =	rddreg [dreg:$0xc];
	(pc) =	sbr.rel @p2 .LBB2_45-.Ltmp41, $4  }
0x221: {  	s3 =	sadd.s32 s3, s21  }
0x222: {  	p1 =	slt.s32 s3, $0xF3F00  }
0x223: {  	s30 =	simm.s32 $0x4000;
	s12 =	simm.s32 $0x4880;
	s3 =	simm.s32 @!p1 $0xF3F00  }
0x224: {  	s24 =	simm.s32 $0x0;
	v10 =	vld [tilespmem:s30+$0x0];
	p1 =	por $0x0, $0x0;
	v9 =	vmov s3;
	s3 =	sadd.s32 $0xFFFFFFFF, s15  }
0x225: {  	_ =	sdelay $0x2  }
0x226: {  	v11 =	vor.u32 s24, v1  }
0x227: {  	vm1 =	vlt.s32 v11, v8;
	vm0 =	vlt.s32 v10, $0xF4200;
	v10 =	vsub.s32 v10, v9  }
0x228: {  	vm0 =	vmand vm0, vm1;
	vm15 =	vlt.u32 v10, $0x300  }
0x229: {  	vm0 =	vmand vm0, vm15  }
0x22a: {  	v11 =	vmpcnt.ones.xlane vm0;
	_ =	sdelay $0x1  }
0x22b: {  	v12 =	vld [tilespmem:s12+$0x0];
	(v2sf) =	vpush v11, $0x0  }
0x22c: {  	p2 =	seq.s32 s3, $0x1  }
.Ltmp42:
0x22d: {  	_ = 	snop;
	(pc) =	sbr.rel @p2 .LBB2_60-.Ltmp42, $4  }
0x22e: {  	_ = 	snop  }
0x22f: {  	[tilespmem:s24+$0x5100] =	vst.msk vm0, v10  }
0x230: {  	s5 =	simm.s32 $0x4010;
	s6 =	sadd.s32 $0xFFFFFFFF, s3;
	p1 =	por $0x1, $0x1;
	[tilespmem:s24+$0x5200] =	vst.msk vm0, v12  }
0x231: {  	s4 =	simm.s32 $0x0;
	s3 =	simm.s32 $0x4880;
	s30 =	simm.s32 $0x0;
	v10 =	vld [tilespmem:s5+$0x0]  }
.LBB2_61:
0x232: {  	p2 =	seq.s32 s6, $0x1;
	_ =	sdelay $0x1  }
0x233: {  	s4 =	sadd.s32 $0x10, s4  }
0x234: {  	v11 =	vor.u32 s4, v1  }
0x235: {  	vm1 =	vlt.s32 v11, v8;
	v12 =	vsub.s32 v10, v9;
	vm0 =	vlt.s32 v10, $0xF4200  }
0x236: {  	s3 =	sadd.s32 $0x10, s3;
	vm2 =	vlt.u32 v12, $0x300;
	vm0 =	vmand vm0, vm1  }
0x237: {  	v10 =	vld [tilespmem:s3+$0x0];
	vm0 =	vmand vm0, vm2  }
0x238: {  	v11 =	vmpcnt.ones.xlane vm0  }
0x239: {  	s14 =	spop (v2sf)  }
0x23a: {  	(v2sf) =	vpush v11, $0x0;
	s30 =	sadd.s32 s30, s14  }
0x23b: {  	[tilespmem:s30+$0x5100] =	vst.msk vm0, v12  }
.Ltmp43:
0x23c: {  	[tilespmem:s30+$0x5200] =	vst.msk vm0, v10;
	(pc) =	sbr.rel @!p2 .LBB2_61-.Ltmp43, $3  }
0x23d: {  	_ =	sdelay $0x1  }
0x23e: {  	s5 =	sadd.s32 $0x10, s5  }
0x23f: {  	s6 =	sadd.s32 $0xFFFFFFFF, s6;
	v10 =	vld [tilespmem:s5+$0x0]  }
.LBB2_62:
0x240: {  	_ = 	snop  }
0x241: {  	s4 =	sadd.s32 @p1 $0x10, s4;
	s5 =	simm.s32 $0x0  }
0x242: {  	s5 =	smov.u32 @p1 s4  }
0x243: {  	v11 =	vor.u32 s5, v1  }
0x244: {  	vm1 =	vlt.s32 v11, v8;
	v9 =	vsub.s32 v10, v9;
	vm0 =	vlt.s32 v10, $0xF4200  }
0x245: {  	vm2 =	vlt.u32 v9, $0x300;
	vm0 =	vmand vm0, vm1  }
0x246: {  	vm0 =	vmand vm0, vm2  }
0x247: {  	v10 =	vmpcnt.ones.xlane vm0;
	_ =	sdelay $0x1  }
0x248: {  	(v2sf) =	vpush v10, $0x0;
	_ =	sdelay $0x8  }
0x249: {  	s3 =	sadd.s32 @p1 $0x10, s3  }
0x24a: {  	s12 =	smov.u32 @p1 s3  }
0x24b: {  	v10 =	vld [tilespmem:s12+$0x0]  }
0x24c: {  	s3 =	spop @p1 (v2sf)  }
0x24d: {  	s3 =	sadd.s32 @p1 s30, s3  }
0x24e: {  	s24 =	smov.u32 @p1 s3  }
0x24f: {  	[tilespmem:s24+$0x5100] =	vst.msk vm0, v9;
	s30 =	spop (v2sf)  }
0x250: {  	[tilespmem:s24+$0x5200] =	vst.msk vm0, v10;
	s24 =	sadd.s32 s24, s30  }
0x251: {  	p1 =	slt.s32 s24, $0x1  }
.Ltmp44:
0x252: {  	_ = 	snop;
	(pc) =	sbr.rel @p1 .LBB2_56-.Ltmp44, $1  }
0x253: {  	_ =	sdelay $0x3  }
0x254: {  	s5 =	simm.s32 $0x5100  }
0x255: {  	v9 =	vld.msk [tilespmem:s5+$0x0 ss:$0x0], $0xffff;
	_ =	sdelay $0x4  }
0x256: {  	s4 =	simm.s32 $0x5200;
	p1 =	por $0x1, $0x1;
	v10 =	vshll.u32 v9, $0x3  }
0x257: {  	v11 =	vld [tilespmem:s4+$0x0];
	s4 =	simm.s32 @!p1 $0x1;
	v9 =	vand.u32 $0x7F, v9;
	v10 =	vand.u32 $0xFFFFFC00, v10  }
0x258: {  	_ =	swait.ge @!p1 [sflag:s4], $0x20;
	v9 =	vor.u32 v9, v10  }
0x259: {  	[sflag:s4] =	ssyncset.done @!p1 $0x0;
	v10 =	vadd.s32 v4, v9  }
0x25a: {  	[sflag:s4] =	ssyncadd.s32 @!p1 $0xFFFFFFE0  }
0x25b: {  	s3 =	simm.s32 $0x0;
	_ =	swait.ge @!p1 [sflag:s4], $0x20  }
0x25c: {  	s3 =	sand.u32 $0x7, s3;
	[sflag:s4] =	ssyncset.done @!p1 $0x0  }
0x25d: {  	s3 =	sshll.u32 s3, $0x7;
	[sflag:s4] =	ssyncadd.s32 @!p1 $0xFFFFFFE0  }
0x25e: {  	v13 =	vor.u32 s3, v1;
	v12 =	vld.idx.msk [tilespmem:v10+s28+$0x0], $0xffff  }
0x25f: {  	v9 =	vadd.s32 v5, v9;
	_ =	sdelay $0x3  }
0x260: {  	(v2sf) =	vpush v11, $0x0;
	[tilespmem:v13+s2+$0x0] =	vst.idx.msk $0xffff, v12  }
0x261: {  	v63 =	vor.u32 s3, v6;
	v11 =	vld.idx.msk [tilespmem:v9+s28+$0x0], $0xffff;
	_ =	sdelay $0x4  }
0x262: {  	[tilespmem:v63+s2+$0x0] =	vst.idx.msk $0xffff, v11  }
0x263: {  	v10 =	vld.idx.msk [tilespmem:v10+s29+$0x0], $0xffff;
	_ =	sdelay $0x4  }
0x264: {  	[tilespmem:v13+s8+$0x0] =	vst.idx.msk $0xffff, v10  }
0x265: {  	v9 =	vld.idx.msk [tilespmem:v9+s29+$0x0], $0xffff  }
0x266: {  	p1 =	sne.s32 s24, $0x1  }
.Ltmp45:
0x267: {  	s12 =	spop (v2sf);
	(pc) =	sbr.rel @!p1 .LBB2_53-.Ltmp45, $4  }
0x268: {  	s30 =	simm.s32 $0x5101;
	s6 =	sadd.s32 $0x1F300, s3;
	s4 =	sshll.u32 s12, $0x4  }
0x269: {  	s5 =	sadd.s32 $0x1F700, s3;
	s3 =	simm.s32 $0x5201;
	s4 =	sand.u32 $0x1FFFFFF0, s4  }
0x26a: {  	s12 =	simm.s32 $0x1;
	s14 =	sadd.s32 s4, s22;
	s4 =	sadd.s32 s4, s23;
	[tilespmem:v63+s8+$0x0] =	vst.idx.msk $0xffff, v9  }
0x26b: {  	[hbm4b:s14+s9] =	stream.linear.scatter [tilespmem:s6], [sflag:$0x1], $0x20, $0x38;
	[tilespmem:$0x1FB00] =	vst v63  }
.LBB2_52:
0x26c: {  	[hbm4b:s4+s9] =	stream.linear.scatter [tilespmem:s5], [sflag:$0x1], $0x20, $0x38;
	[tilespmem:$0x1FB00] =	vst v63  }
0x26d: {  	s4 =	smov.u32 s12;
	s12 =	sadd.s32 $0x1, s12;
	v9 =	vld.msk [tilespmem:s30+$0x0 ss:$0x0], $0xffff  }
0x26e: {  	p1 =	sne.s32 s24, s12;
	_ =	sdelay $0x4  }
0x26f: {  	p2 =	slt.u32 s4, $0x8;
	v10 =	vshll.u32 v9, $0x3  }
0x270: {  	s5 =	simm.s32 @!p2 $0x1;
	v9 =	vand.u32 $0x7F, v9;
	v10 =	vand.u32 $0xFFFFFC00, v10;
	v11 =	vld [tilespmem:s3+$0x0]  }
0x271: {  	v9 =	vor.u32 v9, v10;
	_ =	swait.ge @!p2 [sflag:s5], $0x20  }
0x272: {  	v10 =	vadd.s32 v4, v9;
	[sflag:s5] =	ssyncset.done @!p2 $0x0  }
0x273: {  	[sflag:s5] =	ssyncadd.s32 @!p2 $0xFFFFFFE0  }
0x274: {  	_ =	swait.ge @!p2 [sflag:s5], $0x20  }
0x275: {  	[sflag:s5] =	ssyncset.done @!p2 $0x0;
	(v2sf) =	vpush v11, $0x0  }
0x276: {  	s4 =	sand.u32 $0x7, s4;
	[sflag:s5] =	ssyncadd.s32 @!p2 $0xFFFFFFE0  }
0x277: {  	s5 =	sshll.u32 s4, $0x7;
	v11 =	vld.idx.msk [tilespmem:v10+s28+$0x0], $0xffff  }
0x278: {  	v12 =	vor.u32 s5, v1  }
0x279: {  	v9 =	vadd.s32 v5, v9;
	_ =	sdelay $0x3  }
0x27a: {  	[tilespmem:v12+s2+$0x0] =	vst.idx.msk $0xffff, v11  }
0x27b: {  	v11 =	vld.idx.msk [tilespmem:v9+s28+$0x0], $0xffff  }
0x27c: {  	v13 =	vor.u32 s5, v6;
	_ =	sdelay $0x4  }
0x27d: {  	[tilespmem:v13+s2+$0x0] =	vst.idx.msk $0xffff, v11;
	s4 =	spop (v2sf)  }
0x27e: {  	v10 =	vld.idx.msk [tilespmem:v10+s29+$0x0], $0xffff;
	s4 =	sshll.u32 s4, $0x4  }
0x27f: {  	s4 =	sand.u32 $0x1FFFFFF0, s4;
	_ =	sdelay $0x4  }
0x280: {  	[tilespmem:v12+s8+$0x0] =	vst.idx.msk $0xffff, v10  }
0x281: {  	v9 =	vld.idx.msk [tilespmem:v9+s29+$0x0], $0xffff;
	_ =	sdelay $0x3  }
.Ltmp46:
0x282: {  	(pc) =	sbr.rel @p1 .LBB2_52-.Ltmp46, $4  }
0x283: {  	_ = 	snop  }
0x284: {  	s30 =	sadd.s32 $0x1, s30;
	s14 =	sadd.s32 $0x1F300, s5;
	s6 =	sadd.s32 s4, s22;
	[tilespmem:v13+s8+$0x0] =	vst.idx.msk $0xffff, v9  }
0x285: {  	[hbm4b:s6+s9] =	stream.linear.scatter [tilespmem:s14], [sflag:$0x1], $0x20, $0x38;
	[tilespmem:$0x1FB00] =	vst v63  }
0x286: {  	s3 =	sadd.s32 $0x1, s3;
	s5 =	sadd.s32 $0x1F700, s5;
	s4 =	sadd.s32 s4, s23  }
.LBB2_53:
0x287: {  	[hbm4b:s4+s9] =	stream.linear.scatter [tilespmem:s5], [sflag:$0x1], $0x20, $0x38;
	[tilespmem:$0x1FB00] =	vst v63  }
0x288: {  	p1 =	slt.s32 s24, $0x8  }
0x289: {  	s24 =	simm.s32 @!p1 $0x8  }
0x28a: {  	p1 =	sne.s32 s24, $0x1  }
.Ltmp47:
0x28b: {  	_ =	swait.ge [sflag:s31], $0x20;
	(pc) =	sbr.rel @!p1 .LBB2_55-.Ltmp47, $4  }
0x28c: {  	[sflag:s31] =	ssyncset.done $0x0  }
0x28d: {  	[sflag:s31] =	ssyncadd.s32 $0xFFFFFFE0  }
0x28e: {  	_ =	swait.ge [sflag:s31], $0x20  }
0x28f: {  	s3 =	sadd.s32 $0xFFFFFFFF, s24;
	[sflag:s31] =	ssyncset.done $0x0  }
.LBB2_54:
0x290: {  	p1 =	sne.s32 s3, $0x1;
	s3 =	sadd.s32 $0xFFFFFFFF, s3;
	[sflag:s31] =	ssyncadd.s32 $0xFFFFFFE0  }
.Ltmp48:
0x291: {  	_ =	swait.ge [sflag:s31], $0x20;
	(pc) =	sbr.rel @p1 .LBB2_54-.Ltmp48, $4  }
0x292: {  	[sflag:s31] =	ssyncset.done $0x0  }
0x293: {  	[sflag:s31] =	ssyncadd.s32 $0xFFFFFFE0  }
0x294: {  	_ =	swait.ge [sflag:s31], $0x20  }
0x295: {  	[sflag:s31] =	ssyncset.done $0x0  }
.LBB2_55:
0x296: {  	[sflag:s31] =	ssyncadd.s32 $0xFFFFFFE0  }
.LBB2_56:
0x297: {  	_ =	swait.ge [sflag:s7], $0x6000  }
0x298: {  	[sflag:s7] =	ssyncset.done $0x0  }
0x299: {  	[sflag:s7] =	ssyncadd.s32 $0xFFFFA000  }
0x29a: {  	_ =	swait.ge [sflag:s7], $0x6000  }
0x29b: {  	s3 =	sadd.s32 s21, s19;
	[sflag:s7] =	ssyncset.done $0x0  }
0x29c: {  	p1 =	slt.s32 s3, $0xF3F00;
	[sflag:s7] =	ssyncadd.s32 $0xFFFFA000  }
.Ltmp49:
0x29d: {  	s3 =	simm.s32 @!p1 $0xF3F00;
	s4 =	rddreg [dreg:$0x3];
	(pc) =	sbr.rel @p0 .LBB2_69-.Ltmp49, $4  }
0x29e: {  	s30 =	rddreg [dreg:$0x5];
	s4 =	sadd.s32 s4, s3  }
0x29f: {  	[tilespmem:s28], [sflag:$0x2] =	stream.strided.gather [hbm4b:s4+s25], $0x6000, s26, s25, $0x38;
	[tilespmem:$0x1FB00] =	vst v63  }
0x2a0: {  	s3 =	sadd.s32 s30, s3  }
0x2a1: {  	[tilespmem:s29], [sflag:$0x2] =	stream.strided.gather [hbm4b:s3+s25], $0x6000, s26, s25, $0x38;
	[tilespmem:$0x1FB00] =	vst v63  }
0x2a2: {  	p2 =	seq.s32 s15, $0x1  }
.Ltmp50:
0x2a3: {  	_ = 	snop;
	(pc) =	sbr.rel @p2 .LBB2_58-.Ltmp50, $3  }
0x2a4: {  	_ =	sdelay $0x1  }
0x2a5: {  	s3 =	simm.s32 $0x4000;
	s12 =	simm.s32 $0x4880  }
0x2a6: {  	v9 =	vmov s20;
	s20 =	simm.s32 $0x0;
	p1 =	por $0x0, $0x0;
	v10 =	vld [tilespmem:s3+$0x0];
	s3 =	sadd.s32 $0xFFFFFFFF, s15  }
0x2a7: {  	_ =	sdelay $0x2  }
0x2a8: {  	v11 =	vor.u32 s20, v1  }
0x2a9: {  	vm1 =	vlt.s32 v11, v8;
	vm0 =	vlt.s32 v10, $0xF4200;
	v10 =	vsub.s32 v10, v9  }
0x2aa: {  	vm0 =	vmand vm0, vm1;
	vm15 =	vlt.u32 v10, $0x300  }
0x2ab: {  	vm0 =	vmand vm0, vm15  }
0x2ac: {  	v11 =	vmpcnt.ones.xlane vm0;
	_ =	sdelay $0x1  }
0x2ad: {  	v12 =	vld [tilespmem:s12+$0x0];
	(v2sf) =	vpush v11, $0x0  }
0x2ae: {  	p2 =	seq.s32 s3, $0x1  }
.Ltmp51:
0x2af: {  	_ = 	snop;
	(pc) =	sbr.rel @p2 .LBB2_74-.Ltmp51, $4  }
0x2b0: {  	_ = 	snop  }
0x2b1: {  	[tilespmem:s20+$0x5100] =	vst.msk vm0, v10  }
0x2b2: {  	s5 =	simm.s32 $0x4010;
	s6 =	sadd.s32 $0xFFFFFFFF, s3;
	p1 =	por $0x1, $0x1;
	[tilespmem:s20+$0x5200] =	vst.msk vm0, v12  }
0x2b3: {  	s4 =	simm.s32 $0x0;
	s3 =	simm.s32 $0x4880;
	s21 =	simm.s32 $0x0;
	v10 =	vld [tilespmem:s5+$0x0]  }
.LBB2_75:
0x2b4: {  	p2 =	seq.s32 s6, $0x1;
	_ =	sdelay $0x1  }
0x2b5: {  	s4 =	sadd.s32 $0x10, s4  }
0x2b6: {  	v11 =	vor.u32 s4, v1  }
0x2b7: {  	vm1 =	vlt.s32 v11, v8;
	v12 =	vsub.s32 v10, v9;
	vm0 =	vlt.s32 v10, $0xF4200  }
0x2b8: {  	s3 =	sadd.s32 $0x10, s3;
	vm2 =	vlt.u32 v12, $0x300;
	vm0 =	vmand vm0, vm1  }
0x2b9: {  	v10 =	vld [tilespmem:s3+$0x0];
	vm0 =	vmand vm0, vm2  }
0x2ba: {  	v11 =	vmpcnt.ones.xlane vm0  }
0x2bb: {  	s14 =	spop (v2sf)  }
0x2bc: {  	(v2sf) =	vpush v11, $0x0;
	s21 =	sadd.s32 s21, s14  }
0x2bd: {  	[tilespmem:s21+$0x5100] =	vst.msk vm0, v12  }
.Ltmp52:
0x2be: {  	[tilespmem:s21+$0x5200] =	vst.msk vm0, v10;
	(pc) =	sbr.rel @!p2 .LBB2_75-.Ltmp52, $3  }
0x2bf: {  	_ =	sdelay $0x1  }
0x2c0: {  	s5 =	sadd.s32 $0x10, s5  }
0x2c1: {  	s6 =	sadd.s32 $0xFFFFFFFF, s6;
	v10 =	vld [tilespmem:s5+$0x0]  }
.LBB2_76:
0x2c2: {  	_ = 	snop  }
0x2c3: {  	s4 =	sadd.s32 @p1 $0x10, s4;
	s5 =	simm.s32 $0x0  }
0x2c4: {  	s5 =	smov.u32 @p1 s4  }
0x2c5: {  	v11 =	vor.u32 s5, v1  }
0x2c6: {  	vm1 =	vlt.s32 v11, v8;
	v9 =	vsub.s32 v10, v9;
	vm0 =	vlt.s32 v10, $0xF4200  }
0x2c7: {  	vm2 =	vlt.u32 v9, $0x300;
	vm0 =	vmand vm0, vm1  }
0x2c8: {  	vm0 =	vmand vm0, vm2  }
0x2c9: {  	v10 =	vmpcnt.ones.xlane vm0;
	_ =	sdelay $0x1  }
0x2ca: {  	(v2sf) =	vpush v10, $0x0;
	_ =	sdelay $0x8  }
0x2cb: {  	s3 =	sadd.s32 @p1 $0x10, s3  }
0x2cc: {  	s12 =	smov.u32 @p1 s3  }
0x2cd: {  	v10 =	vld [tilespmem:s12+$0x0]  }
0x2ce: {  	s3 =	spop @p1 (v2sf)  }
0x2cf: {  	s3 =	sadd.s32 @p1 s21, s3  }
0x2d0: {  	s20 =	smov.u32 @p1 s3  }
0x2d1: {  	[tilespmem:s20+$0x5100] =	vst.msk vm0, v9;
	s30 =	spop (v2sf)  }
0x2d2: {  	[tilespmem:s20+$0x5200] =	vst.msk vm0, v10;
	s20 =	sadd.s32 s20, s30  }
0x2d3: {  	p1 =	slt.s32 s20, $0x1  }
.Ltmp53:
0x2d4: {  	_ = 	snop;
	(pc) =	sbr.rel @p1 .LBB2_69-.Ltmp53, $1  }
0x2d5: {  	_ =	sdelay $0x3  }
0x2d6: {  	s5 =	simm.s32 $0x5100  }
0x2d7: {  	v9 =	vld.msk [tilespmem:s5+$0x0 ss:$0x0], $0xffff;
	_ =	sdelay $0x4  }
0x2d8: {  	s4 =	simm.s32 $0x5200;
	p1 =	por $0x1, $0x1;
	v10 =	vshll.u32 v9, $0x3  }
0x2d9: {  	v11 =	vld [tilespmem:s4+$0x0];
	s4 =	simm.s32 @!p1 $0x1;
	v9 =	vand.u32 $0x7F, v9;
	v10 =	vand.u32 $0xFFFFFC00, v10  }
0x2da: {  	_ =	swait.ge @!p1 [sflag:s4], $0x20;
	v9 =	vor.u32 v9, v10  }
0x2db: {  	[sflag:s4] =	ssyncset.done @!p1 $0x0;
	v10 =	vadd.s32 v4, v9  }
0x2dc: {  	[sflag:s4] =	ssyncadd.s32 @!p1 $0xFFFFFFE0  }
0x2dd: {  	s3 =	simm.s32 $0x0;
	_ =	swait.ge @!p1 [sflag:s4], $0x20  }
0x2de: {  	s3 =	sand.u32 $0x7, s3;
	[sflag:s4] =	ssyncset.done @!p1 $0x0  }
0x2df: {  	s3 =	sshll.u32 s3, $0x7;
	[sflag:s4] =	ssyncadd.s32 @!p1 $0xFFFFFFE0  }
0x2e0: {  	v13 =	vor.u32 s3, v1;
	v12 =	vld.idx.msk [tilespmem:v10+s0+$0x0], $0xffff  }
0x2e1: {  	v9 =	vadd.s32 v5, v9;
	_ =	sdelay $0x3  }
0x2e2: {  	(v2sf) =	vpush v11, $0x0;
	[tilespmem:v13+s2+$0x0] =	vst.idx.msk $0xffff, v12  }
0x2e3: {  	v63 =	vor.u32 s3, v6;
	v11 =	vld.idx.msk [tilespmem:v9+s0+$0x0], $0xffff;
	_ =	sdelay $0x4  }
0x2e4: {  	[tilespmem:v63+s2+$0x0] =	vst.idx.msk $0xffff, v11  }
0x2e5: {  	v10 =	vld.idx.msk [tilespmem:v10+s1+$0x0], $0xffff;
	_ =	sdelay $0x4  }
0x2e6: {  	[tilespmem:v13+s8+$0x0] =	vst.idx.msk $0xffff, v10  }
0x2e7: {  	v9 =	vld.idx.msk [tilespmem:v9+s1+$0x0], $0xffff  }
0x2e8: {  	p1 =	sne.s32 s20, $0x1  }
.Ltmp54:
0x2e9: {  	s24 =	spop (v2sf);
	(pc) =	sbr.rel @!p1 .LBB2_66-.Ltmp54, $4  }
0x2ea: {  	s12 =	simm.s32 $0x1;
	s21 =	simm.s32 $0x5101;
	s4 =	sshll.u32 s24, $0x4  }
0x2eb: {  	s6 =	sadd.s32 $0x1F300, s3;
	s5 =	sadd.s32 $0x1F700, s3;
	s4 =	sand.u32 $0x1FFFFFF0, s4  }
0x2ec: {  	s3 =	simm.s32 $0x5201;
	s30 =	sadd.s32 s4, s22;
	s4 =	sadd.s32 s4, s23;
	[tilespmem:v63+s8+$0x0] =	vst.idx.msk $0xffff, v9  }
0x2ed: {  	[hbm4b:s30+s9] =	stream.linear.scatter [tilespmem:s6], [sflag:$0x1], $0x20, $0x38;
	[tilespmem:$0x1FB00] =	vst v63  }
.LBB2_65:
0x2ee: {  	[hbm4b:s4+s9] =	stream.linear.scatter [tilespmem:s5], [sflag:$0x1], $0x20, $0x38;
	[tilespmem:$0x1FB00] =	vst v63  }
0x2ef: {  	s4 =	smov.u32 s12;
	s12 =	sadd.s32 $0x1, s12;
	v9 =	vld.msk [tilespmem:s21+$0x0 ss:$0x0], $0xffff  }
0x2f0: {  	p1 =	sne.s32 s20, s12;
	_ =	sdelay $0x4  }
0x2f1: {  	p2 =	slt.u32 s4, $0x8;
	v10 =	vshll.u32 v9, $0x3  }
0x2f2: {  	s5 =	simm.s32 @!p2 $0x1;
	v9 =	vand.u32 $0x7F, v9;
	v10 =	vand.u32 $0xFFFFFC00, v10;
	v11 =	vld [tilespmem:s3+$0x0]  }
0x2f3: {  	v9 =	vor.u32 v9, v10;
	_ =	swait.ge @!p2 [sflag:s5], $0x20  }
0x2f4: {  	v10 =	vadd.s32 v4, v9;
	[sflag:s5] =	ssyncset.done @!p2 $0x0  }
0x2f5: {  	[sflag:s5] =	ssyncadd.s32 @!p2 $0xFFFFFFE0  }
0x2f6: {  	_ =	swait.ge @!p2 [sflag:s5], $0x20  }
0x2f7: {  	[sflag:s5] =	ssyncset.done @!p2 $0x0;
	(v2sf) =	vpush v11, $0x0  }
0x2f8: {  	s4 =	sand.u32 $0x7, s4;
	[sflag:s5] =	ssyncadd.s32 @!p2 $0xFFFFFFE0  }
0x2f9: {  	s5 =	sshll.u32 s4, $0x7;
	v11 =	vld.idx.msk [tilespmem:v10+s0+$0x0], $0xffff  }
0x2fa: {  	v12 =	vor.u32 s5, v1  }
0x2fb: {  	v9 =	vadd.s32 v5, v9;
	_ =	sdelay $0x3  }
0x2fc: {  	[tilespmem:v12+s2+$0x0] =	vst.idx.msk $0xffff, v11  }
0x2fd: {  	v11 =	vld.idx.msk [tilespmem:v9+s0+$0x0], $0xffff  }
0x2fe: {  	v13 =	vor.u32 s5, v6;
	_ =	sdelay $0x4  }
0x2ff: {  	[tilespmem:v13+s2+$0x0] =	vst.idx.msk $0xffff, v11;
	s4 =	spop (v2sf)  }
0x300: {  	v10 =	vld.idx.msk [tilespmem:v10+s1+$0x0], $0xffff;
	s4 =	sshll.u32 s4, $0x4  }
0x301: {  	s4 =	sand.u32 $0x1FFFFFF0, s4;
	_ =	sdelay $0x4  }
0x302: {  	[tilespmem:v12+s8+$0x0] =	vst.idx.msk $0xffff, v10  }
0x303: {  	v9 =	vld.idx.msk [tilespmem:v9+s1+$0x0], $0xffff;
	_ =	sdelay $0x3  }
.Ltmp55:
0x304: {  	(pc) =	sbr.rel @p1 .LBB2_65-.Ltmp55, $4  }
0x305: {  	_ = 	snop  }
0x306: {  	s21 =	sadd.s32 $0x1, s21;
	s14 =	sadd.s32 $0x1F300, s5;
	s6 =	sadd.s32 s4, s22;
	[tilespmem:v13+s8+$0x0] =	vst.idx.msk $0xffff, v9  }
0x307: {  	[hbm4b:s6+s9] =	stream.linear.scatter [tilespmem:s14], [sflag:$0x1], $0x20, $0x38;
	[tilespmem:$0x1FB00] =	vst v63  }
0x308: {  	s3 =	sadd.s32 $0x1, s3;
	s5 =	sadd.s32 $0x1F700, s5;
	s4 =	sadd.s32 s4, s23  }
.LBB2_66:
0x309: {  	[hbm4b:s4+s9] =	stream.linear.scatter [tilespmem:s5], [sflag:$0x1], $0x20, $0x38;
	[tilespmem:$0x1FB00] =	vst v63  }
0x30a: {  	p1 =	slt.s32 s20, $0x8  }
0x30b: {  	s20 =	simm.s32 @!p1 $0x8  }
0x30c: {  	p1 =	sne.s32 s20, $0x1  }
.Ltmp56:
0x30d: {  	_ =	swait.ge [sflag:s31], $0x20;
	(pc) =	sbr.rel @!p1 .LBB2_68-.Ltmp56, $4  }
0x30e: {  	[sflag:s31] =	ssyncset.done $0x0  }
0x30f: {  	[sflag:s31] =	ssyncadd.s32 $0xFFFFFFE0  }
0x310: {  	_ =	swait.ge [sflag:s31], $0x20  }
0x311: {  	s3 =	sadd.s32 $0xFFFFFFFF, s20;
	[sflag:s31] =	ssyncset.done $0x0  }
.LBB2_67:
0x312: {  	p1 =	sne.s32 s3, $0x1;
	s3 =	sadd.s32 $0xFFFFFFFF, s3;
	[sflag:s31] =	ssyncadd.s32 $0xFFFFFFE0  }
.Ltmp57:
0x313: {  	_ =	swait.ge [sflag:s31], $0x20;
	(pc) =	sbr.rel @p1 .LBB2_67-.Ltmp57, $4  }
0x314: {  	[sflag:s31] =	ssyncset.done $0x0  }
0x315: {  	[sflag:s31] =	ssyncadd.s32 $0xFFFFFFE0  }
0x316: {  	_ =	swait.ge [sflag:s31], $0x20  }
0x317: {  	[sflag:s31] =	ssyncset.done $0x0  }
.Ltmp58:
0x318: {  	_ = 	snop;
	(pc) =	sbr.rel .LBB2_68-.Ltmp58, $1  }
0x319: {  	_ =	sdelay $0x3  }
.LBB2_45:
.Ltmp59:
0x31a: {  	(pc) =	sbr.rel .LBB2_62-.Ltmp59, $2  }
0x31b: {  	_ =	sdelay $0x2  }
0x31c: {  	s4 =	simm.s32 $0x0;
	s3 =	simm.s32 $0x4880;
	s30 =	simm.s32 $0x0  }
.LBB2_58:
.Ltmp60:
0x31d: {  	(pc) =	sbr.rel .LBB2_76-.Ltmp60, $2  }
0x31e: {  	_ =	sdelay $0x2  }
0x31f: {  	s4 =	simm.s32 $0x0;
	s3 =	simm.s32 $0x4880;
	s21 =	simm.s32 $0x0  }
.LBB2_60:
.Ltmp61:
0x320: {  	(pc) =	sbr.rel .LBB2_62-.Ltmp61, $2  }
0x321: {  	_ =	sdelay $0x2  }
0x322: {  	s4 =	simm.s32 $0x0;
	s3 =	simm.s32 $0x4880;
	s30 =	simm.s32 $0x0  }
.LBB2_74:
.Ltmp62:
0x323: {  	(pc) =	sbr.rel .LBB2_76-.Ltmp62, $2  }
0x324: {  	_ =	sdelay $0x2  }
0x325: {  	s4 =	simm.s32 $0x0;
	s3 =	simm.s32 $0x4880;
	s21 =	simm.s32 $0x0  }
.LBB2_70:
0x326: {  	_ =	swait.ge [sflag:s7], $0x6000  }
0x327: {  	[sflag:s7] =	ssyncset.done $0x0  }
0x328: {  	[sflag:s7] =	ssyncadd.s32 $0xFFFFA000  }
0x329: {  	_ =	swait.ge [sflag:s7], $0x6000  }
0x32a: {  	[sflag:s7] =	ssyncset.done $0x0  }
0x32b: {  	[sflag:s7] =	ssyncadd.s32 $0xFFFFA000  }
0x32c: {  	s16 =	simm.s32 $0x0;
	s20 =	simm.s32 $0x3;
	s3 =	rddreg [dreg:$0x7]  }
0x32d: {  	[tilespmem:s10], [sflag:$0x3] =	stream.linear.gather [hbm4b:s3+s16], $0x1000, $0x38;
	[tilespmem:$0x1FB00] =	vst v63  }
0x32e: {  	_ =	swait.ge [sflag:s20], $0x1000  }
0x32f: {  	p0 =	sgt.s32 s15, $0x0;
	[sflag:s20] =	ssyncset.done $0x0  }
.Ltmp63:
0x330: {  	s30 =	rddreg [dreg:$0xb];
	[sflag:s20] =	ssyncadd.s32 $0xFFFFF000;
	(pc) =	sbr.rel @!p0 .LBB2_83-.Ltmp63, $4  }
0x331: {  	[tilespmem:s11], [sflag:$0x3] =	stream.linear.gather [hbm4b:s30+s16], $0x1000, $0x38;
	[tilespmem:$0x1FB00] =	vst v63  }
0x332: {  	_ =	swait.ge [sflag:s20], $0x1000  }
0x333: {  	[sflag:s20] =	ssyncset.done $0x0  }
0x334: {  	s4 =	rddreg [dreg:$0x12];
	[sflag:s20] =	ssyncadd.s32 $0xFFFFF000  }
0x335: {  	p1 =	seq.s32 s15, $0x1  }
.Ltmp64:
0x336: {  	_ = 	snop;
	(pc) =	sbr.rel @p1 .LBB2_72-.Ltmp64, $3  }
0x337: {  	_ =	sdelay $0x1  }
0x338: {  	s4 =	simm.s32 $0x4000  }
0x339: {  	s3 =	simm.s32 $0x4880;
	p0 =	por $0x0, $0x0;
	v9 =	vld [tilespmem:s4+$0x0];
	s4 =	sadd.s32 $0xFFFFFFFF, s15  }
0x33a: {  	_ =	sdelay $0x3  }
0x33b: {  	v11 =	vor.u32 s16, v1;
	v9 =	vadd.s32 $0xFFF0BE00, v9  }
0x33c: {  	vm1 =	vlt.s32 v11, v8;
	vm0 =	vgt.s32 v9, $0xFFFFFFFF  }
0x33d: {  	vm0 =	vmand vm1, vm0  }
0x33e: {  	v11 =	vmpcnt.ones.xlane vm0;
	_ =	sdelay $0x1  }
0x33f: {  	v10 =	vld [tilespmem:s3+$0x0];
	(v2sf) =	vpush v11, $0x0  }
0x340: {  	p1 =	seq.s32 s4, $0x1  }
.Ltmp65:
0x341: {  	_ = 	snop;
	(pc) =	sbr.rel @p1 .LBB2_86-.Ltmp65, $4  }
0x342: {  	_ = 	snop  }
0x343: {  	[tilespmem:s16+$0x5100] =	vst.msk vm0, v9  }
0x344: {  	s5 =	simm.s32 $0x4010;
	s6 =	sadd.s32 $0xFFFFFFFF, s4;
	p0 =	por $0x1, $0x1;
	[tilespmem:s16+$0x5200] =	vst.msk vm0, v10  }
0x345: {  	s4 =	simm.s32 $0x0;
	s12 =	simm.s32 $0x4880;
	s15 =	simm.s32 $0x0;
	v9 =	vld [tilespmem:s5+$0x0]  }
.LBB2_87:
0x346: {  	p1 =	seq.s32 s6, $0x1;
	_ =	sdelay $0x2  }
0x347: {  	s4 =	sadd.s32 $0x10, s4  }
0x348: {  	v10 =	vor.u32 s4, v1;
	v9 =	vadd.s32 $0xFFF0BE00, v9  }
0x349: {  	s12 =	sadd.s32 $0x10, s12;
	vm1 =	vlt.s32 v10, v8;
	vm0 =	vgt.s32 v9, $0xFFFFFFFF  }
0x34a: {  	v10 =	vld [tilespmem:s12+$0x0];
	vm0 =	vmand vm1, vm0  }
0x34b: {  	v11 =	vmpcnt.ones.xlane vm0  }
0x34c: {  	s14 =	spop (v2sf)  }
0x34d: {  	(v2sf) =	vpush v11, $0x0;
	s15 =	sadd.s32 s15, s14  }
0x34e: {  	[tilespmem:s15+$0x5100] =	vst.msk vm0, v9  }
.Ltmp66:
0x34f: {  	[tilespmem:s15+$0x5200] =	vst.msk vm0, v10;
	(pc) =	sbr.rel @!p1 .LBB2_87-.Ltmp66, $3  }
0x350: {  	_ =	sdelay $0x1  }
0x351: {  	s5 =	sadd.s32 $0x10, s5  }
0x352: {  	s6 =	sadd.s32 $0xFFFFFFFF, s6;
	v9 =	vld [tilespmem:s5+$0x0]  }
.LBB2_88:
0x353: {  	_ =	sdelay $0x1  }
0x354: {  	s4 =	sadd.s32 @p0 $0x10, s4;
	s5 =	simm.s32 $0x0  }
0x355: {  	s5 =	smov.u32 @p0 s4  }
0x356: {  	v10 =	vor.u32 s5, v1;
	v9 =	vadd.s32 $0xFFF0BE00, v9  }
0x357: {  	vm1 =	vlt.s32 v10, v8;
	vm0 =	vgt.s32 v9, $0xFFFFFFFF  }
0x358: {  	vm0 =	vmand vm1, vm0  }
0x359: {  	v8 =	vmpcnt.ones.xlane vm0;
	_ =	sdelay $0x1  }
0x35a: {  	(v2sf) =	vpush v8, $0x0;
	_ =	sdelay $0x8  }
0x35b: {  	s4 =	sadd.s32 @p0 $0x10, s12  }
0x35c: {  	s3 =	smov.u32 @p0 s4  }
0x35d: {  	v8 =	vld [tilespmem:s3+$0x0]  }
0x35e: {  	s3 =	spop @p0 (v2sf)  }
0x35f: {  	s3 =	sadd.s32 @p0 s15, s3  }
0x360: {  	s16 =	smov.u32 @p0 s3  }
0x361: {  	[tilespmem:s16+$0x5100] =	vst.msk vm0, v9;
	s30 =	spop (v2sf)  }
0x362: {  	[tilespmem:s16+$0x5200] =	vst.msk vm0, v8;
	s15 =	sadd.s32 s16, s30  }
0x363: {  	p0 =	slt.s32 s15, $0x1  }
.Ltmp67:
0x364: {  	_ = 	snop;
	(pc) =	sbr.rel @p0 .LBB2_83-.Ltmp67, $2  }
0x365: {  	_ =	sdelay $0x2  }
0x366: {  	s4 =	rddreg [dreg:$0x12]  }
0x367: {  	s5 =	simm.s32 $0x5100  }
0x368: {  	v8 =	vld.msk [tilespmem:s5+$0x0 ss:$0x0], $0xffff;
	_ =	sdelay $0x1  }
0x369: {  	s4 =	simm.s32 $0x5200;
	p0 =	por $0x1, $0x1  }
0x36a: {  	v9 =	vld [tilespmem:s4+$0x0];
	s4 =	simm.s32 @!p0 $0x1  }
0x36b: {  	_ =	swait.ge @!p0 [sflag:s4], $0x20  }
0x36c: {  	[sflag:s4] =	ssyncset.done @!p0 $0x0;
	v10 =	vadd.s32 v2, v8  }
0x36d: {  	[sflag:s4] =	ssyncadd.s32 @!p0 $0xFFFFFFE0  }
0x36e: {  	s3 =	simm.s32 $0x0;
	_ =	swait.ge @!p0 [sflag:s4], $0x20  }
0x36f: {  	s3 =	sand.u32 $0x7, s3;
	[sflag:s4] =	ssyncset.done @!p0 $0x0  }
0x370: {  	s21 =	sshll.u32 s3, $0x7;
	[sflag:s4] =	ssyncadd.s32 @!p0 $0xFFFFFFE0  }
0x371: {  	v12 =	vor.u32 s21, v1;
	v11 =	vld.idx.msk [tilespmem:v10+s10+$0x0], $0xffff  }
0x372: {  	v8 =	vadd.s32 v7, v8;
	_ =	sdelay $0x3  }
0x373: {  	(v2sf) =	vpush v9, $0x0;
	[tilespmem:v12+s2+$0x0] =	vst.idx.msk $0xffff, v11  }
0x374: {  	v63 =	vor.u32 s21, v6;
	v62 =	vld.idx.msk [tilespmem:v8+s10+$0x0], $0xffff;
	_ =	sdelay $0x4  }
0x375: {  	[tilespmem:v63+s2+$0x0] =	vst.idx.msk $0xffff, v62  }
0x376: {  	v9 =	vld.idx.msk [tilespmem:v10+s11+$0x0], $0xffff;
	_ =	sdelay $0x4  }
0x377: {  	[tilespmem:v12+s8+$0x0] =	vst.idx.msk $0xffff, v9  }
0x378: {  	v8 =	vld.idx.msk [tilespmem:v8+s11+$0x0], $0xffff;
	_ =	sdelay $0x1  }
0x379: {  	p0 =	sne.s32 s15, $0x1;
	s24 =	spop (v2sf)  }
.Ltmp68:
0x37a: {  	s3 =	sshll.u32 s24, $0x4;
	(pc) =	sbr.rel @!p0 .LBB2_80-.Ltmp68, $4  }
0x37b: {  	s12 =	simm.s32 $0x5101;
	s30 =	sand.u32 $0x1FFFFFF0, s3  }
0x37c: {  	s16 =	simm.s32 $0x5201;
	s6 =	sadd.s32 $0x1F300, s21;
	s3 =	sadd.s32 s30, s22;
	[tilespmem:v63+s8+$0x0] =	vst.idx.msk $0xffff, v8  }
0x37d: {  	[hbm4b:s3+s9] =	stream.linear.scatter [tilespmem:s6], [sflag:$0x1], $0x20, $0x38;
	[tilespmem:$0x1FB00] =	vst v63  }
0x37e: {  	s5 =	sadd.s32 $0x1F700, s21;
	s4 =	sadd.s32 s30, s23;
	s3 =	simm.s32 $0x1  }
.LBB2_79:
0x37f: {  	[hbm4b:s4+s9] =	stream.linear.scatter [tilespmem:s5], [sflag:$0x1], $0x20, $0x38;
	[tilespmem:$0x1FB00] =	vst v63  }
0x380: {  	s4 =	smov.u32 s3;
	s3 =	sadd.s32 $0x1, s3;
	v8 =	vld.msk [tilespmem:s12+$0x0 ss:$0x0], $0xffff  }
0x381: {  	p0 =	sne.s32 s15, s3;
	_ =	sdelay $0x1  }
0x382: {  	p1 =	slt.u32 s4, $0x8  }
0x383: {  	s5 =	simm.s32 @!p1 $0x1;
	v9 =	vld [tilespmem:s16+$0x0]  }
0x384: {  	_ =	swait.ge @!p1 [sflag:s5], $0x20  }
0x385: {  	v10 =	vadd.s32 v2, v8;
	[sflag:s5] =	ssyncset.done @!p1 $0x0  }
0x386: {  	[sflag:s5] =	ssyncadd.s32 @!p1 $0xFFFFFFE0  }
0x387: {  	_ =	swait.ge @!p1 [sflag:s5], $0x20  }
0x388: {  	[sflag:s5] =	ssyncset.done @!p1 $0x0;
	(v2sf) =	vpush v9, $0x0  }
0x389: {  	s4 =	sand.u32 $0x7, s4;
	[sflag:s5] =	ssyncadd.s32 @!p1 $0xFFFFFFE0  }
0x38a: {  	s5 =	sshll.u32 s4, $0x7;
	v9 =	vld.idx.msk [tilespmem:v10+s10+$0x0], $0xffff  }
0x38b: {  	v11 =	vor.u32 s5, v1  }
0x38c: {  	v8 =	vadd.s32 v7, v8;
	_ =	sdelay $0x3  }
0x38d: {  	[tilespmem:v11+s2+$0x0] =	vst.idx.msk $0xffff, v9  }
0x38e: {  	v9 =	vld.idx.msk [tilespmem:v8+s10+$0x0], $0xffff  }
0x38f: {  	v12 =	vor.u32 s5, v6;
	_ =	sdelay $0x4  }
0x390: {  	[tilespmem:v12+s2+$0x0] =	vst.idx.msk $0xffff, v9;
	s4 =	spop (v2sf)  }
0x391: {  	v9 =	vld.idx.msk [tilespmem:v10+s11+$0x0], $0xffff;
	s4 =	sshll.u32 s4, $0x4  }
0x392: {  	s4 =	sand.u32 $0x1FFFFFF0, s4;
	_ =	sdelay $0x4  }
0x393: {  	[tilespmem:v11+s8+$0x0] =	vst.idx.msk $0xffff, v9  }
0x394: {  	v8 =	vld.idx.msk [tilespmem:v8+s11+$0x0], $0xffff;
	_ =	sdelay $0x3  }
.Ltmp69:
0x395: {  	(pc) =	sbr.rel @p0 .LBB2_79-.Ltmp69, $4  }
0x396: {  	_ = 	snop  }
0x397: {  	s12 =	sadd.s32 $0x1, s12;
	s14 =	sadd.s32 $0x1F300, s5;
	s6 =	sadd.s32 s4, s22;
	[tilespmem:v12+s8+$0x0] =	vst.idx.msk $0xffff, v8  }
0x398: {  	[hbm4b:s6+s9] =	stream.linear.scatter [tilespmem:s14], [sflag:$0x1], $0x20, $0x38;
	[tilespmem:$0x1FB00] =	vst v63  }
0x399: {  	s16 =	sadd.s32 $0x1, s16;
	s5 =	sadd.s32 $0x1F700, s5;
	s4 =	sadd.s32 s4, s23  }
.LBB2_80:
0x39a: {  	[hbm4b:s4+s9] =	stream.linear.scatter [tilespmem:s5], [sflag:$0x1], $0x20, $0x38;
	[tilespmem:$0x1FB00] =	vst v63  }
0x39b: {  	p0 =	slt.s32 s15, $0x8  }
0x39c: {  	s15 =	simm.s32 @!p0 $0x8  }
0x39d: {  	p0 =	sne.s32 s15, $0x1  }
.Ltmp70:
0x39e: {  	_ =	swait.ge [sflag:s31], $0x20;
	(pc) =	sbr.rel @!p0 .LBB2_82-.Ltmp70, $4  }
0x39f: {  	[sflag:s31] =	ssyncset.done $0x0  }
0x3a0: {  	[sflag:s31] =	ssyncadd.s32 $0xFFFFFFE0  }
0x3a1: {  	_ =	swait.ge [sflag:s31], $0x20  }
0x3a2: {  	s3 =	sadd.s32 $0xFFFFFFFF, s15;
	[sflag:s31] =	ssyncset.done $0x0  }
.LBB2_81:
0x3a3: {  	p0 =	sne.s32 s3, $0x1;
	s3 =	sadd.s32 $0xFFFFFFFF, s3;
	[sflag:s31] =	ssyncadd.s32 $0xFFFFFFE0  }
.Ltmp71:
0x3a4: {  	_ =	swait.ge [sflag:s31], $0x20;
	(pc) =	sbr.rel @p0 .LBB2_81-.Ltmp71, $4  }
0x3a5: {  	[sflag:s31] =	ssyncset.done $0x0  }
0x3a6: {  	[sflag:s31] =	ssyncadd.s32 $0xFFFFFFE0  }
0x3a7: {  	_ =	swait.ge [sflag:s31], $0x20  }
0x3a8: {  	[sflag:s31] =	ssyncset.done $0x0  }
.Ltmp72:
0x3a9: {  	_ = 	snop;
	(pc) =	sbr.rel .LBB2_82-.Ltmp72, $1  }
0x3aa: {  	_ =	sdelay $0x3  }
.LBB2_29:
.Ltmp73:
0x3ab: {  	(pc) =	sbr.rel .LBB2_49-.Ltmp73, $2  }
0x3ac: {  	_ =	sdelay $0x2  }
0x3ad: {  	s4 =	simm.s32 $0x0;
	s12 =	simm.s32 $0x4880;
	s15 =	simm.s32 $0x0  }
.LBB2_72:
.Ltmp74:
0x3ae: {  	(pc) =	sbr.rel .LBB2_88-.Ltmp74, $2  }
0x3af: {  	_ =	sdelay $0x2  }
0x3b0: {  	s4 =	simm.s32 $0x0;
	s12 =	simm.s32 $0x4880;
	s15 =	simm.s32 $0x0  }
.LBB2_47:
.Ltmp75:
0x3b1: {  	(pc) =	sbr.rel .LBB2_49-.Ltmp75, $2  }
0x3b2: {  	_ =	sdelay $0x2  }
0x3b3: {  	s4 =	simm.s32 $0x0;
	s12 =	simm.s32 $0x4880;
	s15 =	simm.s32 $0x0  }
.LBB2_86:
.Ltmp76:
0x3b4: {  	(pc) =	sbr.rel .LBB2_88-.Ltmp76, $2  }
0x3b5: {  	_ =	sdelay $0x2  }
0x3b6: {  	s4 =	simm.s32 $0x0;
	s12 =	simm.s32 $0x4880;
	s15 =	simm.s32 $0x0  }
.LBB2_84:
0x3b7: {  	_ =	sfence.sel $0x180000  }
0x3b8: {  	[bflag:$0x0] =	sbarrier.arrive $0xFFFF  }
0x3b9: {  	_ =	strace $0x90000047  }
0x3ba: {  	s0 =	stileid.u32;
	[bflag:$0x2] =	sbarrier.arrive $0xFFFF  }
0x3bb: {  	p0 =	sne.s32 s0, $0x0;
	s0 =	rddreg [dreg:$0x8]  }
0x3bc: {  	s0 =	sadd.s32 @!p0 $0x100000, s0  }
0x3bd: {  	[sflag:s0] =	ssyncadd.tile.s32 @!p0 $0x1;
	_ =	shalt  }
.Lfunc_end2:
_tile_overlayer_lowered:
.L_overlay_start_2:
0x3be: {  	(tag) =	ssettag $0x2  }
0x3bf: {  	s0 =	rddreg [dreg:$0x0];
	s2 =	stileid.u32  }
0x3c0: {  	s1 =	rddreg [dreg:$0x1];
	p0 =	sne.s32 s2, $0x0  }
0x3c1: {  	s3 =	rddreg [dreg:$0x2];
	[bflag:$0x3] =	sbarrier.arrive $0xFFFF;
	s2 =	simm.s32 @!p0 $0x1C03  }
0x3c2: {  	[timem:s3], [sflag:s2] =	dma.local @!p0 [hbm:s0], s1  }
0x3c3: {  	s0 =	simm.s32 @!p0 $0x3  }
0x3c4: {  	_ =	swait.ge @!p0 [sflag:s0], s1  }
0x3c5: {  	s1 =	ssub.s32 @!p0 $0x0, s1;
	[sflag:s0] =	ssyncset.done @!p0 $0x0  }
0x3c6: {  	[sflag:s0] =	ssyncadd.s32 @!p0 s1  }
0x3c7: {  	[bflag:$0x3] =	sbarrier.arrive $0xFFFF  }
0x3c8: {  	_ =	shalt  }

</sc_bundles>
